<compile_context>
chip_gen: v7x
topology: tpu7x:2x2x1
jax: 0.10.2.dev20260603
libtpu: 0.0.44.dev20260713+nightly
codegen_flags: <defaults>
</compile_context>

<pallas_src>
import functools
import jax
import jax.numpy as jnp
from jax import lax
from jax.experimental import pallas as pl
from jax.experimental.pallas import tpu as pltpu
from jax.experimental.pallas import tpu_sc as plsc

N = 50000
E = 1600000
B = 512
D = 16
NOBJ = 128
NREL = 64

NC, NS = 2, 16
NW = NC * NS
EPW = E // NW
CH = 400
NCHUNK = EPW // CH
ND = NW * 1600
NSP = 50048
ROWS = 1600
ACCR = 3200 + 16
NTC = 50176
MAXF = float(3.0e38)
NEGINF = float('-inf')

_sc_params = pltpu.CompilerParams(use_tc_tiling_on_sc=False,
                                  needs_layout_passes=False)
_mesh = plsc.VectorSubcoreMesh(core_axis_name="c", subcore_axis_name="s")


def _wid():
    return lax.axis_index("s") * NC + lax.axis_index("c")


def _it16():
    return lax.iota(jnp.int32, 16)


@functools.partial(
    pl.kernel, mesh=_mesh,
    out_type=jax.ShapeDtypeStruct((NW, ND), jnp.int32),
    scratch_types=[
        pltpu.VMEM((ND,), jnp.int32),
        pltpu.VMEM((2 * CH,), jnp.int32),
        pltpu.SemaphoreType.DMA,
        pltpu.SemaphoreType.DMA,
    ],
    compiler_params=_sc_params,
)
def _a1_hist(dst_hbm, hist_hbm, cnt, dbuf, sem0, sem1):
    t = _wid()
    ebase = t * EPW

    def zbody(i, c):
        cnt[pl.ds(i * 64, 16)] = jnp.zeros(16, jnp.int32)
        cnt[pl.ds(i * 64 + 16, 16)] = jnp.zeros(16, jnp.int32)
        cnt[pl.ds(i * 64 + 32, 16)] = jnp.zeros(16, jnp.int32)
        cnt[pl.ds(i * 64 + 48, 16)] = jnp.zeros(16, jnp.int32)
        return c
    lax.fori_loop(0, ND // 64, zbody, 0)

    pltpu.async_copy(dst_hbm.at[pl.ds(ebase, CH)], dbuf.at[pl.ds(0, CH)], sem0)

    def chunk(c, carry):
        pp = lax.rem(c, 2)
        off = pp * CH

        @pl.when(jnp.logical_and(c + 1 < NCHUNK, pp == 0))
        def _():
            pltpu.async_copy(dst_hbm.at[pl.ds(ebase + (c + 1) * CH, CH)],
                             dbuf.at[pl.ds(CH, CH)], sem1)

        @pl.when(jnp.logical_and(c + 1 < NCHUNK, pp == 1))
        def _():
            pltpu.async_copy(dst_hbm.at[pl.ds(ebase + (c + 1) * CH, CH)],
                             dbuf.at[pl.ds(0, CH)], sem0)

        @pl.when(pp == 0)
        def _():
            pltpu.make_async_copy(dst_hbm.at[pl.ds(0, CH)],
                                  dbuf.at[pl.ds(0, CH)], sem0).wait()

        @pl.when(pp == 1)
        def _():
            pltpu.make_async_copy(dst_hbm.at[pl.ds(0, CH)],
                                  dbuf.at[pl.ds(CH, CH)], sem1).wait()

        def vbody(k, cc):
            d = dbuf[pl.ds(off + k * 16, 16)]
            occ, last = plsc.scan_count(d)
            cur = plsc.load_gather(cnt, [d])
            plsc.store_scatter(cnt, [d], cur + occ, mask=last)
            return cc
        lax.fori_loop(0, CH // 16, vbody, 0)
        return carry

    lax.fori_loop(0, NCHUNK, chunk, 0)
    pltpu.sync_copy(cnt, hist_hbm.at[t])


@functools.partial(
    pl.kernel, mesh=_mesh,
    out_type=jax.ShapeDtypeStruct((E + CH, 16), jnp.int32),
    scratch_types=[
        pltpu.VMEM((NSP,), jnp.int32),
        pltpu.VMEM((ND,), jnp.int32),
        pltpu.VMEM((2 * CH,), jnp.int32),
        pltpu.VMEM((2 * CH,), jnp.int32),
        pltpu.VMEM((2 * CH,), jnp.int32),
        pltpu.VMEM((2 * CH, 16), jnp.int32),
        pltpu.VMEM((2, CH), jnp.int32),
        pltpu.SemaphoreType.DMA,
        pltpu.SemaphoreType.DMA,
        pltpu.SemaphoreType.DMA,
        pltpu.SemaphoreType.DMA,
    ],
    compiler_params=_sc_params,
)
def _a2_scatter(src_hbm, dst_hbm, ea_hbm, x_hbm, base_hbm, rec_hbm,
                xv, cnt, sbuf, dbuf, abuf, stage, pos,
                in0, in1, sc0, sc1):
    t = _wid()
    ebase = t * EPW
    it = _it16()
    pltpu.sync_copy(x_hbm, xv)
    pltpu.sync_copy(base_hbm.at[t], cnt)

    def issue_in(c, pp):
        o = pp * CH
        s = ebase + c * CH
        sem = in0 if pp == 0 else in1
        pltpu.async_copy(src_hbm.at[pl.ds(s, CH)], sbuf.at[pl.ds(o, CH)], sem)
        pltpu.async_copy(dst_hbm.at[pl.ds(s, CH)], dbuf.at[pl.ds(o, CH)], sem)
        pltpu.async_copy(ea_hbm.at[pl.ds(s, CH)], abuf.at[pl.ds(o, CH)], sem)

    def wait_in(pp):
        sem = in0 if pp == 0 else in1
        o = pp * CH
        pltpu.make_async_copy(src_hbm.at[pl.ds(0, CH)],
                              sbuf.at[pl.ds(o, CH)], sem).wait()
        pltpu.make_async_copy(dst_hbm.at[pl.ds(0, CH)],
                              dbuf.at[pl.ds(o, CH)], sem).wait()
        pltpu.make_async_copy(ea_hbm.at[pl.ds(0, CH)],
                              abuf.at[pl.ds(o, CH)], sem).wait()

    def wait_scat(pp):
        sem = sc0 if pp == 0 else sc1
        o = pp * CH
        pltpu.make_async_copy(stage.at[pl.ds(o, CH)],
                              rec_hbm.at[pos.at[pp]], sem).wait()

    issue_in(0, 0)

    def chunk(c, carry):
        pp = lax.rem(c, 2)
        o = pp * CH

        @pl.when(jnp.logical_and(c + 1 < NCHUNK, pp == 0))
        def _():
            issue_in(c + 1, 1)

        @pl.when(jnp.logical_and(c + 1 < NCHUNK, pp == 1))
        def _():
            issue_in(c + 1, 0)

        @pl.when(pp == 0)
        def _():
            wait_in(0)

        @pl.when(pp == 1)
        def _():
            wait_in(1)

        @pl.when(jnp.logical_and(c >= 2, pp == 0))
        def _():
            wait_scat(0)

        @pl.when(jnp.logical_and(c >= 2, pp == 1))
        def _():
            wait_scat(1)

        def vbody(k, cc):
            rows = jnp.full(16, o + k * 16, jnp.int32) + it
            s = sbuf[pl.ds(o + k * 16, 16)]
            d = dbuf[pl.ds(o + k * 16, 16)]
            a = abuf[pl.ds(o + k * 16, 16)]
            occ, last = plsc.scan_count(d)
            cur = plsc.load_gather(cnt, [d])
            p = cur + occ - 1
            plsc.store_scatter(cnt, [d], cur + occ, mask=last)
            xs = plsc.load_gather(xv, [s])
            plsc.store_scatter(stage, [rows, jnp.zeros(16, jnp.int32)], s)
            plsc.store_scatter(stage, [rows, jnp.full(16, 1, jnp.int32)], xs)
            plsc.store_scatter(stage, [rows, jnp.full(16, 2, jnp.int32)], a)
            plsc.store_scatter(stage, [rows, jnp.full(16, 3, jnp.int32)], d)
            plsc.store_scatter(pos, [jnp.full(16, pp, jnp.int32),
                                     jnp.full(16, k * 16, jnp.int32) + it], p)
            return cc
        lax.fori_loop(0, CH // 16, vbody, 0)

        @pl.when(pp == 0)
        def _():
            pltpu.async_copy(stage.at[pl.ds(0, CH)], rec_hbm.at[pos.at[0]], sc0)

        @pl.when(pp == 1)
        def _():
            pltpu.async_copy(stage.at[pl.ds(CH, CH)], rec_hbm.at[pos.at[1]], sc1)

        return carry

    lax.fori_loop(0, NCHUNK, chunk, 0)
    wait_scat(0)
    wait_scat(1)

    @pl.when(t == NW - 1)
    def _():
        def fb(r, c):
            plsc.store_scatter(
                stage, [jnp.full(16, r, jnp.int32), it],
                jnp.where(it == 3, jnp.int32(ND), jnp.int32(0)))
            return c
        lax.fori_loop(0, CH, fb, 0)
        pltpu.sync_copy(stage.at[pl.ds(0, CH)], rec_hbm.at[pl.ds(E, CH)])


def _s0(v):
    return v[0] if getattr(v, "ndim", 0) else v


def _treemax(rows):
    rows = list(rows)
    while len(rows) > 1:
        nxt = [jnp.maximum(rows[i], rows[i + 1])
               for i in range(0, len(rows) - 1, 2)]
        if len(rows) % 2:
            nxt.append(rows[-1])
        rows = nxt
    return rows[0]


def _segmax_vreg(recbuf, accf, dcol, start, it, base, k, msgs_fn, cc):
    dp, cr = cc
    dv = plsc.load_gather(recbuf,
                          [jnp.full(16, base, jnp.int32) + it,
                           jnp.full(16, 3, jnp.int32)])
    plsc.store_scatter(dcol, [jnp.full(16, 15, jnp.int32)],
                       jnp.full(16, dp, jnp.int32), mask=it == 0)
    dcol[pl.ds(16 + k * 16, 16)] = dv
    dvm1 = dcol[pl.ds(15 + k * 16, 16)]
    diff = dv != dvm1
    nb = _s0(plsc.all_reduce_population_count(diff))
    msgs = msgs_fn()
    d15 = dv[15]
    NEGROW = jnp.full(16, NEGINF, jnp.float32)

    def rowclamp(d):
        return jnp.minimum(d - start, 3200) * 16

    def fast(args):
        _, cr_ = args
        m = jnp.maximum(cr_, _treemax(msgs))
        accf[pl.ds(rowclamp(d15), 16)] = m
        return (d15, m)

    def twoseg(args):
        dp_, cr_ = args
        b = _s0(plsc.all_reduce_ffs(diff))
        s1 = _treemax([jnp.where(u < b, msgs[u], NEGROW) for u in range(16)])
        m1 = jnp.maximum(cr_, s1)
        accf[pl.ds(rowclamp(dp_), 16)] = m1
        s2 = _treemax([jnp.where(u >= b, msgs[u], NEGROW) for u in range(16)])
        accf[pl.ds(rowclamp(d15), 16)] = s2
        return (d15, s2)

    def slow(args):
        dp_, cr_ = args
        for u in range(16):
            d_u = dv[u]
            cr_ = jnp.where(d_u == dp_, cr_, NEGROW)
            cr_ = jnp.maximum(cr_, msgs[u])
            accf[pl.ds(rowclamp(d_u), 16)] = cr_
            dp_ = d_u
        return (dp_, cr_)

    return lax.cond(nb == 0, fast,
                    lambda a: lax.cond(nb == 1, twoseg, slow, a),
                    (dp, cr))


@functools.partial(
    pl.kernel, mesh=_mesh,
    out_type=jax.ShapeDtypeStruct((ND * 16,), jnp.float32),
    scratch_types=[
        pltpu.VMEM((NOBJ * 16,), jnp.float32),
        pltpu.VMEM((NREL * 16,), jnp.float32),
        pltpu.VMEM((2 * CH, 16), jnp.int32),
        pltpu.VMEM((ACCR * 16,), jnp.float32),
        pltpu.VMEM((64,), jnp.int32),
        pltpu.VMEM((CH + 16,), jnp.int32),
        pltpu.SemaphoreType.DMA,
        pltpu.SemaphoreType.DMA,
    ],
    compiler_params=_sc_params,
)
def _c1_conv(rec_hbm, eb_hbm, obj_hbm, rel_hbm, aggr_hbm,
             objf, relf, recbuf, accf, ebv, dcol, r0, r1):
    t = _wid()
    pltpu.sync_copy(obj_hbm, objf)
    pltpu.sync_copy(rel_hbm, relf)
    pltpu.sync_copy(eb_hbm, ebv)
    ebase = plsc.load_gather(ebv, [jnp.full(16, t, jnp.int32)])[0]
    ecnt = plsc.load_gather(ebv, [jnp.full(16, t + NW, jnp.int32)])[0]
    nch = (ecnt + (CH - 1)) // CH
    start = t * ROWS

    def zbody(i, c):
        accf[pl.ds(i * 64, 16)] = jnp.zeros(16, jnp.float32)
        accf[pl.ds(i * 64 + 16, 16)] = jnp.zeros(16, jnp.float32)
        accf[pl.ds(i * 64 + 32, 16)] = jnp.zeros(16, jnp.float32)
        accf[pl.ds(i * 64 + 48, 16)] = jnp.zeros(16, jnp.float32)
        return c
    lax.fori_loop(0, ACCR // 4, zbody, 0)

    def issue(c, pp):
        sem = r0 if pp == 0 else r1
        pltpu.async_copy(rec_hbm.at[pl.ds(ebase + c * CH, CH)],
                         recbuf.at[pl.ds(pp * CH, CH)], sem)

    def wait(pp):
        sem = r0 if pp == 0 else r1
        pltpu.make_async_copy(rec_hbm.at[pl.ds(0, CH)],
                              recbuf.at[pl.ds(pp * CH, CH)], sem).wait()

    @pl.when(nch > 0)
    def _():
        issue(0, 0)

    def chunk(c, carry):
        dprev, creg = carry
        pp = lax.rem(c, 2)

        @pl.when(jnp.logical_and(c + 1 < nch, pp == 0))
        def _():
            issue(c + 1, 1)

        @pl.when(jnp.logical_and(c + 1 < nch, pp == 1))
        def _():
            issue(c + 1, 0)

        @pl.when(pp == 0)
        def _():
            wait(0)

        @pl.when(pp == 1)
        def _():
            wait(1)

        it = _it16()

        def vbody(k, cc):
            base = pp * CH + k * 16

            def msgs_fn():
                out = []
                for u in range(16):
                    row = recbuf[base + u]
                    orow = objf[pl.ds(row[1] * 16, 16)]
                    rrow = relf[pl.ds(row[2] * 16, 16)]
                    out.append(orow * rrow)
                return out

            return _segmax_vreg(recbuf, accf, dcol, start, it, base, k,
                                msgs_fn, cc)
        dprev, creg = lax.fori_loop(0, CH // 16, vbody, (dprev, creg))
        return (dprev, creg)

    lax.fori_loop(0, nch, chunk,
                  (start + jnp.int32(3200), jnp.full(16, NEGINF, jnp.float32)))

    def fbody(i, c):
        v = accf[pl.ds(i * 16, 16)]
        ok = jnp.logical_and(v >= -MAXF, v <= MAXF)
        accf[pl.ds(i * 16, 16)] = jnp.where(ok, v, 0.0)
        return c
    lax.fori_loop(0, ROWS, fbody, 0)
    pltpu.sync_copy(accf.at[pl.ds(0, ROWS * 16)],
                    aggr_hbm.at[pl.ds(start * 16, ROWS * 16)])


@functools.partial(
    pl.kernel, mesh=_mesh,
    out_type=jax.ShapeDtypeStruct((ND * 16,), jnp.float32),
    scratch_types=[
        pltpu.VMEM((NREL * 16,), jnp.float32),
        pltpu.VMEM((2 * CH, 16), jnp.int32),
        pltpu.VMEM((2 * CH, 16), jnp.float32),
        pltpu.VMEM((2 * CH,), jnp.int32),
        pltpu.VMEM((ACCR * 16,), jnp.float32),
        pltpu.VMEM((64,), jnp.int32),
        pltpu.VMEM((CH + 16,), jnp.int32),
        pltpu.SemaphoreType.DMA,
        pltpu.SemaphoreType.DMA,
        pltpu.SemaphoreType.DMA,
        pltpu.SemaphoreType.DMA,
    ],
    compiler_params=_sc_params,
)
def _c2_conv(rec_hbm, eb_hbm, rel_hbm, h_hbm, aggr_hbm,
             relf, recbuf, hbuf, srcv, accf, ebv, dcol, r0, r1, g0, g1):
    t = _wid()
    it = _it16()
    pltpu.sync_copy(rel_hbm, relf)
    pltpu.sync_copy(eb_hbm, ebv)
    ebase = plsc.load_gather(ebv, [jnp.full(16, t, jnp.int32)])[0]
    ecnt = plsc.load_gather(ebv, [jnp.full(16, t + NW, jnp.int32)])[0]
    nch = (ecnt + (CH - 1)) // CH
    start = t * ROWS

    def zbody(i, c):
        accf[pl.ds(i * 64, 16)] = jnp.zeros(16, jnp.float32)
        accf[pl.ds(i * 64 + 16, 16)] = jnp.zeros(16, jnp.float32)
        accf[pl.ds(i * 64 + 32, 16)] = jnp.zeros(16, jnp.float32)
        accf[pl.ds(i * 64 + 48, 16)] = jnp.zeros(16, jnp.float32)
        return c
    lax.fori_loop(0, ACCR // 4, zbody, 0)

    def issue_rec(c, pp):
        sem = r0 if pp == 0 else r1
        pltpu.async_copy(rec_hbm.at[pl.ds(ebase + c * CH, CH)],
                         recbuf.at[pl.ds(pp * CH, CH)], sem)

    def wait_rec(pp):
        sem = r0 if pp == 0 else r1
        pltpu.make_async_copy(rec_hbm.at[pl.ds(0, CH)],
                              recbuf.at[pl.ds(pp * CH, CH)], sem).wait()

    def extract_issue_gather(pp):
        o = pp * CH

        def eb(k, c):
            sv = plsc.load_gather(recbuf,
                                  [jnp.full(16, o + k * 16, jnp.int32) + it,
                                   jnp.zeros(16, jnp.int32)])
            srcv[pl.ds(o + k * 16, 16)] = sv
            return c
        lax.fori_loop(0, CH // 16, eb, 0)
        sem = g0 if pp == 0 else g1
        pltpu.async_copy(h_hbm.at[srcv.at[pl.ds(o, CH)]],
                         hbuf.at[pl.ds(o, CH)], sem)

    def wait_gather(pp):
        sem = g0 if pp == 0 else g1
        pltpu.make_async_copy(h_hbm.at[srcv.at[pl.ds(pp * CH, CH)]],
                              hbuf.at[pl.ds(pp * CH, CH)], sem).wait()

    @pl.when(nch > 0)
    def _():
        issue_rec(0, 0)
        wait_rec(0)
        extract_issue_gather(0)

    @pl.when(nch > 1)
    def _():
        issue_rec(1, 1)

    def chunk(c, carry):
        dprev, creg = carry
        pp = lax.rem(c, 2)

        @pl.when(pp == 0)
        def _():
            wait_gather(0)

        @pl.when(pp == 1)
        def _():
            wait_gather(1)

        @pl.when(jnp.logical_and(c + 1 < nch, pp == 0))
        def _():
            wait_rec(1)
            extract_issue_gather(1)

        @pl.when(jnp.logical_and(c + 1 < nch, pp == 1))
        def _():
            wait_rec(0)
            extract_issue_gather(0)

        def vbody(k, cc):
            base = pp * CH + k * 16

            def msgs_fn():
                out = []
                for u in range(16):
                    row = recbuf[base + u]
                    hrow = hbuf[base + u]
                    rrow = relf[pl.ds(row[2] * 16, 16)]
                    out.append(hrow * rrow)
                return out

            return _segmax_vreg(recbuf, accf, dcol, start, it, base, k,
                                msgs_fn, cc)
        dprev, creg = lax.fori_loop(0, CH // 16, vbody, (dprev, creg))

        @pl.when(jnp.logical_and(c + 2 < nch, pp == 0))
        def _():
            issue_rec(c + 2, 0)

        @pl.when(jnp.logical_and(c + 2 < nch, pp == 1))
        def _():
            issue_rec(c + 2, 1)

        return (dprev, creg)

    lax.fori_loop(0, nch, chunk,
                  (start + jnp.int32(3200), jnp.full(16, NEGINF, jnp.float32)))

    def fbody(i, c):
        v = accf[pl.ds(i * 16, 16)]
        ok = jnp.logical_and(v >= -MAXF, v <= MAXF)
        accf[pl.ds(i * 16, 16)] = jnp.where(ok, v, 0.0)
        return c
    lax.fori_loop(0, ROWS, fbody, 0)
    pltpu.sync_copy(accf.at[pl.ds(0, ROWS * 16)],
                    aggr_hbm.at[pl.ds(start * 16, ROWS * 16)])


def _u1_body(x_ref, ag_ref, obj_ref, w_ref, b_ref, out_ref):
    xb = x_ref[0, 0, :]
    oh = (xb[:, None] == lax.broadcasted_iota(jnp.int32, (1024, NOBJ), 1))
    h0 = jnp.dot(oh.astype(jnp.float32), obj_ref[...],
                 preferred_element_type=jnp.float32)
    w = w_ref[...]
    h1 = h0 + jnp.dot(h0, w[:D], preferred_element_type=jnp.float32) \
        + jnp.dot(ag_ref[...], w[D:], preferred_element_type=jnp.float32) \
        + b_ref[0:1, :]
    out_ref[...] = h1


def _u1_call(x3d, aggr, obj, w, b):
    return pl.pallas_call(
        _u1_body,
        grid=(NTC // 1024,),
        in_specs=[
            pl.BlockSpec((1, 1, 1024), lambda i: (i, 0, 0)),
            pl.BlockSpec((1024, D), lambda i: (i, 0)),
            pl.BlockSpec((NOBJ, D), lambda i: (0, 0)),
            pl.BlockSpec((2 * D, D), lambda i: (0, 0)),
            pl.BlockSpec((1, D), lambda i: (0, 0)),
        ],
        out_specs=pl.BlockSpec((1024, D), lambda i: (i, 0)),
        out_shape=jax.ShapeDtypeStruct((NTC, D), jnp.float32),
    )(x3d, aggr, obj, w, b)


def _u2_body(h_ref, ag_ref, w_ref, b_ref, out_ref):
    h = h_ref[...]
    w = w_ref[...]
    out_ref[...] = h + jnp.dot(h, w[:D], preferred_element_type=jnp.float32) \
        + jnp.dot(ag_ref[...], w[D:], preferred_element_type=jnp.float32) \
        + b_ref[0:1, :]


def _u2_call(h, aggr, w, b):
    return pl.pallas_call(
        _u2_body,
        grid=(NTC // 1024,),
        in_specs=[
            pl.BlockSpec((1024, D), lambda i: (i, 0)),
            pl.BlockSpec((1024, D), lambda i: (i, 0)),
            pl.BlockSpec((2 * D, D), lambda i: (0, 0)),
            pl.BlockSpec((1, D), lambda i: (0, 0)),
        ],
        out_specs=pl.BlockSpec((1024, D), lambda i: (i, 0)),
        out_shape=jax.ShapeDtypeStruct((NTC, D), jnp.float32),
    )(h, aggr, w, b)


def _att_body(h_ref, bi_ref, gw_ref, gb_ref, nw_ref, nb_ref, out_ref,
              gmax_s, gacc_s):
    p = pl.program_id(0)
    i = pl.program_id(1)
    h = h_ref[...]
    bib = bi_ref[0, 0, :]
    ohb = bib[:, None] == lax.broadcasted_iota(jnp.int32, (1024, B), 1)
    ohf = ohb.astype(jnp.float32)
    gate = jnp.dot(h, gw_ref[...], preferred_element_type=jnp.float32) \
        + gb_ref[0:1, :]

    @pl.when(jnp.logical_and(p == 0, i == 0))
    def _():
        gmax_s[...] = jnp.full((1, 1), NEGINF)

    @pl.when(p == 0)
    def _():
        m = jnp.max(gate, axis=(0, 1), keepdims=True)
        gmax_s[...] = jnp.maximum(gmax_s[...], m)

    @pl.when(p >= 1)
    def _():
        e = jnp.exp(gate - gmax_s[...])

        @pl.when(i == 0)
        def _():
            gacc_s[...] = jnp.zeros((D + 1, B), jnp.float32)

        v = jnp.dot(h, nw_ref[...], preferred_element_type=jnp.float32) \
            + nb_ref[0:1, :]
        va = jnp.concatenate([v, jnp.ones((1024, 1), jnp.float32)], axis=1)
        gacc_s[...] = gacc_s[...] + lax.dot_general(
            e * va, ohf, (((0,), (0,)), ((), ())),
            preferred_element_type=jnp.float32)

        @pl.when(i == NTC // 1024 - 1)
        def _():
            out_ref[...] = gacc_s[:D, :] / (gacc_s[D:, :] + 1e-16)


def _att_call(h, bi3d, gw, gb, nw, nb):
    return pl.pallas_call(
        _att_body,
        grid=(2, NTC // 1024),
        in_specs=[
            pl.BlockSpec((1024, D), lambda p, i: (i, 0)),
            pl.BlockSpec((1, 1, 1024), lambda p, i: (i, 0, 0)),
            pl.BlockSpec((D, 1), lambda p, i: (0, 0)),
            pl.BlockSpec((1, 1), lambda p, i: (0, 0)),
            pl.BlockSpec((D, D), lambda p, i: (0, 0)),
            pl.BlockSpec((1, D), lambda p, i: (0, 0)),
        ],
        out_specs=pl.BlockSpec((D, B), lambda p, i: (0, 0)),
        out_shape=jax.ShapeDtypeStruct((D, B), jnp.float32),
        scratch_shapes=[
            pltpu.VMEM((1, 1), jnp.float32),
            pltpu.VMEM((D + 1, B), jnp.float32),
        ],
    )(h, bi3d, gw, gb, nw, nb)


def kernel(x, edge_index, edge_attr, batch_idx, obj_table, rel1, Wc1, bc1,
           rel2, Wc2, bc2, gate_W, gate_b, nn_W, nn_b):
    xi = x.astype(jnp.int32)
    src = edge_index[0].astype(jnp.int32)
    dst = edge_index[1].astype(jnp.int32)
    ea = edge_attr.astype(jnp.int32)
    bi = batch_idx.astype(jnp.int32)

    hist = _a1_hist(dst)
    tot = jnp.sum(hist, axis=0)
    nodestart = jnp.concatenate(
        [jnp.zeros((1,), jnp.int32), jnp.cumsum(tot, dtype=jnp.int32)])
    base = nodestart[None, :ND] + jnp.cumsum(hist, axis=0, dtype=jnp.int32) - hist

    starts = jnp.arange(NW + 1, dtype=jnp.int32) * ROWS
    ebase = jnp.take(nodestart, starts[:NW])
    eend = jnp.take(nodestart, starts[1:])
    ebounds = jnp.concatenate([ebase, eend - ebase])

    xpad = jnp.pad(xi, (0, NSP - N))
    rec = _a2_scatter(src, dst, ea, xpad, base)

    aggr1 = _c1_conv(rec, ebounds, obj_table.reshape(-1), rel1.reshape(-1))
    aggr1 = aggr1.reshape(ND, D)[:NTC]

    xtc = jnp.pad(xi, (0, NTC - N)).reshape(NTC // 1024, 1, 1024)
    h1 = _u1_call(xtc, aggr1, obj_table, Wc1, bc1.reshape(1, D))

    aggr2 = _c2_conv(rec, ebounds, rel2.reshape(-1), h1)
    aggr2 = aggr2.reshape(ND, D)[:NTC]
    h2 = _u2_call(h1, aggr2, Wc2, bc2.reshape(1, D))

    bi3d = jnp.pad(bi, (0, NTC - N), constant_values=B).reshape(
        NTC // 1024, 1, 1024)
    gk = _att_call(h2, bi3d, gate_W, gate_b.reshape(1, 1), nn_W,
                   nn_b.reshape(1, D))
    return (h2[:N], gk.T)

# --- scband reference (transcript-rebuilt; emitter-appended) ---
"""Pipeline reference for scband-gnn-51943334478182 (READ-ONLY COPY).

The authoritative reference and input builder live on the scoring server;
editing this copy changes nothing except your own understanding.
"""

import jax, jax.numpy as jnp
import numpy as np

N = 50000
E = 1600000
B = 512
NUM_OBJ = 128
NUM_REL = 64
D = 16


def setup_inputs(seed: int = 0) -> dict:
    key = jax.random.key(seed)
    ks = jax.random.split(key, 16)
    x = jax.random.randint(ks[0], (N,), 0, NUM_OBJ, dtype=jnp.int64 if jax.config.read('jax_enable_x64') else jnp.int32)
    edge_index = jax.random.randint(ks[1], (2, E), 0, N)
    edge_attr = jax.random.randint(ks[2], (E,), 0, NUM_REL)
    batch_idx = jnp.sort(jax.random.randint(ks[3], (N,), 0, B))
    obj_table = jax.random.normal(ks[4], (NUM_OBJ, D), dtype=jnp.float32) * 0.25
    rel1 = jax.random.normal(ks[5], (NUM_REL, D), dtype=jnp.float32) * 0.25
    Wc1 = jax.random.normal(ks[6], (2 * D, D), dtype=jnp.float32) * 0.2
    bc1 = jnp.zeros((D,), dtype=jnp.float32)
    rel2 = jax.random.normal(ks[7], (NUM_REL, D), dtype=jnp.float32) * 0.25
    Wc2 = jax.random.normal(ks[8], (2 * D, D), dtype=jnp.float32) * 0.2
    bc2 = jnp.zeros((D,), dtype=jnp.float32)
    gate_W = jax.random.normal(ks[9], (D, 1), dtype=jnp.float32) * 0.2
    gate_b = jnp.zeros((1,), dtype=jnp.float32)
    nn_W = jax.random.normal(ks[10], (D, D), dtype=jnp.float32) * 0.2
    nn_b = jnp.zeros((D,), dtype=jnp.float32)
    return {"x": x, "edge_index": edge_index, "edge_attr": edge_attr, "batch_idx": batch_idx,
            "obj_table": obj_table, "rel1": rel1, "Wc1": Wc1, "bc1": bc1,
            "rel2": rel2, "Wc2": Wc2, "bc2": bc2,
            "gate_W": gate_W, "gate_b": gate_b, "nn_W": nn_W, "nn_b": nn_b}


def _gnn_conv(h, edge_index, edge_attr, rel_emb, Wc, bc):
    src = edge_index[0]
    dst = edge_index[1]
    # message: relation_embedding(edge_attr) * x_j
    msg = jnp.take(rel_emb, edge_attr, axis=0) * jnp.take(h, src, axis=0)
    # aggr='max' scatter-max over destination nodes
    aggr = jax.ops.segment_max(msg, dst, num_segments=N)
    aggr = jnp.where(jnp.isfinite(aggr), aggr, 0.0)  # PyG gives 0 for isolated nodes
    # update: x + combine(concat([x, aggr]))
    return h + jnp.concatenate([h, aggr], axis=-1) @ Wc + bc


def reference(x, edge_index, edge_attr, batch_idx, obj_table, rel1, Wc1, bc1, rel2, Wc2, bc2, gate_W, gate_b, nn_W, nn_b):
    h = jnp.take(obj_table, x, axis=0)  # obj_embedding lookup
    h = _gnn_conv(h, edge_index, edge_attr, rel1, Wc1, bc1)
    h = _gnn_conv(h, edge_index, edge_attr, rel2, Wc2, bc2)
    # AttentionalAggregation: softmax(gate_nn(h)) per graph, weighted sum of nn(h)
    gate = h @ gate_W + gate_b  # [N, 1]
    gmax = jax.ops.segment_max(gate, batch_idx, num_segments=B)
    gmax = jnp.where(jnp.isfinite(gmax), gmax, 0.0)
    e = jnp.exp(gate - jnp.take(gmax, batch_idx, axis=0))
    esum = jax.ops.segment_sum(e, batch_idx, num_segments=B)
    attn = e / (jnp.take(esum, batch_idx, axis=0) + 1e-16)
    v = h @ nn_W + nn_b
    g = jax.ops.segment_sum(attn * v, batch_idx, num_segments=B)
    return (h, g)

if __name__ == "__main__":
    import jax
    _d = setup_inputs()
    print(jax.jit(kernel)(*tuple(_d.values())))

</pallas_src>

<mosaic_0001>
#map = affine_map<(d0, d1) -> (0)>
#map1 = affine_map<(d0, d1) -> (0, 0)>
module attributes {stable_mosaic.version = 14 : i64} {
  func.func @_a1_hist(%arg0: i32, %arg1: i32, %arg2: memref<1600000xi32, #tpu.memory_space<hbm>>, %arg3: memref<32x51200xi32, #tpu.memory_space<hbm>>, %arg4: memref<51200xi32, #tpu.memory_space<vmem>>, %arg5: memref<800xi32, #tpu.memory_space<vmem>>, %arg6: memref<!tpu.dma_semaphore, #tpu.memory_space<semaphore_mem>>, %arg7: memref<!tpu.dma_semaphore, #tpu.memory_space<semaphore_mem>>) attributes {dimension_semantics = [#tpu.dimension_semantics<core_parallel>, #tpu.dimension_semantics<subcore_parallel>], iteration_bounds = array<i64: 2, 16>, scalar_prefetch = 0 : i64, scratch_operands = 4 : i64, tpu.core_type = #tpu.core_type<sc_vector_subcore>, window_params = [{transform_indices = #map}, {transform_indices = #map1}]} {
    %mul3A = arith.constant 2 : i32
    %mul3A_0 = arith.muli %arg1, %mul3A : i32
    %add3A = arith.addi %mul3A_0, %arg0 : i32
    %mul3A_1 = arith.constant 50000 : i32
    %mul3A_2 = arith.muli %add3A, %mul3A_1 : i32
    %scan3A = arith.constant 0 : i32
    %scan3A_3 = arith.constant 0 : i32
    %scan3A_4 = arith.constant 800 : i32
    %scan3A_5 = arith.addi %scan3A_3, %scan3A_4 : i32
    %scan3A_6 = arith.constant 1 : i32
    scf.for %scan3A_19 = %scan3A_3 to %scan3A_5 step %scan3A_6  : i32 {
      %broadcast_in_dim3A = arith.constant 0 : i32
      %broadcast_in_dim3A_20 = vector.broadcast %broadcast_in_dim3A : i32 to vector<16xi32>
      %mul3A_21 = arith.constant 64 : i32
      %mul3A_22 = arith.muli %scan3A_19, %mul3A_21 : i32
      %swap3A = arith.index_cast %mul3A_22 : i32 to index
      %swap3A_23 = tpu.vector_load %arg4[%swap3A] {strides = array<i32>} : memref<51200xi32, #tpu.memory_space<vmem>>, vector<16xi32>,
      tpu.vector_store %arg4[%swap3A], %broadcast_in_dim3A_20 {strides = array<i32>} : memref<51200xi32, #tpu.memory_space<vmem>>, vector<16xi32>,
      %broadcast_in_dim3A_24 = arith.constant 0 : i32
      %broadcast_in_dim3A_25 = vector.broadcast %broadcast_in_dim3A_24 : i32 to vector<16xi32>
      %mul3A_26 = arith.constant 64 : i32
      %mul3A_27 = arith.muli %scan3A_19, %mul3A_26 : i32
      %add3A_28 = arith.constant 16 : i32
      %add3A_29 = arith.addi %mul3A_27, %add3A_28 : i32
      %swap3A_30 = arith.index_cast %add3A_29 : i32 to index
      %swap3A_31 = tpu.vector_load %arg4[%swap3A_30] {strides = array<i32>} : memref<51200xi32, #tpu.memory_space<vmem>>, vector<16xi32>,
      tpu.vector_store %arg4[%swap3A_30], %broadcast_in_dim3A_25 {strides = array<i32>} : memref<51200xi32, #tpu.memory_space<vmem>>, vector<16xi32>,
      %broadcast_in_dim3A_32 = arith.constant 0 : i32
      %broadcast_in_dim3A_33 = vector.broadcast %broadcast_in_dim3A_32 : i32 to vector<16xi32>
      %mul3A_34 = arith.constant 64 : i32
      %mul3A_35 = arith.muli %scan3A_19, %mul3A_34 : i32
      %add3A_36 = arith.constant 32 : i32
      %add3A_37 = arith.addi %mul3A_35, %add3A_36 : i32
      %swap3A_38 = arith.index_cast %add3A_37 : i32 to index
      %swap3A_39 = tpu.vector_load %arg4[%swap3A_38] {strides = array<i32>} : memref<51200xi32, #tpu.memory_space<vmem>>, vector<16xi32>,
      tpu.vector_store %arg4[%swap3A_38], %broadcast_in_dim3A_33 {strides = array<i32>} : memref<51200xi32, #tpu.memory_space<vmem>>, vector<16xi32>,
      %broadcast_in_dim3A_40 = arith.constant 0 : i32
      %broadcast_in_dim3A_41 = vector.broadcast %broadcast_in_dim3A_40 : i32 to vector<16xi32>
      %mul3A_42 = arith.constant 64 : i32
      %mul3A_43 = arith.muli %scan3A_19, %mul3A_42 : i32
      %add3A_44 = arith.constant 48 : i32
      %add3A_45 = arith.addi %mul3A_43, %add3A_44 : i32
      %swap3A_46 = arith.index_cast %add3A_45 : i32 to index
      %swap3A_47 = tpu.vector_load %arg4[%swap3A_46] {strides = array<i32>} : memref<51200xi32, #tpu.memory_space<vmem>>, vector<16xi32>,
      tpu.vector_store %arg4[%swap3A_46], %broadcast_in_dim3A_41 {strides = array<i32>} : memref<51200xi32, #tpu.memory_space<vmem>>, vector<16xi32>,
    }
    %scan3A_7 = arith.constant 800 : i32
    %dma_start3A = arith.constant 0 : i32
    %dma_start3A_8 = tpu.memref_slice %arg5[%dma_start3A] : memref<800xi32, #tpu.memory_space<vmem>> -> memref<400xi32, #tpu.memory_space<vmem>>
    %dma_start3A_9 = tpu.memref_slice %arg2[%mul3A_2] : memref<1600000xi32, #tpu.memory_space<hbm>> -> memref<400xi32, #tpu.memory_space<hbm>>
    %dma_start3A_10 = arith.constant 0 : i32
    %dma_start3A_11 = tpu.memref_slice %arg5[%dma_start3A_10] : memref<800xi32, #tpu.memory_space<vmem>> -> memref<400xi32, #tpu.memory_space<vmem>>
    %dma_start3A_12 = tpu.memref_slice %arg2[%mul3A_2] : memref<1600000xi32, #tpu.memory_space<hbm>> -> memref<400xi32, #tpu.memory_space<hbm>>
    tpu.enqueue_dma source(%dma_start3A_12 : memref<400xi32, #tpu.memory_space<hbm>>) target(%dma_start3A_11 : memref<400xi32, #tpu.memory_space<vmem>>) target_semaphore(%arg6 : memref<!tpu.dma_semaphore, #tpu.memory_space<semaphore_mem>>)
    %scan3A_13 = arith.constant 0 : i32
    %scan3A_14 = arith.constant 0 : i32
    %scan3A_15 = arith.constant 125 : i32
    %scan3A_16 = arith.addi %scan3A_14, %scan3A_15 : i32
    %scan3A_17 = arith.constant 1 : i32
    scf.for %scan3A_19 = %scan3A_14 to %scan3A_16 step %scan3A_17  : i32 {
      %rem3A = arith.constant 2 : i32
      %rem3A_20 = arith.remsi %scan3A_19, %rem3A : i32
      %mul3A_21 = arith.constant 400 : i32
      %mul3A_22 = arith.muli %rem3A_20, %mul3A_21 : i32
      %add3A_23 = arith.constant 1 : i32
      %add3A_24 = arith.addi %scan3A_19, %add3A_23 : i32
      %lt3A = arith.constant 125 : i32
      %lt3A_25 = arith.cmpi slt, %add3A_24, %lt3A : i32
      %eq3A = arith.constant 0 : i32
      %eq3A_26 = arith.cmpi eq, %rem3A_20, %eq3A : i32
      %and3A = arith.andi %lt3A_25, %eq3A_26 : i1
      %convert_element_type3A = arith.extui %and3A : i1 to i32
      %cond3A = arith.constant 0 : i32
      %cond3A_27 = arith.cmpi ne, %convert_element_type3A, %cond3A : i32
      scf.if %cond3A_27 {
        %add3A_54 = arith.constant 1 : i32
        %add3A_55 = arith.addi %scan3A_19, %add3A_54 : i32
        %mul3A_56 = arith.constant 400 : i32
        %mul3A_57 = arith.muli %add3A_55, %mul3A_56 : i32
        %add3A_58 = arith.addi %mul3A_2, %mul3A_57 : i32
        %dma_start3A_59 = arith.constant 400 : i32
        %dma_start3A_60 = tpu.memref_slice %arg5[%dma_start3A_59] : memref<800xi32, #tpu.memory_space<vmem>> -> memref<400xi32, #tpu.memory_space<vmem>>
        %dma_start3A_61 = tpu.memref_slice %arg2[%add3A_58] : memref<1600000xi32, #tpu.memory_space<hbm>> -> memref<400xi32, #tpu.memory_space<hbm>>
        %dma_start3A_62 = arith.constant 400 : i32
        %dma_start3A_63 = tpu.memref_slice %arg5[%dma_start3A_62] : memref<800xi32, #tpu.memory_space<vmem>> -> memref<400xi32, #tpu.memory_space<vmem>>
        %dma_start3A_64 = tpu.memref_slice %arg2[%add3A_58] : memref<1600000xi32, #tpu.memory_space<hbm>> -> memref<400xi32, #tpu.memory_space<hbm>>
        tpu.enqueue_dma source(%dma_start3A_64 : memref<400xi32, #tpu.memory_space<hbm>>) target(%dma_start3A_63 : memref<400xi32, #tpu.memory_space<vmem>>) target_semaphore(%arg7 : memref<!tpu.dma_semaphore, #tpu.memory_space<semaphore_mem>>)
      } else {
      }
      %add3A_28 = arith.constant 1 : i32
      %add3A_29 = arith.addi %scan3A_19, %add3A_28 : i32
      %lt3A_30 = arith.constant 125 : i32
      %lt3A_31 = arith.cmpi slt, %add3A_29, %lt3A_30 : i32
      %eq3A_32 = arith.constant 1 : i32
      %eq3A_33 = arith.cmpi eq, %rem3A_20, %eq3A_32 : i32
      %and3A_34 = arith.andi %lt3A_31, %eq3A_33 : i1
      %convert_element_type3A_35 = arith.extui %and3A_34 : i1 to i32
      %cond3A_36 = arith.constant 0 : i32
      %cond3A_37 = arith.cmpi ne, %convert_element_type3A_35, %cond3A_36 : i32
      scf.if %cond3A_37 {
        %add3A_54 = arith.constant 1 : i32
        %add3A_55 = arith.addi %scan3A_19, %add3A_54 : i32
        %mul3A_56 = arith.constant 400 : i32
        %mul3A_57 = arith.muli %add3A_55, %mul3A_56 : i32
        %add3A_58 = arith.addi %mul3A_2, %mul3A_57 : i32
        %dma_start3A_59 = arith.constant 0 : i32
        %dma_start3A_60 = tpu.memref_slice %arg5[%dma_start3A_59] : memref<800xi32, #tpu.memory_space<vmem>> -> memref<400xi32, #tpu.memory_space<vmem>>
        %dma_start3A_61 = tpu.memref_slice %arg2[%add3A_58] : memref<1600000xi32, #tpu.memory_space<hbm>> -> memref<400xi32, #tpu.memory_space<hbm>>
        %dma_start3A_62 = arith.constant 0 : i32
        %dma_start3A_63 = tpu.memref_slice %arg5[%dma_start3A_62] : memref<800xi32, #tpu.memory_space<vmem>> -> memref<400xi32, #tpu.memory_space<vmem>>
        %dma_start3A_64 = tpu.memref_slice %arg2[%add3A_58] : memref<1600000xi32, #tpu.memory_space<hbm>> -> memref<400xi32, #tpu.memory_space<hbm>>
        tpu.enqueue_dma source(%dma_start3A_64 : memref<400xi32, #tpu.memory_space<hbm>>) target(%dma_start3A_63 : memref<400xi32, #tpu.memory_space<vmem>>) target_semaphore(%arg6 : memref<!tpu.dma_semaphore, #tpu.memory_space<semaphore_mem>>)
      } else {
      }
      %eq3A_38 = arith.constant 0 : i32
      %eq3A_39 = arith.cmpi eq, %rem3A_20, %eq3A_38 : i32
      %convert_element_type3A_40 = arith.extui %eq3A_39 : i1 to i32
      %cond3A_41 = arith.constant 0 : i32
      %cond3A_42 = arith.cmpi ne, %convert_element_type3A_40, %cond3A_41 : i32
      scf.if %cond3A_42 {
        %dma_wait3A = arith.constant 0 : i32
        %dma_wait3A_54 = tpu.memref_slice %arg5[%dma_wait3A] : memref<800xi32, #tpu.memory_space<vmem>> -> memref<400xi32, #tpu.memory_space<vmem>>
        %dma_wait3A_55 = arith.constant 0 : i32
        %dma_wait3A_56 = tpu.memref_slice %arg2[%dma_wait3A_55] : memref<1600000xi32, #tpu.memory_space<hbm>> -> memref<400xi32, #tpu.memory_space<hbm>>
        %dma_wait3A_57 = arith.constant 0 : i32
        %dma_wait3A_58 = tpu.memref_slice %arg5[%dma_wait3A_57] : memref<800xi32, #tpu.memory_space<vmem>> -> memref<400xi32, #tpu.memory_space<vmem>>
        %dma_wait3A_59 = arith.constant 0 : i32
        %dma_wait3A_60 = tpu.memref_slice %arg2[%dma_wait3A_59] : memref<1600000xi32, #tpu.memory_space<hbm>> -> memref<400xi32, #tpu.memory_space<hbm>>
        tpu.wait_dma2 semaphore(%arg6 : memref<!tpu.dma_semaphore, #tpu.memory_space<semaphore_mem>>) src(%dma_wait3A_60 : memref<400xi32, #tpu.memory_space<hbm>>) dst(%dma_wait3A_58 : memref<400xi32, #tpu.memory_space<vmem>>)
      } else {
      }
      %eq3A_43 = arith.constant 1 : i32
      %eq3A_44 = arith.cmpi eq, %rem3A_20, %eq3A_43 : i32
      %convert_element_type3A_45 = arith.extui %eq3A_44 : i1 to i32
      %cond3A_46 = arith.constant 0 : i32
      %cond3A_47 = arith.cmpi ne, %convert_element_type3A_45, %cond3A_46 : i32
      scf.if %cond3A_47 {
        %dma_wait3A = arith.constant 400 : i32
        %dma_wait3A_54 = tpu.memref_slice %arg5[%dma_wait3A] : memref<800xi32, #tpu.memory_space<vmem>> -> memref<400xi32, #tpu.memory_space<vmem>>
        %dma_wait3A_55 = arith.constant 0 : i32
        %dma_wait3A_56 = tpu.memref_slice %arg2[%dma_wait3A_55] : memref<1600000xi32, #tpu.memory_space<hbm>> -> memref<400xi32, #tpu.memory_space<hbm>>
        %dma_wait3A_57 = arith.constant 400 : i32
        %dma_wait3A_58 = tpu.memref_slice %arg5[%dma_wait3A_57] : memref<800xi32, #tpu.memory_space<vmem>> -> memref<400xi32, #tpu.memory_space<vmem>>
        %dma_wait3A_59 = arith.constant 0 : i32
        %dma_wait3A_60 = tpu.memref_slice %arg2[%dma_wait3A_59] : memref<1600000xi32, #tpu.memory_space<hbm>> -> memref<400xi32, #tpu.memory_space<hbm>>
        tpu.wait_dma2 semaphore(%arg7 : memref<!tpu.dma_semaphore, #tpu.memory_space<semaphore_mem>>) src(%dma_wait3A_60 : memref<400xi32, #tpu.memory_space<hbm>>) dst(%dma_wait3A_58 : memref<400xi32, #tpu.memory_space<vmem>>)
      } else {
      }
      %scan3A_48 = arith.constant 0 : i32
      %scan3A_49 = arith.constant 0 : i32
      %scan3A_50 = arith.constant 25 : i32
      %scan3A_51 = arith.addi %scan3A_49, %scan3A_50 : i32
      %scan3A_52 = arith.constant 1 : i32
      scf.for %scan3A_54 = %scan3A_49 to %scan3A_51 step %scan3A_52  : i32 {
        %mul3A_55 = arith.constant 16 : i32
        %mul3A_56 = arith.muli %scan3A_54, %mul3A_55 : i32
        %add3A_57 = arith.addi %mul3A_22, %mul3A_56 : i32
        %get3A = arith.index_cast %add3A_57 : i32 to index
        %get3A_58 = tpu.vector_load %arg5[%get3A] {strides = array<i32>} : memref<800xi32, #tpu.memory_space<vmem>>, vector<16xi32>,
        %broadcast_in_dim3A = arith.constant true
        %broadcast_in_dim3A_59 = vector.broadcast %broadcast_in_dim3A : i1 to vector<16xi1>
        %unique3A, %unique3A_60 = tpu.scan_count mask(%broadcast_in_dim3A_59 : vector<16xi1>) value(%get3A_58 : vector<16xi32>) : vector<16xi1>, vector<16xi32>
        %gather3A = tpu.vector_load_idx %arg4[%get3A_58] : memref<51200xi32, #tpu.memory_space<vmem>>[vector<16xi32>], vector<16xi32>,
        %add3A_61 = arith.addi %gather3A, %unique3A_60 : vector<16xi32>
        tpu.vector_store_idx %arg4[%get3A_58], %add3A_61 masked %unique3A : memref<51200xi32, #tpu.memory_space<vmem>>[vector<16xi32>], vector<16xi32>, vector<16xi1>
      }
      %scan3A_53 = arith.constant 25 : i32
    }
    %scan3A_18 = arith.constant 125 : i32
    "tpu.region"() ({
      %run_scoped3A = tpu.sem_alloc : memref<!tpu.dma_semaphore, #tpu.memory_space<semaphore_mem>>
      %dma_start3A_19 = arith.constant 0 : i32
      %dma_start3A_20 = tpu.memref_slice %arg3[%add3A, %dma_start3A_19] : memref<32x51200xi32, #tpu.memory_space<hbm>> -> memref<1x51200xi32, #tpu.memory_space<hbm>>
      %dma_start3A_21 = tpu.memref_squeeze %dma_start3A_20 : memref<1x51200xi32, #tpu.memory_space<hbm>> -> memref<51200xi32, #tpu.memory_space<hbm>>
      %dma_start3A_22 = arith.constant 0 : i32
      %dma_start3A_23 = tpu.memref_slice %arg3[%add3A, %dma_start3A_22] : memref<32x51200xi32, #tpu.memory_space<hbm>> -> memref<1x51200xi32, #tpu.memory_space<hbm>>
      %dma_start3A_24 = tpu.memref_squeeze %dma_start3A_23 : memref<1x51200xi32, #tpu.memory_space<hbm>> -> memref<51200xi32, #tpu.memory_space<hbm>>
      tpu.enqueue_dma source(%arg4 : memref<51200xi32, #tpu.memory_space<vmem>>) target(%dma_start3A_24 : memref<51200xi32, #tpu.memory_space<hbm>>) target_semaphore(%run_scoped3A : memref<!tpu.dma_semaphore, #tpu.memory_space<semaphore_mem>>)
      %dma_wait3A = arith.constant 0 : i32
      %dma_wait3A_25 = tpu.memref_slice %arg3[%add3A, %dma_wait3A] : memref<32x51200xi32, #tpu.memory_space<hbm>> -> memref<1x51200xi32, #tpu.memory_space<hbm>>
      %dma_wait3A_26 = tpu.memref_squeeze %dma_wait3A_25 : memref<1x51200xi32, #tpu.memory_space<hbm>> -> memref<51200xi32, #tpu.memory_space<hbm>>
      %dma_wait3A_27 = arith.constant 0 : i32
      %dma_wait3A_28 = tpu.memref_slice %arg3[%add3A, %dma_wait3A_27] : memref<32x51200xi32, #tpu.memory_space<hbm>> -> memref<1x51200xi32, #tpu.memory_space<hbm>>
      %dma_wait3A_29 = tpu.memref_squeeze %dma_wait3A_28 : memref<1x51200xi32, #tpu.memory_space<hbm>> -> memref<51200xi32, #tpu.memory_space<hbm>>
      tpu.wait_dma2 semaphore(%run_scoped3A : memref<!tpu.dma_semaphore, #tpu.memory_space<semaphore_mem>>) src(%arg4 : memref<51200xi32, #tpu.memory_space<vmem>>) dst(%dma_wait3A_29 : memref<51200xi32, #tpu.memory_space<hbm>>)
      tpu.yield
    }) : () -> ()
    return
  }
}

#map = affine_map<(d0, d1) -> (0)>
#map1 = affine_map<(d0, d1) -> (0, 0)>
module attributes {stable_mosaic.version = 14 : i64} {
  func.func @_a2_scatter(%arg0: i32, %arg1: i32, %arg2: memref<1600000xi32, #tpu.memory_space<hbm>>, %arg3: memref<1600000xi32, #tpu.memory_space<hbm>>, %arg4: memref<1600000xi32, #tpu.memory_space<hbm>>, %arg5: memref<50048xi32, #tpu.memory_space<hbm>>, %arg6: memref<32x51200xi32, #tpu.memory_space<hbm>>, %arg7: memref<1600400x16xi32, #tpu.memory_space<hbm>>, %arg8: memref<50048xi32, #tpu.memory_space<vmem>>, %arg9: memref<51200xi32, #tpu.memory_space<vmem>>, %arg10: memref<800xi32, #tpu.memory_space<vmem>>, %arg11: memref<800xi32, #tpu.memory_space<vmem>>, %arg12: memref<800xi32, #tpu.memory_space<vmem>>, %arg13: memref<800x16xi32, #tpu.memory_space<vmem>>, %arg14: memref<2x400xi32, #tpu.memory_space<vmem>>, %arg15: memref<!tpu.dma_semaphore, #tpu.memory_space<semaphore_mem>>, %arg16: memref<!tpu.dma_semaphore, #tpu.memory_space<semaphore_mem>>, %arg17: memref<!tpu.dma_semaphore, #tpu.memory_space<semaphore_mem>>, %arg18: memref<!tpu.dma_semaphore, #tpu.memory_space<semaphore_mem>>) attributes {dimension_semantics = [#tpu.dimension_semantics<core_parallel>, #tpu.dimension_semantics<subcore_parallel>], iteration_bounds = array<i64: 2, 16>, scalar_prefetch = 0 : i64, scratch_operands = 11 : i64, tpu.core_type = #tpu.core_type<sc_vector_subcore>, window_params = [{transform_indices = #map}, {transform_indices = #map}, {transform_indices = #map}, {transform_indices = #map}, {transform_indices = #map1}, {transform_indices = #map1}]} {
    %mul3A = arith.constant 2 : i32
    %mul3A_0 = arith.muli %arg1, %mul3A : i32
    %add3A = arith.addi %mul3A_0, %arg0 : i32
    %mul3A_1 = arith.constant 50000 : i32
    %mul3A_2 = arith.muli %add3A, %mul3A_1 : i32
    %iota3A = tpu.iota {dimensions = array<i32: 0>} : vector<16xi32>
    "tpu.region"() ({
      %run_scoped3A = tpu.sem_alloc : memref<!tpu.dma_semaphore, #tpu.memory_space<semaphore_mem>>
      tpu.enqueue_dma source(%arg5 : memref<50048xi32, #tpu.memory_space<hbm>>) target(%arg8 : memref<50048xi32, #tpu.memory_space<vmem>>) target_semaphore(%run_scoped3A : memref<!tpu.dma_semaphore, #tpu.memory_space<semaphore_mem>>)
      tpu.wait_dma2 semaphore(%run_scoped3A : memref<!tpu.dma_semaphore, #tpu.memory_space<semaphore_mem>>) src(%arg5 : memref<50048xi32, #tpu.memory_space<hbm>>) dst(%arg8 : memref<50048xi32, #tpu.memory_space<vmem>>)
      tpu.yield
    }) : () -> ()
    "tpu.region"() ({
      %run_scoped3A = tpu.sem_alloc : memref<!tpu.dma_semaphore, #tpu.memory_space<semaphore_mem>>
      %dma_start3A_48 = arith.constant 0 : i32
      %dma_start3A_49 = tpu.memref_slice %arg6[%add3A, %dma_start3A_48] : memref<32x51200xi32, #tpu.memory_space<hbm>> -> memref<1x51200xi32, #tpu.memory_space<hbm>>
      %dma_start3A_50 = tpu.memref_squeeze %dma_start3A_49 : memref<1x51200xi32, #tpu.memory_space<hbm>> -> memref<51200xi32, #tpu.memory_space<hbm>>
      %dma_start3A_51 = arith.constant 0 : i32
      %dma_start3A_52 = tpu.memref_slice %arg6[%add3A, %dma_start3A_51] : memref<32x51200xi32, #tpu.memory_space<hbm>> -> memref<1x51200xi32, #tpu.memory_space<hbm>>
      %dma_start3A_53 = tpu.memref_squeeze %dma_start3A_52 : memref<1x51200xi32, #tpu.memory_space<hbm>> -> memref<51200xi32, #tpu.memory_space<hbm>>
      tpu.enqueue_dma source(%dma_start3A_53 : memref<51200xi32, #tpu.memory_space<hbm>>) target(%arg9 : memref<51200xi32, #tpu.memory_space<vmem>>) target_semaphore(%run_scoped3A : memref<!tpu.dma_semaphore, #tpu.memory_space<semaphore_mem>>)
      %dma_wait3A_54 = arith.constant 0 : i32
      %dma_wait3A_55 = tpu.memref_slice %arg6[%add3A, %dma_wait3A_54] : memref<32x51200xi32, #tpu.memory_space<hbm>> -> memref<1x51200xi32, #tpu.memory_space<hbm>>
      %dma_wait3A_56 = tpu.memref_squeeze %dma_wait3A_55 : memref<1x51200xi32, #tpu.memory_space<hbm>> -> memref<51200xi32, #tpu.memory_space<hbm>>
      %dma_wait3A_57 = arith.constant 0 : i32
      %dma_wait3A_58 = tpu.memref_slice %arg6[%add3A, %dma_wait3A_57] : memref<32x51200xi32, #tpu.memory_space<hbm>> -> memref<1x51200xi32, #tpu.memory_space<hbm>>
      %dma_wait3A_59 = tpu.memref_squeeze %dma_wait3A_58 : memref<1x51200xi32, #tpu.memory_space<hbm>> -> memref<51200xi32, #tpu.memory_space<hbm>>
      tpu.wait_dma2 semaphore(%run_scoped3A : memref<!tpu.dma_semaphore, #tpu.memory_space<semaphore_mem>>) src(%dma_wait3A_59 : memref<51200xi32, #tpu.memory_space<hbm>>) dst(%arg9 : memref<51200xi32, #tpu.memory_space<vmem>>)
      tpu.yield
    }) : () -> ()
    %add3A_3 = arith.constant 0 : i32
    %add3A_4 = arith.addi %mul3A_2, %add3A_3 : i32
    %dma_start3A = arith.constant 0 : i32
    %dma_start3A_5 = tpu.memref_slice %arg10[%dma_start3A] : memref<800xi32, #tpu.memory_space<vmem>> -> memref<400xi32, #tpu.memory_space<vmem>>
    %dma_start3A_6 = tpu.memref_slice %arg2[%add3A_4] : memref<1600000xi32, #tpu.memory_space<hbm>> -> memref<400xi32, #tpu.memory_space<hbm>>
    %dma_start3A_7 = arith.constant 0 : i32
    %dma_start3A_8 = tpu.memref_slice %arg10[%dma_start3A_7] : memref<800xi32, #tpu.memory_space<vmem>> -> memref<400xi32, #tpu.memory_space<vmem>>
    %dma_start3A_9 = tpu.memref_slice %arg2[%add3A_4] : memref<1600000xi32, #tpu.memory_space<hbm>> -> memref<400xi32, #tpu.memory_space<hbm>>
    tpu.enqueue_dma source(%dma_start3A_9 : memref<400xi32, #tpu.memory_space<hbm>>) target(%dma_start3A_8 : memref<400xi32, #tpu.memory_space<vmem>>) target_semaphore(%arg15 : memref<!tpu.dma_semaphore, #tpu.memory_space<semaphore_mem>>)
    %dma_start3A_10 = arith.constant 0 : i32
    %dma_start3A_11 = tpu.memref_slice %arg11[%dma_start3A_10] : memref<800xi32, #tpu.memory_space<vmem>> -> memref<400xi32, #tpu.memory_space<vmem>>
    %dma_start3A_12 = tpu.memref_slice %arg3[%add3A_4] : memref<1600000xi32, #tpu.memory_space<hbm>> -> memref<400xi32, #tpu.memory_space<hbm>>
    %dma_start3A_13 = arith.constant 0 : i32
    %dma_start3A_14 = tpu.memref_slice %arg11[%dma_start3A_13] : memref<800xi32, #tpu.memory_space<vmem>> -> memref<400xi32, #tpu.memory_space<vmem>>
    %dma_start3A_15 = tpu.memref_slice %arg3[%add3A_4] : memref<1600000xi32, #tpu.memory_space<hbm>> -> memref<400xi32, #tpu.memory_space<hbm>>
    tpu.enqueue_dma source(%dma_start3A_15 : memref<400xi32, #tpu.memory_space<hbm>>) target(%dma_start3A_14 : memref<400xi32, #tpu.memory_space<vmem>>) target_semaphore(%arg15 : memref<!tpu.dma_semaphore, #tpu.memory_space<semaphore_mem>>)
    %dma_start3A_16 = arith.constant 0 : i32
    %dma_start3A_17 = tpu.memref_slice %arg12[%dma_start3A_16] : memref<800xi32, #tpu.memory_space<vmem>> -> memref<400xi32, #tpu.memory_space<vmem>>
    %dma_start3A_18 = tpu.memref_slice %arg4[%add3A_4] : memref<1600000xi32, #tpu.memory_space<hbm>> -> memref<400xi32, #tpu.memory_space<hbm>>
    %dma_start3A_19 = arith.constant 0 : i32
    %dma_start3A_20 = tpu.memref_slice %arg12[%dma_start3A_19] : memref<800xi32, #tpu.memory_space<vmem>> -> memref<400xi32, #tpu.memory_space<vmem>>
    %dma_start3A_21 = tpu.memref_slice %arg4[%add3A_4] : memref<1600000xi32, #tpu.memory_space<hbm>> -> memref<400xi32, #tpu.memory_space<hbm>>
    tpu.enqueue_dma source(%dma_start3A_21 : memref<400xi32, #tpu.memory_space<hbm>>) target(%dma_start3A_20 : memref<400xi32, #tpu.memory_space<vmem>>) target_semaphore(%arg15 : memref<!tpu.dma_semaphore, #tpu.memory_space<semaphore_mem>>)
    %scan3A = arith.constant 0 : i32
    %scan3A_22 = arith.constant 0 : i32
    %scan3A_23 = arith.constant 125 : i32
    %scan3A_24 = arith.addi %scan3A_22, %scan3A_23 : i32
    %scan3A_25 = arith.constant 1 : i32
    scf.for %scan3A_48 = %scan3A_22 to %scan3A_24 step %scan3A_25  : i32 {
      %rem3A = arith.constant 2 : i32
      %rem3A_49 = arith.remsi %scan3A_48, %rem3A : i32
      %mul3A_50 = arith.constant 400 : i32
      %mul3A_51 = arith.muli %rem3A_49, %mul3A_50 : i32
      %add3A_52 = arith.constant 1 : i32
      %add3A_53 = arith.addi %scan3A_48, %add3A_52 : i32
      %lt3A = arith.constant 125 : i32
      %lt3A_54 = arith.cmpi slt, %add3A_53, %lt3A : i32
      %eq3A_55 = arith.constant 0 : i32
      %eq3A_56 = arith.cmpi eq, %rem3A_49, %eq3A_55 : i32
      %and3A = arith.andi %lt3A_54, %eq3A_56 : i1
      %convert_element_type3A_57 = arith.extui %and3A : i1 to i32
      %cond3A_58 = arith.constant 0 : i32
      %cond3A_59 = arith.cmpi ne, %convert_element_type3A_57, %cond3A_58 : i32
      scf.if %cond3A_59 {
        %add3A_111 = arith.constant 1 : i32
        %add3A_112 = arith.addi %scan3A_48, %add3A_111 : i32
        %mul3A_113 = arith.constant 400 : i32
        %mul3A_114 = arith.muli %add3A_112, %mul3A_113 : i32
        %add3A_115 = arith.addi %mul3A_2, %mul3A_114 : i32
        %dma_start3A_116 = arith.constant 400 : i32
        %dma_start3A_117 = tpu.memref_slice %arg10[%dma_start3A_116] : memref<800xi32, #tpu.memory_space<vmem>> -> memref<400xi32, #tpu.memory_space<vmem>>
        %dma_start3A_118 = tpu.memref_slice %arg2[%add3A_115] : memref<1600000xi32, #tpu.memory_space<hbm>> -> memref<400xi32, #tpu.memory_space<hbm>>
        %dma_start3A_119 = arith.constant 400 : i32
        %dma_start3A_120 = tpu.memref_slice %arg10[%dma_start3A_119] : memref<800xi32, #tpu.memory_space<vmem>> -> memref<400xi32, #tpu.memory_space<vmem>>
        %dma_start3A_121 = tpu.memref_slice %arg2[%add3A_115] : memref<1600000xi32, #tpu.memory_space<hbm>> -> memref<400xi32, #tpu.memory_space<hbm>>
        tpu.enqueue_dma source(%dma_start3A_121 : memref<400xi32, #tpu.memory_space<hbm>>) target(%dma_start3A_120 : memref<400xi32, #tpu.memory_space<vmem>>) target_semaphore(%arg16 : memref<!tpu.dma_semaphore, #tpu.memory_space<semaphore_mem>>)
        %dma_start3A_122 = arith.constant 400 : i32
        %dma_start3A_123 = tpu.memref_slice %arg11[%dma_start3A_122] : memref<800xi32, #tpu.memory_space<vmem>> -> memref<400xi32, #tpu.memory_space<vmem>>
        %dma_start3A_124 = tpu.memref_slice %arg3[%add3A_115] : memref<1600000xi32, #tpu.memory_space<hbm>> -> memref<400xi32, #tpu.memory_space<hbm>>
        %dma_start3A_125 = arith.constant 400 : i32
        %dma_start3A_126 = tpu.memref_slice %arg11[%dma_start3A_125] : memref<800xi32, #tpu.memory_space<vmem>> -> memref<400xi32, #tpu.memory_space<vmem>>
        %dma_start3A_127 = tpu.memref_slice %arg3[%add3A_115] : memref<1600000xi32, #tpu.memory_space<hbm>> -> memref<400xi32, #tpu.memory_space<hbm>>
        tpu.enqueue_dma source(%dma_start3A_127 : memref<400xi32, #tpu.memory_space<hbm>>) target(%dma_start3A_126 : memref<400xi32, #tpu.memory_space<vmem>>) target_semaphore(%arg16 : memref<!tpu.dma_semaphore, #tpu.memory_space<semaphore_mem>>)
        %dma_start3A_128 = arith.constant 400 : i32
        %dma_start3A_129 = tpu.memref_slice %arg12[%dma_start3A_128] : memref<800xi32, #tpu.memory_space<vmem>> -> memref<400xi32, #tpu.memory_space<vmem>>
        %dma_start3A_130 = tpu.memref_slice %arg4[%add3A_115] : memref<1600000xi32, #tpu.memory_space<hbm>> -> memref<400xi32, #tpu.memory_space<hbm>>
        %dma_start3A_131 = arith.constant 400 : i32
        %dma_start3A_132 = tpu.memref_slice %arg12[%dma_start3A_131] : memref<800xi32, #tpu.memory_space<vmem>> -> memref<400xi32, #tpu.memory_space<vmem>>
        %dma_start3A_133 = tpu.memref_slice %arg4[%add3A_115] : memref<1600000xi32, #tpu.memory_space<hbm>> -> memref<400xi32, #tpu.memory_space<hbm>>
        tpu.enqueue_dma source(%dma_start3A_133 : memref<400xi32, #tpu.memory_space<hbm>>) target(%dma_start3A_132 : memref<400xi32, #tpu.memory_space<vmem>>) target_semaphore(%arg16 : memref<!tpu.dma_semaphore, #tpu.memory_space<semaphore_mem>>)
      } else {
      }
      %add3A_60 = arith.constant 1 : i32
      %add3A_61 = arith.addi %scan3A_48, %add3A_60 : i32
      %lt3A_62 = arith.constant 125 : i32
      %lt3A_63 = arith.cmpi slt, %add3A_61, %lt3A_62 : i32
      %eq3A_64 = arith.constant 1 : i32
      %eq3A_65 = arith.cmpi eq, %rem3A_49, %eq3A_64 : i32
      %and3A_66 = arith.andi %lt3A_63, %eq3A_65 : i1
      %convert_element_type3A_67 = arith.extui %and3A_66 : i1 to i32
      %cond3A_68 = arith.constant 0 : i32
      %cond3A_69 = arith.cmpi ne, %convert_element_type3A_67, %cond3A_68 : i32
      scf.if %cond3A_69 {
        %add3A_111 = arith.constant 1 : i32
        %add3A_112 = arith.addi %scan3A_48, %add3A_111 : i32
        %mul3A_113 = arith.constant 400 : i32
        %mul3A_114 = arith.muli %add3A_112, %mul3A_113 : i32
        %add3A_115 = arith.addi %mul3A_2, %mul3A_114 : i32
        %dma_start3A_116 = arith.constant 0 : i32
        %dma_start3A_117 = tpu.memref_slice %arg10[%dma_start3A_116] : memref<800xi32, #tpu.memory_space<vmem>> -> memref<400xi32, #tpu.memory_space<vmem>>
        %dma_start3A_118 = tpu.memref_slice %arg2[%add3A_115] : memref<1600000xi32, #tpu.memory_space<hbm>> -> memref<400xi32, #tpu.memory_space<hbm>>
        %dma_start3A_119 = arith.constant 0 : i32
        %dma_start3A_120 = tpu.memref_slice %arg10[%dma_start3A_119] : memref<800xi32, #tpu.memory_space<vmem>> -> memref<400xi32, #tpu.memory_space<vmem>>
        %dma_start3A_121 = tpu.memref_slice %arg2[%add3A_115] : memref<1600000xi32, #tpu.memory_space<hbm>> -> memref<400xi32, #tpu.memory_space<hbm>>
        tpu.enqueue_dma source(%dma_start3A_121 : memref<400xi32, #tpu.memory_space<hbm>>) target(%dma_start3A_120 : memref<400xi32, #tpu.memory_space<vmem>>) target_semaphore(%arg15 : memref<!tpu.dma_semaphore, #tpu.memory_space<semaphore_mem>>)
        %dma_start3A_122 = arith.constant 0 : i32
        %dma_start3A_123 = tpu.memref_slice %arg11[%dma_start3A_122] : memref<800xi32, #tpu.memory_space<vmem>> -> memref<400xi32, #tpu.memory_space<vmem>>
        %dma_start3A_124 = tpu.memref_slice %arg3[%add3A_115] : memref<1600000xi32, #tpu.memory_space<hbm>> -> memref<400xi32, #tpu.memory_space<hbm>>
        %dma_start3A_125 = arith.constant 0 : i32
        %dma_start3A_126 = tpu.memref_slice %arg11[%dma_start3A_125] : memref<800xi32, #tpu.memory_space<vmem>> -> memref<400xi32, #tpu.memory_space<vmem>>
        %dma_start3A_127 = tpu.memref_slice %arg3[%add3A_115] : memref<1600000xi32, #tpu.memory_space<hbm>> -> memref<400xi32, #tpu.memory_space<hbm>>
        tpu.enqueue_dma source(%dma_start3A_127 : memref<400xi32, #tpu.memory_space<hbm>>) target(%dma_start3A_126 : memref<400xi32, #tpu.memory_space<vmem>>) target_semaphore(%arg15 : memref<!tpu.dma_semaphore, #tpu.memory_space<semaphore_mem>>)
        %dma_start3A_128 = arith.constant 0 : i32
        %dma_start3A_129 = tpu.memref_slice %arg12[%dma_start3A_128] : memref<800xi32, #tpu.memory_space<vmem>> -> memref<400xi32, #tpu.memory_space<vmem>>
        %dma_start3A_130 = tpu.memref_slice %arg4[%add3A_115] : memref<1600000xi32, #tpu.memory_space<hbm>> -> memref<400xi32, #tpu.memory_space<hbm>>
        %dma_start3A_131 = arith.constant 0 : i32
        %dma_start3A_132 = tpu.memref_slice %arg12[%dma_start3A_131] : memref<800xi32, #tpu.memory_space<vmem>> -> memref<400xi32, #tpu.memory_space<vmem>>
        %dma_start3A_133 = tpu.memref_slice %arg4[%add3A_115] : memref<1600000xi32, #tpu.memory_space<hbm>> -> memref<400xi32, #tpu.memory_space<hbm>>
        tpu.enqueue_dma source(%dma_start3A_133 : memref<400xi32, #tpu.memory_space<hbm>>) target(%dma_start3A_132 : memref<400xi32, #tpu.memory_space<vmem>>) target_semaphore(%arg15 : memref<!tpu.dma_semaphore, #tpu.memory_space<semaphore_mem>>)
      } else {
      }
      %eq3A_70 = arith.constant 0 : i32
      %eq3A_71 = arith.cmpi eq, %rem3A_49, %eq3A_70 : i32
      %convert_element_type3A_72 = arith.extui %eq3A_71 : i1 to i32
      %cond3A_73 = arith.constant 0 : i32
      %cond3A_74 = arith.cmpi ne, %convert_element_type3A_72, %cond3A_73 : i32
      scf.if %cond3A_74 {
        %dma_wait3A_111 = arith.constant 0 : i32
        %dma_wait3A_112 = tpu.memref_slice %arg10[%dma_wait3A_111] : memref<800xi32, #tpu.memory_space<vmem>> -> memref<400xi32, #tpu.memory_space<vmem>>
        %dma_wait3A_113 = arith.constant 0 : i32
        %dma_wait3A_114 = tpu.memref_slice %arg2[%dma_wait3A_113] : memref<1600000xi32, #tpu.memory_space<hbm>> -> memref<400xi32, #tpu.memory_space<hbm>>
        %dma_wait3A_115 = arith.constant 0 : i32
        %dma_wait3A_116 = tpu.memref_slice %arg10[%dma_wait3A_115] : memref<800xi32, #tpu.memory_space<vmem>> -> memref<400xi32, #tpu.memory_space<vmem>>
        %dma_wait3A_117 = arith.constant 0 : i32
        %dma_wait3A_118 = tpu.memref_slice %arg2[%dma_wait3A_117] : memref<1600000xi32, #tpu.memory_space<hbm>> -> memref<400xi32, #tpu.memory_space<hbm>>
        tpu.wait_dma2 semaphore(%arg15 : memref<!tpu.dma_semaphore, #tpu.memory_space<semaphore_mem>>) src(%dma_wait3A_118 : memref<400xi32, #tpu.memory_space<hbm>>) dst(%dma_wait3A_116 : memref<400xi32, #tpu.memory_space<vmem>>)
        %dma_wait3A_119 = arith.constant 0 : i32
        %dma_wait3A_120 = tpu.memref_slice %arg11[%dma_wait3A_119] : memref<800xi32, #tpu.memory_space<vmem>> -> memref<400xi32, #tpu.memory_space<vmem>>
        %dma_wait3A_121 = arith.constant 0 : i32
        %dma_wait3A_122 = tpu.memref_slice %arg3[%dma_wait3A_121] : memref<1600000xi32, #tpu.memory_space<hbm>> -> memref<400xi32, #tpu.memory_space<hbm>>
        %dma_wait3A_123 = arith.constant 0 : i32
        %dma_wait3A_124 = tpu.memref_slice %arg11[%dma_wait3A_123] : memref<800xi32, #tpu.memory_space<vmem>> -> memref<400xi32, #tpu.memory_space<vmem>>
        %dma_wait3A_125 = arith.constant 0 : i32
        %dma_wait3A_126 = tpu.memref_slice %arg3[%dma_wait3A_125] : memref<1600000xi32, #tpu.memory_space<hbm>> -> memref<400xi32, #tpu.memory_space<hbm>>
        tpu.wait_dma2 semaphore(%arg15 : memref<!tpu.dma_semaphore, #tpu.memory_space<semaphore_mem>>) src(%dma_wait3A_126 : memref<400xi32, #tpu.memory_space<hbm>>) dst(%dma_wait3A_124 : memref<400xi32, #tpu.memory_space<vmem>>)
        %dma_wait3A_127 = arith.constant 0 : i32
        %dma_wait3A_128 = tpu.memref_slice %arg12[%dma_wait3A_127] : memref<800xi32, #tpu.memory_space<vmem>> -> memref<400xi32, #tpu.memory_space<vmem>>
        %dma_wait3A_129 = arith.constant 0 : i32
        %dma_wait3A_130 = tpu.memref_slice %arg4[%dma_wait3A_129] : memref<1600000xi32, #tpu.memory_space<hbm>> -> memref<400xi32, #tpu.memory_space<hbm>>
        %dma_wait3A_131 = arith.constant 0 : i32
        %dma_wait3A_132 = tpu.memref_slice %arg12[%dma_wait3A_131] : memref<800xi32, #tpu.memory_space<vmem>> -> memref<400xi32, #tpu.memory_space<vmem>>
        %dma_wait3A_133 = arith.constant 0 : i32
        %dma_wait3A_134 = tpu.memref_slice %arg4[%dma_wait3A_133] : memref<1600000xi32, #tpu.memory_space<hbm>> -> memref<400xi32, #tpu.memory_space<hbm>>
        tpu.wait_dma2 semaphore(%arg15 : memref<!tpu.dma_semaphore, #tpu.memory_space<semaphore_mem>>) src(%dma_wait3A_134 : memref<400xi32, #tpu.memory_space<hbm>>) dst(%dma_wait3A_132 : memref<400xi32, #tpu.memory_space<vmem>>)
      } else {
      }
      %eq3A_75 = arith.constant 1 : i32
      %eq3A_76 = arith.cmpi eq, %rem3A_49, %eq3A_75 : i32
      %convert_element_type3A_77 = arith.extui %eq3A_76 : i1 to i32
      %cond3A_78 = arith.constant 0 : i32
      %cond3A_79 = arith.cmpi ne, %convert_element_type3A_77, %cond3A_78 : i32
      scf.if %cond3A_79 {
        %dma_wait3A_111 = arith.constant 400 : i32
        %dma_wait3A_112 = tpu.memref_slice %arg10[%dma_wait3A_111] : memref<800xi32, #tpu.memory_space<vmem>> -> memref<400xi32, #tpu.memory_space<vmem>>
        %dma_wait3A_113 = arith.constant 0 : i32
        %dma_wait3A_114 = tpu.memref_slice %arg2[%dma_wait3A_113] : memref<1600000xi32, #tpu.memory_space<hbm>> -> memref<400xi32, #tpu.memory_space<hbm>>
        %dma_wait3A_115 = arith.constant 400 : i32
        %dma_wait3A_116 = tpu.memref_slice %arg10[%dma_wait3A_115] : memref<800xi32, #tpu.memory_space<vmem>> -> memref<400xi32, #tpu.memory_space<vmem>>
        %dma_wait3A_117 = arith.constant 0 : i32
        %dma_wait3A_118 = tpu.memref_slice %arg2[%dma_wait3A_117] : memref<1600000xi32, #tpu.memory_space<hbm>> -> memref<400xi32, #tpu.memory_space<hbm>>
        tpu.wait_dma2 semaphore(%arg16 : memref<!tpu.dma_semaphore, #tpu.memory_space<semaphore_mem>>) src(%dma_wait3A_118 : memref<400xi32, #tpu.memory_space<hbm>>) dst(%dma_wait3A_116 : memref<400xi32, #tpu.memory_space<vmem>>)
        %dma_wait3A_119 = arith.constant 400 : i32
        %dma_wait3A_120 = tpu.memref_slice %arg11[%dma_wait3A_119] : memref<800xi32, #tpu.memory_space<vmem>> -> memref<400xi32, #tpu.memory_space<vmem>>
        %dma_wait3A_121 = arith.constant 0 : i32
        %dma_wait3A_122 = tpu.memref_slice %arg3[%dma_wait3A_121] : memref<1600000xi32, #tpu.memory_space<hbm>> -> memref<400xi32, #tpu.memory_space<hbm>>
        %dma_wait3A_123 = arith.constant 400 : i32
        %dma_wait3A_124 = tpu.memref_slice %arg11[%dma_wait3A_123] : memref<800xi32, #tpu.memory_space<vmem>> -> memref<400xi32, #tpu.memory_space<vmem>>
        %dma_wait3A_125 = arith.constant 0 : i32
        %dma_wait3A_126 = tpu.memref_slice %arg3[%dma_wait3A_125] : memref<1600000xi32, #tpu.memory_space<hbm>> -> memref<400xi32, #tpu.memory_space<hbm>>
        tpu.wait_dma2 semaphore(%arg16 : memref<!tpu.dma_semaphore, #tpu.memory_space<semaphore_mem>>) src(%dma_wait3A_126 : memref<400xi32, #tpu.memory_space<hbm>>) dst(%dma_wait3A_124 : memref<400xi32, #tpu.memory_space<vmem>>)
        %dma_wait3A_127 = arith.constant 400 : i32
        %dma_wait3A_128 = tpu.memref_slice %arg12[%dma_wait3A_127] : memref<800xi32, #tpu.memory_space<vmem>> -> memref<400xi32, #tpu.memory_space<vmem>>
        %dma_wait3A_129 = arith.constant 0 : i32
        %dma_wait3A_130 = tpu.memref_slice %arg4[%dma_wait3A_129] : memref<1600000xi32, #tpu.memory_space<hbm>> -> memref<400xi32, #tpu.memory_space<hbm>>
        %dma_wait3A_131 = arith.constant 400 : i32
        %dma_wait3A_132 = tpu.memref_slice %arg12[%dma_wait3A_131] : memref<800xi32, #tpu.memory_space<vmem>> -> memref<400xi32, #tpu.memory_space<vmem>>
        %dma_wait3A_133 = arith.constant 0 : i32
        %dma_wait3A_134 = tpu.memref_slice %arg4[%dma_wait3A_133] : memref<1600000xi32, #tpu.memory_space<hbm>> -> memref<400xi32, #tpu.memory_space<hbm>>
        tpu.wait_dma2 semaphore(%arg16 : memref<!tpu.dma_semaphore, #tpu.memory_space<semaphore_mem>>) src(%dma_wait3A_134 : memref<400xi32, #tpu.memory_space<hbm>>) dst(%dma_wait3A_132 : memref<400xi32, #tpu.memory_space<vmem>>)
      } else {
      }
      %ge3A = arith.constant 2 : i32
      %ge3A_80 = arith.cmpi sge, %scan3A_48, %ge3A : i32
      %eq3A_81 = arith.constant 0 : i32
      %eq3A_82 = arith.cmpi eq, %rem3A_49, %eq3A_81 : i32
      %and3A_83 = arith.andi %ge3A_80, %eq3A_82 : i1
      %convert_element_type3A_84 = arith.extui %and3A_83 : i1 to i32
      %cond3A_85 = arith.constant 0 : i32
      %cond3A_86 = arith.cmpi ne, %convert_element_type3A_84, %cond3A_85 : i32
      scf.if %cond3A_86 {
        %dma_wait3A_111 = arith.constant 0 : i32
        %dma_wait3A_112 = arith.constant 0 : i32
        %dma_wait3A_113 = arith.constant 0 : i32
        %dma_wait3A_114 = tpu.memref_slice %arg13[%dma_wait3A_112, %dma_wait3A_113] : memref<800x16xi32, #tpu.memory_space<vmem>> -> memref<400x16xi32, #tpu.memory_space<vmem>>
        %dma_wait3A_115 = arith.constant 0 : i32
        %dma_wait3A_116 = tpu.memref_slice %arg14[%dma_wait3A_111, %dma_wait3A_115] : memref<2x400xi32, #tpu.memory_space<vmem>> -> memref<1x400xi32, #tpu.memory_space<vmem>>
        %dma_wait3A_117 = tpu.memref_squeeze %dma_wait3A_116 : memref<1x400xi32, #tpu.memory_space<vmem>> -> memref<400xi32, #tpu.memory_space<vmem>>
        %dma_wait3A_118 = arith.constant 0 : i32
        %dma_wait3A_119 = arith.constant 0 : i32
        %dma_wait3A_120 = tpu.memref_slice %arg7[%dma_wait3A_118, %dma_wait3A_119] : memref<1600400x16xi32, #tpu.memory_space<hbm>> -> memref<1600400x16xi32, #tpu.memory_space<hbm>>
        tpu.wait_indirect_dma semaphore(%arg17 : memref<!tpu.dma_semaphore, #tpu.memory_space<semaphore_mem>>) src(%dma_wait3A_114 : memref<400x16xi32, #tpu.memory_space<vmem>>) dst(%dma_wait3A_120 : memref<1600400x16xi32, #tpu.memory_space<hbm>>)
      } else {
      }
      %ge3A_87 = arith.constant 2 : i32
      %ge3A_88 = arith.cmpi sge, %scan3A_48, %ge3A_87 : i32
      %eq3A_89 = arith.constant 1 : i32
      %eq3A_90 = arith.cmpi eq, %rem3A_49, %eq3A_89 : i32
      %and3A_91 = arith.andi %ge3A_88, %eq3A_90 : i1
      %convert_element_type3A_92 = arith.extui %and3A_91 : i1 to i32
      %cond3A_93 = arith.constant 0 : i32
      %cond3A_94 = arith.cmpi ne, %convert_element_type3A_92, %cond3A_93 : i32
      scf.if %cond3A_94 {
        %dma_wait3A_111 = arith.constant 1 : i32
        %dma_wait3A_112 = arith.constant 400 : i32
        %dma_wait3A_113 = arith.constant 0 : i32
        %dma_wait3A_114 = tpu.memref_slice %arg13[%dma_wait3A_112, %dma_wait3A_113] : memref<800x16xi32, #tpu.memory_space<vmem>> -> memref<400x16xi32, #tpu.memory_space<vmem>>
        %dma_wait3A_115 = arith.constant 0 : i32
        %dma_wait3A_116 = tpu.memref_slice %arg14[%dma_wait3A_111, %dma_wait3A_115] : memref<2x400xi32, #tpu.memory_space<vmem>> -> memref<1x400xi32, #tpu.memory_space<vmem>>
        %dma_wait3A_117 = tpu.memref_squeeze %dma_wait3A_116 : memref<1x400xi32, #tpu.memory_space<vmem>> -> memref<400xi32, #tpu.memory_space<vmem>>
        %dma_wait3A_118 = arith.constant 0 : i32
        %dma_wait3A_119 = arith.constant 0 : i32
        %dma_wait3A_120 = tpu.memref_slice %arg7[%dma_wait3A_118, %dma_wait3A_119] : memref<1600400x16xi32, #tpu.memory_space<hbm>> -> memref<1600400x16xi32, #tpu.memory_space<hbm>>
        tpu.wait_indirect_dma semaphore(%arg18 : memref<!tpu.dma_semaphore, #tpu.memory_space<semaphore_mem>>) src(%dma_wait3A_114 : memref<400x16xi32, #tpu.memory_space<vmem>>) dst(%dma_wait3A_120 : memref<1600400x16xi32, #tpu.memory_space<hbm>>)
      } else {
      }
      %scan3A_95 = arith.constant 0 : i32
      %scan3A_96 = arith.constant 0 : i32
      %scan3A_97 = arith.constant 25 : i32
      %scan3A_98 = arith.addi %scan3A_96, %scan3A_97 : i32
      %scan3A_99 = arith.constant 1 : i32
      scf.for %scan3A_111 = %scan3A_96 to %scan3A_98 step %scan3A_99  : i32 {
        %mul3A_112 = arith.constant 16 : i32
        %mul3A_113 = arith.muli %scan3A_111, %mul3A_112 : i32
        %add3A_114 = arith.addi %mul3A_51, %mul3A_113 : i32
        %broadcast_in_dim3A = vector.broadcast %add3A_114 : i32 to vector<16xi32>
        %add3A_115 = arith.addi %broadcast_in_dim3A, %iota3A : vector<16xi32>
        %mul3A_116 = arith.constant 16 : i32
        %mul3A_117 = arith.muli %scan3A_111, %mul3A_116 : i32
        %add3A_118 = arith.addi %mul3A_51, %mul3A_117 : i32
        %get3A = arith.index_cast %add3A_118 : i32 to index
        %get3A_119 = tpu.vector_load %arg10[%get3A] {strides = array<i32>} : memref<800xi32, #tpu.memory_space<vmem>>, vector<16xi32>,
        %mul3A_120 = arith.constant 16 : i32
        %mul3A_121 = arith.muli %scan3A_111, %mul3A_120 : i32
        %add3A_122 = arith.addi %mul3A_51, %mul3A_121 : i32
        %get3A_123 = arith.index_cast %add3A_122 : i32 to index
        %get3A_124 = tpu.vector_load %arg11[%get3A_123] {strides = array<i32>} : memref<800xi32, #tpu.memory_space<vmem>>, vector<16xi32>,
        %mul3A_125 = arith.constant 16 : i32
        %mul3A_126 = arith.muli %scan3A_111, %mul3A_125 : i32
        %add3A_127 = arith.addi %mul3A_51, %mul3A_126 : i32
        %get3A_128 = arith.index_cast %add3A_127 : i32 to index
        %get3A_129 = tpu.vector_load %arg12[%get3A_128] {strides = array<i32>} : memref<800xi32, #tpu.memory_space<vmem>>, vector<16xi32>,
        %broadcast_in_dim3A_130 = arith.constant true
        %broadcast_in_dim3A_131 = vector.broadcast %broadcast_in_dim3A_130 : i1 to vector<16xi1>
        %unique3A, %unique3A_132 = tpu.scan_count mask(%broadcast_in_dim3A_131 : vector<16xi1>) value(%get3A_124 : vector<16xi32>) : vector<16xi1>, vector<16xi32>
        %gather3A = tpu.vector_load_idx %arg9[%get3A_124] : memref<51200xi32, #tpu.memory_space<vmem>>[vector<16xi32>], vector<16xi32>,
        %add3A_133 = arith.addi %gather3A, %unique3A_132 : vector<16xi32>
        %sub3A = arith.constant 1 : i32
        %sub3A_134 = vector.broadcast %sub3A : i32 to vector<16xi32>
        %sub3A_135 = arith.subi %add3A_133, %sub3A_134 : vector<16xi32>
        %add3A_136 = arith.addi %gather3A, %unique3A_132 : vector<16xi32>
        tpu.vector_store_idx %arg9[%get3A_124], %add3A_136 masked %unique3A : memref<51200xi32, #tpu.memory_space<vmem>>[vector<16xi32>], vector<16xi32>, vector<16xi1>
        %gather3A_137 = tpu.vector_load_idx %arg8[%get3A_119] : memref<50048xi32, #tpu.memory_space<vmem>>[vector<16xi32>], vector<16xi32>,
        %broadcast_in_dim3A_138 = arith.constant 0 : i32
        %broadcast_in_dim3A_139 = vector.broadcast %broadcast_in_dim3A_138 : i32 to vector<16xi32>
        tpu.vector_store_idx %arg13[%add3A_115, %broadcast_in_dim3A_139], %get3A_119 : memref<800x16xi32, #tpu.memory_space<vmem>>[vector<16xi32>, vector<16xi32>], vector<16xi32>,
        %broadcast_in_dim3A_140 = arith.constant 1 : i32
        %broadcast_in_dim3A_141 = vector.broadcast %broadcast_in_dim3A_140 : i32 to vector<16xi32>
        tpu.vector_store_idx %arg13[%add3A_115, %broadcast_in_dim3A_141], %gather3A_137 : memref<800x16xi32, #tpu.memory_space<vmem>>[vector<16xi32>, vector<16xi32>], vector<16xi32>,
        %broadcast_in_dim3A_142 = arith.constant 2 : i32
        %broadcast_in_dim3A_143 = vector.broadcast %broadcast_in_dim3A_142 : i32 to vector<16xi32>
        tpu.vector_store_idx %arg13[%add3A_115, %broadcast_in_dim3A_143], %get3A_129 : memref<800x16xi32, #tpu.memory_space<vmem>>[vector<16xi32>, vector<16xi32>], vector<16xi32>,
        %broadcast_in_dim3A_144 = arith.constant 3 : i32
        %broadcast_in_dim3A_145 = vector.broadcast %broadcast_in_dim3A_144 : i32 to vector<16xi32>
        tpu.vector_store_idx %arg13[%add3A_115, %broadcast_in_dim3A_145], %get3A_124 : memref<800x16xi32, #tpu.memory_space<vmem>>[vector<16xi32>, vector<16xi32>], vector<16xi32>,
        %broadcast_in_dim3A_146 = vector.broadcast %rem3A_49 : i32 to vector<16xi32>
        %mul3A_147 = arith.constant 16 : i32
        %mul3A_148 = arith.muli %scan3A_111, %mul3A_147 : i32
        %broadcast_in_dim3A_149 = vector.broadcast %mul3A_148 : i32 to vector<16xi32>
        %add3A_150 = arith.addi %broadcast_in_dim3A_149, %iota3A : vector<16xi32>
        tpu.vector_store_idx %arg14[%broadcast_in_dim3A_146, %add3A_150], %sub3A_135 : memref<2x400xi32, #tpu.memory_space<vmem>>[vector<16xi32>, vector<16xi32>], vector<16xi32>,
      }
      %scan3A_100 = arith.constant 25 : i32
      %eq3A_101 = arith.constant 0 : i32
      %eq3A_102 = arith.cmpi eq, %rem3A_49, %eq3A_101 : i32
      %convert_element_type3A_103 = arith.extui %eq3A_102 : i1 to i32
      %cond3A_104 = arith.constant 0 : i32
      %cond3A_105 = arith.cmpi ne, %convert_element_type3A_103, %cond3A_104 : i32
      scf.if %cond3A_105 {
        %dma_start3A_111 = arith.constant 0 : i32
        %dma_start3A_112 = arith.constant 0 : i32
        %dma_start3A_113 = arith.constant 0 : i32
        %dma_start3A_114 = tpu.memref_slice %arg13[%dma_start3A_112, %dma_start3A_113] : memref<800x16xi32, #tpu.memory_space<vmem>> -> memref<400x16xi32, #tpu.memory_space<vmem>>
        %dma_start3A_115 = arith.constant 0 : i32
        %dma_start3A_116 = tpu.memref_slice %arg14[%dma_start3A_111, %dma_start3A_115] : memref<2x400xi32, #tpu.memory_space<vmem>> -> memref<1x400xi32, #tpu.memory_space<vmem>>
        %dma_start3A_117 = tpu.memref_squeeze %dma_start3A_116 : memref<1x400xi32, #tpu.memory_space<vmem>> -> memref<400xi32, #tpu.memory_space<vmem>>
        %dma_start3A_118 = arith.constant 0 : i32
        %dma_start3A_119 = arith.constant 0 : i32
        %dma_start3A_120 = tpu.memref_slice %arg7[%dma_start3A_118, %dma_start3A_119] : memref<1600400x16xi32, #tpu.memory_space<hbm>> -> memref<1600400x16xi32, #tpu.memory_space<hbm>>
        tpu.enqueue_indirect_dma source(%dma_start3A_114 : memref<400x16xi32, #tpu.memory_space<vmem>>) target(%dma_start3A_120 : memref<1600400x16xi32, #tpu.memory_space<hbm>>) offsets(%dma_start3A_117 : memref<400xi32, #tpu.memory_space<vmem>>) semaphore(%arg17 : memref<!tpu.dma_semaphore, #tpu.memory_space<semaphore_mem>>)
      } else {
      }
      %eq3A_106 = arith.constant 1 : i32
      %eq3A_107 = arith.cmpi eq, %rem3A_49, %eq3A_106 : i32
      %convert_element_type3A_108 = arith.extui %eq3A_107 : i1 to i32
      %cond3A_109 = arith.constant 0 : i32
      %cond3A_110 = arith.cmpi ne, %convert_element_type3A_108, %cond3A_109 : i32
      scf.if %cond3A_110 {
        %dma_start3A_111 = arith.constant 1 : i32
        %dma_start3A_112 = arith.constant 400 : i32
        %dma_start3A_113 = arith.constant 0 : i32
        %dma_start3A_114 = tpu.memref_slice %arg13[%dma_start3A_112, %dma_start3A_113] : memref<800x16xi32, #tpu.memory_space<vmem>> -> memref<400x16xi32, #tpu.memory_space<vmem>>
        %dma_start3A_115 = arith.constant 0 : i32
        %dma_start3A_116 = tpu.memref_slice %arg14[%dma_start3A_111, %dma_start3A_115] : memref<2x400xi32, #tpu.memory_space<vmem>> -> memref<1x400xi32, #tpu.memory_space<vmem>>
        %dma_start3A_117 = tpu.memref_squeeze %dma_start3A_116 : memref<1x400xi32, #tpu.memory_space<vmem>> -> memref<400xi32, #tpu.memory_space<vmem>>
        %dma_start3A_118 = arith.constant 0 : i32
        %dma_start3A_119 = arith.constant 0 : i32
        %dma_start3A_120 = tpu.memref_slice %arg7[%dma_start3A_118, %dma_start3A_119] : memref<1600400x16xi32, #tpu.memory_space<hbm>> -> memref<1600400x16xi32, #tpu.memory_space<hbm>>
        tpu.enqueue_indirect_dma source(%dma_start3A_114 : memref<400x16xi32, #tpu.memory_space<vmem>>) target(%dma_start3A_120 : memref<1600400x16xi32, #tpu.memory_space<hbm>>) offsets(%dma_start3A_117 : memref<400xi32, #tpu.memory_space<vmem>>) semaphore(%arg18 : memref<!tpu.dma_semaphore, #tpu.memory_space<semaphore_mem>>)
      } else {
      }
    }
    %scan3A_26 = arith.constant 125 : i32
    %dma_wait3A = arith.constant 0 : i32
    %dma_wait3A_27 = arith.constant 0 : i32
    %dma_wait3A_28 = arith.constant 0 : i32
    %dma_wait3A_29 = tpu.memref_slice %arg13[%dma_wait3A_27, %dma_wait3A_28] : memref<800x16xi32, #tpu.memory_space<vmem>> -> memref<400x16xi32, #tpu.memory_space<vmem>>
    %dma_wait3A_30 = arith.constant 0 : i32
    %dma_wait3A_31 = tpu.memref_slice %arg14[%dma_wait3A, %dma_wait3A_30] : memref<2x400xi32, #tpu.memory_space<vmem>> -> memref<1x400xi32, #tpu.memory_space<vmem>>
    %dma_wait3A_32 = tpu.memref_squeeze %dma_wait3A_31 : memref<1x400xi32, #tpu.memory_space<vmem>> -> memref<400xi32, #tpu.memory_space<vmem>>
    %dma_wait3A_33 = arith.constant 0 : i32
    %dma_wait3A_34 = arith.constant 0 : i32
    %dma_wait3A_35 = tpu.memref_slice %arg7[%dma_wait3A_33, %dma_wait3A_34] : memref<1600400x16xi32, #tpu.memory_space<hbm>> -> memref<1600400x16xi32, #tpu.memory_space<hbm>>
    tpu.wait_indirect_dma semaphore(%arg17 : memref<!tpu.dma_semaphore, #tpu.memory_space<semaphore_mem>>) src(%dma_wait3A_29 : memref<400x16xi32, #tpu.memory_space<vmem>>) dst(%dma_wait3A_35 : memref<1600400x16xi32, #tpu.memory_space<hbm>>)
    %dma_wait3A_36 = arith.constant 1 : i32
    %dma_wait3A_37 = arith.constant 400 : i32
    %dma_wait3A_38 = arith.constant 0 : i32
    %dma_wait3A_39 = tpu.memref_slice %arg13[%dma_wait3A_37, %dma_wait3A_38] : memref<800x16xi32, #tpu.memory_space<vmem>> -> memref<400x16xi32, #tpu.memory_space<vmem>>
    %dma_wait3A_40 = arith.constant 0 : i32
    %dma_wait3A_41 = tpu.memref_slice %arg14[%dma_wait3A_36, %dma_wait3A_40] : memref<2x400xi32, #tpu.memory_space<vmem>> -> memref<1x400xi32, #tpu.memory_space<vmem>>
    %dma_wait3A_42 = tpu.memref_squeeze %dma_wait3A_41 : memref<1x400xi32, #tpu.memory_space<vmem>> -> memref<400xi32, #tpu.memory_space<vmem>>
    %dma_wait3A_43 = arith.constant 0 : i32
    %dma_wait3A_44 = arith.constant 0 : i32
    %dma_wait3A_45 = tpu.memref_slice %arg7[%dma_wait3A_43, %dma_wait3A_44] : memref<1600400x16xi32, #tpu.memory_space<hbm>> -> memref<1600400x16xi32, #tpu.memory_space<hbm>>
    tpu.wait_indirect_dma semaphore(%arg18 : memref<!tpu.dma_semaphore, #tpu.memory_space<semaphore_mem>>) src(%dma_wait3A_39 : memref<400x16xi32, #tpu.memory_space<vmem>>) dst(%dma_wait3A_45 : memref<1600400x16xi32, #tpu.memory_space<hbm>>)
    %eq3A = arith.constant 31 : i32
    %eq3A_46 = arith.cmpi eq, %add3A, %eq3A : i32
    %convert_element_type3A = arith.extui %eq3A_46 : i1 to i32
    %cond3A = arith.constant 0 : i32
    %cond3A_47 = arith.cmpi ne, %convert_element_type3A, %cond3A : i32
    scf.if %cond3A_47 {
      %scan3A_48 = arith.constant 0 : i32
      %scan3A_49 = arith.constant 0 : i32
      %scan3A_50 = arith.constant 400 : i32
      %scan3A_51 = arith.addi %scan3A_49, %scan3A_50 : i32
      %scan3A_52 = arith.constant 1 : i32
      scf.for %scan3A_54 = %scan3A_49 to %scan3A_51 step %scan3A_52  : i32 {
        %broadcast_in_dim3A = vector.broadcast %scan3A_54 : i32 to vector<16xi32>
        %eq3A_55 = arith.constant 3 : i32
        %eq3A_56 = vector.broadcast %eq3A_55 : i32 to vector<16xi32>
        %eq3A_57 = arith.cmpi eq, %iota3A, %eq3A_56 : vector<16xi32>
        %jit3A = arith.constant 51200 : i32
        %jit3A_58 = arith.constant 0 : i32
        %broadcast_in_dim3A_59 = vector.broadcast %jit3A : i32 to vector<16xi32>
        %broadcast_in_dim3A_60 = vector.broadcast %jit3A_58 : i32 to vector<16xi32>
        %select_n3A = arith.select %eq3A_57, %broadcast_in_dim3A_59, %broadcast_in_dim3A_60 : vector<16xi1>, vector<16xi32>
        tpu.vector_store_idx %arg13[%broadcast_in_dim3A, %iota3A], %select_n3A : memref<800x16xi32, #tpu.memory_space<vmem>>[vector<16xi32>, vector<16xi32>], vector<16xi32>,
      }
      %scan3A_53 = arith.constant 400 : i32
      "tpu.region"() ({
        %run_scoped3A = tpu.sem_alloc : memref<!tpu.dma_semaphore, #tpu.memory_space<semaphore_mem>>
        %dma_start3A_54 = arith.constant 0 : i32
        %dma_start3A_55 = arith.constant 0 : i32
        %dma_start3A_56 = tpu.memref_slice %arg13[%dma_start3A_54, %dma_start3A_55] : memref<800x16xi32, #tpu.memory_space<vmem>> -> memref<400x16xi32, #tpu.memory_space<vmem>>
        %dma_start3A_57 = arith.constant 1600000 : i32
        %dma_start3A_58 = arith.constant 0 : i32
        %dma_start3A_59 = tpu.memref_slice %arg7[%dma_start3A_57, %dma_start3A_58] : memref<1600400x16xi32, #tpu.memory_space<hbm>> -> memref<400x16xi32, #tpu.memory_space<hbm>>
        %dma_start3A_60 = arith.constant 1600000 : i32
        %dma_start3A_61 = arith.constant 0 : i32
        %dma_start3A_62 = tpu.memref_slice %arg7[%dma_start3A_60, %dma_start3A_61] : memref<1600400x16xi32, #tpu.memory_space<hbm>> -> memref<400x16xi32, #tpu.memory_space<hbm>>
        %dma_start3A_63 = arith.constant 0 : i32
        %dma_start3A_64 = arith.constant 0 : i32
        %dma_start3A_65 = tpu.memref_slice %arg13[%dma_start3A_63, %dma_start3A_64] : memref<800x16xi32, #tpu.memory_space<vmem>> -> memref<400x16xi32, #tpu.memory_space<vmem>>
        tpu.enqueue_dma source(%dma_start3A_65 : memref<400x16xi32, #tpu.memory_space<vmem>>) target(%dma_start3A_62 : memref<400x16xi32, #tpu.memory_space<hbm>>) target_semaphore(%run_scoped3A : memref<!tpu.dma_semaphore, #tpu.memory_space<semaphore_mem>>)
        %dma_wait3A_66 = arith.constant 0 : i32
        %dma_wait3A_67 = arith.constant 0 : i32
        %dma_wait3A_68 = tpu.memref_slice %arg13[%dma_wait3A_66, %dma_wait3A_67] : memref<800x16xi32, #tpu.memory_space<vmem>> -> memref<400x16xi32, #tpu.memory_space<vmem>>
        %dma_wait3A_69 = arith.constant 1600000 : i32
        %dma_wait3A_70 = arith.constant 0 : i32
        %dma_wait3A_71 = tpu.memref_slice %arg7[%dma_wait3A_69, %dma_wait3A_70] : memref<1600400x16xi32, #tpu.memory_space<hbm>> -> memref<400x16xi32, #tpu.memory_space<hbm>>
        %dma_wait3A_72 = arith.constant 1600000 : i32
        %dma_wait3A_73 = arith.constant 0 : i32
        %dma_wait3A_74 = tpu.memref_slice %arg7[%dma_wait3A_72, %dma_wait3A_73] : memref<1600400x16xi32, #tpu.memory_space<hbm>> -> memref<400x16xi32, #tpu.memory_space<hbm>>
        %dma_wait3A_75 = arith.constant 0 : i32
        %dma_wait3A_76 = arith.constant 0 : i32
        %dma_wait3A_77 = tpu.memref_slice %arg13[%dma_wait3A_75, %dma_wait3A_76] : memref<800x16xi32, #tpu.memory_space<vmem>> -> memref<400x16xi32, #tpu.memory_space<vmem>>
        tpu.wait_dma2 semaphore(%run_scoped3A : memref<!tpu.dma_semaphore, #tpu.memory_space<semaphore_mem>>) src(%dma_wait3A_77 : memref<400x16xi32, #tpu.memory_space<vmem>>) dst(%dma_wait3A_74 : memref<400x16xi32, #tpu.memory_space<hbm>>)
        tpu.yield
      }) : () -> ()
    } else {
    }
    return
  }
}

#map = affine_map<(d0, d1) -> (0, 0)>
#map1 = affine_map<(d0, d1) -> (0)>
module attributes {stable_mosaic.version = 14 : i64} {
  func.func @_c1_conv(%arg0: i32, %arg1: i32, %arg2: memref<1600400x16xi32, #tpu.memory_space<hbm>>, %arg3: memref<64xi32, #tpu.memory_space<hbm>>, %arg4: memref<2048xf32, #tpu.memory_space<hbm>>, %arg5: memref<1024xf32, #tpu.memory_space<hbm>>, %arg6: memref<819200xf32, #tpu.memory_space<hbm>>, %arg7: memref<2048xf32, #tpu.memory_space<vmem>>, %arg8: memref<1024xf32, #tpu.memory_space<vmem>>, %arg9: memref<800x16xi32, #tpu.memory_space<vmem>>, %arg10: memref<51456xf32, #tpu.memory_space<vmem>>, %arg11: memref<64xi32, #tpu.memory_space<vmem>>, %arg12: memref<416xi32, #tpu.memory_space<vmem>>, %arg13: memref<!tpu.dma_semaphore, #tpu.memory_space<semaphore_mem>>, %arg14: memref<!tpu.dma_semaphore, #tpu.memory_space<semaphore_mem>>) attributes {dimension_semantics = [#tpu.dimension_semantics<core_parallel>, #tpu.dimension_semantics<subcore_parallel>], iteration_bounds = array<i64: 2, 16>, scalar_prefetch = 0 : i64, scratch_operands = 8 : i64, tpu.core_type = #tpu.core_type<sc_vector_subcore>, window_params = [{transform_indices = #map}, {transform_indices = #map1}, {transform_indices = #map1}, {transform_indices = #map1}, {transform_indices = #map1}]} {
    %mul3A = arith.constant 2 : i32
    %mul3A_0 = arith.muli %arg1, %mul3A : i32
    %add3A = arith.addi %mul3A_0, %arg0 : i32
    "tpu.region"() ({
      %run_scoped3A = tpu.sem_alloc : memref<!tpu.dma_semaphore, #tpu.memory_space<semaphore_mem>>
      tpu.enqueue_dma source(%arg4 : memref<2048xf32, #tpu.memory_space<hbm>>) target(%arg7 : memref<2048xf32, #tpu.memory_space<vmem>>) target_semaphore(%run_scoped3A : memref<!tpu.dma_semaphore, #tpu.memory_space<semaphore_mem>>)
      tpu.wait_dma2 semaphore(%run_scoped3A : memref<!tpu.dma_semaphore, #tpu.memory_space<semaphore_mem>>) src(%arg4 : memref<2048xf32, #tpu.memory_space<hbm>>) dst(%arg7 : memref<2048xf32, #tpu.memory_space<vmem>>)
      tpu.yield
    }) : () -> ()
    "tpu.region"() ({
      %run_scoped3A = tpu.sem_alloc : memref<!tpu.dma_semaphore, #tpu.memory_space<semaphore_mem>>
      tpu.enqueue_dma source(%arg5 : memref<1024xf32, #tpu.memory_space<hbm>>) target(%arg8 : memref<1024xf32, #tpu.memory_space<vmem>>) target_semaphore(%run_scoped3A : memref<!tpu.dma_semaphore, #tpu.memory_space<semaphore_mem>>)
      tpu.wait_dma2 semaphore(%run_scoped3A : memref<!tpu.dma_semaphore, #tpu.memory_space<semaphore_mem>>) src(%arg5 : memref<1024xf32, #tpu.memory_space<hbm>>) dst(%arg8 : memref<1024xf32, #tpu.memory_space<vmem>>)
      tpu.yield
    }) : () -> ()
    "tpu.region"() ({
      %run_scoped3A = tpu.sem_alloc : memref<!tpu.dma_semaphore, #tpu.memory_space<semaphore_mem>>
      tpu.enqueue_dma source(%arg3 : memref<64xi32, #tpu.memory_space<hbm>>) target(%arg11 : memref<64xi32, #tpu.memory_space<vmem>>) target_semaphore(%run_scoped3A : memref<!tpu.dma_semaphore, #tpu.memory_space<semaphore_mem>>)
      tpu.wait_dma2 semaphore(%run_scoped3A : memref<!tpu.dma_semaphore, #tpu.memory_space<semaphore_mem>>) src(%arg3 : memref<64xi32, #tpu.memory_space<hbm>>) dst(%arg11 : memref<64xi32, #tpu.memory_space<vmem>>)
      tpu.yield
    }) : () -> ()
    %broadcast_in_dim3A = vector.broadcast %add3A : i32 to vector<16xi32>
    %gather3A = tpu.vector_load_idx %arg11[%broadcast_in_dim3A] : memref<64xi32, #tpu.memory_space<vmem>>[vector<16xi32>], vector<16xi32>,
    %slice3A = vector.extract_strided_slice %gather3A {offsets = [0], sizes = [1], strides = [1]} : vector<16xi32> to vector<1xi32>
    %squeeze3A = vector.extract %slice3A[0] : i32 from vector<1xi32>
    %add3A_1 = arith.constant 32 : i32
    %add3A_2 = arith.addi %add3A, %add3A_1 : i32
    %broadcast_in_dim3A_3 = vector.broadcast %add3A_2 : i32 to vector<16xi32>
    %gather3A_4 = tpu.vector_load_idx %arg11[%broadcast_in_dim3A_3] : memref<64xi32, #tpu.memory_space<vmem>>[vector<16xi32>], vector<16xi32>,
    %slice3A_5 = vector.extract_strided_slice %gather3A_4 {offsets = [0], sizes = [1], strides = [1]} : vector<16xi32> to vector<1xi32>
    %squeeze3A_6 = vector.extract %slice3A_5[0] : i32 from vector<1xi32>
    %add3A_7 = arith.constant 399 : i32
    %add3A_8 = arith.addi %squeeze3A_6, %add3A_7 : i32
    %jit3A = arith.constant 400 : i32
    %div3A = arith.divsi %add3A_8, %jit3A : i32
    %sign3A = arith.constant 0 : i32
    %sign3A_9 = arith.cmpi sgt, %add3A_8, %sign3A : i32
    %sign3A_10 = arith.extui %sign3A_9 : i1 to i32
    %sign3A_11 = arith.constant 0 : i32
    %sign3A_12 = arith.cmpi slt, %add3A_8, %sign3A_11 : i32
    %sign3A_13 = arith.extui %sign3A_12 : i1 to i32
    %sign3A_14 = arith.subi %sign3A_10, %sign3A_13 : i32
    %sign3A_15 = arith.constant 0 : i32
    %sign3A_16 = arith.cmpi sgt, %jit3A, %sign3A_15 : i32
    %sign3A_17 = arith.extui %sign3A_16 : i1 to i32
    %sign3A_18 = arith.constant 0 : i32
    %sign3A_19 = arith.cmpi slt, %jit3A, %sign3A_18 : i32
    %sign3A_20 = arith.extui %sign3A_19 : i1 to i32
    %sign3A_21 = arith.subi %sign3A_17, %sign3A_20 : i32
    %ne3A = arith.cmpi ne, %sign3A_14, %sign3A_21 : i32
    %rem3A = arith.remsi %add3A_8, %jit3A : i32
    %ne3A_22 = arith.constant 0 : i32
    %ne3A_23 = arith.cmpi ne, %rem3A, %ne3A_22 : i32
    %and3A = arith.andi %ne3A, %ne3A_23 : i1
    %sub3A = arith.constant 1 : i32
    %sub3A_24 = arith.subi %div3A, %sub3A : i32
    %select_n3A = arith.select %and3A, %sub3A_24, %div3A : i32
    %mul3A_25 = arith.constant 1600 : i32
    %mul3A_26 = arith.muli %add3A, %mul3A_25 : i32
    %scan3A = arith.constant 0 : i32
    %scan3A_27 = arith.constant 0 : i32
    %scan3A_28 = arith.constant 804 : i32
    %scan3A_29 = arith.addi %scan3A_27, %scan3A_28 : i32
    %scan3A_30 = arith.constant 1 : i32
    scf.for %scan3A_56 = %scan3A_27 to %scan3A_29 step %scan3A_30  : i32 {
      %broadcast_in_dim3A_57 = arith.constant 0.000000e+00 : f32
      %broadcast_in_dim3A_58 = vector.broadcast %broadcast_in_dim3A_57 : f32 to vector<16xf32>
      %mul3A_59 = arith.constant 64 : i32
      %mul3A_60 = arith.muli %scan3A_56, %mul3A_59 : i32
      %swap3A = arith.index_cast %mul3A_60 : i32 to index
      %swap3A_61 = tpu.vector_load %arg10[%swap3A] {strides = array<i32>} : memref<51456xf32, #tpu.memory_space<vmem>>, vector<16xf32>,
      tpu.vector_store %arg10[%swap3A], %broadcast_in_dim3A_58 {strides = array<i32>} : memref<51456xf32, #tpu.memory_space<vmem>>, vector<16xf32>,
      %broadcast_in_dim3A_62 = arith.constant 0.000000e+00 : f32
      %broadcast_in_dim3A_63 = vector.broadcast %broadcast_in_dim3A_62 : f32 to vector<16xf32>
      %mul3A_64 = arith.constant 64 : i32
      %mul3A_65 = arith.muli %scan3A_56, %mul3A_64 : i32
      %add3A_66 = arith.constant 16 : i32
      %add3A_67 = arith.addi %mul3A_65, %add3A_66 : i32
      %swap3A_68 = arith.index_cast %add3A_67 : i32 to index
      %swap3A_69 = tpu.vector_load %arg10[%swap3A_68] {strides = array<i32>} : memref<51456xf32, #tpu.memory_space<vmem>>, vector<16xf32>,
      tpu.vector_store %arg10[%swap3A_68], %broadcast_in_dim3A_63 {strides = array<i32>} : memref<51456xf32, #tpu.memory_space<vmem>>, vector<16xf32>,
      %broadcast_in_dim3A_70 = arith.constant 0.000000e+00 : f32
      %broadcast_in_dim3A_71 = vector.broadcast %broadcast_in_dim3A_70 : f32 to vector<16xf32>
      %mul3A_72 = arith.constant 64 : i32
      %mul3A_73 = arith.muli %scan3A_56, %mul3A_72 : i32
      %add3A_74 = arith.constant 32 : i32
      %add3A_75 = arith.addi %mul3A_73, %add3A_74 : i32
      %swap3A_76 = arith.index_cast %add3A_75 : i32 to index
      %swap3A_77 = tpu.vector_load %arg10[%swap3A_76] {strides = array<i32>} : memref<51456xf32, #tpu.memory_space<vmem>>, vector<16xf32>,
      tpu.vector_store %arg10[%swap3A_76], %broadcast_in_dim3A_71 {strides = array<i32>} : memref<51456xf32, #tpu.memory_space<vmem>>, vector<16xf32>,
      %broadcast_in_dim3A_78 = arith.constant 0.000000e+00 : f32
      %broadcast_in_dim3A_79 = vector.broadcast %broadcast_in_dim3A_78 : f32 to vector<16xf32>
      %mul3A_80 = arith.constant 64 : i32
      %mul3A_81 = arith.muli %scan3A_56, %mul3A_80 : i32
      %add3A_82 = arith.constant 48 : i32
      %add3A_83 = arith.addi %mul3A_81, %add3A_82 : i32
      %swap3A_84 = arith.index_cast %add3A_83 : i32 to index
      %swap3A_85 = tpu.vector_load %arg10[%swap3A_84] {strides = array<i32>} : memref<51456xf32, #tpu.memory_space<vmem>>, vector<16xf32>,
      tpu.vector_store %arg10[%swap3A_84], %broadcast_in_dim3A_79 {strides = array<i32>} : memref<51456xf32, #tpu.memory_space<vmem>>, vector<16xf32>,
    }
    %scan3A_31 = arith.constant 804 : i32
    %gt3A = arith.constant 0 : i32
    %gt3A_32 = arith.cmpi sgt, %select_n3A, %gt3A : i32
    %convert_element_type3A = arith.extui %gt3A_32 : i1 to i32
    %cond3A = arith.constant 0 : i32
    %cond3A_33 = arith.cmpi ne, %convert_element_type3A, %cond3A : i32
    scf.if %cond3A_33 {
      %add3A_56 = arith.constant 0 : i32
      %add3A_57 = arith.addi %squeeze3A, %add3A_56 : i32
      %dma_start3A = arith.constant 0 : i32
      %dma_start3A_58 = arith.constant 0 : i32
      %dma_start3A_59 = tpu.memref_slice %arg9[%dma_start3A, %dma_start3A_58] : memref<800x16xi32, #tpu.memory_space<vmem>> -> memref<400x16xi32, #tpu.memory_space<vmem>>
      %dma_start3A_60 = arith.constant 0 : i32
      %dma_start3A_61 = tpu.memref_slice %arg2[%add3A_57, %dma_start3A_60] : memref<1600400x16xi32, #tpu.memory_space<hbm>> -> memref<400x16xi32, #tpu.memory_space<hbm>>
      %dma_start3A_62 = arith.constant 0 : i32
      %dma_start3A_63 = arith.constant 0 : i32
      %dma_start3A_64 = tpu.memref_slice %arg9[%dma_start3A_62, %dma_start3A_63] : memref<800x16xi32, #tpu.memory_space<vmem>> -> memref<400x16xi32, #tpu.memory_space<vmem>>
      %dma_start3A_65 = arith.constant 0 : i32
      %dma_start3A_66 = tpu.memref_slice %arg2[%add3A_57, %dma_start3A_65] : memref<1600400x16xi32, #tpu.memory_space<hbm>> -> memref<400x16xi32, #tpu.memory_space<hbm>>
      tpu.enqueue_dma source(%dma_start3A_66 : memref<400x16xi32, #tpu.memory_space<hbm>>) target(%dma_start3A_64 : memref<400x16xi32, #tpu.memory_space<vmem>>) target_semaphore(%arg13 : memref<!tpu.dma_semaphore, #tpu.memory_space<semaphore_mem>>)
    } else {
    }
    %add3A_34 = arith.constant 3200 : i32
    %add3A_35 = arith.addi %mul3A_26, %add3A_34 : i32
    %broadcast_in_dim3A_36 = arith.constant 0xFF800000 : f32
    %broadcast_in_dim3A_37 = vector.broadcast %broadcast_in_dim3A_36 : f32 to vector<16xf32>
    %while3A = arith.constant 0 : i32
    %while3A_38 = arith.subi %select_n3A, %while3A : i32
    %while3A_39 = arith.addi %while3A, %while3A_38 : i32
    %while3A_40 = arith.constant 1 : i32
    %while3A_41 = arith.divsi %while3A_38, %while3A_40 : i32
    %while3A_42 = arith.muli %while3A_41, %while3A_40 : i32
    %while3A_43 = arith.addi %while3A, %while3A_42 : i32
    %while3A_44 = arith.constant 1 : i32
    %while3A_45:2 = scf.for %while3A_56 = %while3A to %while3A_43 step %while3A_44 iter_args(%while3A_57 = %add3A_35, %while3A_58 = %broadcast_in_dim3A_37) -> (i32, vector<16xf32>)  : i32 {
      %rem3A_59 = arith.constant 2 : i32
      %rem3A_60 = arith.remsi %while3A_56, %rem3A_59 : i32
      %add3A_61 = arith.constant 1 : i32
      %add3A_62 = arith.addi %while3A_56, %add3A_61 : i32
      %lt3A = arith.cmpi slt, %add3A_62, %select_n3A : i32
      %eq3A = arith.constant 0 : i32
      %eq3A_63 = arith.cmpi eq, %rem3A_60, %eq3A : i32
      %and3A_64 = arith.andi %lt3A, %eq3A_63 : i1
      %convert_element_type3A_65 = arith.extui %and3A_64 : i1 to i32
      %cond3A_66 = arith.constant 0 : i32
      %cond3A_67 = arith.cmpi ne, %convert_element_type3A_65, %cond3A_66 : i32
      scf.if %cond3A_67 {
        %add3A_93 = arith.constant 1 : i32
        %add3A_94 = arith.addi %while3A_56, %add3A_93 : i32
        %mul3A_95 = arith.constant 400 : i32
        %mul3A_96 = arith.muli %add3A_94, %mul3A_95 : i32
        %add3A_97 = arith.addi %squeeze3A, %mul3A_96 : i32
        %dma_start3A = arith.constant 400 : i32
        %dma_start3A_98 = arith.constant 0 : i32
        %dma_start3A_99 = tpu.memref_slice %arg9[%dma_start3A, %dma_start3A_98] : memref<800x16xi32, #tpu.memory_space<vmem>> -> memref<400x16xi32, #tpu.memory_space<vmem>>
        %dma_start3A_100 = arith.constant 0 : i32
        %dma_start3A_101 = tpu.memref_slice %arg2[%add3A_97, %dma_start3A_100] : memref<1600400x16xi32, #tpu.memory_space<hbm>> -> memref<400x16xi32, #tpu.memory_space<hbm>>
        %dma_start3A_102 = arith.constant 400 : i32
        %dma_start3A_103 = arith.constant 0 : i32
        %dma_start3A_104 = tpu.memref_slice %arg9[%dma_start3A_102, %dma_start3A_103] : memref<800x16xi32, #tpu.memory_space<vmem>> -> memref<400x16xi32, #tpu.memory_space<vmem>>
        %dma_start3A_105 = arith.constant 0 : i32
        %dma_start3A_106 = tpu.memref_slice %arg2[%add3A_97, %dma_start3A_105] : memref<1600400x16xi32, #tpu.memory_space<hbm>> -> memref<400x16xi32, #tpu.memory_space<hbm>>
        tpu.enqueue_dma source(%dma_start3A_106 : memref<400x16xi32, #tpu.memory_space<hbm>>) target(%dma_start3A_104 : memref<400x16xi32, #tpu.memory_space<vmem>>) target_semaphore(%arg14 : memref<!tpu.dma_semaphore, #tpu.memory_space<semaphore_mem>>)
      } else {
      }
      %add3A_68 = arith.constant 1 : i32
      %add3A_69 = arith.addi %while3A_56, %add3A_68 : i32
      %lt3A_70 = arith.cmpi slt, %add3A_69, %select_n3A : i32
      %eq3A_71 = arith.constant 1 : i32
      %eq3A_72 = arith.cmpi eq, %rem3A_60, %eq3A_71 : i32
      %and3A_73 = arith.andi %lt3A_70, %eq3A_72 : i1
      %convert_element_type3A_74 = arith.extui %and3A_73 : i1 to i32
      %cond3A_75 = arith.constant 0 : i32
      %cond3A_76 = arith.cmpi ne, %convert_element_type3A_74, %cond3A_75 : i32
      scf.if %cond3A_76 {
        %add3A_93 = arith.constant 1 : i32
        %add3A_94 = arith.addi %while3A_56, %add3A_93 : i32
        %mul3A_95 = arith.constant 400 : i32
        %mul3A_96 = arith.muli %add3A_94, %mul3A_95 : i32
        %add3A_97 = arith.addi %squeeze3A, %mul3A_96 : i32
        %dma_start3A = arith.constant 0 : i32
        %dma_start3A_98 = arith.constant 0 : i32
        %dma_start3A_99 = tpu.memref_slice %arg9[%dma_start3A, %dma_start3A_98] : memref<800x16xi32, #tpu.memory_space<vmem>> -> memref<400x16xi32, #tpu.memory_space<vmem>>
        %dma_start3A_100 = arith.constant 0 : i32
        %dma_start3A_101 = tpu.memref_slice %arg2[%add3A_97, %dma_start3A_100] : memref<1600400x16xi32, #tpu.memory_space<hbm>> -> memref<400x16xi32, #tpu.memory_space<hbm>>
        %dma_start3A_102 = arith.constant 0 : i32
        %dma_start3A_103 = arith.constant 0 : i32
        %dma_start3A_104 = tpu.memref_slice %arg9[%dma_start3A_102, %dma_start3A_103] : memref<800x16xi32, #tpu.memory_space<vmem>> -> memref<400x16xi32, #tpu.memory_space<vmem>>
        %dma_start3A_105 = arith.constant 0 : i32
        %dma_start3A_106 = tpu.memref_slice %arg2[%add3A_97, %dma_start3A_105] : memref<1600400x16xi32, #tpu.memory_space<hbm>> -> memref<400x16xi32, #tpu.memory_space<hbm>>
        tpu.enqueue_dma source(%dma_start3A_106 : memref<400x16xi32, #tpu.memory_space<hbm>>) target(%dma_start3A_104 : memref<400x16xi32, #tpu.memory_space<vmem>>) target_semaphore(%arg13 : memref<!tpu.dma_semaphore, #tpu.memory_space<semaphore_mem>>)
      } else {
      }
      %eq3A_77 = arith.constant 0 : i32
      %eq3A_78 = arith.cmpi eq, %rem3A_60, %eq3A_77 : i32
      %convert_element_type3A_79 = arith.extui %eq3A_78 : i1 to i32
      %cond3A_80 = arith.constant 0 : i32
      %cond3A_81 = arith.cmpi ne, %convert_element_type3A_79, %cond3A_80 : i32
      scf.if %cond3A_81 {
        %dma_wait3A = arith.constant 0 : i32
        %dma_wait3A_93 = arith.constant 0 : i32
        %dma_wait3A_94 = tpu.memref_slice %arg9[%dma_wait3A, %dma_wait3A_93] : memref<800x16xi32, #tpu.memory_space<vmem>> -> memref<400x16xi32, #tpu.memory_space<vmem>>
        %dma_wait3A_95 = arith.constant 0 : i32
        %dma_wait3A_96 = arith.constant 0 : i32
        %dma_wait3A_97 = tpu.memref_slice %arg2[%dma_wait3A_95, %dma_wait3A_96] : memref<1600400x16xi32, #tpu.memory_space<hbm>> -> memref<400x16xi32, #tpu.memory_space<hbm>>
        %dma_wait3A_98 = arith.constant 0 : i32
        %dma_wait3A_99 = arith.constant 0 : i32
        %dma_wait3A_100 = tpu.memref_slice %arg9[%dma_wait3A_98, %dma_wait3A_99] : memref<800x16xi32, #tpu.memory_space<vmem>> -> memref<400x16xi32, #tpu.memory_space<vmem>>
        %dma_wait3A_101 = arith.constant 0 : i32
        %dma_wait3A_102 = arith.constant 0 : i32
        %dma_wait3A_103 = tpu.memref_slice %arg2[%dma_wait3A_101, %dma_wait3A_102] : memref<1600400x16xi32, #tpu.memory_space<hbm>> -> memref<400x16xi32, #tpu.memory_space<hbm>>
        tpu.wait_dma2 semaphore(%arg13 : memref<!tpu.dma_semaphore, #tpu.memory_space<semaphore_mem>>) src(%dma_wait3A_103 : memref<400x16xi32, #tpu.memory_space<hbm>>) dst(%dma_wait3A_100 : memref<400x16xi32, #tpu.memory_space<vmem>>)
      } else {
      }
      %eq3A_82 = arith.constant 1 : i32
      %eq3A_83 = arith.cmpi eq, %rem3A_60, %eq3A_82 : i32
      %convert_element_type3A_84 = arith.extui %eq3A_83 : i1 to i32
      %cond3A_85 = arith.constant 0 : i32
      %cond3A_86 = arith.cmpi ne, %convert_element_type3A_84, %cond3A_85 : i32
      scf.if %cond3A_86 {
        %dma_wait3A = arith.constant 400 : i32
        %dma_wait3A_93 = arith.constant 0 : i32
        %dma_wait3A_94 = tpu.memref_slice %arg9[%dma_wait3A, %dma_wait3A_93] : memref<800x16xi32, #tpu.memory_space<vmem>> -> memref<400x16xi32, #tpu.memory_space<vmem>>
        %dma_wait3A_95 = arith.constant 0 : i32
        %dma_wait3A_96 = arith.constant 0 : i32
        %dma_wait3A_97 = tpu.memref_slice %arg2[%dma_wait3A_95, %dma_wait3A_96] : memref<1600400x16xi32, #tpu.memory_space<hbm>> -> memref<400x16xi32, #tpu.memory_space<hbm>>
        %dma_wait3A_98 = arith.constant 400 : i32
        %dma_wait3A_99 = arith.constant 0 : i32
        %dma_wait3A_100 = tpu.memref_slice %arg9[%dma_wait3A_98, %dma_wait3A_99] : memref<800x16xi32, #tpu.memory_space<vmem>> -> memref<400x16xi32, #tpu.memory_space<vmem>>
        %dma_wait3A_101 = arith.constant 0 : i32
        %dma_wait3A_102 = arith.constant 0 : i32
        %dma_wait3A_103 = tpu.memref_slice %arg2[%dma_wait3A_101, %dma_wait3A_102] : memref<1600400x16xi32, #tpu.memory_space<hbm>> -> memref<400x16xi32, #tpu.memory_space<hbm>>
        tpu.wait_dma2 semaphore(%arg14 : memref<!tpu.dma_semaphore, #tpu.memory_space<semaphore_mem>>) src(%dma_wait3A_103 : memref<400x16xi32, #tpu.memory_space<hbm>>) dst(%dma_wait3A_100 : memref<400x16xi32, #tpu.memory_space<vmem>>)
      } else {
      }
      %iota3A = tpu.iota {dimensions = array<i32: 0>} : vector<16xi32>
      %scan3A_87 = arith.constant 0 : i32
      %scan3A_88 = arith.constant 25 : i32
      %scan3A_89 = arith.addi %scan3A_87, %scan3A_88 : i32
      %scan3A_90 = arith.constant 1 : i32
      %scan3A_91:2 = scf.for %scan3A_93 = %scan3A_87 to %scan3A_89 step %scan3A_90 iter_args(%scan3A_94 = %while3A_57, %scan3A_95 = %while3A_58) -> (i32, vector<16xf32>)  : i32 {
        %mul3A_96 = arith.constant 400 : i32
        %mul3A_97 = arith.muli %rem3A_60, %mul3A_96 : i32
        %mul3A_98 = arith.constant 16 : i32
        %mul3A_99 = arith.muli %scan3A_93, %mul3A_98 : i32
        %add3A_100 = arith.addi %mul3A_97, %mul3A_99 : i32
        %broadcast_in_dim3A_101 = vector.broadcast %add3A_100 : i32 to vector<16xi32>
        %add3A_102 = arith.addi %broadcast_in_dim3A_101, %iota3A : vector<16xi32>
        %broadcast_in_dim3A_103 = arith.constant 3 : i32
        %broadcast_in_dim3A_104 = vector.broadcast %broadcast_in_dim3A_103 : i32 to vector<16xi32>
        %gather3A_105 = tpu.vector_load_idx %arg9[%add3A_102, %broadcast_in_dim3A_104] : memref<800x16xi32, #tpu.memory_space<vmem>>[vector<16xi32>, vector<16xi32>], vector<16xi32>,
        %broadcast_in_dim3A_106 = arith.constant 15 : i32
        %broadcast_in_dim3A_107 = vector.broadcast %broadcast_in_dim3A_106 : i32 to vector<16xi32>
        %broadcast_in_dim3A_108 = vector.broadcast %scan3A_94 : i32 to vector<16xi32>
        %eq3A_109 = arith.constant 0 : i32
        %eq3A_110 = vector.broadcast %eq3A_109 : i32 to vector<16xi32>
        %eq3A_111 = arith.cmpi eq, %iota3A, %eq3A_110 : vector<16xi32>
        tpu.vector_store_idx %arg12[%broadcast_in_dim3A_107], %broadcast_in_dim3A_108 masked %eq3A_111 : memref<416xi32, #tpu.memory_space<vmem>>[vector<16xi32>], vector<16xi32>, vector<16xi1>
        %mul3A_112 = arith.constant 16 : i32
        %mul3A_113 = arith.muli %scan3A_93, %mul3A_112 : i32
        %add3A_114 = arith.constant 16 : i32
        %add3A_115 = arith.addi %add3A_114, %mul3A_113 : i32
        %swap3A = arith.index_cast %add3A_115 : i32 to index
        %swap3A_116 = tpu.vector_load %arg12[%swap3A] {strides = array<i32>} : memref<416xi32, #tpu.memory_space<vmem>>, vector<16xi32>,
        tpu.vector_store %arg12[%swap3A], %gather3A_105 {strides = array<i32>} : memref<416xi32, #tpu.memory_space<vmem>>, vector<16xi32>,
        %mul3A_117 = arith.constant 16 : i32
        %mul3A_118 = arith.muli %scan3A_93, %mul3A_117 : i32
        %add3A_119 = arith.constant 15 : i32
        %add3A_120 = arith.addi %add3A_119, %mul3A_118 : i32
        %get3A = arith.index_cast %add3A_120 : i32 to index
        %get3A_121 = tpu.vector_load %arg12[%get3A] {strides = array<i32>} : memref<416xi32, #tpu.memory_space<vmem>>, vector<16xi32>,
        %ne3A_122 = arith.cmpi ne, %gather3A_105, %get3A_121 : vector<16xi32>
        %all_reduce_population_count3A = tpu.all_reduce %ne3A_122 {dim = 0 : i64, kind = #tpu.reduction_kind<sum>} : vector<16xi1> -> vector<16xi32>
        %slice3A_123 = vector.extract_strided_slice %all_reduce_population_count3A {offsets = [0], sizes = [1], strides = [1]} : vector<16xi32> to vector<1xi32>
        %squeeze3A_124 = vector.extract %slice3A_123[0] : i32 from vector<1xi32>
        %add3A_125 = arith.constant 0 : i32
        %add3A_126 = arith.addi %add3A_100, %add3A_125 : i32
        %get3A_127 = arith.index_cast %add3A_126 : i32 to index
        %get3A_128 = arith.constant 0 : index
        %get3A_129 = tpu.vector_load %arg9[%get3A_127, %get3A_128] {strides = array<i32>} : memref<800x16xi32, #tpu.memory_space<vmem>>, vector<16xi32>,
        %slice3A_130 = vector.extract_strided_slice %get3A_129 {offsets = [1], sizes = [1], strides = [1]} : vector<16xi32> to vector<1xi32>
        %squeeze3A_131 = vector.extract %slice3A_130[0] : i32 from vector<1xi32>
        %mul3A_132 = arith.constant 16 : i32
        %mul3A_133 = arith.muli %squeeze3A_131, %mul3A_132 : i32
        %get3A_134 = arith.index_cast %mul3A_133 : i32 to index
        %get3A_135 = tpu.vector_load %arg7[%get3A_134] {strides = array<i32>} : memref<2048xf32, #tpu.memory_space<vmem>>, vector<16xf32>,
        %slice3A_136 = vector.extract_strided_slice %get3A_129 {offsets = [2], sizes = [1], strides = [1]} : vector<16xi32> to vector<1xi32>
        %squeeze3A_137 = vector.extract %slice3A_136[0] : i32 from vector<1xi32>
        %mul3A_138 = arith.constant 16 : i32
        %mul3A_139 = arith.muli %squeeze3A_137, %mul3A_138 : i32
        %get3A_140 = arith.index_cast %mul3A_139 : i32 to index
        %get3A_141 = tpu.vector_load %arg8[%get3A_140] {strides = array<i32>} : memref<1024xf32, #tpu.memory_space<vmem>>, vector<16xf32>,
        %mul3A_142 = arith.mulf %get3A_135, %get3A_141 : vector<16xf32>
        %add3A_143 = arith.constant 1 : i32
        %add3A_144 = arith.addi %add3A_100, %add3A_143 : i32
        %get3A_145 = arith.index_cast %add3A_144 : i32 to index
        %get3A_146 = arith.constant 0 : index
        %get3A_147 = tpu.vector_load %arg9[%get3A_145, %get3A_146] {strides = array<i32>} : memref<800x16xi32, #tpu.memory_space<vmem>>, vector<16xi32>,
        %slice3A_148 = vector.extract_strided_slice %get3A_147 {offsets = [1], sizes = [1], strides = [1]} : vector<16xi32> to vector<1xi32>
        %squeeze3A_149 = vector.extract %slice3A_148[0] : i32 from vector<1xi32>
        %mul3A_150 = arith.constant 16 : i32
        %mul3A_151 = arith.muli %squeeze3A_149, %mul3A_150 : i32
        %get3A_152 = arith.index_cast %mul3A_151 : i32 to index
        %get3A_153 = tpu.vector_load %arg7[%get3A_152] {strides = array<i32>} : memref<2048xf32, #tpu.memory_space<vmem>>, vector<16xf32>,
        %slice3A_154 = vector.extract_strided_slice %get3A_147 {offsets = [2], sizes = [1], strides = [1]} : vector<16xi32> to vector<1xi32>
        %squeeze3A_155 = vector.extract %slice3A_154[0] : i32 from vector<1xi32>
        %mul3A_156 = arith.constant 16 : i32
        %mul3A_157 = arith.muli %squeeze3A_155, %mul3A_156 : i32
        %get3A_158 = arith.index_cast %mul3A_157 : i32 to index
        %get3A_159 = tpu.vector_load %arg8[%get3A_158] {strides = array<i32>} : memref<1024xf32, #tpu.memory_space<vmem>>, vector<16xf32>,
        %mul3A_160 = arith.mulf %get3A_153, %get3A_159 : vector<16xf32>
        %add3A_161 = arith.constant 2 : i32
        %add3A_162 = arith.addi %add3A_100, %add3A_161 : i32
        %get3A_163 = arith.index_cast %add3A_162 : i32 to index
        %get3A_164 = arith.constant 0 : index
        %get3A_165 = tpu.vector_load %arg9[%get3A_163, %get3A_164] {strides = array<i32>} : memref<800x16xi32, #tpu.memory_space<vmem>>, vector<16xi32>,
        %slice3A_166 = vector.extract_strided_slice %get3A_165 {offsets = [1], sizes = [1], strides = [1]} : vector<16xi32> to vector<1xi32>
        %squeeze3A_167 = vector.extract %slice3A_166[0] : i32 from vector<1xi32>
        %mul3A_168 = arith.constant 16 : i32
        %mul3A_169 = arith.muli %squeeze3A_167, %mul3A_168 : i32
        %get3A_170 = arith.index_cast %mul3A_169 : i32 to index
        %get3A_171 = tpu.vector_load %arg7[%get3A_170] {strides = array<i32>} : memref<2048xf32, #tpu.memory_space<vmem>>, vector<16xf32>,
        %slice3A_172 = vector.extract_strided_slice %get3A_165 {offsets = [2], sizes = [1], strides = [1]} : vector<16xi32> to vector<1xi32>
        %squeeze3A_173 = vector.extract %slice3A_172[0] : i32 from vector<1xi32>
        %mul3A_174 = arith.constant 16 : i32
        %mul3A_175 = arith.muli %squeeze3A_173, %mul3A_174 : i32
        %get3A_176 = arith.index_cast %mul3A_175 : i32 to index
        %get3A_177 = tpu.vector_load %arg8[%get3A_176] {strides = array<i32>} : memref<1024xf32, #tpu.memory_space<vmem>>, vector<16xf32>,
        %mul3A_178 = arith.mulf %get3A_171, %get3A_177 : vector<16xf32>
        %add3A_179 = arith.constant 3 : i32
        %add3A_180 = arith.addi %add3A_100, %add3A_179 : i32
        %get3A_181 = arith.index_cast %add3A_180 : i32 to index
        %get3A_182 = arith.constant 0 : index
        %get3A_183 = tpu.vector_load %arg9[%get3A_181, %get3A_182] {strides = array<i32>} : memref<800x16xi32, #tpu.memory_space<vmem>>, vector<16xi32>,
        %slice3A_184 = vector.extract_strided_slice %get3A_183 {offsets = [1], sizes = [1], strides = [1]} : vector<16xi32> to vector<1xi32>
        %squeeze3A_185 = vector.extract %slice3A_184[0] : i32 from vector<1xi32>
        %mul3A_186 = arith.constant 16 : i32
        %mul3A_187 = arith.muli %squeeze3A_185, %mul3A_186 : i32
        %get3A_188 = arith.index_cast %mul3A_187 : i32 to index
        %get3A_189 = tpu.vector_load %arg7[%get3A_188] {strides = array<i32>} : memref<2048xf32, #tpu.memory_space<vmem>>, vector<16xf32>,
        %slice3A_190 = vector.extract_strided_slice %get3A_183 {offsets = [2], sizes = [1], strides = [1]} : vector<16xi32> to vector<1xi32>
        %squeeze3A_191 = vector.extract %slice3A_190[0] : i32 from vector<1xi32>
        %mul3A_192 = arith.constant 16 : i32
        %mul3A_193 = arith.muli %squeeze3A_191, %mul3A_192 : i32
        %get3A_194 = arith.index_cast %mul3A_193 : i32 to index
        %get3A_195 = tpu.vector_load %arg8[%get3A_194] {strides = array<i32>} : memref<1024xf32, #tpu.memory_space<vmem>>, vector<16xf32>,
        %mul3A_196 = arith.mulf %get3A_189, %get3A_195 : vector<16xf32>
        %add3A_197 = arith.constant 4 : i32
        %add3A_198 = arith.addi %add3A_100, %add3A_197 : i32
        %get3A_199 = arith.index_cast %add3A_198 : i32 to index
        %get3A_200 = arith.constant 0 : index
        %get3A_201 = tpu.vector_load %arg9[%get3A_199, %get3A_200] {strides = array<i32>} : memref<800x16xi32, #tpu.memory_space<vmem>>, vector<16xi32>,
        %slice3A_202 = vector.extract_strided_slice %get3A_201 {offsets = [1], sizes = [1], strides = [1]} : vector<16xi32> to vector<1xi32>
        %squeeze3A_203 = vector.extract %slice3A_202[0] : i32 from vector<1xi32>
        %mul3A_204 = arith.constant 16 : i32
        %mul3A_205 = arith.muli %squeeze3A_203, %mul3A_204 : i32
        %get3A_206 = arith.index_cast %mul3A_205 : i32 to index
        %get3A_207 = tpu.vector_load %arg7[%get3A_206] {strides = array<i32>} : memref<2048xf32, #tpu.memory_space<vmem>>, vector<16xf32>,
        %slice3A_208 = vector.extract_strided_slice %get3A_201 {offsets = [2], sizes = [1], strides = [1]} : vector<16xi32> to vector<1xi32>
        %squeeze3A_209 = vector.extract %slice3A_208[0] : i32 from vector<1xi32>
        %mul3A_210 = arith.constant 16 : i32
        %mul3A_211 = arith.muli %squeeze3A_209, %mul3A_210 : i32
        %get3A_212 = arith.index_cast %mul3A_211 : i32 to index
        %get3A_213 = tpu.vector_load %arg8[%get3A_212] {strides = array<i32>} : memref<1024xf32, #tpu.memory_space<vmem>>, vector<16xf32>,
        %mul3A_214 = arith.mulf %get3A_207, %get3A_213 : vector<16xf32>
        %add3A_215 = arith.constant 5 : i32
        %add3A_216 = arith.addi %add3A_100, %add3A_215 : i32
        %get3A_217 = arith.index_cast %add3A_216 : i32 to index
        %get3A_218 = arith.constant 0 : index
        %get3A_219 = tpu.vector_load %arg9[%get3A_217, %get3A_218] {strides = array<i32>} : memref<800x16xi32, #tpu.memory_space<vmem>>, vector<16xi32>,
        %slice3A_220 = vector.extract_strided_slice %get3A_219 {offsets = [1], sizes = [1], strides = [1]} : vector<16xi32> to vector<1xi32>
        %squeeze3A_221 = vector.extract %slice3A_220[0] : i32 from vector<1xi32>
        %mul3A_222 = arith.constant 16 : i32
        %mul3A_223 = arith.muli %squeeze3A_221, %mul3A_222 : i32
        %get3A_224 = arith.index_cast %mul3A_223 : i32 to index
        %get3A_225 = tpu.vector_load %arg7[%get3A_224] {strides = array<i32>} : memref<2048xf32, #tpu.memory_space<vmem>>, vector<16xf32>,
        %slice3A_226 = vector.extract_strided_slice %get3A_219 {offsets = [2], sizes = [1], strides = [1]} : vector<16xi32> to vector<1xi32>
        %squeeze3A_227 = vector.extract %slice3A_226[0] : i32 from vector<1xi32>
        %mul3A_228 = arith.constant 16 : i32
        %mul3A_229 = arith.muli %squeeze3A_227, %mul3A_228 : i32
        %get3A_230 = arith.index_cast %mul3A_229 : i32 to index
        %get3A_231 = tpu.vector_load %arg8[%get3A_230] {strides = array<i32>} : memref<1024xf32, #tpu.memory_space<vmem>>, vector<16xf32>,
        %mul3A_232 = arith.mulf %get3A_225, %get3A_231 : vector<16xf32>
        %add3A_233 = arith.constant 6 : i32
        %add3A_234 = arith.addi %add3A_100, %add3A_233 : i32
        %get3A_235 = arith.index_cast %add3A_234 : i32 to index
        %get3A_236 = arith.constant 0 : index
        %get3A_237 = tpu.vector_load %arg9[%get3A_235, %get3A_236] {strides = array<i32>} : memref<800x16xi32, #tpu.memory_space<vmem>>, vector<16xi32>,
        %slice3A_238 = vector.extract_strided_slice %get3A_237 {offsets = [1], sizes = [1], strides = [1]} : vector<16xi32> to vector<1xi32>
        %squeeze3A_239 = vector.extract %slice3A_238[0] : i32 from vector<1xi32>
        %mul3A_240 = arith.constant 16 : i32
        %mul3A_241 = arith.muli %squeeze3A_239, %mul3A_240 : i32
        %get3A_242 = arith.index_cast %mul3A_241 : i32 to index
        %get3A_243 = tpu.vector_load %arg7[%get3A_242] {strides = array<i32>} : memref<2048xf32, #tpu.memory_space<vmem>>, vector<16xf32>,
        %slice3A_244 = vector.extract_strided_slice %get3A_237 {offsets = [2], sizes = [1], strides = [1]} : vector<16xi32> to vector<1xi32>
        %squeeze3A_245 = vector.extract %slice3A_244[0] : i32 from vector<1xi32>
        %mul3A_246 = arith.constant 16 : i32
        %mul3A_247 = arith.muli %squeeze3A_245, %mul3A_246 : i32
        %get3A_248 = arith.index_cast %mul3A_247 : i32 to index
        %get3A_249 = tpu.vector_load %arg8[%get3A_248] {strides = array<i32>} : memref<1024xf32, #tpu.memory_space<vmem>>, vector<16xf32>,
        %mul3A_250 = arith.mulf %get3A_243, %get3A_249 : vector<16xf32>
        %add3A_251 = arith.constant 7 : i32
        %add3A_252 = arith.addi %add3A_100, %add3A_251 : i32
        %get3A_253 = arith.index_cast %add3A_252 : i32 to index
        %get3A_254 = arith.constant 0 : index
        %get3A_255 = tpu.vector_load %arg9[%get3A_253, %get3A_254] {strides = array<i32>} : memref<800x16xi32, #tpu.memory_space<vmem>>, vector<16xi32>,
        %slice3A_256 = vector.extract_strided_slice %get3A_255 {offsets = [1], sizes = [1], strides = [1]} : vector<16xi32> to vector<1xi32>
        %squeeze3A_257 = vector.extract %slice3A_256[0] : i32 from vector<1xi32>
        %mul3A_258 = arith.constant 16 : i32
        %mul3A_259 = arith.muli %squeeze3A_257, %mul3A_258 : i32
        %get3A_260 = arith.index_cast %mul3A_259 : i32 to index
        %get3A_261 = tpu.vector_load %arg7[%get3A_260] {strides = array<i32>} : memref<2048xf32, #tpu.memory_space<vmem>>, vector<16xf32>,
        %slice3A_262 = vector.extract_strided_slice %get3A_255 {offsets = [2], sizes = [1], strides = [1]} : vector<16xi32> to vector<1xi32>
        %squeeze3A_263 = vector.extract %slice3A_262[0] : i32 from vector<1xi32>
        %mul3A_264 = arith.constant 16 : i32
        %mul3A_265 = arith.muli %squeeze3A_263, %mul3A_264 : i32
        %get3A_266 = arith.index_cast %mul3A_265 : i32 to index
        %get3A_267 = tpu.vector_load %arg8[%get3A_266] {strides = array<i32>} : memref<1024xf32, #tpu.memory_space<vmem>>, vector<16xf32>,
        %mul3A_268 = arith.mulf %get3A_261, %get3A_267 : vector<16xf32>
        %add3A_269 = arith.constant 8 : i32
        %add3A_270 = arith.addi %add3A_100, %add3A_269 : i32
        %get3A_271 = arith.index_cast %add3A_270 : i32 to index
        %get3A_272 = arith.constant 0 : index
        %get3A_273 = tpu.vector_load %arg9[%get3A_271, %get3A_272] {strides = array<i32>} : memref<800x16xi32, #tpu.memory_space<vmem>>, vector<16xi32>,
        %slice3A_274 = vector.extract_strided_slice %get3A_273 {offsets = [1], sizes = [1], strides = [1]} : vector<16xi32> to vector<1xi32>
        %squeeze3A_275 = vector.extract %slice3A_274[0] : i32 from vector<1xi32>
        %mul3A_276 = arith.constant 16 : i32
        %mul3A_277 = arith.muli %squeeze3A_275, %mul3A_276 : i32
        %get3A_278 = arith.index_cast %mul3A_277 : i32 to index
        %get3A_279 = tpu.vector_load %arg7[%get3A_278] {strides = array<i32>} : memref<2048xf32, #tpu.memory_space<vmem>>, vector<16xf32>,
        %slice3A_280 = vector.extract_strided_slice %get3A_273 {offsets = [2], sizes = [1], strides = [1]} : vector<16xi32> to vector<1xi32>
        %squeeze3A_281 = vector.extract %slice3A_280[0] : i32 from vector<1xi32>
        %mul3A_282 = arith.constant 16 : i32
        %mul3A_283 = arith.muli %squeeze3A_281, %mul3A_282 : i32
        %get3A_284 = arith.index_cast %mul3A_283 : i32 to index
        %get3A_285 = tpu.vector_load %arg8[%get3A_284] {strides = array<i32>} : memref<1024xf32, #tpu.memory_space<vmem>>, vector<16xf32>,
        %mul3A_286 = arith.mulf %get3A_279, %get3A_285 : vector<16xf32>
        %add3A_287 = arith.constant 9 : i32
        %add3A_288 = arith.addi %add3A_100, %add3A_287 : i32
        %get3A_289 = arith.index_cast %add3A_288 : i32 to index
        %get3A_290 = arith.constant 0 : index
        %get3A_291 = tpu.vector_load %arg9[%get3A_289, %get3A_290] {strides = array<i32>} : memref<800x16xi32, #tpu.memory_space<vmem>>, vector<16xi32>,
        %slice3A_292 = vector.extract_strided_slice %get3A_291 {offsets = [1], sizes = [1], strides = [1]} : vector<16xi32> to vector<1xi32>
        %squeeze3A_293 = vector.extract %slice3A_292[0] : i32 from vector<1xi32>
        %mul3A_294 = arith.constant 16 : i32
        %mul3A_295 = arith.muli %squeeze3A_293, %mul3A_294 : i32
        %get3A_296 = arith.index_cast %mul3A_295 : i32 to index
        %get3A_297 = tpu.vector_load %arg7[%get3A_296] {strides = array<i32>} : memref<2048xf32, #tpu.memory_space<vmem>>, vector<16xf32>,
        %slice3A_298 = vector.extract_strided_slice %get3A_291 {offsets = [2], sizes = [1], strides = [1]} : vector<16xi32> to vector<1xi32>
        %squeeze3A_299 = vector.extract %slice3A_298[0] : i32 from vector<1xi32>
        %mul3A_300 = arith.constant 16 : i32
        %mul3A_301 = arith.muli %squeeze3A_299, %mul3A_300 : i32
        %get3A_302 = arith.index_cast %mul3A_301 : i32 to index
        %get3A_303 = tpu.vector_load %arg8[%get3A_302] {strides = array<i32>} : memref<1024xf32, #tpu.memory_space<vmem>>, vector<16xf32>,
        %mul3A_304 = arith.mulf %get3A_297, %get3A_303 : vector<16xf32>
        %add3A_305 = arith.constant 10 : i32
        %add3A_306 = arith.addi %add3A_100, %add3A_305 : i32
        %get3A_307 = arith.index_cast %add3A_306 : i32 to index
        %get3A_308 = arith.constant 0 : index
        %get3A_309 = tpu.vector_load %arg9[%get3A_307, %get3A_308] {strides = array<i32>} : memref<800x16xi32, #tpu.memory_space<vmem>>, vector<16xi32>,
        %slice3A_310 = vector.extract_strided_slice %get3A_309 {offsets = [1], sizes = [1], strides = [1]} : vector<16xi32> to vector<1xi32>
        %squeeze3A_311 = vector.extract %slice3A_310[0] : i32 from vector<1xi32>
        %mul3A_312 = arith.constant 16 : i32
        %mul3A_313 = arith.muli %squeeze3A_311, %mul3A_312 : i32
        %get3A_314 = arith.index_cast %mul3A_313 : i32 to index
        %get3A_315 = tpu.vector_load %arg7[%get3A_314] {strides = array<i32>} : memref<2048xf32, #tpu.memory_space<vmem>>, vector<16xf32>,
        %slice3A_316 = vector.extract_strided_slice %get3A_309 {offsets = [2], sizes = [1], strides = [1]} : vector<16xi32> to vector<1xi32>
        %squeeze3A_317 = vector.extract %slice3A_316[0] : i32 from vector<1xi32>
        %mul3A_318 = arith.constant 16 : i32
        %mul3A_319 = arith.muli %squeeze3A_317, %mul3A_318 : i32
        %get3A_320 = arith.index_cast %mul3A_319 : i32 to index
        %get3A_321 = tpu.vector_load %arg8[%get3A_320] {strides = array<i32>} : memref<1024xf32, #tpu.memory_space<vmem>>, vector<16xf32>,
        %mul3A_322 = arith.mulf %get3A_315, %get3A_321 : vector<16xf32>
        %add3A_323 = arith.constant 11 : i32
        %add3A_324 = arith.addi %add3A_100, %add3A_323 : i32
        %get3A_325 = arith.index_cast %add3A_324 : i32 to index
        %get3A_326 = arith.constant 0 : index
        %get3A_327 = tpu.vector_load %arg9[%get3A_325, %get3A_326] {strides = array<i32>} : memref<800x16xi32, #tpu.memory_space<vmem>>, vector<16xi32>,
        %slice3A_328 = vector.extract_strided_slice %get3A_327 {offsets = [1], sizes = [1], strides = [1]} : vector<16xi32> to vector<1xi32>
        %squeeze3A_329 = vector.extract %slice3A_328[0] : i32 from vector<1xi32>
        %mul3A_330 = arith.constant 16 : i32
        %mul3A_331 = arith.muli %squeeze3A_329, %mul3A_330 : i32
        %get3A_332 = arith.index_cast %mul3A_331 : i32 to index
        %get3A_333 = tpu.vector_load %arg7[%get3A_332] {strides = array<i32>} : memref<2048xf32, #tpu.memory_space<vmem>>, vector<16xf32>,
        %slice3A_334 = vector.extract_strided_slice %get3A_327 {offsets = [2], sizes = [1], strides = [1]} : vector<16xi32> to vector<1xi32>
        %squeeze3A_335 = vector.extract %slice3A_334[0] : i32 from vector<1xi32>
        %mul3A_336 = arith.constant 16 : i32
        %mul3A_337 = arith.muli %squeeze3A_335, %mul3A_336 : i32
        %get3A_338 = arith.index_cast %mul3A_337 : i32 to index
        %get3A_339 = tpu.vector_load %arg8[%get3A_338] {strides = array<i32>} : memref<1024xf32, #tpu.memory_space<vmem>>, vector<16xf32>,
        %mul3A_340 = arith.mulf %get3A_333, %get3A_339 : vector<16xf32>
        %add3A_341 = arith.constant 12 : i32
        %add3A_342 = arith.addi %add3A_100, %add3A_341 : i32
        %get3A_343 = arith.index_cast %add3A_342 : i32 to index
        %get3A_344 = arith.constant 0 : index
        %get3A_345 = tpu.vector_load %arg9[%get3A_343, %get3A_344] {strides = array<i32>} : memref<800x16xi32, #tpu.memory_space<vmem>>, vector<16xi32>,
        %slice3A_346 = vector.extract_strided_slice %get3A_345 {offsets = [1], sizes = [1], strides = [1]} : vector<16xi32> to vector<1xi32>
        %squeeze3A_347 = vector.extract %slice3A_346[0] : i32 from vector<1xi32>
        %mul3A_348 = arith.constant 16 : i32
        %mul3A_349 = arith.muli %squeeze3A_347, %mul3A_348 : i32
        %get3A_350 = arith.index_cast %mul3A_349 : i32 to index
        %get3A_351 = tpu.vector_load %arg7[%get3A_350] {strides = array<i32>} : memref<2048xf32, #tpu.memory_space<vmem>>, vector<16xf32>,
        %slice3A_352 = vector.extract_strided_slice %get3A_345 {offsets = [2], sizes = [1], strides = [1]} : vector<16xi32> to vector<1xi32>
        %squeeze3A_353 = vector.extract %slice3A_352[0] : i32 from vector<1xi32>
        %mul3A_354 = arith.constant 16 : i32
        %mul3A_355 = arith.muli %squeeze3A_353, %mul3A_354 : i32
        %get3A_356 = arith.index_cast %mul3A_355 : i32 to index
        %get3A_357 = tpu.vector_load %arg8[%get3A_356] {strides = array<i32>} : memref<1024xf32, #tpu.memory_space<vmem>>, vector<16xf32>,
        %mul3A_358 = arith.mulf %get3A_351, %get3A_357 : vector<16xf32>
        %add3A_359 = arith.constant 13 : i32
        %add3A_360 = arith.addi %add3A_100, %add3A_359 : i32
        %get3A_361 = arith.index_cast %add3A_360 : i32 to index
        %get3A_362 = arith.constant 0 : index
        %get3A_363 = tpu.vector_load %arg9[%get3A_361, %get3A_362] {strides = array<i32>} : memref<800x16xi32, #tpu.memory_space<vmem>>, vector<16xi32>,
        %slice3A_364 = vector.extract_strided_slice %get3A_363 {offsets = [1], sizes = [1], strides = [1]} : vector<16xi32> to vector<1xi32>
        %squeeze3A_365 = vector.extract %slice3A_364[0] : i32 from vector<1xi32>
        %mul3A_366 = arith.constant 16 : i32
        %mul3A_367 = arith.muli %squeeze3A_365, %mul3A_366 : i32
        %get3A_368 = arith.index_cast %mul3A_367 : i32 to index
        %get3A_369 = tpu.vector_load %arg7[%get3A_368] {strides = array<i32>} : memref<2048xf32, #tpu.memory_space<vmem>>, vector<16xf32>,
        %slice3A_370 = vector.extract_strided_slice %get3A_363 {offsets = [2], sizes = [1], strides = [1]} : vector<16xi32> to vector<1xi32>
        %squeeze3A_371 = vector.extract %slice3A_370[0] : i32 from vector<1xi32>
        %mul3A_372 = arith.constant 16 : i32
        %mul3A_373 = arith.muli %squeeze3A_371, %mul3A_372 : i32
        %get3A_374 = arith.index_cast %mul3A_373 : i32 to index
        %get3A_375 = tpu.vector_load %arg8[%get3A_374] {strides = array<i32>} : memref<1024xf32, #tpu.memory_space<vmem>>, vector<16xf32>,
        %mul3A_376 = arith.mulf %get3A_369, %get3A_375 : vector<16xf32>
        %add3A_377 = arith.constant 14 : i32
        %add3A_378 = arith.addi %add3A_100, %add3A_377 : i32
        %get3A_379 = arith.index_cast %add3A_378 : i32 to index
        %get3A_380 = arith.constant 0 : index
        %get3A_381 = tpu.vector_load %arg9[%get3A_379, %get3A_380] {strides = array<i32>} : memref<800x16xi32, #tpu.memory_space<vmem>>, vector<16xi32>,
        %slice3A_382 = vector.extract_strided_slice %get3A_381 {offsets = [1], sizes = [1], strides = [1]} : vector<16xi32> to vector<1xi32>
        %squeeze3A_383 = vector.extract %slice3A_382[0] : i32 from vector<1xi32>
        %mul3A_384 = arith.constant 16 : i32
        %mul3A_385 = arith.muli %squeeze3A_383, %mul3A_384 : i32
        %get3A_386 = arith.index_cast %mul3A_385 : i32 to index
        %get3A_387 = tpu.vector_load %arg7[%get3A_386] {strides = array<i32>} : memref<2048xf32, #tpu.memory_space<vmem>>, vector<16xf32>,
        %slice3A_388 = vector.extract_strided_slice %get3A_381 {offsets = [2], sizes = [1], strides = [1]} : vector<16xi32> to vector<1xi32>
        %squeeze3A_389 = vector.extract %slice3A_388[0] : i32 from vector<1xi32>
        %mul3A_390 = arith.constant 16 : i32
        %mul3A_391 = arith.muli %squeeze3A_389, %mul3A_390 : i32
        %get3A_392 = arith.index_cast %mul3A_391 : i32 to index
        %get3A_393 = tpu.vector_load %arg8[%get3A_392] {strides = array<i32>} : memref<1024xf32, #tpu.memory_space<vmem>>, vector<16xf32>,
        %mul3A_394 = arith.mulf %get3A_387, %get3A_393 : vector<16xf32>
        %add3A_395 = arith.constant 15 : i32
        %add3A_396 = arith.addi %add3A_100, %add3A_395 : i32
        %get3A_397 = arith.index_cast %add3A_396 : i32 to index
        %get3A_398 = arith.constant 0 : index
        %get3A_399 = tpu.vector_load %arg9[%get3A_397, %get3A_398] {strides = array<i32>} : memref<800x16xi32, #tpu.memory_space<vmem>>, vector<16xi32>,
        %slice3A_400 = vector.extract_strided_slice %get3A_399 {offsets = [1], sizes = [1], strides = [1]} : vector<16xi32> to vector<1xi32>
        %squeeze3A_401 = vector.extract %slice3A_400[0] : i32 from vector<1xi32>
        %mul3A_402 = arith.constant 16 : i32
        %mul3A_403 = arith.muli %squeeze3A_401, %mul3A_402 : i32
        %get3A_404 = arith.index_cast %mul3A_403 : i32 to index
        %get3A_405 = tpu.vector_load %arg7[%get3A_404] {strides = array<i32>} : memref<2048xf32, #tpu.memory_space<vmem>>, vector<16xf32>,
        %slice3A_406 = vector.extract_strided_slice %get3A_399 {offsets = [2], sizes = [1], strides = [1]} : vector<16xi32> to vector<1xi32>
        %squeeze3A_407 = vector.extract %slice3A_406[0] : i32 from vector<1xi32>
        %mul3A_408 = arith.constant 16 : i32
        %mul3A_409 = arith.muli %squeeze3A_407, %mul3A_408 : i32
        %get3A_410 = arith.index_cast %mul3A_409 : i32 to index
        %get3A_411 = tpu.vector_load %arg8[%get3A_410] {strides = array<i32>} : memref<1024xf32, #tpu.memory_space<vmem>>, vector<16xf32>,
        %mul3A_412 = arith.mulf %get3A_405, %get3A_411 : vector<16xf32>
        %slice3A_413 = vector.extract_strided_slice %gather3A_105 {offsets = [15], sizes = [1], strides = [1]} : vector<16xi32> to vector<1xi32>
        %squeeze3A_414 = vector.extract %slice3A_413[0] : i32 from vector<1xi32>
        %broadcast_in_dim3A_415 = arith.constant 0xFF800000 : f32
        %broadcast_in_dim3A_416 = vector.broadcast %broadcast_in_dim3A_415 : f32 to vector<16xf32>
        %eq3A_417 = arith.constant 0 : i32
        %eq3A_418 = arith.cmpi eq, %squeeze3A_124, %eq3A_417 : i32
        %convert_element_type3A_419 = arith.extui %eq3A_418 : i1 to i32
        %cond3A_420 = arith.constant 0 : i32
        %cond3A_421 = arith.cmpi ne, %convert_element_type3A_419, %cond3A_420 : i32
        %cond3A_422:2 = scf.if %cond3A_421 -> (i32, vector<16xf32>) {
          %max3A = arith.maximumf %mul3A_142, %mul3A_160 : vector<16xf32>
          %max3A_423 = arith.maximumf %mul3A_178, %mul3A_196 : vector<16xf32>
          %max3A_424 = arith.maximumf %mul3A_214, %mul3A_232 : vector<16xf32>
          %max3A_425 = arith.maximumf %mul3A_250, %mul3A_268 : vector<16xf32>
          %max3A_426 = arith.maximumf %mul3A_286, %mul3A_304 : vector<16xf32>
          %max3A_427 = arith.maximumf %mul3A_322, %mul3A_340 : vector<16xf32>
          %max3A_428 = arith.maximumf %mul3A_358, %mul3A_376 : vector<16xf32>
          %max3A_429 = arith.maximumf %mul3A_394, %mul3A_412 : vector<16xf32>
          %max3A_430 = arith.maximumf %max3A, %max3A_423 : vector<16xf32>
          %max3A_431 = arith.maximumf %max3A_424, %max3A_425 : vector<16xf32>
          %max3A_432 = arith.maximumf %max3A_426, %max3A_427 : vector<16xf32>
          %max3A_433 = arith.maximumf %max3A_428, %max3A_429 : vector<16xf32>
          %max3A_434 = arith.maximumf %max3A_430, %max3A_431 : vector<16xf32>
          %max3A_435 = arith.maximumf %max3A_432, %max3A_433 : vector<16xf32>
          %max3A_436 = arith.maximumf %max3A_434, %max3A_435 : vector<16xf32>
          %max3A_437 = arith.maximumf %scan3A_95, %max3A_436 : vector<16xf32>
          %sub3A_438 = arith.subi %squeeze3A_414, %mul3A_26 : i32
          %min3A = arith.constant 3200 : i32
          %min3A_439 = arith.minsi %sub3A_438, %min3A : i32
          %mul3A_440 = arith.constant 16 : i32
          %mul3A_441 = arith.muli %min3A_439, %mul3A_440 : i32
          %swap3A_442 = arith.index_cast %mul3A_441 : i32 to index
          %swap3A_443 = tpu.vector_load %arg10[%swap3A_442] {strides = array<i32>} : memref<51456xf32, #tpu.memory_space<vmem>>, vector<16xf32>,
          tpu.vector_store %arg10[%swap3A_442], %max3A_437 {strides = array<i32>} : memref<51456xf32, #tpu.memory_space<vmem>>, vector<16xf32>,
          scf.yield %squeeze3A_414, %max3A_437 : i32, vector<16xf32>
        } else {
          %eq3A_423 = arith.constant 1 : i32
          %eq3A_424 = arith.cmpi eq, %squeeze3A_124, %eq3A_423 : i32
          %convert_element_type3A_425 = arith.extui %eq3A_424 : i1 to i32
          %cond3A_426 = arith.constant 0 : i32
          %cond3A_427 = arith.cmpi ne, %convert_element_type3A_425, %cond3A_426 : i32
          %cond3A_428:2 = scf.if %cond3A_427 -> (i32, vector<16xf32>) {
            %all_reduce_ffs3A = tpu.all_reduce %ne3A_122 {dim = 0 : i64, kind = #tpu.reduction_kind<find_first_set>} : vector<16xi1> -> vector<16xi32>
            %slice3A_429 = vector.extract_strided_slice %all_reduce_ffs3A {offsets = [0], sizes = [1], strides = [1]} : vector<16xi32> to vector<1xi32>
            %squeeze3A_430 = vector.extract %slice3A_429[0] : i32 from vector<1xi32>
            %gt3A_431 = arith.constant 0 : i32
            %gt3A_432 = arith.cmpi sgt, %squeeze3A_430, %gt3A_431 : i32
            %select_n3A_433 = arith.select %gt3A_432, %mul3A_142, %broadcast_in_dim3A_416 : vector<16xf32>
            %gt3A_434 = arith.constant 1 : i32
            %gt3A_435 = arith.cmpi sgt, %squeeze3A_430, %gt3A_434 : i32
            %select_n3A_436 = arith.select %gt3A_435, %mul3A_160, %broadcast_in_dim3A_416 : vector<16xf32>
            %gt3A_437 = arith.constant 2 : i32
            %gt3A_438 = arith.cmpi sgt, %squeeze3A_430, %gt3A_437 : i32
            %select_n3A_439 = arith.select %gt3A_438, %mul3A_178, %broadcast_in_dim3A_416 : vector<16xf32>
            %gt3A_440 = arith.constant 3 : i32
            %gt3A_441 = arith.cmpi sgt, %squeeze3A_430, %gt3A_440 : i32
            %select_n3A_442 = arith.select %gt3A_441, %mul3A_196, %broadcast_in_dim3A_416 : vector<16xf32>
            %gt3A_443 = arith.constant 4 : i32
            %gt3A_444 = arith.cmpi sgt, %squeeze3A_430, %gt3A_443 : i32
            %select_n3A_445 = arith.select %gt3A_444, %mul3A_214, %broadcast_in_dim3A_416 : vector<16xf32>
            %gt3A_446 = arith.constant 5 : i32
            %gt3A_447 = arith.cmpi sgt, %squeeze3A_430, %gt3A_446 : i32
            %select_n3A_448 = arith.select %gt3A_447, %mul3A_232, %broadcast_in_dim3A_416 : vector<16xf32>
            %gt3A_449 = arith.constant 6 : i32
            %gt3A_450 = arith.cmpi sgt, %squeeze3A_430, %gt3A_449 : i32
            %select_n3A_451 = arith.select %gt3A_450, %mul3A_250, %broadcast_in_dim3A_416 : vector<16xf32>
            %gt3A_452 = arith.constant 7 : i32
            %gt3A_453 = arith.cmpi sgt, %squeeze3A_430, %gt3A_452 : i32
            %select_n3A_454 = arith.select %gt3A_453, %mul3A_268, %broadcast_in_dim3A_416 : vector<16xf32>
            %gt3A_455 = arith.constant 8 : i32
            %gt3A_456 = arith.cmpi sgt, %squeeze3A_430, %gt3A_455 : i32
            %select_n3A_457 = arith.select %gt3A_456, %mul3A_286, %broadcast_in_dim3A_416 : vector<16xf32>
            %gt3A_458 = arith.constant 9 : i32
            %gt3A_459 = arith.cmpi sgt, %squeeze3A_430, %gt3A_458 : i32
            %select_n3A_460 = arith.select %gt3A_459, %mul3A_304, %broadcast_in_dim3A_416 : vector<16xf32>
            %gt3A_461 = arith.constant 10 : i32
            %gt3A_462 = arith.cmpi sgt, %squeeze3A_430, %gt3A_461 : i32
            %select_n3A_463 = arith.select %gt3A_462, %mul3A_322, %broadcast_in_dim3A_416 : vector<16xf32>
            %gt3A_464 = arith.constant 11 : i32
            %gt3A_465 = arith.cmpi sgt, %squeeze3A_430, %gt3A_464 : i32
            %select_n3A_466 = arith.select %gt3A_465, %mul3A_340, %broadcast_in_dim3A_416 : vector<16xf32>
            %gt3A_467 = arith.constant 12 : i32
            %gt3A_468 = arith.cmpi sgt, %squeeze3A_430, %gt3A_467 : i32
            %select_n3A_469 = arith.select %gt3A_468, %mul3A_358, %broadcast_in_dim3A_416 : vector<16xf32>
            %gt3A_470 = arith.constant 13 : i32
            %gt3A_471 = arith.cmpi sgt, %squeeze3A_430, %gt3A_470 : i32
            %select_n3A_472 = arith.select %gt3A_471, %mul3A_376, %broadcast_in_dim3A_416 : vector<16xf32>
            %gt3A_473 = arith.constant 14 : i32
            %gt3A_474 = arith.cmpi sgt, %squeeze3A_430, %gt3A_473 : i32
            %select_n3A_475 = arith.select %gt3A_474, %mul3A_394, %broadcast_in_dim3A_416 : vector<16xf32>
            %gt3A_476 = arith.constant 15 : i32
            %gt3A_477 = arith.cmpi sgt, %squeeze3A_430, %gt3A_476 : i32
            %select_n3A_478 = arith.select %gt3A_477, %mul3A_412, %broadcast_in_dim3A_416 : vector<16xf32>
            %max3A = arith.maximumf %select_n3A_433, %select_n3A_436 : vector<16xf32>
            %max3A_479 = arith.maximumf %select_n3A_439, %select_n3A_442 : vector<16xf32>
            %max3A_480 = arith.maximumf %select_n3A_445, %select_n3A_448 : vector<16xf32>
            %max3A_481 = arith.maximumf %select_n3A_451, %select_n3A_454 : vector<16xf32>
            %max3A_482 = arith.maximumf %select_n3A_457, %select_n3A_460 : vector<16xf32>
            %max3A_483 = arith.maximumf %select_n3A_463, %select_n3A_466 : vector<16xf32>
            %max3A_484 = arith.maximumf %select_n3A_469, %select_n3A_472 : vector<16xf32>
            %max3A_485 = arith.maximumf %select_n3A_475, %select_n3A_478 : vector<16xf32>
            %max3A_486 = arith.maximumf %max3A, %max3A_479 : vector<16xf32>
            %max3A_487 = arith.maximumf %max3A_480, %max3A_481 : vector<16xf32>
            %max3A_488 = arith.maximumf %max3A_482, %max3A_483 : vector<16xf32>
            %max3A_489 = arith.maximumf %max3A_484, %max3A_485 : vector<16xf32>
            %max3A_490 = arith.maximumf %max3A_486, %max3A_487 : vector<16xf32>
            %max3A_491 = arith.maximumf %max3A_488, %max3A_489 : vector<16xf32>
            %max3A_492 = arith.maximumf %max3A_490, %max3A_491 : vector<16xf32>
            %max3A_493 = arith.maximumf %scan3A_95, %max3A_492 : vector<16xf32>
            %sub3A_494 = arith.subi %scan3A_94, %mul3A_26 : i32
            %min3A = arith.constant 3200 : i32
            %min3A_495 = arith.minsi %sub3A_494, %min3A : i32
            %mul3A_496 = arith.constant 16 : i32
            %mul3A_497 = arith.muli %min3A_495, %mul3A_496 : i32
            %swap3A_498 = arith.index_cast %mul3A_497 : i32 to index
            %swap3A_499 = tpu.vector_load %arg10[%swap3A_498] {strides = array<i32>} : memref<51456xf32, #tpu.memory_space<vmem>>, vector<16xf32>,
            tpu.vector_store %arg10[%swap3A_498], %max3A_493 {strides = array<i32>} : memref<51456xf32, #tpu.memory_space<vmem>>, vector<16xf32>,
            %le3A = arith.constant 0 : i32
            %le3A_500 = arith.cmpi sle, %squeeze3A_430, %le3A : i32
            %select_n3A_501 = arith.select %le3A_500, %mul3A_142, %broadcast_in_dim3A_416 : vector<16xf32>
            %le3A_502 = arith.constant 1 : i32
            %le3A_503 = arith.cmpi sle, %squeeze3A_430, %le3A_502 : i32
            %select_n3A_504 = arith.select %le3A_503, %mul3A_160, %broadcast_in_dim3A_416 : vector<16xf32>
            %le3A_505 = arith.constant 2 : i32
            %le3A_506 = arith.cmpi sle, %squeeze3A_430, %le3A_505 : i32
            %select_n3A_507 = arith.select %le3A_506, %mul3A_178, %broadcast_in_dim3A_416 : vector<16xf32>
            %le3A_508 = arith.constant 3 : i32
            %le3A_509 = arith.cmpi sle, %squeeze3A_430, %le3A_508 : i32
            %select_n3A_510 = arith.select %le3A_509, %mul3A_196, %broadcast_in_dim3A_416 : vector<16xf32>
            %le3A_511 = arith.constant 4 : i32
            %le3A_512 = arith.cmpi sle, %squeeze3A_430, %le3A_511 : i32
            %select_n3A_513 = arith.select %le3A_512, %mul3A_214, %broadcast_in_dim3A_416 : vector<16xf32>
            %le3A_514 = arith.constant 5 : i32
            %le3A_515 = arith.cmpi sle, %squeeze3A_430, %le3A_514 : i32
            %select_n3A_516 = arith.select %le3A_515, %mul3A_232, %broadcast_in_dim3A_416 : vector<16xf32>
            %le3A_517 = arith.constant 6 : i32
            %le3A_518 = arith.cmpi sle, %squeeze3A_430, %le3A_517 : i32
            %select_n3A_519 = arith.select %le3A_518, %mul3A_250, %broadcast_in_dim3A_416 : vector<16xf32>
            %le3A_520 = arith.constant 7 : i32
            %le3A_521 = arith.cmpi sle, %squeeze3A_430, %le3A_520 : i32
            %select_n3A_522 = arith.select %le3A_521, %mul3A_268, %broadcast_in_dim3A_416 : vector<16xf32>
            %le3A_523 = arith.constant 8 : i32
            %le3A_524 = arith.cmpi sle, %squeeze3A_430, %le3A_523 : i32
            %select_n3A_525 = arith.select %le3A_524, %mul3A_286, %broadcast_in_dim3A_416 : vector<16xf32>
            %le3A_526 = arith.constant 9 : i32
            %le3A_527 = arith.cmpi sle, %squeeze3A_430, %le3A_526 : i32
            %select_n3A_528 = arith.select %le3A_527, %mul3A_304, %broadcast_in_dim3A_416 : vector<16xf32>
            %le3A_529 = arith.constant 10 : i32
            %le3A_530 = arith.cmpi sle, %squeeze3A_430, %le3A_529 : i32
            %select_n3A_531 = arith.select %le3A_530, %mul3A_322, %broadcast_in_dim3A_416 : vector<16xf32>
            %le3A_532 = arith.constant 11 : i32
            %le3A_533 = arith.cmpi sle, %squeeze3A_430, %le3A_532 : i32
            %select_n3A_534 = arith.select %le3A_533, %mul3A_340, %broadcast_in_dim3A_416 : vector<16xf32>
            %le3A_535 = arith.constant 12 : i32
            %le3A_536 = arith.cmpi sle, %squeeze3A_430, %le3A_535 : i32
            %select_n3A_537 = arith.select %le3A_536, %mul3A_358, %broadcast_in_dim3A_416 : vector<16xf32>
            %le3A_538 = arith.constant 13 : i32
            %le3A_539 = arith.cmpi sle, %squeeze3A_430, %le3A_538 : i32
            %select_n3A_540 = arith.select %le3A_539, %mul3A_376, %broadcast_in_dim3A_416 : vector<16xf32>
            %le3A_541 = arith.constant 14 : i32
            %le3A_542 = arith.cmpi sle, %squeeze3A_430, %le3A_541 : i32
            %select_n3A_543 = arith.select %le3A_542, %mul3A_394, %broadcast_in_dim3A_416 : vector<16xf32>
            %le3A_544 = arith.constant 15 : i32
            %le3A_545 = arith.cmpi sle, %squeeze3A_430, %le3A_544 : i32
            %select_n3A_546 = arith.select %le3A_545, %mul3A_412, %broadcast_in_dim3A_416 : vector<16xf32>
            %max3A_547 = arith.maximumf %select_n3A_501, %select_n3A_504 : vector<16xf32>
            %max3A_548 = arith.maximumf %select_n3A_507, %select_n3A_510 : vector<16xf32>
            %max3A_549 = arith.maximumf %select_n3A_513, %select_n3A_516 : vector<16xf32>
            %max3A_550 = arith.maximumf %select_n3A_519, %select_n3A_522 : vector<16xf32>
            %max3A_551 = arith.maximumf %select_n3A_525, %select_n3A_528 : vector<16xf32>
            %max3A_552 = arith.maximumf %select_n3A_531, %select_n3A_534 : vector<16xf32>
            %max3A_553 = arith.maximumf %select_n3A_537, %select_n3A_540 : vector<16xf32>
            %max3A_554 = arith.maximumf %select_n3A_543, %select_n3A_546 : vector<16xf32>
            %max3A_555 = arith.maximumf %max3A_547, %max3A_548 : vector<16xf32>
            %max3A_556 = arith.maximumf %max3A_549, %max3A_550 : vector<16xf32>
            %max3A_557 = arith.maximumf %max3A_551, %max3A_552 : vector<16xf32>
            %max3A_558 = arith.maximumf %max3A_553, %max3A_554 : vector<16xf32>
            %max3A_559 = arith.maximumf %max3A_555, %max3A_556 : vector<16xf32>
            %max3A_560 = arith.maximumf %max3A_557, %max3A_558 : vector<16xf32>
            %max3A_561 = arith.maximumf %max3A_559, %max3A_560 : vector<16xf32>
            %sub3A_562 = arith.subi %squeeze3A_414, %mul3A_26 : i32
            %min3A_563 = arith.constant 3200 : i32
            %min3A_564 = arith.minsi %sub3A_562, %min3A_563 : i32
            %mul3A_565 = arith.constant 16 : i32
            %mul3A_566 = arith.muli %min3A_564, %mul3A_565 : i32
            %swap3A_567 = arith.index_cast %mul3A_566 : i32 to index
            %swap3A_568 = tpu.vector_load %arg10[%swap3A_567] {strides = array<i32>} : memref<51456xf32, #tpu.memory_space<vmem>>, vector<16xf32>,
            tpu.vector_store %arg10[%swap3A_567], %max3A_561 {strides = array<i32>} : memref<51456xf32, #tpu.memory_space<vmem>>, vector<16xf32>,
            scf.yield %squeeze3A_414, %max3A_561 : i32, vector<16xf32>
          } else {
            %slice3A_429 = vector.extract_strided_slice %gather3A_105 {offsets = [0], sizes = [1], strides = [1]} : vector<16xi32> to vector<1xi32>
            %squeeze3A_430 = vector.extract %slice3A_429[0] : i32 from vector<1xi32>
            %eq3A_431 = arith.cmpi eq, %squeeze3A_430, %scan3A_94 : i32
            %select_n3A_432 = arith.select %eq3A_431, %scan3A_95, %broadcast_in_dim3A_416 : vector<16xf32>
            %max3A = arith.maximumf %select_n3A_432, %mul3A_142 : vector<16xf32>
            %sub3A_433 = arith.subi %squeeze3A_430, %mul3A_26 : i32
            %min3A = arith.constant 3200 : i32
            %min3A_434 = arith.minsi %sub3A_433, %min3A : i32
            %mul3A_435 = arith.constant 16 : i32
            %mul3A_436 = arith.muli %min3A_434, %mul3A_435 : i32
            %swap3A_437 = arith.index_cast %mul3A_436 : i32 to index
            %swap3A_438 = tpu.vector_load %arg10[%swap3A_437] {strides = array<i32>} : memref<51456xf32, #tpu.memory_space<vmem>>, vector<16xf32>,
            tpu.vector_store %arg10[%swap3A_437], %max3A {strides = array<i32>} : memref<51456xf32, #tpu.memory_space<vmem>>, vector<16xf32>,
            %slice3A_439 = vector.extract_strided_slice %gather3A_105 {offsets = [1], sizes = [1], strides = [1]} : vector<16xi32> to vector<1xi32>
            %squeeze3A_440 = vector.extract %slice3A_439[0] : i32 from vector<1xi32>
            %eq3A_441 = arith.cmpi eq, %squeeze3A_440, %squeeze3A_430 : i32
            %select_n3A_442 = arith.select %eq3A_441, %max3A, %broadcast_in_dim3A_416 : vector<16xf32>
            %max3A_443 = arith.maximumf %select_n3A_442, %mul3A_160 : vector<16xf32>
            %sub3A_444 = arith.subi %squeeze3A_440, %mul3A_26 : i32
            %min3A_445 = arith.constant 3200 : i32
            %min3A_446 = arith.minsi %sub3A_444, %min3A_445 : i32
            %mul3A_447 = arith.constant 16 : i32
            %mul3A_448 = arith.muli %min3A_446, %mul3A_447 : i32
            %swap3A_449 = arith.index_cast %mul3A_448 : i32 to index
            %swap3A_450 = tpu.vector_load %arg10[%swap3A_449] {strides = array<i32>} : memref<51456xf32, #tpu.memory_space<vmem>>, vector<16xf32>,
            tpu.vector_store %arg10[%swap3A_449], %max3A_443 {strides = array<i32>} : memref<51456xf32, #tpu.memory_space<vmem>>, vector<16xf32>,
            %slice3A_451 = vector.extract_strided_slice %gather3A_105 {offsets = [2], sizes = [1], strides = [1]} : vector<16xi32> to vector<1xi32>
            %squeeze3A_452 = vector.extract %slice3A_451[0] : i32 from vector<1xi32>
            %eq3A_453 = arith.cmpi eq, %squeeze3A_452, %squeeze3A_440 : i32
            %select_n3A_454 = arith.select %eq3A_453, %max3A_443, %broadcast_in_dim3A_416 : vector<16xf32>
            %max3A_455 = arith.maximumf %select_n3A_454, %mul3A_178 : vector<16xf32>
            %sub3A_456 = arith.subi %squeeze3A_452, %mul3A_26 : i32
            %min3A_457 = arith.constant 3200 : i32
            %min3A_458 = arith.minsi %sub3A_456, %min3A_457 : i32
            %mul3A_459 = arith.constant 16 : i32
            %mul3A_460 = arith.muli %min3A_458, %mul3A_459 : i32
            %swap3A_461 = arith.index_cast %mul3A_460 : i32 to index
            %swap3A_462 = tpu.vector_load %arg10[%swap3A_461] {strides = array<i32>} : memref<51456xf32, #tpu.memory_space<vmem>>, vector<16xf32>,
            tpu.vector_store %arg10[%swap3A_461], %max3A_455 {strides = array<i32>} : memref<51456xf32, #tpu.memory_space<vmem>>, vector<16xf32>,
            %slice3A_463 = vector.extract_strided_slice %gather3A_105 {offsets = [3], sizes = [1], strides = [1]} : vector<16xi32> to vector<1xi32>
            %squeeze3A_464 = vector.extract %slice3A_463[0] : i32 from vector<1xi32>
            %eq3A_465 = arith.cmpi eq, %squeeze3A_464, %squeeze3A_452 : i32
            %select_n3A_466 = arith.select %eq3A_465, %max3A_455, %broadcast_in_dim3A_416 : vector<16xf32>
            %max3A_467 = arith.maximumf %select_n3A_466, %mul3A_196 : vector<16xf32>
            %sub3A_468 = arith.subi %squeeze3A_464, %mul3A_26 : i32
            %min3A_469 = arith.constant 3200 : i32
            %min3A_470 = arith.minsi %sub3A_468, %min3A_469 : i32
            %mul3A_471 = arith.constant 16 : i32
            %mul3A_472 = arith.muli %min3A_470, %mul3A_471 : i32
            %swap3A_473 = arith.index_cast %mul3A_472 : i32 to index
            %swap3A_474 = tpu.vector_load %arg10[%swap3A_473] {strides = array<i32>} : memref<51456xf32, #tpu.memory_space<vmem>>, vector<16xf32>,
            tpu.vector_store %arg10[%swap3A_473], %max3A_467 {strides = array<i32>} : memref<51456xf32, #tpu.memory_space<vmem>>, vector<16xf32>,
            %slice3A_475 = vector.extract_strided_slice %gather3A_105 {offsets = [4], sizes = [1], strides = [1]} : vector<16xi32> to vector<1xi32>
            %squeeze3A_476 = vector.extract %slice3A_475[0] : i32 from vector<1xi32>
            %eq3A_477 = arith.cmpi eq, %squeeze3A_476, %squeeze3A_464 : i32
            %select_n3A_478 = arith.select %eq3A_477, %max3A_467, %broadcast_in_dim3A_416 : vector<16xf32>
            %max3A_479 = arith.maximumf %select_n3A_478, %mul3A_214 : vector<16xf32>
            %sub3A_480 = arith.subi %squeeze3A_476, %mul3A_26 : i32
            %min3A_481 = arith.constant 3200 : i32
            %min3A_482 = arith.minsi %sub3A_480, %min3A_481 : i32
            %mul3A_483 = arith.constant 16 : i32
            %mul3A_484 = arith.muli %min3A_482, %mul3A_483 : i32
            %swap3A_485 = arith.index_cast %mul3A_484 : i32 to index
            %swap3A_486 = tpu.vector_load %arg10[%swap3A_485] {strides = array<i32>} : memref<51456xf32, #tpu.memory_space<vmem>>, vector<16xf32>,
            tpu.vector_store %arg10[%swap3A_485], %max3A_479 {strides = array<i32>} : memref<51456xf32, #tpu.memory_space<vmem>>, vector<16xf32>,
            %slice3A_487 = vector.extract_strided_slice %gather3A_105 {offsets = [5], sizes = [1], strides = [1]} : vector<16xi32> to vector<1xi32>
            %squeeze3A_488 = vector.extract %slice3A_487[0] : i32 from vector<1xi32>
            %eq3A_489 = arith.cmpi eq, %squeeze3A_488, %squeeze3A_476 : i32
            %select_n3A_490 = arith.select %eq3A_489, %max3A_479, %broadcast_in_dim3A_416 : vector<16xf32>
            %max3A_491 = arith.maximumf %select_n3A_490, %mul3A_232 : vector<16xf32>
            %sub3A_492 = arith.subi %squeeze3A_488, %mul3A_26 : i32
            %min3A_493 = arith.constant 3200 : i32
            %min3A_494 = arith.minsi %sub3A_492, %min3A_493 : i32
            %mul3A_495 = arith.constant 16 : i32
            %mul3A_496 = arith.muli %min3A_494, %mul3A_495 : i32
            %swap3A_497 = arith.index_cast %mul3A_496 : i32 to index
            %swap3A_498 = tpu.vector_load %arg10[%swap3A_497] {strides = array<i32>} : memref<51456xf32, #tpu.memory_space<vmem>>, vector<16xf32>,
            tpu.vector_store %arg10[%swap3A_497], %max3A_491 {strides = array<i32>} : memref<51456xf32, #tpu.memory_space<vmem>>, vector<16xf32>,
            %slice3A_499 = vector.extract_strided_slice %gather3A_105 {offsets = [6], sizes = [1], strides = [1]} : vector<16xi32> to vector<1xi32>
            %squeeze3A_500 = vector.extract %slice3A_499[0] : i32 from vector<1xi32>
            %eq3A_501 = arith.cmpi eq, %squeeze3A_500, %squeeze3A_488 : i32
            %select_n3A_502 = arith.select %eq3A_501, %max3A_491, %broadcast_in_dim3A_416 : vector<16xf32>
            %max3A_503 = arith.maximumf %select_n3A_502, %mul3A_250 : vector<16xf32>
            %sub3A_504 = arith.subi %squeeze3A_500, %mul3A_26 : i32
            %min3A_505 = arith.constant 3200 : i32
            %min3A_506 = arith.minsi %sub3A_504, %min3A_505 : i32
            %mul3A_507 = arith.constant 16 : i32
            %mul3A_508 = arith.muli %min3A_506, %mul3A_507 : i32
            %swap3A_509 = arith.index_cast %mul3A_508 : i32 to index
            %swap3A_510 = tpu.vector_load %arg10[%swap3A_509] {strides = array<i32>} : memref<51456xf32, #tpu.memory_space<vmem>>, vector<16xf32>,
            tpu.vector_store %arg10[%swap3A_509], %max3A_503 {strides = array<i32>} : memref<51456xf32, #tpu.memory_space<vmem>>, vector<16xf32>,
            %slice3A_511 = vector.extract_strided_slice %gather3A_105 {offsets = [7], sizes = [1], strides = [1]} : vector<16xi32> to vector<1xi32>
            %squeeze3A_512 = vector.extract %slice3A_511[0] : i32 from vector<1xi32>
            %eq3A_513 = arith.cmpi eq, %squeeze3A_512, %squeeze3A_500 : i32
            %select_n3A_514 = arith.select %eq3A_513, %max3A_503, %broadcast_in_dim3A_416 : vector<16xf32>
            %max3A_515 = arith.maximumf %select_n3A_514, %mul3A_268 : vector<16xf32>
            %sub3A_516 = arith.subi %squeeze3A_512, %mul3A_26 : i32
            %min3A_517 = arith.constant 3200 : i32
            %min3A_518 = arith.minsi %sub3A_516, %min3A_517 : i32
            %mul3A_519 = arith.constant 16 : i32
            %mul3A_520 = arith.muli %min3A_518, %mul3A_519 : i32
            %swap3A_521 = arith.index_cast %mul3A_520 : i32 to index
            %swap3A_522 = tpu.vector_load %arg10[%swap3A_521] {strides = array<i32>} : memref<51456xf32, #tpu.memory_space<vmem>>, vector<16xf32>,
            tpu.vector_store %arg10[%swap3A_521], %max3A_515 {strides = array<i32>} : memref<51456xf32, #tpu.memory_space<vmem>>, vector<16xf32>,
            %slice3A_523 = vector.extract_strided_slice %gather3A_105 {offsets = [8], sizes = [1], strides = [1]} : vector<16xi32> to vector<1xi32>
            %squeeze3A_524 = vector.extract %slice3A_523[0] : i32 from vector<1xi32>
            %eq3A_525 = arith.cmpi eq, %squeeze3A_524, %squeeze3A_512 : i32
            %select_n3A_526 = arith.select %eq3A_525, %max3A_515, %broadcast_in_dim3A_416 : vector<16xf32>
            %max3A_527 = arith.maximumf %select_n3A_526, %mul3A_286 : vector<16xf32>
            %sub3A_528 = arith.subi %squeeze3A_524, %mul3A_26 : i32
            %min3A_529 = arith.constant 3200 : i32
            %min3A_530 = arith.minsi %sub3A_528, %min3A_529 : i32
            %mul3A_531 = arith.constant 16 : i32
            %mul3A_532 = arith.muli %min3A_530, %mul3A_531 : i32
            %swap3A_533 = arith.index_cast %mul3A_532 : i32 to index
            %swap3A_534 = tpu.vector_load %arg10[%swap3A_533] {strides = array<i32>} : memref<51456xf32, #tpu.memory_space<vmem>>, vector<16xf32>,
            tpu.vector_store %arg10[%swap3A_533], %max3A_527 {strides = array<i32>} : memref<51456xf32, #tpu.memory_space<vmem>>, vector<16xf32>,
            %slice3A_535 = vector.extract_strided_slice %gather3A_105 {offsets = [9], sizes = [1], strides = [1]} : vector<16xi32> to vector<1xi32>
            %squeeze3A_536 = vector.extract %slice3A_535[0] : i32 from vector<1xi32>
            %eq3A_537 = arith.cmpi eq, %squeeze3A_536, %squeeze3A_524 : i32
            %select_n3A_538 = arith.select %eq3A_537, %max3A_527, %broadcast_in_dim3A_416 : vector<16xf32>
            %max3A_539 = arith.maximumf %select_n3A_538, %mul3A_304 : vector<16xf32>
            %sub3A_540 = arith.subi %squeeze3A_536, %mul3A_26 : i32
            %min3A_541 = arith.constant 3200 : i32
            %min3A_542 = arith.minsi %sub3A_540, %min3A_541 : i32
            %mul3A_543 = arith.constant 16 : i32
            %mul3A_544 = arith.muli %min3A_542, %mul3A_543 : i32
            %swap3A_545 = arith.index_cast %mul3A_544 : i32 to index
            %swap3A_546 = tpu.vector_load %arg10[%swap3A_545] {strides = array<i32>} : memref<51456xf32, #tpu.memory_space<vmem>>, vector<16xf32>,
            tpu.vector_store %arg10[%swap3A_545], %max3A_539 {strides = array<i32>} : memref<51456xf32, #tpu.memory_space<vmem>>, vector<16xf32>,
            %slice3A_547 = vector.extract_strided_slice %gather3A_105 {offsets = [10], sizes = [1], strides = [1]} : vector<16xi32> to vector<1xi32>
            %squeeze3A_548 = vector.extract %slice3A_547[0] : i32 from vector<1xi32>
            %eq3A_549 = arith.cmpi eq, %squeeze3A_548, %squeeze3A_536 : i32
            %select_n3A_550 = arith.select %eq3A_549, %max3A_539, %broadcast_in_dim3A_416 : vector<16xf32>
            %max3A_551 = arith.maximumf %select_n3A_550, %mul3A_322 : vector<16xf32>
            %sub3A_552 = arith.subi %squeeze3A_548, %mul3A_26 : i32
            %min3A_553 = arith.constant 3200 : i32
            %min3A_554 = arith.minsi %sub3A_552, %min3A_553 : i32
            %mul3A_555 = arith.constant 16 : i32
            %mul3A_556 = arith.muli %min3A_554, %mul3A_555 : i32
            %swap3A_557 = arith.index_cast %mul3A_556 : i32 to index
            %swap3A_558 = tpu.vector_load %arg10[%swap3A_557] {strides = array<i32>} : memref<51456xf32, #tpu.memory_space<vmem>>, vector<16xf32>,
            tpu.vector_store %arg10[%swap3A_557], %max3A_551 {strides = array<i32>} : memref<51456xf32, #tpu.memory_space<vmem>>, vector<16xf32>,
            %slice3A_559 = vector.extract_strided_slice %gather3A_105 {offsets = [11], sizes = [1], strides = [1]} : vector<16xi32> to vector<1xi32>
            %squeeze3A_560 = vector.extract %slice3A_559[0] : i32 from vector<1xi32>
            %eq3A_561 = arith.cmpi eq, %squeeze3A_560, %squeeze3A_548 : i32
            %select_n3A_562 = arith.select %eq3A_561, %max3A_551, %broadcast_in_dim3A_416 : vector<16xf32>
            %max3A_563 = arith.maximumf %select_n3A_562, %mul3A_340 : vector<16xf32>
            %sub3A_564 = arith.subi %squeeze3A_560, %mul3A_26 : i32
            %min3A_565 = arith.constant 3200 : i32
            %min3A_566 = arith.minsi %sub3A_564, %min3A_565 : i32
            %mul3A_567 = arith.constant 16 : i32
            %mul3A_568 = arith.muli %min3A_566, %mul3A_567 : i32
            %swap3A_569 = arith.index_cast %mul3A_568 : i32 to index
            %swap3A_570 = tpu.vector_load %arg10[%swap3A_569] {strides = array<i32>} : memref<51456xf32, #tpu.memory_space<vmem>>, vector<16xf32>,
            tpu.vector_store %arg10[%swap3A_569], %max3A_563 {strides = array<i32>} : memref<51456xf32, #tpu.memory_space<vmem>>, vector<16xf32>,
            %slice3A_571 = vector.extract_strided_slice %gather3A_105 {offsets = [12], sizes = [1], strides = [1]} : vector<16xi32> to vector<1xi32>
            %squeeze3A_572 = vector.extract %slice3A_571[0] : i32 from vector<1xi32>
            %eq3A_573 = arith.cmpi eq, %squeeze3A_572, %squeeze3A_560 : i32
            %select_n3A_574 = arith.select %eq3A_573, %max3A_563, %broadcast_in_dim3A_416 : vector<16xf32>
            %max3A_575 = arith.maximumf %select_n3A_574, %mul3A_358 : vector<16xf32>
            %sub3A_576 = arith.subi %squeeze3A_572, %mul3A_26 : i32
            %min3A_577 = arith.constant 3200 : i32
            %min3A_578 = arith.minsi %sub3A_576, %min3A_577 : i32
            %mul3A_579 = arith.constant 16 : i32
            %mul3A_580 = arith.muli %min3A_578, %mul3A_579 : i32
            %swap3A_581 = arith.index_cast %mul3A_580 : i32 to index
            %swap3A_582 = tpu.vector_load %arg10[%swap3A_581] {strides = array<i32>} : memref<51456xf32, #tpu.memory_space<vmem>>, vector<16xf32>,
            tpu.vector_store %arg10[%swap3A_581], %max3A_575 {strides = array<i32>} : memref<51456xf32, #tpu.memory_space<vmem>>, vector<16xf32>,
            %slice3A_583 = vector.extract_strided_slice %gather3A_105 {offsets = [13], sizes = [1], strides = [1]} : vector<16xi32> to vector<1xi32>
            %squeeze3A_584 = vector.extract %slice3A_583[0] : i32 from vector<1xi32>
            %eq3A_585 = arith.cmpi eq, %squeeze3A_584, %squeeze3A_572 : i32
            %select_n3A_586 = arith.select %eq3A_585, %max3A_575, %broadcast_in_dim3A_416 : vector<16xf32>
            %max3A_587 = arith.maximumf %select_n3A_586, %mul3A_376 : vector<16xf32>
            %sub3A_588 = arith.subi %squeeze3A_584, %mul3A_26 : i32
            %min3A_589 = arith.constant 3200 : i32
            %min3A_590 = arith.minsi %sub3A_588, %min3A_589 : i32
            %mul3A_591 = arith.constant 16 : i32
            %mul3A_592 = arith.muli %min3A_590, %mul3A_591 : i32
            %swap3A_593 = arith.index_cast %mul3A_592 : i32 to index
            %swap3A_594 = tpu.vector_load %arg10[%swap3A_593] {strides = array<i32>} : memref<51456xf32, #tpu.memory_space<vmem>>, vector<16xf32>,
            tpu.vector_store %arg10[%swap3A_593], %max3A_587 {strides = array<i32>} : memref<51456xf32, #tpu.memory_space<vmem>>, vector<16xf32>,
            %slice3A_595 = vector.extract_strided_slice %gather3A_105 {offsets = [14], sizes = [1], strides = [1]} : vector<16xi32> to vector<1xi32>
            %squeeze3A_596 = vector.extract %slice3A_595[0] : i32 from vector<1xi32>
            %eq3A_597 = arith.cmpi eq, %squeeze3A_596, %squeeze3A_584 : i32
            %select_n3A_598 = arith.select %eq3A_597, %max3A_587, %broadcast_in_dim3A_416 : vector<16xf32>
            %max3A_599 = arith.maximumf %select_n3A_598, %mul3A_394 : vector<16xf32>
            %sub3A_600 = arith.subi %squeeze3A_596, %mul3A_26 : i32
            %min3A_601 = arith.constant 3200 : i32
            %min3A_602 = arith.minsi %sub3A_600, %min3A_601 : i32
            %mul3A_603 = arith.constant 16 : i32
            %mul3A_604 = arith.muli %min3A_602, %mul3A_603 : i32
            %swap3A_605 = arith.index_cast %mul3A_604 : i32 to index
            %swap3A_606 = tpu.vector_load %arg10[%swap3A_605] {strides = array<i32>} : memref<51456xf32, #tpu.memory_space<vmem>>, vector<16xf32>,
            tpu.vector_store %arg10[%swap3A_605], %max3A_599 {strides = array<i32>} : memref<51456xf32, #tpu.memory_space<vmem>>, vector<16xf32>,
            %slice3A_607 = vector.extract_strided_slice %gather3A_105 {offsets = [15], sizes = [1], strides = [1]} : vector<16xi32> to vector<1xi32>
            %squeeze3A_608 = vector.extract %slice3A_607[0] : i32 from vector<1xi32>
            %eq3A_609 = arith.cmpi eq, %squeeze3A_608, %squeeze3A_596 : i32
            %select_n3A_610 = arith.select %eq3A_609, %max3A_599, %broadcast_in_dim3A_416 : vector<16xf32>
            %max3A_611 = arith.maximumf %select_n3A_610, %mul3A_412 : vector<16xf32>
            %sub3A_612 = arith.subi %squeeze3A_608, %mul3A_26 : i32
            %min3A_613 = arith.constant 3200 : i32
            %min3A_614 = arith.minsi %sub3A_612, %min3A_613 : i32
            %mul3A_615 = arith.constant 16 : i32
            %mul3A_616 = arith.muli %min3A_614, %mul3A_615 : i32
            %swap3A_617 = arith.index_cast %mul3A_616 : i32 to index
            %swap3A_618 = tpu.vector_load %arg10[%swap3A_617] {strides = array<i32>} : memref<51456xf32, #tpu.memory_space<vmem>>, vector<16xf32>,
            tpu.vector_store %arg10[%swap3A_617], %max3A_611 {strides = array<i32>} : memref<51456xf32, #tpu.memory_space<vmem>>, vector<16xf32>,
            scf.yield %squeeze3A_608, %max3A_611 : i32, vector<16xf32>
          }
          scf.yield %cond3A_428#0, %cond3A_428#1 : i32, vector<16xf32>
        }
        scf.yield %cond3A_422#0, %cond3A_422#1 : i32, vector<16xf32>
      }
      %scan3A_92 = arith.constant 25 : i32
      scf.yield %scan3A_91#0, %scan3A_91#1 : i32, vector<16xf32>
    }
    %while3A_46 = arith.constant 1 : i32
    %while3A_47:2 = scf.for %while3A_56 = %while3A_43 to %while3A_39 step %while3A_46 iter_args(%while3A_57 = %while3A_45#0, %while3A_58 = %while3A_45#1) -> (i32, vector<16xf32>)  : i32 {
      %rem3A_59 = arith.constant 2 : i32
      %rem3A_60 = arith.remsi %while3A_56, %rem3A_59 : i32
      %add3A_61 = arith.constant 1 : i32
      %add3A_62 = arith.addi %while3A_56, %add3A_61 : i32
      %lt3A = arith.cmpi slt, %add3A_62, %select_n3A : i32
      %eq3A = arith.constant 0 : i32
      %eq3A_63 = arith.cmpi eq, %rem3A_60, %eq3A : i32
      %and3A_64 = arith.andi %lt3A, %eq3A_63 : i1
      %convert_element_type3A_65 = arith.extui %and3A_64 : i1 to i32
      %cond3A_66 = arith.constant 0 : i32
      %cond3A_67 = arith.cmpi ne, %convert_element_type3A_65, %cond3A_66 : i32
      scf.if %cond3A_67 {
        %add3A_93 = arith.constant 1 : i32
        %add3A_94 = arith.addi %while3A_56, %add3A_93 : i32
        %mul3A_95 = arith.constant 400 : i32
        %mul3A_96 = arith.muli %add3A_94, %mul3A_95 : i32
        %add3A_97 = arith.addi %squeeze3A, %mul3A_96 : i32
        %dma_start3A = arith.constant 400 : i32
        %dma_start3A_98 = arith.constant 0 : i32
        %dma_start3A_99 = tpu.memref_slice %arg9[%dma_start3A, %dma_start3A_98] : memref<800x16xi32, #tpu.memory_space<vmem>> -> memref<400x16xi32, #tpu.memory_space<vmem>>
        %dma_start3A_100 = arith.constant 0 : i32
        %dma_start3A_101 = tpu.memref_slice %arg2[%add3A_97, %dma_start3A_100] : memref<1600400x16xi32, #tpu.memory_space<hbm>> -> memref<400x16xi32, #tpu.memory_space<hbm>>
        %dma_start3A_102 = arith.constant 400 : i32
        %dma_start3A_103 = arith.constant 0 : i32
        %dma_start3A_104 = tpu.memref_slice %arg9[%dma_start3A_102, %dma_start3A_103] : memref<800x16xi32, #tpu.memory_space<vmem>> -> memref<400x16xi32, #tpu.memory_space<vmem>>
        %dma_start3A_105 = arith.constant 0 : i32
        %dma_start3A_106 = tpu.memref_slice %arg2[%add3A_97, %dma_start3A_105] : memref<1600400x16xi32, #tpu.memory_space<hbm>> -> memref<400x16xi32, #tpu.memory_space<hbm>>
        tpu.enqueue_dma source(%dma_start3A_106 : memref<400x16xi32, #tpu.memory_space<hbm>>) target(%dma_start3A_104 : memref<400x16xi32, #tpu.memory_space<vmem>>) target_semaphore(%arg14 : memref<!tpu.dma_semaphore, #tpu.memory_space<semaphore_mem>>)
      } else {
      }
      %add3A_68 = arith.constant 1 : i32
      %add3A_69 = arith.addi %while3A_56, %add3A_68 : i32
      %lt3A_70 = arith.cmpi slt, %add3A_69, %select_n3A : i32
      %eq3A_71 = arith.constant 1 : i32
      %eq3A_72 = arith.cmpi eq, %rem3A_60, %eq3A_71 : i32
      %and3A_73 = arith.andi %lt3A_70, %eq3A_72 : i1
      %convert_element_type3A_74 = arith.extui %and3A_73 : i1 to i32
      %cond3A_75 = arith.constant 0 : i32
      %cond3A_76 = arith.cmpi ne, %convert_element_type3A_74, %cond3A_75 : i32
      scf.if %cond3A_76 {
        %add3A_93 = arith.constant 1 : i32
        %add3A_94 = arith.addi %while3A_56, %add3A_93 : i32
        %mul3A_95 = arith.constant 400 : i32
        %mul3A_96 = arith.muli %add3A_94, %mul3A_95 : i32
        %add3A_97 = arith.addi %squeeze3A, %mul3A_96 : i32
        %dma_start3A = arith.constant 0 : i32
        %dma_start3A_98 = arith.constant 0 : i32
        %dma_start3A_99 = tpu.memref_slice %arg9[%dma_start3A, %dma_start3A_98] : memref<800x16xi32, #tpu.memory_space<vmem>> -> memref<400x16xi32, #tpu.memory_space<vmem>>
        %dma_start3A_100 = arith.constant 0 : i32
        %dma_start3A_101 = tpu.memref_slice %arg2[%add3A_97, %dma_start3A_100] : memref<1600400x16xi32, #tpu.memory_space<hbm>> -> memref<400x16xi32, #tpu.memory_space<hbm>>
        %dma_start3A_102 = arith.constant 0 : i32
        %dma_start3A_103 = arith.constant 0 : i32
        %dma_start3A_104 = tpu.memref_slice %arg9[%dma_start3A_102, %dma_start3A_103] : memref<800x16xi32, #tpu.memory_space<vmem>> -> memref<400x16xi32, #tpu.memory_space<vmem>>
        %dma_start3A_105 = arith.constant 0 : i32
        %dma_start3A_106 = tpu.memref_slice %arg2[%add3A_97, %dma_start3A_105] : memref<1600400x16xi32, #tpu.memory_space<hbm>> -> memref<400x16xi32, #tpu.memory_space<hbm>>
        tpu.enqueue_dma source(%dma_start3A_106 : memref<400x16xi32, #tpu.memory_space<hbm>>) target(%dma_start3A_104 : memref<400x16xi32, #tpu.memory_space<vmem>>) target_semaphore(%arg13 : memref<!tpu.dma_semaphore, #tpu.memory_space<semaphore_mem>>)
      } else {
      }
      %eq3A_77 = arith.constant 0 : i32
      %eq3A_78 = arith.cmpi eq, %rem3A_60, %eq3A_77 : i32
      %convert_element_type3A_79 = arith.extui %eq3A_78 : i1 to i32
      %cond3A_80 = arith.constant 0 : i32
      %cond3A_81 = arith.cmpi ne, %convert_element_type3A_79, %cond3A_80 : i32
      scf.if %cond3A_81 {
        %dma_wait3A = arith.constant 0 : i32
        %dma_wait3A_93 = arith.constant 0 : i32
        %dma_wait3A_94 = tpu.memref_slice %arg9[%dma_wait3A, %dma_wait3A_93] : memref<800x16xi32, #tpu.memory_space<vmem>> -> memref<400x16xi32, #tpu.memory_space<vmem>>
        %dma_wait3A_95 = arith.constant 0 : i32
        %dma_wait3A_96 = arith.constant 0 : i32
        %dma_wait3A_97 = tpu.memref_slice %arg2[%dma_wait3A_95, %dma_wait3A_96] : memref<1600400x16xi32, #tpu.memory_space<hbm>> -> memref<400x16xi32, #tpu.memory_space<hbm>>
        %dma_wait3A_98 = arith.constant 0 : i32
        %dma_wait3A_99 = arith.constant 0 : i32
        %dma_wait3A_100 = tpu.memref_slice %arg9[%dma_wait3A_98, %dma_wait3A_99] : memref<800x16xi32, #tpu.memory_space<vmem>> -> memref<400x16xi32, #tpu.memory_space<vmem>>
        %dma_wait3A_101 = arith.constant 0 : i32
        %dma_wait3A_102 = arith.constant 0 : i32
        %dma_wait3A_103 = tpu.memref_slice %arg2[%dma_wait3A_101, %dma_wait3A_102] : memref<1600400x16xi32, #tpu.memory_space<hbm>> -> memref<400x16xi32, #tpu.memory_space<hbm>>
        tpu.wait_dma2 semaphore(%arg13 : memref<!tpu.dma_semaphore, #tpu.memory_space<semaphore_mem>>) src(%dma_wait3A_103 : memref<400x16xi32, #tpu.memory_space<hbm>>) dst(%dma_wait3A_100 : memref<400x16xi32, #tpu.memory_space<vmem>>)
      } else {
      }
      %eq3A_82 = arith.constant 1 : i32
      %eq3A_83 = arith.cmpi eq, %rem3A_60, %eq3A_82 : i32
      %convert_element_type3A_84 = arith.extui %eq3A_83 : i1 to i32
      %cond3A_85 = arith.constant 0 : i32
      %cond3A_86 = arith.cmpi ne, %convert_element_type3A_84, %cond3A_85 : i32
      scf.if %cond3A_86 {
        %dma_wait3A = arith.constant 400 : i32
        %dma_wait3A_93 = arith.constant 0 : i32
        %dma_wait3A_94 = tpu.memref_slice %arg9[%dma_wait3A, %dma_wait3A_93] : memref<800x16xi32, #tpu.memory_space<vmem>> -> memref<400x16xi32, #tpu.memory_space<vmem>>
        %dma_wait3A_95 = arith.constant 0 : i32
        %dma_wait3A_96 = arith.constant 0 : i32
        %dma_wait3A_97 = tpu.memref_slice %arg2[%dma_wait3A_95, %dma_wait3A_96] : memref<1600400x16xi32, #tpu.memory_space<hbm>> -> memref<400x16xi32, #tpu.memory_space<hbm>>
        %dma_wait3A_98 = arith.constant 400 : i32
        %dma_wait3A_99 = arith.constant 0 : i32
        %dma_wait3A_100 = tpu.memref_slice %arg9[%dma_wait3A_98, %dma_wait3A_99] : memref<800x16xi32, #tpu.memory_space<vmem>> -> memref<400x16xi32, #tpu.memory_space<vmem>>
        %dma_wait3A_101 = arith.constant 0 : i32
        %dma_wait3A_102 = arith.constant 0 : i32
        %dma_wait3A_103 = tpu.memref_slice %arg2[%dma_wait3A_101, %dma_wait3A_102] : memref<1600400x16xi32, #tpu.memory_space<hbm>> -> memref<400x16xi32, #tpu.memory_space<hbm>>
        tpu.wait_dma2 semaphore(%arg14 : memref<!tpu.dma_semaphore, #tpu.memory_space<semaphore_mem>>) src(%dma_wait3A_103 : memref<400x16xi32, #tpu.memory_space<hbm>>) dst(%dma_wait3A_100 : memref<400x16xi32, #tpu.memory_space<vmem>>)
      } else {
      }
      %iota3A = tpu.iota {dimensions = array<i32: 0>} : vector<16xi32>
      %scan3A_87 = arith.constant 0 : i32
      %scan3A_88 = arith.constant 25 : i32
      %scan3A_89 = arith.addi %scan3A_87, %scan3A_88 : i32
      %scan3A_90 = arith.constant 1 : i32
      %scan3A_91:2 = scf.for %scan3A_93 = %scan3A_87 to %scan3A_89 step %scan3A_90 iter_args(%scan3A_94 = %while3A_57, %scan3A_95 = %while3A_58) -> (i32, vector<16xf32>)  : i32 {
        %mul3A_96 = arith.constant 400 : i32
        %mul3A_97 = arith.muli %rem3A_60, %mul3A_96 : i32
        %mul3A_98 = arith.constant 16 : i32
        %mul3A_99 = arith.muli %scan3A_93, %mul3A_98 : i32
        %add3A_100 = arith.addi %mul3A_97, %mul3A_99 : i32
        %broadcast_in_dim3A_101 = vector.broadcast %add3A_100 : i32 to vector<16xi32>
        %add3A_102 = arith.addi %broadcast_in_dim3A_101, %iota3A : vector<16xi32>
        %broadcast_in_dim3A_103 = arith.constant 3 : i32
        %broadcast_in_dim3A_104 = vector.broadcast %broadcast_in_dim3A_103 : i32 to vector<16xi32>
        %gather3A_105 = tpu.vector_load_idx %arg9[%add3A_102, %broadcast_in_dim3A_104] : memref<800x16xi32, #tpu.memory_space<vmem>>[vector<16xi32>, vector<16xi32>], vector<16xi32>,
        %broadcast_in_dim3A_106 = arith.constant 15 : i32
        %broadcast_in_dim3A_107 = vector.broadcast %broadcast_in_dim3A_106 : i32 to vector<16xi32>
        %broadcast_in_dim3A_108 = vector.broadcast %scan3A_94 : i32 to vector<16xi32>
        %eq3A_109 = arith.constant 0 : i32
        %eq3A_110 = vector.broadcast %eq3A_109 : i32 to vector<16xi32>
        %eq3A_111 = arith.cmpi eq, %iota3A, %eq3A_110 : vector<16xi32>
        tpu.vector_store_idx %arg12[%broadcast_in_dim3A_107], %broadcast_in_dim3A_108 masked %eq3A_111 : memref<416xi32, #tpu.memory_space<vmem>>[vector<16xi32>], vector<16xi32>, vector<16xi1>
        %mul3A_112 = arith.constant 16 : i32
        %mul3A_113 = arith.muli %scan3A_93, %mul3A_112 : i32
        %add3A_114 = arith.constant 16 : i32
        %add3A_115 = arith.addi %add3A_114, %mul3A_113 : i32
        %swap3A = arith.index_cast %add3A_115 : i32 to index
        %swap3A_116 = tpu.vector_load %arg12[%swap3A] {strides = array<i32>} : memref<416xi32, #tpu.memory_space<vmem>>, vector<16xi32>,
        tpu.vector_store %arg12[%swap3A], %gather3A_105 {strides = array<i32>} : memref<416xi32, #tpu.memory_space<vmem>>, vector<16xi32>,
        %mul3A_117 = arith.constant 16 : i32
        %mul3A_118 = arith.muli %scan3A_93, %mul3A_117 : i32
        %add3A_119 = arith.constant 15 : i32
        %add3A_120 = arith.addi %add3A_119, %mul3A_118 : i32
        %get3A = arith.index_cast %add3A_120 : i32 to index
        %get3A_121 = tpu.vector_load %arg12[%get3A] {strides = array<i32>} : memref<416xi32, #tpu.memory_space<vmem>>, vector<16xi32>,
        %ne3A_122 = arith.cmpi ne, %gather3A_105, %get3A_121 : vector<16xi32>
        %all_reduce_population_count3A = tpu.all_reduce %ne3A_122 {dim = 0 : i64, kind = #tpu.reduction_kind<sum>} : vector<16xi1> -> vector<16xi32>
        %slice3A_123 = vector.extract_strided_slice %all_reduce_population_count3A {offsets = [0], sizes = [1], strides = [1]} : vector<16xi32> to vector<1xi32>
        %squeeze3A_124 = vector.extract %slice3A_123[0] : i32 from vector<1xi32>
        %add3A_125 = arith.constant 0 : i32
        %add3A_126 = arith.addi %add3A_100, %add3A_125 : i32
        %get3A_127 = arith.index_cast %add3A_126 : i32 to index
        %get3A_128 = arith.constant 0 : index
        %get3A_129 = tpu.vector_load %arg9[%get3A_127, %get3A_128] {strides = array<i32>} : memref<800x16xi32, #tpu.memory_space<vmem>>, vector<16xi32>,
        %slice3A_130 = vector.extract_strided_slice %get3A_129 {offsets = [1], sizes = [1], strides = [1]} : vector<16xi32> to vector<1xi32>
        %squeeze3A_131 = vector.extract %slice3A_130[0] : i32 from vector<1xi32>
        %mul3A_132 = arith.constant 16 : i32
        %mul3A_133 = arith.muli %squeeze3A_131, %mul3A_132 : i32
        %get3A_134 = arith.index_cast %mul3A_133 : i32 to index
        %get3A_135 = tpu.vector_load %arg7[%get3A_134] {strides = array<i32>} : memref<2048xf32, #tpu.memory_space<vmem>>, vector<16xf32>,
        %slice3A_136 = vector.extract_strided_slice %get3A_129 {offsets = [2], sizes = [1], strides = [1]} : vector<16xi32> to vector<1xi32>
        %squeeze3A_137 = vector.extract %slice3A_136[0] : i32 from vector<1xi32>
        %mul3A_138 = arith.constant 16 : i32
        %mul3A_139 = arith.muli %squeeze3A_137, %mul3A_138 : i32
        %get3A_140 = arith.index_cast %mul3A_139 : i32 to index
        %get3A_141 = tpu.vector_load %arg8[%get3A_140] {strides = array<i32>} : memref<1024xf32, #tpu.memory_space<vmem>>, vector<16xf32>,
        %mul3A_142 = arith.mulf %get3A_135, %get3A_141 : vector<16xf32>
        %add3A_143 = arith.constant 1 : i32
        %add3A_144 = arith.addi %add3A_100, %add3A_143 : i32
        %get3A_145 = arith.index_cast %add3A_144 : i32 to index
        %get3A_146 = arith.constant 0 : index
        %get3A_147 = tpu.vector_load %arg9[%get3A_145, %get3A_146] {strides = array<i32>} : memref<800x16xi32, #tpu.memory_space<vmem>>, vector<16xi32>,
        %slice3A_148 = vector.extract_strided_slice %get3A_147 {offsets = [1], sizes = [1], strides = [1]} : vector<16xi32> to vector<1xi32>
        %squeeze3A_149 = vector.extract %slice3A_148[0] : i32 from vector<1xi32>
        %mul3A_150 = arith.constant 16 : i32
        %mul3A_151 = arith.muli %squeeze3A_149, %mul3A_150 : i32
        %get3A_152 = arith.index_cast %mul3A_151 : i32 to index
        %get3A_153 = tpu.vector_load %arg7[%get3A_152] {strides = array<i32>} : memref<2048xf32, #tpu.memory_space<vmem>>, vector<16xf32>,
        %slice3A_154 = vector.extract_strided_slice %get3A_147 {offsets = [2], sizes = [1], strides = [1]} : vector<16xi32> to vector<1xi32>
        %squeeze3A_155 = vector.extract %slice3A_154[0] : i32 from vector<1xi32>
        %mul3A_156 = arith.constant 16 : i32
        %mul3A_157 = arith.muli %squeeze3A_155, %mul3A_156 : i32
        %get3A_158 = arith.index_cast %mul3A_157 : i32 to index
        %get3A_159 = tpu.vector_load %arg8[%get3A_158] {strides = array<i32>} : memref<1024xf32, #tpu.memory_space<vmem>>, vector<16xf32>,
        %mul3A_160 = arith.mulf %get3A_153, %get3A_159 : vector<16xf32>
        %add3A_161 = arith.constant 2 : i32
        %add3A_162 = arith.addi %add3A_100, %add3A_161 : i32
        %get3A_163 = arith.index_cast %add3A_162 : i32 to index
        %get3A_164 = arith.constant 0 : index
        %get3A_165 = tpu.vector_load %arg9[%get3A_163, %get3A_164] {strides = array<i32>} : memref<800x16xi32, #tpu.memory_space<vmem>>, vector<16xi32>,
        %slice3A_166 = vector.extract_strided_slice %get3A_165 {offsets = [1], sizes = [1], strides = [1]} : vector<16xi32> to vector<1xi32>
        %squeeze3A_167 = vector.extract %slice3A_166[0] : i32 from vector<1xi32>
        %mul3A_168 = arith.constant 16 : i32
        %mul3A_169 = arith.muli %squeeze3A_167, %mul3A_168 : i32
        %get3A_170 = arith.index_cast %mul3A_169 : i32 to index
        %get3A_171 = tpu.vector_load %arg7[%get3A_170] {strides = array<i32>} : memref<2048xf32, #tpu.memory_space<vmem>>, vector<16xf32>,
        %slice3A_172 = vector.extract_strided_slice %get3A_165 {offsets = [2], sizes = [1], strides = [1]} : vector<16xi32> to vector<1xi32>
        %squeeze3A_173 = vector.extract %slice3A_172[0] : i32 from vector<1xi32>
        %mul3A_174 = arith.constant 16 : i32
        %mul3A_175 = arith.muli %squeeze3A_173, %mul3A_174 : i32
        %get3A_176 = arith.index_cast %mul3A_175 : i32 to index
        %get3A_177 = tpu.vector_load %arg8[%get3A_176] {strides = array<i32>} : memref<1024xf32, #tpu.memory_space<vmem>>, vector<16xf32>,
        %mul3A_178 = arith.mulf %get3A_171, %get3A_177 : vector<16xf32>
        %add3A_179 = arith.constant 3 : i32
        %add3A_180 = arith.addi %add3A_100, %add3A_179 : i32
        %get3A_181 = arith.index_cast %add3A_180 : i32 to index
        %get3A_182 = arith.constant 0 : index
        %get3A_183 = tpu.vector_load %arg9[%get3A_181, %get3A_182] {strides = array<i32>} : memref<800x16xi32, #tpu.memory_space<vmem>>, vector<16xi32>,
        %slice3A_184 = vector.extract_strided_slice %get3A_183 {offsets = [1], sizes = [1], strides = [1]} : vector<16xi32> to vector<1xi32>
        %squeeze3A_185 = vector.extract %slice3A_184[0] : i32 from vector<1xi32>
        %mul3A_186 = arith.constant 16 : i32
        %mul3A_187 = arith.muli %squeeze3A_185, %mul3A_186 : i32
        %get3A_188 = arith.index_cast %mul3A_187 : i32 to index
        %get3A_189 = tpu.vector_load %arg7[%get3A_188] {strides = array<i32>} : memref<2048xf32, #tpu.memory_space<vmem>>, vector<16xf32>,
        %slice3A_190 = vector.extract_strided_slice %get3A_183 {offsets = [2], sizes = [1], strides = [1]} : vector<16xi32> to vector<1xi32>
        %squeeze3A_191 = vector.extract %slice3A_190[0] : i32 from vector<1xi32>
        %mul3A_192 = arith.constant 16 : i32
        %mul3A_193 = arith.muli %squeeze3A_191, %mul3A_192 : i32
        %get3A_194 = arith.index_cast %mul3A_193 : i32 to index
        %get3A_195 = tpu.vector_load %arg8[%get3A_194] {strides = array<i32>} : memref<1024xf32, #tpu.memory_space<vmem>>, vector<16xf32>,
        %mul3A_196 = arith.mulf %get3A_189, %get3A_195 : vector<16xf32>
        %add3A_197 = arith.constant 4 : i32
        %add3A_198 = arith.addi %add3A_100, %add3A_197 : i32
        %get3A_199 = arith.index_cast %add3A_198 : i32 to index
        %get3A_200 = arith.constant 0 : index
        %get3A_201 = tpu.vector_load %arg9[%get3A_199, %get3A_200] {strides = array<i32>} : memref<800x16xi32, #tpu.memory_space<vmem>>, vector<16xi32>,
        %slice3A_202 = vector.extract_strided_slice %get3A_201 {offsets = [1], sizes = [1], strides = [1]} : vector<16xi32> to vector<1xi32>
        %squeeze3A_203 = vector.extract %slice3A_202[0] : i32 from vector<1xi32>
        %mul3A_204 = arith.constant 16 : i32
        %mul3A_205 = arith.muli %squeeze3A_203, %mul3A_204 : i32
        %get3A_206 = arith.index_cast %mul3A_205 : i32 to index
        %get3A_207 = tpu.vector_load %arg7[%get3A_206] {strides = array<i32>} : memref<2048xf32, #tpu.memory_space<vmem>>, vector<16xf32>,
        %slice3A_208 = vector.extract_strided_slice %get3A_201 {offsets = [2], sizes = [1], strides = [1]} : vector<16xi32> to vector<1xi32>
        %squeeze3A_209 = vector.extract %slice3A_208[0] : i32 from vector<1xi32>
        %mul3A_210 = arith.constant 16 : i32
        %mul3A_211 = arith.muli %squeeze3A_209, %mul3A_210 : i32
        %get3A_212 = arith.index_cast %mul3A_211 : i32 to index
        %get3A_213 = tpu.vector_load %arg8[%get3A_212] {strides = array<i32>} : memref<1024xf32, #tpu.memory_space<vmem>>, vector<16xf32>,
        %mul3A_214 = arith.mulf %get3A_207, %get3A_213 : vector<16xf32>
        %add3A_215 = arith.constant 5 : i32
        %add3A_216 = arith.addi %add3A_100, %add3A_215 : i32
        %get3A_217 = arith.index_cast %add3A_216 : i32 to index
        %get3A_218 = arith.constant 0 : index
        %get3A_219 = tpu.vector_load %arg9[%get3A_217, %get3A_218] {strides = array<i32>} : memref<800x16xi32, #tpu.memory_space<vmem>>, vector<16xi32>,
        %slice3A_220 = vector.extract_strided_slice %get3A_219 {offsets = [1], sizes = [1], strides = [1]} : vector<16xi32> to vector<1xi32>
        %squeeze3A_221 = vector.extract %slice3A_220[0] : i32 from vector<1xi32>
        %mul3A_222 = arith.constant 16 : i32
        %mul3A_223 = arith.muli %squeeze3A_221, %mul3A_222 : i32
        %get3A_224 = arith.index_cast %mul3A_223 : i32 to index
        %get3A_225 = tpu.vector_load %arg7[%get3A_224] {strides = array<i32>} : memref<2048xf32, #tpu.memory_space<vmem>>, vector<16xf32>,
        %slice3A_226 = vector.extract_strided_slice %get3A_219 {offsets = [2], sizes = [1], strides = [1]} : vector<16xi32> to vector<1xi32>
        %squeeze3A_227 = vector.extract %slice3A_226[0] : i32 from vector<1xi32>
        %mul3A_228 = arith.constant 16 : i32
        %mul3A_229 = arith.muli %squeeze3A_227, %mul3A_228 : i32
        %get3A_230 = arith.index_cast %mul3A_229 : i32 to index
        %get3A_231 = tpu.vector_load %arg8[%get3A_230] {strides = array<i32>} : memref<1024xf32, #tpu.memory_space<vmem>>, vector<16xf32>,
        %mul3A_232 = arith.mulf %get3A_225, %get3A_231 : vector<16xf32>
        %add3A_233 = arith.constant 6 : i32
        %add3A_234 = arith.addi %add3A_100, %add3A_233 : i32
        %get3A_235 = arith.index_cast %add3A_234 : i32 to index
        %get3A_236 = arith.constant 0 : index
        %get3A_237 = tpu.vector_load %arg9[%get3A_235, %get3A_236] {strides = array<i32>} : memref<800x16xi32, #tpu.memory_space<vmem>>, vector<16xi32>,
        %slice3A_238 = vector.extract_strided_slice %get3A_237 {offsets = [1], sizes = [1], strides = [1]} : vector<16xi32> to vector<1xi32>
        %squeeze3A_239 = vector.extract %slice3A_238[0] : i32 from vector<1xi32>
        %mul3A_240 = arith.constant 16 : i32
        %mul3A_241 = arith.muli %squeeze3A_239, %mul3A_240 : i32
        %get3A_242 = arith.index_cast %mul3A_241 : i32 to index
        %get3A_243 = tpu.vector_load %arg7[%get3A_242] {strides = array<i32>} : memref<2048xf32, #tpu.memory_space<vmem>>, vector<16xf32>,
        %slice3A_244 = vector.extract_strided_slice %get3A_237 {offsets = [2], sizes = [1], strides = [1]} : vector<16xi32> to vector<1xi32>
        %squeeze3A_245 = vector.extract %slice3A_244[0] : i32 from vector<1xi32>
        %mul3A_246 = arith.constant 16 : i32
        %mul3A_247 = arith.muli %squeeze3A_245, %mul3A_246 : i32
        %get3A_248 = arith.index_cast %mul3A_247 : i32 to index
        %get3A_249 = tpu.vector_load %arg8[%get3A_248] {strides = array<i32>} : memref<1024xf32, #tpu.memory_space<vmem>>, vector<16xf32>,
        %mul3A_250 = arith.mulf %get3A_243, %get3A_249 : vector<16xf32>
        %add3A_251 = arith.constant 7 : i32
        %add3A_252 = arith.addi %add3A_100, %add3A_251 : i32
        %get3A_253 = arith.index_cast %add3A_252 : i32 to index
        %get3A_254 = arith.constant 0 : index
        %get3A_255 = tpu.vector_load %arg9[%get3A_253, %get3A_254] {strides = array<i32>} : memref<800x16xi32, #tpu.memory_space<vmem>>, vector<16xi32>,
        %slice3A_256 = vector.extract_strided_slice %get3A_255 {offsets = [1], sizes = [1], strides = [1]} : vector<16xi32> to vector<1xi32>
        %squeeze3A_257 = vector.extract %slice3A_256[0] : i32 from vector<1xi32>
        %mul3A_258 = arith.constant 16 : i32
        %mul3A_259 = arith.muli %squeeze3A_257, %mul3A_258 : i32
        %get3A_260 = arith.index_cast %mul3A_259 : i32 to index
        %get3A_261 = tpu.vector_load %arg7[%get3A_260] {strides = array<i32>} : memref<2048xf32, #tpu.memory_space<vmem>>, vector<16xf32>,
        %slice3A_262 = vector.extract_strided_slice %get3A_255 {offsets = [2], sizes = [1], strides = [1]} : vector<16xi32> to vector<1xi32>
        %squeeze3A_263 = vector.extract %slice3A_262[0] : i32 from vector<1xi32>
        %mul3A_264 = arith.constant 16 : i32
        %mul3A_265 = arith.muli %squeeze3A_263, %mul3A_264 : i32
        %get3A_266 = arith.index_cast %mul3A_265 : i32 to index
        %get3A_267 = tpu.vector_load %arg8[%get3A_266] {strides = array<i32>} : memref<1024xf32, #tpu.memory_space<vmem>>, vector<16xf32>,
        %mul3A_268 = arith.mulf %get3A_261, %get3A_267 : vector<16xf32>
        %add3A_269 = arith.constant 8 : i32
        %add3A_270 = arith.addi %add3A_100, %add3A_269 : i32
        %get3A_271 = arith.index_cast %add3A_270 : i32 to index
        %get3A_272 = arith.constant 0 : index
        %get3A_273 = tpu.vector_load %arg9[%get3A_271, %get3A_272] {strides = array<i32>} : memref<800x16xi32, #tpu.memory_space<vmem>>, vector<16xi32>,
        %slice3A_274 = vector.extract_strided_slice %get3A_273 {offsets = [1], sizes = [1], strides = [1]} : vector<16xi32> to vector<1xi32>
        %squeeze3A_275 = vector.extract %slice3A_274[0] : i32 from vector<1xi32>
        %mul3A_276 = arith.constant 16 : i32
        %mul3A_277 = arith.muli %squeeze3A_275, %mul3A_276 : i32
        %get3A_278 = arith.index_cast %mul3A_277 : i32 to index
        %get3A_279 = tpu.vector_load %arg7[%get3A_278] {strides = array<i32>} : memref<2048xf32, #tpu.memory_space<vmem>>, vector<16xf32>,
        %slice3A_280 = vector.extract_strided_slice %get3A_273 {offsets = [2], sizes = [1], strides = [1]} : vector<16xi32> to vector<1xi32>
        %squeeze3A_281 = vector.extract %slice3A_280[0] : i32 from vector<1xi32>
        %mul3A_282 = arith.constant 16 : i32
        %mul3A_283 = arith.muli %squeeze3A_281, %mul3A_282 : i32
        %get3A_284 = arith.index_cast %mul3A_283 : i32 to index
        %get3A_285 = tpu.vector_load %arg8[%get3A_284] {strides = array<i32>} : memref<1024xf32, #tpu.memory_space<vmem>>, vector<16xf32>,
        %mul3A_286 = arith.mulf %get3A_279, %get3A_285 : vector<16xf32>
        %add3A_287 = arith.constant 9 : i32
        %add3A_288 = arith.addi %add3A_100, %add3A_287 : i32
        %get3A_289 = arith.index_cast %add3A_288 : i32 to index
        %get3A_290 = arith.constant 0 : index
        %get3A_291 = tpu.vector_load %arg9[%get3A_289, %get3A_290] {strides = array<i32>} : memref<800x16xi32, #tpu.memory_space<vmem>>, vector<16xi32>,
        %slice3A_292 = vector.extract_strided_slice %get3A_291 {offsets = [1], sizes = [1], strides = [1]} : vector<16xi32> to vector<1xi32>
        %squeeze3A_293 = vector.extract %slice3A_292[0] : i32 from vector<1xi32>
        %mul3A_294 = arith.constant 16 : i32
        %mul3A_295 = arith.muli %squeeze3A_293, %mul3A_294 : i32
        %get3A_296 = arith.index_cast %mul3A_295 : i32 to index
        %get3A_297 = tpu.vector_load %arg7[%get3A_296] {strides = array<i32>} : memref<2048xf32, #tpu.memory_space<vmem>>, vector<16xf32>,
        %slice3A_298 = vector.extract_strided_slice %get3A_291 {offsets = [2], sizes = [1], strides = [1]} : vector<16xi32> to vector<1xi32>
        %squeeze3A_299 = vector.extract %slice3A_298[0] : i32 from vector<1xi32>
        %mul3A_300 = arith.constant 16 : i32
        %mul3A_301 = arith.muli %squeeze3A_299, %mul3A_300 : i32
        %get3A_302 = arith.index_cast %mul3A_301 : i32 to index
        %get3A_303 = tpu.vector_load %arg8[%get3A_302] {strides = array<i32>} : memref<1024xf32, #tpu.memory_space<vmem>>, vector<16xf32>,
        %mul3A_304 = arith.mulf %get3A_297, %get3A_303 : vector<16xf32>
        %add3A_305 = arith.constant 10 : i32
        %add3A_306 = arith.addi %add3A_100, %add3A_305 : i32
        %get3A_307 = arith.index_cast %add3A_306 : i32 to index
        %get3A_308 = arith.constant 0 : index
        %get3A_309 = tpu.vector_load %arg9[%get3A_307, %get3A_308] {strides = array<i32>} : memref<800x16xi32, #tpu.memory_space<vmem>>, vector<16xi32>,
        %slice3A_310 = vector.extract_strided_slice %get3A_309 {offsets = [1], sizes = [1], strides = [1]} : vector<16xi32> to vector<1xi32>
        %squeeze3A_311 = vector.extract %slice3A_310[0] : i32 from vector<1xi32>
        %mul3A_312 = arith.constant 16 : i32
        %mul3A_313 = arith.muli %squeeze3A_311, %mul3A_312 : i32
        %get3A_314 = arith.index_cast %mul3A_313 : i32 to index
        %get3A_315 = tpu.vector_load %arg7[%get3A_314] {strides = array<i32>} : memref<2048xf32, #tpu.memory_space<vmem>>, vector<16xf32>,
        %slice3A_316 = vector.extract_strided_slice %get3A_309 {offsets = [2], sizes = [1], strides = [1]} : vector<16xi32> to vector<1xi32>
        %squeeze3A_317 = vector.extract %slice3A_316[0] : i32 from vector<1xi32>
        %mul3A_318 = arith.constant 16 : i32
        %mul3A_319 = arith.muli %squeeze3A_317, %mul3A_318 : i32
        %get3A_320 = arith.index_cast %mul3A_319 : i32 to index
        %get3A_321 = tpu.vector_load %arg8[%get3A_320] {strides = array<i32>} : memref<1024xf32, #tpu.memory_space<vmem>>, vector<16xf32>,
        %mul3A_322 = arith.mulf %get3A_315, %get3A_321 : vector<16xf32>
        %add3A_323 = arith.constant 11 : i32
        %add3A_324 = arith.addi %add3A_100, %add3A_323 : i32
        %get3A_325 = arith.index_cast %add3A_324 : i32 to index
        %get3A_326 = arith.constant 0 : index
        %get3A_327 = tpu.vector_load %arg9[%get3A_325, %get3A_326] {strides = array<i32>} : memref<800x16xi32, #tpu.memory_space<vmem>>, vector<16xi32>,
        %slice3A_328 = vector.extract_strided_slice %get3A_327 {offsets = [1], sizes = [1], strides = [1]} : vector<16xi32> to vector<1xi32>
        %squeeze3A_329 = vector.extract %slice3A_328[0] : i32 from vector<1xi32>
        %mul3A_330 = arith.constant 16 : i32
        %mul3A_331 = arith.muli %squeeze3A_329, %mul3A_330 : i32
        %get3A_332 = arith.index_cast %mul3A_331 : i32 to index
        %get3A_333 = tpu.vector_load %arg7[%get3A_332] {strides = array<i32>} : memref<2048xf32, #tpu.memory_space<vmem>>, vector<16xf32>,
        %slice3A_334 = vector.extract_strided_slice %get3A_327 {offsets = [2], sizes = [1], strides = [1]} : vector<16xi32> to vector<1xi32>
        %squeeze3A_335 = vector.extract %slice3A_334[0] : i32 from vector<1xi32>
        %mul3A_336 = arith.constant 16 : i32
        %mul3A_337 = arith.muli %squeeze3A_335, %mul3A_336 : i32
        %get3A_338 = arith.index_cast %mul3A_337 : i32 to index
        %get3A_339 = tpu.vector_load %arg8[%get3A_338] {strides = array<i32>} : memref<1024xf32, #tpu.memory_space<vmem>>, vector<16xf32>,
        %mul3A_340 = arith.mulf %get3A_333, %get3A_339 : vector<16xf32>
        %add3A_341 = arith.constant 12 : i32
        %add3A_342 = arith.addi %add3A_100, %add3A_341 : i32
        %get3A_343 = arith.index_cast %add3A_342 : i32 to index
        %get3A_344 = arith.constant 0 : index
        %get3A_345 = tpu.vector_load %arg9[%get3A_343, %get3A_344] {strides = array<i32>} : memref<800x16xi32, #tpu.memory_space<vmem>>, vector<16xi32>,
        %slice3A_346 = vector.extract_strided_slice %get3A_345 {offsets = [1], sizes = [1], strides = [1]} : vector<16xi32> to vector<1xi32>
        %squeeze3A_347 = vector.extract %slice3A_346[0] : i32 from vector<1xi32>
        %mul3A_348 = arith.constant 16 : i32
        %mul3A_349 = arith.muli %squeeze3A_347, %mul3A_348 : i32
        %get3A_350 = arith.index_cast %mul3A_349 : i32 to index
        %get3A_351 = tpu.vector_load %arg7[%get3A_350] {strides = array<i32>} : memref<2048xf32, #tpu.memory_space<vmem>>, vector<16xf32>,
        %slice3A_352 = vector.extract_strided_slice %get3A_345 {offsets = [2], sizes = [1], strides = [1]} : vector<16xi32> to vector<1xi32>
        %squeeze3A_353 = vector.extract %slice3A_352[0] : i32 from vector<1xi32>
        %mul3A_354 = arith.constant 16 : i32
        %mul3A_355 = arith.muli %squeeze3A_353, %mul3A_354 : i32
        %get3A_356 = arith.index_cast %mul3A_355 : i32 to index
        %get3A_357 = tpu.vector_load %arg8[%get3A_356] {strides = array<i32>} : memref<1024xf32, #tpu.memory_space<vmem>>, vector<16xf32>,
        %mul3A_358 = arith.mulf %get3A_351, %get3A_357 : vector<16xf32>
        %add3A_359 = arith.constant 13 : i32
        %add3A_360 = arith.addi %add3A_100, %add3A_359 : i32
        %get3A_361 = arith.index_cast %add3A_360 : i32 to index
        %get3A_362 = arith.constant 0 : index
        %get3A_363 = tpu.vector_load %arg9[%get3A_361, %get3A_362] {strides = array<i32>} : memref<800x16xi32, #tpu.memory_space<vmem>>, vector<16xi32>,
        %slice3A_364 = vector.extract_strided_slice %get3A_363 {offsets = [1], sizes = [1], strides = [1]} : vector<16xi32> to vector<1xi32>
        %squeeze3A_365 = vector.extract %slice3A_364[0] : i32 from vector<1xi32>
        %mul3A_366 = arith.constant 16 : i32
        %mul3A_367 = arith.muli %squeeze3A_365, %mul3A_366 : i32
        %get3A_368 = arith.index_cast %mul3A_367 : i32 to index
        %get3A_369 = tpu.vector_load %arg7[%get3A_368] {strides = array<i32>} : memref<2048xf32, #tpu.memory_space<vmem>>, vector<16xf32>,
        %slice3A_370 = vector.extract_strided_slice %get3A_363 {offsets = [2], sizes = [1], strides = [1]} : vector<16xi32> to vector<1xi32>
        %squeeze3A_371 = vector.extract %slice3A_370[0] : i32 from vector<1xi32>
        %mul3A_372 = arith.constant 16 : i32
        %mul3A_373 = arith.muli %squeeze3A_371, %mul3A_372 : i32
        %get3A_374 = arith.index_cast %mul3A_373 : i32 to index
        %get3A_375 = tpu.vector_load %arg8[%get3A_374] {strides = array<i32>} : memref<1024xf32, #tpu.memory_space<vmem>>, vector<16xf32>,
        %mul3A_376 = arith.mulf %get3A_369, %get3A_375 : vector<16xf32>
        %add3A_377 = arith.constant 14 : i32
        %add3A_378 = arith.addi %add3A_100, %add3A_377 : i32
        %get3A_379 = arith.index_cast %add3A_378 : i32 to index
        %get3A_380 = arith.constant 0 : index
        %get3A_381 = tpu.vector_load %arg9[%get3A_379, %get3A_380] {strides = array<i32>} : memref<800x16xi32, #tpu.memory_space<vmem>>, vector<16xi32>,
        %slice3A_382 = vector.extract_strided_slice %get3A_381 {offsets = [1], sizes = [1], strides = [1]} : vector<16xi32> to vector<1xi32>
        %squeeze3A_383 = vector.extract %slice3A_382[0] : i32 from vector<1xi32>
        %mul3A_384 = arith.constant 16 : i32
        %mul3A_385 = arith.muli %squeeze3A_383, %mul3A_384 : i32
        %get3A_386 = arith.index_cast %mul3A_385 : i32 to index
        %get3A_387 = tpu.vector_load %arg7[%get3A_386] {strides = array<i32>} : memref<2048xf32, #tpu.memory_space<vmem>>, vector<16xf32>,
        %slice3A_388 = vector.extract_strided_slice %get3A_381 {offsets = [2], sizes = [1], strides = [1]} : vector<16xi32> to vector<1xi32>
        %squeeze3A_389 = vector.extract %slice3A_388[0] : i32 from vector<1xi32>
        %mul3A_390 = arith.constant 16 : i32
        %mul3A_391 = arith.muli %squeeze3A_389, %mul3A_390 : i32
        %get3A_392 = arith.index_cast %mul3A_391 : i32 to index
        %get3A_393 = tpu.vector_load %arg8[%get3A_392] {strides = array<i32>} : memref<1024xf32, #tpu.memory_space<vmem>>, vector<16xf32>,
        %mul3A_394 = arith.mulf %get3A_387, %get3A_393 : vector<16xf32>
        %add3A_395 = arith.constant 15 : i32
        %add3A_396 = arith.addi %add3A_100, %add3A_395 : i32
        %get3A_397 = arith.index_cast %add3A_396 : i32 to index
        %get3A_398 = arith.constant 0 : index
        %get3A_399 = tpu.vector_load %arg9[%get3A_397, %get3A_398] {strides = array<i32>} : memref<800x16xi32, #tpu.memory_space<vmem>>, vector<16xi32>,
        %slice3A_400 = vector.extract_strided_slice %get3A_399 {offsets = [1], sizes = [1], strides = [1]} : vector<16xi32> to vector<1xi32>
        %squeeze3A_401 = vector.extract %slice3A_400[0] : i32 from vector<1xi32>
        %mul3A_402 = arith.constant 16 : i32
        %mul3A_403 = arith.muli %squeeze3A_401, %mul3A_402 : i32
        %get3A_404 = arith.index_cast %mul3A_403 : i32 to index
        %get3A_405 = tpu.vector_load %arg7[%get3A_404] {strides = array<i32>} : memref<2048xf32, #tpu.memory_space<vmem>>, vector<16xf32>,
        %slice3A_406 = vector.extract_strided_slice %get3A_399 {offsets = [2], sizes = [1], strides = [1]} : vector<16xi32> to vector<1xi32>
        %squeeze3A_407 = vector.extract %slice3A_406[0] : i32 from vector<1xi32>
        %mul3A_408 = arith.constant 16 : i32
        %mul3A_409 = arith.muli %squeeze3A_407, %mul3A_408 : i32
        %get3A_410 = arith.index_cast %mul3A_409 : i32 to index
        %get3A_411 = tpu.vector_load %arg8[%get3A_410] {strides = array<i32>} : memref<1024xf32, #tpu.memory_space<vmem>>, vector<16xf32>,
        %mul3A_412 = arith.mulf %get3A_405, %get3A_411 : vector<16xf32>
        %slice3A_413 = vector.extract_strided_slice %gather3A_105 {offsets = [15], sizes = [1], strides = [1]} : vector<16xi32> to vector<1xi32>
        %squeeze3A_414 = vector.extract %slice3A_413[0] : i32 from vector<1xi32>
        %broadcast_in_dim3A_415 = arith.constant 0xFF800000 : f32
        %broadcast_in_dim3A_416 = vector.broadcast %broadcast_in_dim3A_415 : f32 to vector<16xf32>
        %eq3A_417 = arith.constant 0 : i32
        %eq3A_418 = arith.cmpi eq, %squeeze3A_124, %eq3A_417 : i32
        %convert_element_type3A_419 = arith.extui %eq3A_418 : i1 to i32
        %cond3A_420 = arith.constant 0 : i32
        %cond3A_421 = arith.cmpi ne, %convert_element_type3A_419, %cond3A_420 : i32
        %cond3A_422:2 = scf.if %cond3A_421 -> (i32, vector<16xf32>) {
          %max3A = arith.maximumf %mul3A_142, %mul3A_160 : vector<16xf32>
          %max3A_423 = arith.maximumf %mul3A_178, %mul3A_196 : vector<16xf32>
          %max3A_424 = arith.maximumf %mul3A_214, %mul3A_232 : vector<16xf32>
          %max3A_425 = arith.maximumf %mul3A_250, %mul3A_268 : vector<16xf32>
          %max3A_426 = arith.maximumf %mul3A_286, %mul3A_304 : vector<16xf32>
          %max3A_427 = arith.maximumf %mul3A_322, %mul3A_340 : vector<16xf32>
          %max3A_428 = arith.maximumf %mul3A_358, %mul3A_376 : vector<16xf32>
          %max3A_429 = arith.maximumf %mul3A_394, %mul3A_412 : vector<16xf32>
          %max3A_430 = arith.maximumf %max3A, %max3A_423 : vector<16xf32>
          %max3A_431 = arith.maximumf %max3A_424, %max3A_425 : vector<16xf32>
          %max3A_432 = arith.maximumf %max3A_426, %max3A_427 : vector<16xf32>
          %max3A_433 = arith.maximumf %max3A_428, %max3A_429 : vector<16xf32>
          %max3A_434 = arith.maximumf %max3A_430, %max3A_431 : vector<16xf32>
          %max3A_435 = arith.maximumf %max3A_432, %max3A_433 : vector<16xf32>
          %max3A_436 = arith.maximumf %max3A_434, %max3A_435 : vector<16xf32>
          %max3A_437 = arith.maximumf %scan3A_95, %max3A_436 : vector<16xf32>
          %sub3A_438 = arith.subi %squeeze3A_414, %mul3A_26 : i32
          %min3A = arith.constant 3200 : i32
          %min3A_439 = arith.minsi %sub3A_438, %min3A : i32
          %mul3A_440 = arith.constant 16 : i32
          %mul3A_441 = arith.muli %min3A_439, %mul3A_440 : i32
          %swap3A_442 = arith.index_cast %mul3A_441 : i32 to index
          %swap3A_443 = tpu.vector_load %arg10[%swap3A_442] {strides = array<i32>} : memref<51456xf32, #tpu.memory_space<vmem>>, vector<16xf32>,
          tpu.vector_store %arg10[%swap3A_442], %max3A_437 {strides = array<i32>} : memref<51456xf32, #tpu.memory_space<vmem>>, vector<16xf32>,
          scf.yield %squeeze3A_414, %max3A_437 : i32, vector<16xf32>
        } else {
          %eq3A_423 = arith.constant 1 : i32
          %eq3A_424 = arith.cmpi eq, %squeeze3A_124, %eq3A_423 : i32
          %convert_element_type3A_425 = arith.extui %eq3A_424 : i1 to i32
          %cond3A_426 = arith.constant 0 : i32
          %cond3A_427 = arith.cmpi ne, %convert_element_type3A_425, %cond3A_426 : i32
          %cond3A_428:2 = scf.if %cond3A_427 -> (i32, vector<16xf32>) {
            %all_reduce_ffs3A = tpu.all_reduce %ne3A_122 {dim = 0 : i64, kind = #tpu.reduction_kind<find_first_set>} : vector<16xi1> -> vector<16xi32>
            %slice3A_429 = vector.extract_strided_slice %all_reduce_ffs3A {offsets = [0], sizes = [1], strides = [1]} : vector<16xi32> to vector<1xi32>
            %squeeze3A_430 = vector.extract %slice3A_429[0] : i32 from vector<1xi32>
            %gt3A_431 = arith.constant 0 : i32
            %gt3A_432 = arith.cmpi sgt, %squeeze3A_430, %gt3A_431 : i32
            %select_n3A_433 = arith.select %gt3A_432, %mul3A_142, %broadcast_in_dim3A_416 : vector<16xf32>
            %gt3A_434 = arith.constant 1 : i32
            %gt3A_435 = arith.cmpi sgt, %squeeze3A_430, %gt3A_434 : i32
            %select_n3A_436 = arith.select %gt3A_435, %mul3A_160, %broadcast_in_dim3A_416 : vector<16xf32>
            %gt3A_437 = arith.constant 2 : i32
            %gt3A_438 = arith.cmpi sgt, %squeeze3A_430, %gt3A_437 : i32
            %select_n3A_439 = arith.select %gt3A_438, %mul3A_178, %broadcast_in_dim3A_416 : vector<16xf32>
            %gt3A_440 = arith.constant 3 : i32
            %gt3A_441 = arith.cmpi sgt, %squeeze3A_430, %gt3A_440 : i32
            %select_n3A_442 = arith.select %gt3A_441, %mul3A_196, %broadcast_in_dim3A_416 : vector<16xf32>
            %gt3A_443 = arith.constant 4 : i32
            %gt3A_444 = arith.cmpi sgt, %squeeze3A_430, %gt3A_443 : i32
            %select_n3A_445 = arith.select %gt3A_444, %mul3A_214, %broadcast_in_dim3A_416 : vector<16xf32>
            %gt3A_446 = arith.constant 5 : i32
            %gt3A_447 = arith.cmpi sgt, %squeeze3A_430, %gt3A_446 : i32
            %select_n3A_448 = arith.select %gt3A_447, %mul3A_232, %broadcast_in_dim3A_416 : vector<16xf32>
            %gt3A_449 = arith.constant 6 : i32
            %gt3A_450 = arith.cmpi sgt, %squeeze3A_430, %gt3A_449 : i32
            %select_n3A_451 = arith.select %gt3A_450, %mul3A_250, %broadcast_in_dim3A_416 : vector<16xf32>
            %gt3A_452 = arith.constant 7 : i32
            %gt3A_453 = arith.cmpi sgt, %squeeze3A_430, %gt3A_452 : i32
            %select_n3A_454 = arith.select %gt3A_453, %mul3A_268, %broadcast_in_dim3A_416 : vector<16xf32>
            %gt3A_455 = arith.constant 8 : i32
            %gt3A_456 = arith.cmpi sgt, %squeeze3A_430, %gt3A_455 : i32
            %select_n3A_457 = arith.select %gt3A_456, %mul3A_286, %broadcast_in_dim3A_416 : vector<16xf32>
            %gt3A_458 = arith.constant 9 : i32
            %gt3A_459 = arith.cmpi sgt, %squeeze3A_430, %gt3A_458 : i32
            %select_n3A_460 = arith.select %gt3A_459, %mul3A_304, %broadcast_in_dim3A_416 : vector<16xf32>
            %gt3A_461 = arith.constant 10 : i32
            %gt3A_462 = arith.cmpi sgt, %squeeze3A_430, %gt3A_461 : i32
            %select_n3A_463 = arith.select %gt3A_462, %mul3A_322, %broadcast_in_dim3A_416 : vector<16xf32>
            %gt3A_464 = arith.constant 11 : i32
            %gt3A_465 = arith.cmpi sgt, %squeeze3A_430, %gt3A_464 : i32
            %select_n3A_466 = arith.select %gt3A_465, %mul3A_340, %broadcast_in_dim3A_416 : vector<16xf32>
            %gt3A_467 = arith.constant 12 : i32
            %gt3A_468 = arith.cmpi sgt, %squeeze3A_430, %gt3A_467 : i32
            %select_n3A_469 = arith.select %gt3A_468, %mul3A_358, %broadcast_in_dim3A_416 : vector<16xf32>
            %gt3A_470 = arith.constant 13 : i32
            %gt3A_471 = arith.cmpi sgt, %squeeze3A_430, %gt3A_470 : i32
            %select_n3A_472 = arith.select %gt3A_471, %mul3A_376, %broadcast_in_dim3A_416 : vector<16xf32>
            %gt3A_473 = arith.constant 14 : i32
            %gt3A_474 = arith.cmpi sgt, %squeeze3A_430, %gt3A_473 : i32
            %select_n3A_475 = arith.select %gt3A_474, %mul3A_394, %broadcast_in_dim3A_416 : vector<16xf32>
            %gt3A_476 = arith.constant 15 : i32
            %gt3A_477 = arith.cmpi sgt, %squeeze3A_430, %gt3A_476 : i32
            %select_n3A_478 = arith.select %gt3A_477, %mul3A_412, %broadcast_in_dim3A_416 : vector<16xf32>
            %max3A = arith.maximumf %select_n3A_433, %select_n3A_436 : vector<16xf32>
            %max3A_479 = arith.maximumf %select_n3A_439, %select_n3A_442 : vector<16xf32>
            %max3A_480 = arith.maximumf %select_n3A_445, %select_n3A_448 : vector<16xf32>
            %max3A_481 = arith.maximumf %select_n3A_451, %select_n3A_454 : vector<16xf32>
            %max3A_482 = arith.maximumf %select_n3A_457, %select_n3A_460 : vector<16xf32>
            %max3A_483 = arith.maximumf %select_n3A_463, %select_n3A_466 : vector<16xf32>
            %max3A_484 = arith.maximumf %select_n3A_469, %select_n3A_472 : vector<16xf32>
            %max3A_485 = arith.maximumf %select_n3A_475, %select_n3A_478 : vector<16xf32>
            %max3A_486 = arith.maximumf %max3A, %max3A_479 : vector<16xf32>
            %max3A_487 = arith.maximumf %max3A_480, %max3A_481 : vector<16xf32>
            %max3A_488 = arith.maximumf %max3A_482, %max3A_483 : vector<16xf32>
            %max3A_489 = arith.maximumf %max3A_484, %max3A_485 : vector<16xf32>
            %max3A_490 = arith.maximumf %max3A_486, %max3A_487 : vector<16xf32>
            %max3A_491 = arith.maximumf %max3A_488, %max3A_489 : vector<16xf32>
            %max3A_492 = arith.maximumf %max3A_490, %max3A_491 : vector<16xf32>
            %max3A_493 = arith.maximumf %scan3A_95, %max3A_492 : vector<16xf32>
            %sub3A_494 = arith.subi %scan3A_94, %mul3A_26 : i32
            %min3A = arith.constant 3200 : i32
            %min3A_495 = arith.minsi %sub3A_494, %min3A : i32
            %mul3A_496 = arith.constant 16 : i32
            %mul3A_497 = arith.muli %min3A_495, %mul3A_496 : i32
            %swap3A_498 = arith.index_cast %mul3A_497 : i32 to index
            %swap3A_499 = tpu.vector_load %arg10[%swap3A_498] {strides = array<i32>} : memref<51456xf32, #tpu.memory_space<vmem>>, vector<16xf32>,
            tpu.vector_store %arg10[%swap3A_498], %max3A_493 {strides = array<i32>} : memref<51456xf32, #tpu.memory_space<vmem>>, vector<16xf32>,
            %le3A = arith.constant 0 : i32
            %le3A_500 = arith.cmpi sle, %squeeze3A_430, %le3A : i32
            %select_n3A_501 = arith.select %le3A_500, %mul3A_142, %broadcast_in_dim3A_416 : vector<16xf32>
            %le3A_502 = arith.constant 1 : i32
            %le3A_503 = arith.cmpi sle, %squeeze3A_430, %le3A_502 : i32
            %select_n3A_504 = arith.select %le3A_503, %mul3A_160, %broadcast_in_dim3A_416 : vector<16xf32>
            %le3A_505 = arith.constant 2 : i32
            %le3A_506 = arith.cmpi sle, %squeeze3A_430, %le3A_505 : i32
            %select_n3A_507 = arith.select %le3A_506, %mul3A_178, %broadcast_in_dim3A_416 : vector<16xf32>
            %le3A_508 = arith.constant 3 : i32
            %le3A_509 = arith.cmpi sle, %squeeze3A_430, %le3A_508 : i32
            %select_n3A_510 = arith.select %le3A_509, %mul3A_196, %broadcast_in_dim3A_416 : vector<16xf32>
            %le3A_511 = arith.constant 4 : i32
            %le3A_512 = arith.cmpi sle, %squeeze3A_430, %le3A_511 : i32
            %select_n3A_513 = arith.select %le3A_512, %mul3A_214, %broadcast_in_dim3A_416 : vector<16xf32>
            %le3A_514 = arith.constant 5 : i32
            %le3A_515 = arith.cmpi sle, %squeeze3A_430, %le3A_514 : i32
            %select_n3A_516 = arith.select %le3A_515, %mul3A_232, %broadcast_in_dim3A_416 : vector<16xf32>
            %le3A_517 = arith.constant 6 : i32
            %le3A_518 = arith.cmpi sle, %squeeze3A_430, %le3A_517 : i32
            %select_n3A_519 = arith.select %le3A_518, %mul3A_250, %broadcast_in_dim3A_416 : vector<16xf32>
            %le3A_520 = arith.constant 7 : i32
            %le3A_521 = arith.cmpi sle, %squeeze3A_430, %le3A_520 : i32
            %select_n3A_522 = arith.select %le3A_521, %mul3A_268, %broadcast_in_dim3A_416 : vector<16xf32>
            %le3A_523 = arith.constant 8 : i32
            %le3A_524 = arith.cmpi sle, %squeeze3A_430, %le3A_523 : i32
            %select_n3A_525 = arith.select %le3A_524, %mul3A_286, %broadcast_in_dim3A_416 : vector<16xf32>
            %le3A_526 = arith.constant 9 : i32
            %le3A_527 = arith.cmpi sle, %squeeze3A_430, %le3A_526 : i32
            %select_n3A_528 = arith.select %le3A_527, %mul3A_304, %broadcast_in_dim3A_416 : vector<16xf32>
            %le3A_529 = arith.constant 10 : i32
            %le3A_530 = arith.cmpi sle, %squeeze3A_430, %le3A_529 : i32
            %select_n3A_531 = arith.select %le3A_530, %mul3A_322, %broadcast_in_dim3A_416 : vector<16xf32>
            %le3A_532 = arith.constant 11 : i32
            %le3A_533 = arith.cmpi sle, %squeeze3A_430, %le3A_532 : i32
            %select_n3A_534 = arith.select %le3A_533, %mul3A_340, %broadcast_in_dim3A_416 : vector<16xf32>
            %le3A_535 = arith.constant 12 : i32
            %le3A_536 = arith.cmpi sle, %squeeze3A_430, %le3A_535 : i32
            %select_n3A_537 = arith.select %le3A_536, %mul3A_358, %broadcast_in_dim3A_416 : vector<16xf32>
            %le3A_538 = arith.constant 13 : i32
            %le3A_539 = arith.cmpi sle, %squeeze3A_430, %le3A_538 : i32
            %select_n3A_540 = arith.select %le3A_539, %mul3A_376, %broadcast_in_dim3A_416 : vector<16xf32>
            %le3A_541 = arith.constant 14 : i32
            %le3A_542 = arith.cmpi sle, %squeeze3A_430, %le3A_541 : i32
            %select_n3A_543 = arith.select %le3A_542, %mul3A_394, %broadcast_in_dim3A_416 : vector<16xf32>
            %le3A_544 = arith.constant 15 : i32
            %le3A_545 = arith.cmpi sle, %squeeze3A_430, %le3A_544 : i32
            %select_n3A_546 = arith.select %le3A_545, %mul3A_412, %broadcast_in_dim3A_416 : vector<16xf32>
            %max3A_547 = arith.maximumf %select_n3A_501, %select_n3A_504 : vector<16xf32>
            %max3A_548 = arith.maximumf %select_n3A_507, %select_n3A_510 : vector<16xf32>
            %max3A_549 = arith.maximumf %select_n3A_513, %select_n3A_516 : vector<16xf32>
            %max3A_550 = arith.maximumf %select_n3A_519, %select_n3A_522 : vector<16xf32>
            %max3A_551 = arith.maximumf %select_n3A_525, %select_n3A_528 : vector<16xf32>
            %max3A_552 = arith.maximumf %select_n3A_531, %select_n3A_534 : vector<16xf32>
            %max3A_553 = arith.maximumf %select_n3A_537, %select_n3A_540 : vector<16xf32>
            %max3A_554 = arith.maximumf %select_n3A_543, %select_n3A_546 : vector<16xf32>
            %max3A_555 = arith.maximumf %max3A_547, %max3A_548 : vector<16xf32>
            %max3A_556 = arith.maximumf %max3A_549, %max3A_550 : vector<16xf32>
            %max3A_557 = arith.maximumf %max3A_551, %max3A_552 : vector<16xf32>
            %max3A_558 = arith.maximumf %max3A_553, %max3A_554 : vector<16xf32>
            %max3A_559 = arith.maximumf %max3A_555, %max3A_556 : vector<16xf32>
            %max3A_560 = arith.maximumf %max3A_557, %max3A_558 : vector<16xf32>
            %max3A_561 = arith.maximumf %max3A_559, %max3A_560 : vector<16xf32>
            %sub3A_562 = arith.subi %squeeze3A_414, %mul3A_26 : i32
            %min3A_563 = arith.constant 3200 : i32
            %min3A_564 = arith.minsi %sub3A_562, %min3A_563 : i32
            %mul3A_565 = arith.constant 16 : i32
            %mul3A_566 = arith.muli %min3A_564, %mul3A_565 : i32
            %swap3A_567 = arith.index_cast %mul3A_566 : i32 to index
            %swap3A_568 = tpu.vector_load %arg10[%swap3A_567] {strides = array<i32>} : memref<51456xf32, #tpu.memory_space<vmem>>, vector<16xf32>,
            tpu.vector_store %arg10[%swap3A_567], %max3A_561 {strides = array<i32>} : memref<51456xf32, #tpu.memory_space<vmem>>, vector<16xf32>,
            scf.yield %squeeze3A_414, %max3A_561 : i32, vector<16xf32>
          } else {
            %slice3A_429 = vector.extract_strided_slice %gather3A_105 {offsets = [0], sizes = [1], strides = [1]} : vector<16xi32> to vector<1xi32>
            %squeeze3A_430 = vector.extract %slice3A_429[0] : i32 from vector<1xi32>
            %eq3A_431 = arith.cmpi eq, %squeeze3A_430, %scan3A_94 : i32
            %select_n3A_432 = arith.select %eq3A_431, %scan3A_95, %broadcast_in_dim3A_416 : vector<16xf32>
            %max3A = arith.maximumf %select_n3A_432, %mul3A_142 : vector<16xf32>
            %sub3A_433 = arith.subi %squeeze3A_430, %mul3A_26 : i32
            %min3A = arith.constant 3200 : i32
            %min3A_434 = arith.minsi %sub3A_433, %min3A : i32
            %mul3A_435 = arith.constant 16 : i32
            %mul3A_436 = arith.muli %min3A_434, %mul3A_435 : i32
            %swap3A_437 = arith.index_cast %mul3A_436 : i32 to index
            %swap3A_438 = tpu.vector_load %arg10[%swap3A_437] {strides = array<i32>} : memref<51456xf32, #tpu.memory_space<vmem>>, vector<16xf32>,
            tpu.vector_store %arg10[%swap3A_437], %max3A {strides = array<i32>} : memref<51456xf32, #tpu.memory_space<vmem>>, vector<16xf32>,
            %slice3A_439 = vector.extract_strided_slice %gather3A_105 {offsets = [1], sizes = [1], strides = [1]} : vector<16xi32> to vector<1xi32>
            %squeeze3A_440 = vector.extract %slice3A_439[0] : i32 from vector<1xi32>
            %eq3A_441 = arith.cmpi eq, %squeeze3A_440, %squeeze3A_430 : i32
            %select_n3A_442 = arith.select %eq3A_441, %max3A, %broadcast_in_dim3A_416 : vector<16xf32>
            %max3A_443 = arith.maximumf %select_n3A_442, %mul3A_160 : vector<16xf32>
            %sub3A_444 = arith.subi %squeeze3A_440, %mul3A_26 : i32
            %min3A_445 = arith.constant 3200 : i32
            %min3A_446 = arith.minsi %sub3A_444, %min3A_445 : i32
            %mul3A_447 = arith.constant 16 : i32
            %mul3A_448 = arith.muli %min3A_446, %mul3A_447 : i32
            %swap3A_449 = arith.index_cast %mul3A_448 : i32 to index
            %swap3A_450 = tpu.vector_load %arg10[%swap3A_449] {strides = array<i32>} : memref<51456xf32, #tpu.memory_space<vmem>>, vector<16xf32>,
            tpu.vector_store %arg10[%swap3A_449], %max3A_443 {strides = array<i32>} : memref<51456xf32, #tpu.memory_space<vmem>>, vector<16xf32>,
            %slice3A_451 = vector.extract_strided_slice %gather3A_105 {offsets = [2], sizes = [1], strides = [1]} : vector<16xi32> to vector<1xi32>
            %squeeze3A_452 = vector.extract %slice3A_451[0] : i32 from vector<1xi32>
            %eq3A_453 = arith.cmpi eq, %squeeze3A_452, %squeeze3A_440 : i32
            %select_n3A_454 = arith.select %eq3A_453, %max3A_443, %broadcast_in_dim3A_416 : vector<16xf32>
            %max3A_455 = arith.maximumf %select_n3A_454, %mul3A_178 : vector<16xf32>
            %sub3A_456 = arith.subi %squeeze3A_452, %mul3A_26 : i32
            %min3A_457 = arith.constant 3200 : i32
            %min3A_458 = arith.minsi %sub3A_456, %min3A_457 : i32
            %mul3A_459 = arith.constant 16 : i32
            %mul3A_460 = arith.muli %min3A_458, %mul3A_459 : i32
            %swap3A_461 = arith.index_cast %mul3A_460 : i32 to index
            %swap3A_462 = tpu.vector_load %arg10[%swap3A_461] {strides = array<i32>} : memref<51456xf32, #tpu.memory_space<vmem>>, vector<16xf32>,
            tpu.vector_store %arg10[%swap3A_461], %max3A_455 {strides = array<i32>} : memref<51456xf32, #tpu.memory_space<vmem>>, vector<16xf32>,
            %slice3A_463 = vector.extract_strided_slice %gather3A_105 {offsets = [3], sizes = [1], strides = [1]} : vector<16xi32> to vector<1xi32>
            %squeeze3A_464 = vector.extract %slice3A_463[0] : i32 from vector<1xi32>
            %eq3A_465 = arith.cmpi eq, %squeeze3A_464, %squeeze3A_452 : i32
            %select_n3A_466 = arith.select %eq3A_465, %max3A_455, %broadcast_in_dim3A_416 : vector<16xf32>
            %max3A_467 = arith.maximumf %select_n3A_466, %mul3A_196 : vector<16xf32>
            %sub3A_468 = arith.subi %squeeze3A_464, %mul3A_26 : i32
            %min3A_469 = arith.constant 3200 : i32
            %min3A_470 = arith.minsi %sub3A_468, %min3A_469 : i32
            %mul3A_471 = arith.constant 16 : i32
            %mul3A_472 = arith.muli %min3A_470, %mul3A_471 : i32
            %swap3A_473 = arith.index_cast %mul3A_472 : i32 to index
            %swap3A_474 = tpu.vector_load %arg10[%swap3A_473] {strides = array<i32>} : memref<51456xf32, #tpu.memory_space<vmem>>, vector<16xf32>,
            tpu.vector_store %arg10[%swap3A_473], %max3A_467 {strides = array<i32>} : memref<51456xf32, #tpu.memory_space<vmem>>, vector<16xf32>,
            %slice3A_475 = vector.extract_strided_slice %gather3A_105 {offsets = [4], sizes = [1], strides = [1]} : vector<16xi32> to vector<1xi32>
            %squeeze3A_476 = vector.extract %slice3A_475[0] : i32 from vector<1xi32>
            %eq3A_477 = arith.cmpi eq, %squeeze3A_476, %squeeze3A_464 : i32
            %select_n3A_478 = arith.select %eq3A_477, %max3A_467, %broadcast_in_dim3A_416 : vector<16xf32>
            %max3A_479 = arith.maximumf %select_n3A_478, %mul3A_214 : vector<16xf32>
            %sub3A_480 = arith.subi %squeeze3A_476, %mul3A_26 : i32
            %min3A_481 = arith.constant 3200 : i32
            %min3A_482 = arith.minsi %sub3A_480, %min3A_481 : i32
            %mul3A_483 = arith.constant 16 : i32
            %mul3A_484 = arith.muli %min3A_482, %mul3A_483 : i32
            %swap3A_485 = arith.index_cast %mul3A_484 : i32 to index
            %swap3A_486 = tpu.vector_load %arg10[%swap3A_485] {strides = array<i32>} : memref<51456xf32, #tpu.memory_space<vmem>>, vector<16xf32>,
            tpu.vector_store %arg10[%swap3A_485], %max3A_479 {strides = array<i32>} : memref<51456xf32, #tpu.memory_space<vmem>>, vector<16xf32>,
            %slice3A_487 = vector.extract_strided_slice %gather3A_105 {offsets = [5], sizes = [1], strides = [1]} : vector<16xi32> to vector<1xi32>
            %squeeze3A_488 = vector.extract %slice3A_487[0] : i32 from vector<1xi32>
            %eq3A_489 = arith.cmpi eq, %squeeze3A_488, %squeeze3A_476 : i32
            %select_n3A_490 = arith.select %eq3A_489, %max3A_479, %broadcast_in_dim3A_416 : vector<16xf32>
            %max3A_491 = arith.maximumf %select_n3A_490, %mul3A_232 : vector<16xf32>
            %sub3A_492 = arith.subi %squeeze3A_488, %mul3A_26 : i32
            %min3A_493 = arith.constant 3200 : i32
            %min3A_494 = arith.minsi %sub3A_492, %min3A_493 : i32
            %mul3A_495 = arith.constant 16 : i32
            %mul3A_496 = arith.muli %min3A_494, %mul3A_495 : i32
            %swap3A_497 = arith.index_cast %mul3A_496 : i32 to index
            %swap3A_498 = tpu.vector_load %arg10[%swap3A_497] {strides = array<i32>} : memref<51456xf32, #tpu.memory_space<vmem>>, vector<16xf32>,
            tpu.vector_store %arg10[%swap3A_497], %max3A_491 {strides = array<i32>} : memref<51456xf32, #tpu.memory_space<vmem>>, vector<16xf32>,
            %slice3A_499 = vector.extract_strided_slice %gather3A_105 {offsets = [6], sizes = [1], strides = [1]} : vector<16xi32> to vector<1xi32>
            %squeeze3A_500 = vector.extract %slice3A_499[0] : i32 from vector<1xi32>
            %eq3A_501 = arith.cmpi eq, %squeeze3A_500, %squeeze3A_488 : i32
            %select_n3A_502 = arith.select %eq3A_501, %max3A_491, %broadcast_in_dim3A_416 : vector<16xf32>
            %max3A_503 = arith.maximumf %select_n3A_502, %mul3A_250 : vector<16xf32>
            %sub3A_504 = arith.subi %squeeze3A_500, %mul3A_26 : i32
            %min3A_505 = arith.constant 3200 : i32
            %min3A_506 = arith.minsi %sub3A_504, %min3A_505 : i32
            %mul3A_507 = arith.constant 16 : i32
            %mul3A_508 = arith.muli %min3A_506, %mul3A_507 : i32
            %swap3A_509 = arith.index_cast %mul3A_508 : i32 to index
            %swap3A_510 = tpu.vector_load %arg10[%swap3A_509] {strides = array<i32>} : memref<51456xf32, #tpu.memory_space<vmem>>, vector<16xf32>,
            tpu.vector_store %arg10[%swap3A_509], %max3A_503 {strides = array<i32>} : memref<51456xf32, #tpu.memory_space<vmem>>, vector<16xf32>,
            %slice3A_511 = vector.extract_strided_slice %gather3A_105 {offsets = [7], sizes = [1], strides = [1]} : vector<16xi32> to vector<1xi32>
            %squeeze3A_512 = vector.extract %slice3A_511[0] : i32 from vector<1xi32>
            %eq3A_513 = arith.cmpi eq, %squeeze3A_512, %squeeze3A_500 : i32
            %select_n3A_514 = arith.select %eq3A_513, %max3A_503, %broadcast_in_dim3A_416 : vector<16xf32>
            %max3A_515 = arith.maximumf %select_n3A_514, %mul3A_268 : vector<16xf32>
            %sub3A_516 = arith.subi %squeeze3A_512, %mul3A_26 : i32
            %min3A_517 = arith.constant 3200 : i32
            %min3A_518 = arith.minsi %sub3A_516, %min3A_517 : i32
            %mul3A_519 = arith.constant 16 : i32
            %mul3A_520 = arith.muli %min3A_518, %mul3A_519 : i32
            %swap3A_521 = arith.index_cast %mul3A_520 : i32 to index
            %swap3A_522 = tpu.vector_load %arg10[%swap3A_521] {strides = array<i32>} : memref<51456xf32, #tpu.memory_space<vmem>>, vector<16xf32>,
            tpu.vector_store %arg10[%swap3A_521], %max3A_515 {strides = array<i32>} : memref<51456xf32, #tpu.memory_space<vmem>>, vector<16xf32>,
            %slice3A_523 = vector.extract_strided_slice %gather3A_105 {offsets = [8], sizes = [1], strides = [1]} : vector<16xi32> to vector<1xi32>
            %squeeze3A_524 = vector.extract %slice3A_523[0] : i32 from vector<1xi32>
            %eq3A_525 = arith.cmpi eq, %squeeze3A_524, %squeeze3A_512 : i32
            %select_n3A_526 = arith.select %eq3A_525, %max3A_515, %broadcast_in_dim3A_416 : vector<16xf32>
            %max3A_527 = arith.maximumf %select_n3A_526, %mul3A_286 : vector<16xf32>
            %sub3A_528 = arith.subi %squeeze3A_524, %mul3A_26 : i32
            %min3A_529 = arith.constant 3200 : i32
            %min3A_530 = arith.minsi %sub3A_528, %min3A_529 : i32
            %mul3A_531 = arith.constant 16 : i32
            %mul3A_532 = arith.muli %min3A_530, %mul3A_531 : i32
            %swap3A_533 = arith.index_cast %mul3A_532 : i32 to index
            %swap3A_534 = tpu.vector_load %arg10[%swap3A_533] {strides = array<i32>} : memref<51456xf32, #tpu.memory_space<vmem>>, vector<16xf32>,
            tpu.vector_store %arg10[%swap3A_533], %max3A_527 {strides = array<i32>} : memref<51456xf32, #tpu.memory_space<vmem>>, vector<16xf32>,
            %slice3A_535 = vector.extract_strided_slice %gather3A_105 {offsets = [9], sizes = [1], strides = [1]} : vector<16xi32> to vector<1xi32>
            %squeeze3A_536 = vector.extract %slice3A_535[0] : i32 from vector<1xi32>
            %eq3A_537 = arith.cmpi eq, %squeeze3A_536, %squeeze3A_524 : i32
            %select_n3A_538 = arith.select %eq3A_537, %max3A_527, %broadcast_in_dim3A_416 : vector<16xf32>
            %max3A_539 = arith.maximumf %select_n3A_538, %mul3A_304 : vector<16xf32>
            %sub3A_540 = arith.subi %squeeze3A_536, %mul3A_26 : i32
            %min3A_541 = arith.constant 3200 : i32
            %min3A_542 = arith.minsi %sub3A_540, %min3A_541 : i32
            %mul3A_543 = arith.constant 16 : i32
            %mul3A_544 = arith.muli %min3A_542, %mul3A_543 : i32
            %swap3A_545 = arith.index_cast %mul3A_544 : i32 to index
            %swap3A_546 = tpu.vector_load %arg10[%swap3A_545] {strides = array<i32>} : memref<51456xf32, #tpu.memory_space<vmem>>, vector<16xf32>,
            tpu.vector_store %arg10[%swap3A_545], %max3A_539 {strides = array<i32>} : memref<51456xf32, #tpu.memory_space<vmem>>, vector<16xf32>,
            %slice3A_547 = vector.extract_strided_slice %gather3A_105 {offsets = [10], sizes = [1], strides = [1]} : vector<16xi32> to vector<1xi32>
            %squeeze3A_548 = vector.extract %slice3A_547[0] : i32 from vector<1xi32>
            %eq3A_549 = arith.cmpi eq, %squeeze3A_548, %squeeze3A_536 : i32
            %select_n3A_550 = arith.select %eq3A_549, %max3A_539, %broadcast_in_dim3A_416 : vector<16xf32>
            %max3A_551 = arith.maximumf %select_n3A_550, %mul3A_322 : vector<16xf32>
            %sub3A_552 = arith.subi %squeeze3A_548, %mul3A_26 : i32
            %min3A_553 = arith.constant 3200 : i32
            %min3A_554 = arith.minsi %sub3A_552, %min3A_553 : i32
            %mul3A_555 = arith.constant 16 : i32
            %mul3A_556 = arith.muli %min3A_554, %mul3A_555 : i32
            %swap3A_557 = arith.index_cast %mul3A_556 : i32 to index
            %swap3A_558 = tpu.vector_load %arg10[%swap3A_557] {strides = array<i32>} : memref<51456xf32, #tpu.memory_space<vmem>>, vector<16xf32>,
            tpu.vector_store %arg10[%swap3A_557], %max3A_551 {strides = array<i32>} : memref<51456xf32, #tpu.memory_space<vmem>>, vector<16xf32>,
            %slice3A_559 = vector.extract_strided_slice %gather3A_105 {offsets = [11], sizes = [1], strides = [1]} : vector<16xi32> to vector<1xi32>
            %squeeze3A_560 = vector.extract %slice3A_559[0] : i32 from vector<1xi32>
            %eq3A_561 = arith.cmpi eq, %squeeze3A_560, %squeeze3A_548 : i32
            %select_n3A_562 = arith.select %eq3A_561, %max3A_551, %broadcast_in_dim3A_416 : vector<16xf32>
            %max3A_563 = arith.maximumf %select_n3A_562, %mul3A_340 : vector<16xf32>
            %sub3A_564 = arith.subi %squeeze3A_560, %mul3A_26 : i32
            %min3A_565 = arith.constant 3200 : i32
            %min3A_566 = arith.minsi %sub3A_564, %min3A_565 : i32
            %mul3A_567 = arith.constant 16 : i32
            %mul3A_568 = arith.muli %min3A_566, %mul3A_567 : i32
            %swap3A_569 = arith.index_cast %mul3A_568 : i32 to index
            %swap3A_570 = tpu.vector_load %arg10[%swap3A_569] {strides = array<i32>} : memref<51456xf32, #tpu.memory_space<vmem>>, vector<16xf32>,
            tpu.vector_store %arg10[%swap3A_569], %max3A_563 {strides = array<i32>} : memref<51456xf32, #tpu.memory_space<vmem>>, vector<16xf32>,
            %slice3A_571 = vector.extract_strided_slice %gather3A_105 {offsets = [12], sizes = [1], strides = [1]} : vector<16xi32> to vector<1xi32>
            %squeeze3A_572 = vector.extract %slice3A_571[0] : i32 from vector<1xi32>
            %eq3A_573 = arith.cmpi eq, %squeeze3A_572, %squeeze3A_560 : i32
            %select_n3A_574 = arith.select %eq3A_573, %max3A_563, %broadcast_in_dim3A_416 : vector<16xf32>
            %max3A_575 = arith.maximumf %select_n3A_574, %mul3A_358 : vector<16xf32>
            %sub3A_576 = arith.subi %squeeze3A_572, %mul3A_26 : i32
            %min3A_577 = arith.constant 3200 : i32
            %min3A_578 = arith.minsi %sub3A_576, %min3A_577 : i32
            %mul3A_579 = arith.constant 16 : i32
            %mul3A_580 = arith.muli %min3A_578, %mul3A_579 : i32
            %swap3A_581 = arith.index_cast %mul3A_580 : i32 to index
            %swap3A_582 = tpu.vector_load %arg10[%swap3A_581] {strides = array<i32>} : memref<51456xf32, #tpu.memory_space<vmem>>, vector<16xf32>,
            tpu.vector_store %arg10[%swap3A_581], %max3A_575 {strides = array<i32>} : memref<51456xf32, #tpu.memory_space<vmem>>, vector<16xf32>,
            %slice3A_583 = vector.extract_strided_slice %gather3A_105 {offsets = [13], sizes = [1], strides = [1]} : vector<16xi32> to vector<1xi32>
            %squeeze3A_584 = vector.extract %slice3A_583[0] : i32 from vector<1xi32>
            %eq3A_585 = arith.cmpi eq, %squeeze3A_584, %squeeze3A_572 : i32
            %select_n3A_586 = arith.select %eq3A_585, %max3A_575, %broadcast_in_dim3A_416 : vector<16xf32>
            %max3A_587 = arith.maximumf %select_n3A_586, %mul3A_376 : vector<16xf32>
            %sub3A_588 = arith.subi %squeeze3A_584, %mul3A_26 : i32
            %min3A_589 = arith.constant 3200 : i32
            %min3A_590 = arith.minsi %sub3A_588, %min3A_589 : i32
            %mul3A_591 = arith.constant 16 : i32
            %mul3A_592 = arith.muli %min3A_590, %mul3A_591 : i32
            %swap3A_593 = arith.index_cast %mul3A_592 : i32 to index
            %swap3A_594 = tpu.vector_load %arg10[%swap3A_593] {strides = array<i32>} : memref<51456xf32, #tpu.memory_space<vmem>>, vector<16xf32>,
            tpu.vector_store %arg10[%swap3A_593], %max3A_587 {strides = array<i32>} : memref<51456xf32, #tpu.memory_space<vmem>>, vector<16xf32>,
            %slice3A_595 = vector.extract_strided_slice %gather3A_105 {offsets = [14], sizes = [1], strides = [1]} : vector<16xi32> to vector<1xi32>
            %squeeze3A_596 = vector.extract %slice3A_595[0] : i32 from vector<1xi32>
            %eq3A_597 = arith.cmpi eq, %squeeze3A_596, %squeeze3A_584 : i32
            %select_n3A_598 = arith.select %eq3A_597, %max3A_587, %broadcast_in_dim3A_416 : vector<16xf32>
            %max3A_599 = arith.maximumf %select_n3A_598, %mul3A_394 : vector<16xf32>
            %sub3A_600 = arith.subi %squeeze3A_596, %mul3A_26 : i32
            %min3A_601 = arith.constant 3200 : i32
            %min3A_602 = arith.minsi %sub3A_600, %min3A_601 : i32
            %mul3A_603 = arith.constant 16 : i32
            %mul3A_604 = arith.muli %min3A_602, %mul3A_603 : i32
            %swap3A_605 = arith.index_cast %mul3A_604 : i32 to index
            %swap3A_606 = tpu.vector_load %arg10[%swap3A_605] {strides = array<i32>} : memref<51456xf32, #tpu.memory_space<vmem>>, vector<16xf32>,
            tpu.vector_store %arg10[%swap3A_605], %max3A_599 {strides = array<i32>} : memref<51456xf32, #tpu.memory_space<vmem>>, vector<16xf32>,
            %slice3A_607 = vector.extract_strided_slice %gather3A_105 {offsets = [15], sizes = [1], strides = [1]} : vector<16xi32> to vector<1xi32>
            %squeeze3A_608 = vector.extract %slice3A_607[0] : i32 from vector<1xi32>
            %eq3A_609 = arith.cmpi eq, %squeeze3A_608, %squeeze3A_596 : i32
            %select_n3A_610 = arith.select %eq3A_609, %max3A_599, %broadcast_in_dim3A_416 : vector<16xf32>
            %max3A_611 = arith.maximumf %select_n3A_610, %mul3A_412 : vector<16xf32>
            %sub3A_612 = arith.subi %squeeze3A_608, %mul3A_26 : i32
            %min3A_613 = arith.constant 3200 : i32
            %min3A_614 = arith.minsi %sub3A_612, %min3A_613 : i32
            %mul3A_615 = arith.constant 16 : i32
            %mul3A_616 = arith.muli %min3A_614, %mul3A_615 : i32
            %swap3A_617 = arith.index_cast %mul3A_616 : i32 to index
            %swap3A_618 = tpu.vector_load %arg10[%swap3A_617] {strides = array<i32>} : memref<51456xf32, #tpu.memory_space<vmem>>, vector<16xf32>,
            tpu.vector_store %arg10[%swap3A_617], %max3A_611 {strides = array<i32>} : memref<51456xf32, #tpu.memory_space<vmem>>, vector<16xf32>,
            scf.yield %squeeze3A_608, %max3A_611 : i32, vector<16xf32>
          }
          scf.yield %cond3A_428#0, %cond3A_428#1 : i32, vector<16xf32>
        }
        scf.yield %cond3A_422#0, %cond3A_422#1 : i32, vector<16xf32>
      }
      %scan3A_92 = arith.constant 25 : i32
      scf.yield %scan3A_91#0, %scan3A_91#1 : i32, vector<16xf32>
    }
    %scan3A_48 = arith.constant 0 : i32
    %scan3A_49 = arith.constant 0 : i32
    %scan3A_50 = arith.constant 1600 : i32
    %scan3A_51 = arith.addi %scan3A_49, %scan3A_50 : i32
    %scan3A_52 = arith.constant 1 : i32
    scf.for %scan3A_56 = %scan3A_49 to %scan3A_51 step %scan3A_52  : i32 {
      %mul3A_57 = arith.constant 16 : i32
      %mul3A_58 = arith.muli %scan3A_56, %mul3A_57 : i32
      %get3A = arith.index_cast %mul3A_58 : i32 to index
      %get3A_59 = tpu.vector_load %arg10[%get3A] {strides = array<i32>} : memref<51456xf32, #tpu.memory_space<vmem>>, vector<16xf32>,
      %ge3A = arith.constant -3.000000e+38 : f32
      %ge3A_60 = vector.broadcast %ge3A : f32 to vector<16xf32>
      %ge3A_61 = arith.cmpf oge, %get3A_59, %ge3A_60 : vector<16xf32>
      %le3A = arith.constant 3.000000e+38 : f32
      %le3A_62 = vector.broadcast %le3A : f32 to vector<16xf32>
      %le3A_63 = arith.cmpf ole, %get3A_59, %le3A_62 : vector<16xf32>
      %and3A_64 = arith.andi %ge3A_61, %le3A_63 : vector<16xi1>
      %jit3A_65 = arith.constant 0.000000e+00 : f32
      %broadcast_in_dim3A_66 = vector.broadcast %jit3A_65 : f32 to vector<16xf32>
      %select_n3A_67 = arith.select %and3A_64, %get3A_59, %broadcast_in_dim3A_66 : vector<16xi1>, vector<16xf32>
      %mul3A_68 = arith.constant 16 : i32
      %mul3A_69 = arith.muli %scan3A_56, %mul3A_68 : i32
      %swap3A = arith.index_cast %mul3A_69 : i32 to index
      %swap3A_70 = tpu.vector_load %arg10[%swap3A] {strides = array<i32>} : memref<51456xf32, #tpu.memory_space<vmem>>, vector<16xf32>,
      tpu.vector_store %arg10[%swap3A], %select_n3A_67 {strides = array<i32>} : memref<51456xf32, #tpu.memory_space<vmem>>, vector<16xf32>,
    }
    %scan3A_53 = arith.constant 1600 : i32
    %mul3A_54 = arith.constant 16 : i32
    %mul3A_55 = arith.muli %mul3A_26, %mul3A_54 : i32
    "tpu.region"() ({
      %run_scoped3A = tpu.sem_alloc : memref<!tpu.dma_semaphore, #tpu.memory_space<semaphore_mem>>
      %dma_start3A = arith.constant 0 : i32
      %dma_start3A_56 = tpu.memref_slice %arg10[%dma_start3A] : memref<51456xf32, #tpu.memory_space<vmem>> -> memref<25600xf32, #tpu.memory_space<vmem>>
      %dma_start3A_57 = tpu.memref_slice %arg6[%mul3A_55] : memref<819200xf32, #tpu.memory_space<hbm>> -> memref<25600xf32, #tpu.memory_space<hbm>>
      %dma_start3A_58 = tpu.memref_slice %arg6[%mul3A_55] : memref<819200xf32, #tpu.memory_space<hbm>> -> memref<25600xf32, #tpu.memory_space<hbm>>
      %dma_start3A_59 = arith.constant 0 : i32
      %dma_start3A_60 = tpu.memref_slice %arg10[%dma_start3A_59] : memref<51456xf32, #tpu.memory_space<vmem>> -> memref<25600xf32, #tpu.memory_space<vmem>>
      tpu.enqueue_dma source(%dma_start3A_60 : memref<25600xf32, #tpu.memory_space<vmem>>) target(%dma_start3A_58 : memref<25600xf32, #tpu.memory_space<hbm>>) target_semaphore(%run_scoped3A : memref<!tpu.dma_semaphore, #tpu.memory_space<semaphore_mem>>)
      %dma_wait3A = arith.constant 0 : i32
      %dma_wait3A_61 = tpu.memref_slice %arg10[%dma_wait3A] : memref<51456xf32, #tpu.memory_space<vmem>> -> memref<25600xf32, #tpu.memory_space<vmem>>
      %dma_wait3A_62 = tpu.memref_slice %arg6[%mul3A_55] : memref<819200xf32, #tpu.memory_space<hbm>> -> memref<25600xf32, #tpu.memory_space<hbm>>
      %dma_wait3A_63 = tpu.memref_slice %arg6[%mul3A_55] : memref<819200xf32, #tpu.memory_space<hbm>> -> memref<25600xf32, #tpu.memory_space<hbm>>
      %dma_wait3A_64 = arith.constant 0 : i32
      %dma_wait3A_65 = tpu.memref_slice %arg10[%dma_wait3A_64] : memref<51456xf32, #tpu.memory_space<vmem>> -> memref<25600xf32, #tpu.memory_space<vmem>>
      tpu.wait_dma2 semaphore(%run_scoped3A : memref<!tpu.dma_semaphore, #tpu.memory_space<semaphore_mem>>) src(%dma_wait3A_65 : memref<25600xf32, #tpu.memory_space<vmem>>) dst(%dma_wait3A_63 : memref<25600xf32, #tpu.memory_space<hbm>>)
      tpu.yield
    }) : () -> ()
    return
  }
}

#map = affine_map<(d0, d1) -> (0, 0)>
#map1 = affine_map<(d0, d1) -> (0)>
module attributes {stable_mosaic.version = 14 : i64} {
  func.func @_c2_conv(%arg0: i32, %arg1: i32, %arg2: memref<1600400x16xi32, #tpu.memory_space<hbm>>, %arg3: memref<64xi32, #tpu.memory_space<hbm>>, %arg4: memref<1024xf32, #tpu.memory_space<hbm>>, %arg5: memref<50176x16xf32, #tpu.memory_space<hbm>>, %arg6: memref<819200xf32, #tpu.memory_space<hbm>>, %arg7: memref<1024xf32, #tpu.memory_space<vmem>>, %arg8: memref<800x16xi32, #tpu.memory_space<vmem>>, %arg9: memref<800x16xf32, #tpu.memory_space<vmem>>, %arg10: memref<800xi32, #tpu.memory_space<vmem>>, %arg11: memref<51456xf32, #tpu.memory_space<vmem>>, %arg12: memref<64xi32, #tpu.memory_space<vmem>>, %arg13: memref<416xi32, #tpu.memory_space<vmem>>, %arg14: memref<!tpu.dma_semaphore, #tpu.memory_space<semaphore_mem>>, %arg15: memref<!tpu.dma_semaphore, #tpu.memory_space<semaphore_mem>>, %arg16: memref<!tpu.dma_semaphore, #tpu.memory_space<semaphore_mem>>, %arg17: memref<!tpu.dma_semaphore, #tpu.memory_space<semaphore_mem>>) attributes {dimension_semantics = [#tpu.dimension_semantics<core_parallel>, #tpu.dimension_semantics<subcore_parallel>], iteration_bounds = array<i64: 2, 16>, scalar_prefetch = 0 : i64, scratch_operands = 11 : i64, tpu.core_type = #tpu.core_type<sc_vector_subcore>, window_params = [{transform_indices = #map}, {transform_indices = #map1}, {transform_indices = #map1}, {transform_indices = #map}, {transform_indices = #map1}]} {
    %mul3A = arith.constant 2 : i32
    %mul3A_0 = arith.muli %arg1, %mul3A : i32
    %add3A = arith.addi %mul3A_0, %arg0 : i32
    %iota3A = tpu.iota {dimensions = array<i32: 0>} : vector<16xi32>
    "tpu.region"() ({
      %run_scoped3A = tpu.sem_alloc : memref<!tpu.dma_semaphore, #tpu.memory_space<semaphore_mem>>
      tpu.enqueue_dma source(%arg4 : memref<1024xf32, #tpu.memory_space<hbm>>) target(%arg7 : memref<1024xf32, #tpu.memory_space<vmem>>) target_semaphore(%run_scoped3A : memref<!tpu.dma_semaphore, #tpu.memory_space<semaphore_mem>>)
      tpu.wait_dma2 semaphore(%run_scoped3A : memref<!tpu.dma_semaphore, #tpu.memory_space<semaphore_mem>>) src(%arg4 : memref<1024xf32, #tpu.memory_space<hbm>>) dst(%arg7 : memref<1024xf32, #tpu.memory_space<vmem>>)
      tpu.yield
    }) : () -> ()
    "tpu.region"() ({
      %run_scoped3A = tpu.sem_alloc : memref<!tpu.dma_semaphore, #tpu.memory_space<semaphore_mem>>
      tpu.enqueue_dma source(%arg3 : memref<64xi32, #tpu.memory_space<hbm>>) target(%arg12 : memref<64xi32, #tpu.memory_space<vmem>>) target_semaphore(%run_scoped3A : memref<!tpu.dma_semaphore, #tpu.memory_space<semaphore_mem>>)
      tpu.wait_dma2 semaphore(%run_scoped3A : memref<!tpu.dma_semaphore, #tpu.memory_space<semaphore_mem>>) src(%arg3 : memref<64xi32, #tpu.memory_space<hbm>>) dst(%arg12 : memref<64xi32, #tpu.memory_space<vmem>>)
      tpu.yield
    }) : () -> ()
    %broadcast_in_dim3A = vector.broadcast %add3A : i32 to vector<16xi32>
    %gather3A = tpu.vector_load_idx %arg12[%broadcast_in_dim3A] : memref<64xi32, #tpu.memory_space<vmem>>[vector<16xi32>], vector<16xi32>,
    %slice3A = vector.extract_strided_slice %gather3A {offsets = [0], sizes = [1], strides = [1]} : vector<16xi32> to vector<1xi32>
    %squeeze3A = vector.extract %slice3A[0] : i32 from vector<1xi32>
    %add3A_1 = arith.constant 32 : i32
    %add3A_2 = arith.addi %add3A, %add3A_1 : i32
    %broadcast_in_dim3A_3 = vector.broadcast %add3A_2 : i32 to vector<16xi32>
    %gather3A_4 = tpu.vector_load_idx %arg12[%broadcast_in_dim3A_3] : memref<64xi32, #tpu.memory_space<vmem>>[vector<16xi32>], vector<16xi32>,
    %slice3A_5 = vector.extract_strided_slice %gather3A_4 {offsets = [0], sizes = [1], strides = [1]} : vector<16xi32> to vector<1xi32>
    %squeeze3A_6 = vector.extract %slice3A_5[0] : i32 from vector<1xi32>
    %add3A_7 = arith.constant 399 : i32
    %add3A_8 = arith.addi %squeeze3A_6, %add3A_7 : i32
    %jit3A = arith.constant 400 : i32
    %div3A = arith.divsi %add3A_8, %jit3A : i32
    %sign3A = arith.constant 0 : i32
    %sign3A_9 = arith.cmpi sgt, %add3A_8, %sign3A : i32
    %sign3A_10 = arith.extui %sign3A_9 : i1 to i32
    %sign3A_11 = arith.constant 0 : i32
    %sign3A_12 = arith.cmpi slt, %add3A_8, %sign3A_11 : i32
    %sign3A_13 = arith.extui %sign3A_12 : i1 to i32
    %sign3A_14 = arith.subi %sign3A_10, %sign3A_13 : i32
    %sign3A_15 = arith.constant 0 : i32
    %sign3A_16 = arith.cmpi sgt, %jit3A, %sign3A_15 : i32
    %sign3A_17 = arith.extui %sign3A_16 : i1 to i32
    %sign3A_18 = arith.constant 0 : i32
    %sign3A_19 = arith.cmpi slt, %jit3A, %sign3A_18 : i32
    %sign3A_20 = arith.extui %sign3A_19 : i1 to i32
    %sign3A_21 = arith.subi %sign3A_17, %sign3A_20 : i32
    %ne3A = arith.cmpi ne, %sign3A_14, %sign3A_21 : i32
    %rem3A = arith.remsi %add3A_8, %jit3A : i32
    %ne3A_22 = arith.constant 0 : i32
    %ne3A_23 = arith.cmpi ne, %rem3A, %ne3A_22 : i32
    %and3A = arith.andi %ne3A, %ne3A_23 : i1
    %sub3A = arith.constant 1 : i32
    %sub3A_24 = arith.subi %div3A, %sub3A : i32
    %select_n3A = arith.select %and3A, %sub3A_24, %div3A : i32
    %mul3A_25 = arith.constant 1600 : i32
    %mul3A_26 = arith.muli %add3A, %mul3A_25 : i32
    %scan3A = arith.constant 0 : i32
    %scan3A_27 = arith.constant 0 : i32
    %scan3A_28 = arith.constant 804 : i32
    %scan3A_29 = arith.addi %scan3A_27, %scan3A_28 : i32
    %scan3A_30 = arith.constant 1 : i32
    scf.for %scan3A_61 = %scan3A_27 to %scan3A_29 step %scan3A_30  : i32 {
      %broadcast_in_dim3A_62 = arith.constant 0.000000e+00 : f32
      %broadcast_in_dim3A_63 = vector.broadcast %broadcast_in_dim3A_62 : f32 to vector<16xf32>
      %mul3A_64 = arith.constant 64 : i32
      %mul3A_65 = arith.muli %scan3A_61, %mul3A_64 : i32
      %swap3A = arith.index_cast %mul3A_65 : i32 to index
      %swap3A_66 = tpu.vector_load %arg11[%swap3A] {strides = array<i32>} : memref<51456xf32, #tpu.memory_space<vmem>>, vector<16xf32>,
      tpu.vector_store %arg11[%swap3A], %broadcast_in_dim3A_63 {strides = array<i32>} : memref<51456xf32, #tpu.memory_space<vmem>>, vector<16xf32>,
      %broadcast_in_dim3A_67 = arith.constant 0.000000e+00 : f32
      %broadcast_in_dim3A_68 = vector.broadcast %broadcast_in_dim3A_67 : f32 to vector<16xf32>
      %mul3A_69 = arith.constant 64 : i32
      %mul3A_70 = arith.muli %scan3A_61, %mul3A_69 : i32
      %add3A_71 = arith.constant 16 : i32
      %add3A_72 = arith.addi %mul3A_70, %add3A_71 : i32
      %swap3A_73 = arith.index_cast %add3A_72 : i32 to index
      %swap3A_74 = tpu.vector_load %arg11[%swap3A_73] {strides = array<i32>} : memref<51456xf32, #tpu.memory_space<vmem>>, vector<16xf32>,
      tpu.vector_store %arg11[%swap3A_73], %broadcast_in_dim3A_68 {strides = array<i32>} : memref<51456xf32, #tpu.memory_space<vmem>>, vector<16xf32>,
      %broadcast_in_dim3A_75 = arith.constant 0.000000e+00 : f32
      %broadcast_in_dim3A_76 = vector.broadcast %broadcast_in_dim3A_75 : f32 to vector<16xf32>
      %mul3A_77 = arith.constant 64 : i32
      %mul3A_78 = arith.muli %scan3A_61, %mul3A_77 : i32
      %add3A_79 = arith.constant 32 : i32
      %add3A_80 = arith.addi %mul3A_78, %add3A_79 : i32
      %swap3A_81 = arith.index_cast %add3A_80 : i32 to index
      %swap3A_82 = tpu.vector_load %arg11[%swap3A_81] {strides = array<i32>} : memref<51456xf32, #tpu.memory_space<vmem>>, vector<16xf32>,
      tpu.vector_store %arg11[%swap3A_81], %broadcast_in_dim3A_76 {strides = array<i32>} : memref<51456xf32, #tpu.memory_space<vmem>>, vector<16xf32>,
      %broadcast_in_dim3A_83 = arith.constant 0.000000e+00 : f32
      %broadcast_in_dim3A_84 = vector.broadcast %broadcast_in_dim3A_83 : f32 to vector<16xf32>
      %mul3A_85 = arith.constant 64 : i32
      %mul3A_86 = arith.muli %scan3A_61, %mul3A_85 : i32
      %add3A_87 = arith.constant 48 : i32
      %add3A_88 = arith.addi %mul3A_86, %add3A_87 : i32
      %swap3A_89 = arith.index_cast %add3A_88 : i32 to index
      %swap3A_90 = tpu.vector_load %arg11[%swap3A_89] {strides = array<i32>} : memref<51456xf32, #tpu.memory_space<vmem>>, vector<16xf32>,
      tpu.vector_store %arg11[%swap3A_89], %broadcast_in_dim3A_84 {strides = array<i32>} : memref<51456xf32, #tpu.memory_space<vmem>>, vector<16xf32>,
    }
    %scan3A_31 = arith.constant 804 : i32
    %gt3A = arith.constant 0 : i32
    %gt3A_32 = arith.cmpi sgt, %select_n3A, %gt3A : i32
    %convert_element_type3A = arith.extui %gt3A_32 : i1 to i32
    %cond3A = arith.constant 0 : i32
    %cond3A_33 = arith.cmpi ne, %convert_element_type3A, %cond3A : i32
    scf.if %cond3A_33 {
      %add3A_61 = arith.constant 0 : i32
      %add3A_62 = arith.addi %squeeze3A, %add3A_61 : i32
      %dma_start3A = arith.constant 0 : i32
      %dma_start3A_63 = arith.constant 0 : i32
      %dma_start3A_64 = tpu.memref_slice %arg8[%dma_start3A, %dma_start3A_63] : memref<800x16xi32, #tpu.memory_space<vmem>> -> memref<400x16xi32, #tpu.memory_space<vmem>>
      %dma_start3A_65 = arith.constant 0 : i32
      %dma_start3A_66 = tpu.memref_slice %arg2[%add3A_62, %dma_start3A_65] : memref<1600400x16xi32, #tpu.memory_space<hbm>> -> memref<400x16xi32, #tpu.memory_space<hbm>>
      %dma_start3A_67 = arith.constant 0 : i32
      %dma_start3A_68 = arith.constant 0 : i32
      %dma_start3A_69 = tpu.memref_slice %arg8[%dma_start3A_67, %dma_start3A_68] : memref<800x16xi32, #tpu.memory_space<vmem>> -> memref<400x16xi32, #tpu.memory_space<vmem>>
      %dma_start3A_70 = arith.constant 0 : i32
      %dma_start3A_71 = tpu.memref_slice %arg2[%add3A_62, %dma_start3A_70] : memref<1600400x16xi32, #tpu.memory_space<hbm>> -> memref<400x16xi32, #tpu.memory_space<hbm>>
      tpu.enqueue_dma source(%dma_start3A_71 : memref<400x16xi32, #tpu.memory_space<hbm>>) target(%dma_start3A_69 : memref<400x16xi32, #tpu.memory_space<vmem>>) target_semaphore(%arg14 : memref<!tpu.dma_semaphore, #tpu.memory_space<semaphore_mem>>)
      %dma_wait3A = arith.constant 0 : i32
      %dma_wait3A_72 = arith.constant 0 : i32
      %dma_wait3A_73 = tpu.memref_slice %arg8[%dma_wait3A, %dma_wait3A_72] : memref<800x16xi32, #tpu.memory_space<vmem>> -> memref<400x16xi32, #tpu.memory_space<vmem>>
      %dma_wait3A_74 = arith.constant 0 : i32
      %dma_wait3A_75 = arith.constant 0 : i32
      %dma_wait3A_76 = tpu.memref_slice %arg2[%dma_wait3A_74, %dma_wait3A_75] : memref<1600400x16xi32, #tpu.memory_space<hbm>> -> memref<400x16xi32, #tpu.memory_space<hbm>>
      %dma_wait3A_77 = arith.constant 0 : i32
      %dma_wait3A_78 = arith.constant 0 : i32
      %dma_wait3A_79 = tpu.memref_slice %arg8[%dma_wait3A_77, %dma_wait3A_78] : memref<800x16xi32, #tpu.memory_space<vmem>> -> memref<400x16xi32, #tpu.memory_space<vmem>>
      %dma_wait3A_80 = arith.constant 0 : i32
      %dma_wait3A_81 = arith.constant 0 : i32
      %dma_wait3A_82 = tpu.memref_slice %arg2[%dma_wait3A_80, %dma_wait3A_81] : memref<1600400x16xi32, #tpu.memory_space<hbm>> -> memref<400x16xi32, #tpu.memory_space<hbm>>
      tpu.wait_dma2 semaphore(%arg14 : memref<!tpu.dma_semaphore, #tpu.memory_space<semaphore_mem>>) src(%dma_wait3A_82 : memref<400x16xi32, #tpu.memory_space<hbm>>) dst(%dma_wait3A_79 : memref<400x16xi32, #tpu.memory_space<vmem>>)
      %scan3A_83 = arith.constant 0 : i32
      %scan3A_84 = arith.constant 0 : i32
      %scan3A_85 = arith.constant 25 : i32
      %scan3A_86 = arith.addi %scan3A_84, %scan3A_85 : i32
      %scan3A_87 = arith.constant 1 : i32
      scf.for %scan3A_97 = %scan3A_84 to %scan3A_86 step %scan3A_87  : i32 {
        %mul3A_98 = arith.constant 16 : i32
        %mul3A_99 = arith.muli %scan3A_97, %mul3A_98 : i32
        %add3A_100 = arith.constant 0 : i32
        %add3A_101 = arith.addi %add3A_100, %mul3A_99 : i32
        %broadcast_in_dim3A_102 = vector.broadcast %add3A_101 : i32 to vector<16xi32>
        %add3A_103 = arith.addi %broadcast_in_dim3A_102, %iota3A : vector<16xi32>
        %broadcast_in_dim3A_104 = arith.constant 0 : i32
        %broadcast_in_dim3A_105 = vector.broadcast %broadcast_in_dim3A_104 : i32 to vector<16xi32>
        %gather3A_106 = tpu.vector_load_idx %arg8[%add3A_103, %broadcast_in_dim3A_105] : memref<800x16xi32, #tpu.memory_space<vmem>>[vector<16xi32>, vector<16xi32>], vector<16xi32>,
        %mul3A_107 = arith.constant 16 : i32
        %mul3A_108 = arith.muli %scan3A_97, %mul3A_107 : i32
        %add3A_109 = arith.constant 0 : i32
        %add3A_110 = arith.addi %add3A_109, %mul3A_108 : i32
        %swap3A = arith.index_cast %add3A_110 : i32 to index
        %swap3A_111 = tpu.vector_load %arg10[%swap3A] {strides = array<i32>} : memref<800xi32, #tpu.memory_space<vmem>>, vector<16xi32>,
        tpu.vector_store %arg10[%swap3A], %gather3A_106 {strides = array<i32>} : memref<800xi32, #tpu.memory_space<vmem>>, vector<16xi32>,
      }
      %scan3A_88 = arith.constant 25 : i32
      %dma_start3A_89 = arith.constant 0 : i32
      %dma_start3A_90 = arith.constant 0 : i32
      %dma_start3A_91 = tpu.memref_slice %arg9[%dma_start3A_89, %dma_start3A_90] : memref<800x16xf32, #tpu.memory_space<vmem>> -> memref<400x16xf32, #tpu.memory_space<vmem>>
      %dma_start3A_92 = arith.constant 0 : i32
      %dma_start3A_93 = tpu.memref_slice %arg10[%dma_start3A_92] : memref<800xi32, #tpu.memory_space<vmem>> -> memref<400xi32, #tpu.memory_space<vmem>>
      %dma_start3A_94 = arith.constant 0 : i32
      %dma_start3A_95 = arith.constant 0 : i32
      %dma_start3A_96 = tpu.memref_slice %arg5[%dma_start3A_94, %dma_start3A_95] : memref<50176x16xf32, #tpu.memory_space<hbm>> -> memref<50176x16xf32, #tpu.memory_space<hbm>>
      tpu.enqueue_indirect_dma source(%dma_start3A_96 : memref<50176x16xf32, #tpu.memory_space<hbm>>) target(%dma_start3A_91 : memref<400x16xf32, #tpu.memory_space<vmem>>) offsets(%dma_start3A_93 : memref<400xi32, #tpu.memory_space<vmem>>) semaphore(%arg16 : memref<!tpu.dma_semaphore, #tpu.memory_space<semaphore_mem>>)
    } else {
    }
    %gt3A_34 = arith.constant 1 : i32
    %gt3A_35 = arith.cmpi sgt, %select_n3A, %gt3A_34 : i32
    %convert_element_type3A_36 = arith.extui %gt3A_35 : i1 to i32
    %cond3A_37 = arith.constant 0 : i32
    %cond3A_38 = arith.cmpi ne, %convert_element_type3A_36, %cond3A_37 : i32
    scf.if %cond3A_38 {
      %add3A_61 = arith.constant 400 : i32
      %add3A_62 = arith.addi %squeeze3A, %add3A_61 : i32
      %dma_start3A = arith.constant 400 : i32
      %dma_start3A_63 = arith.constant 0 : i32
      %dma_start3A_64 = tpu.memref_slice %arg8[%dma_start3A, %dma_start3A_63] : memref<800x16xi32, #tpu.memory_space<vmem>> -> memref<400x16xi32, #tpu.memory_space<vmem>>
      %dma_start3A_65 = arith.constant 0 : i32
      %dma_start3A_66 = tpu.memref_slice %arg2[%add3A_62, %dma_start3A_65] : memref<1600400x16xi32, #tpu.memory_space<hbm>> -> memref<400x16xi32, #tpu.memory_space<hbm>>
      %dma_start3A_67 = arith.constant 400 : i32
      %dma_start3A_68 = arith.constant 0 : i32
      %dma_start3A_69 = tpu.memref_slice %arg8[%dma_start3A_67, %dma_start3A_68] : memref<800x16xi32, #tpu.memory_space<vmem>> -> memref<400x16xi32, #tpu.memory_space<vmem>>
      %dma_start3A_70 = arith.constant 0 : i32
      %dma_start3A_71 = tpu.memref_slice %arg2[%add3A_62, %dma_start3A_70] : memref<1600400x16xi32, #tpu.memory_space<hbm>> -> memref<400x16xi32, #tpu.memory_space<hbm>>
      tpu.enqueue_dma source(%dma_start3A_71 : memref<400x16xi32, #tpu.memory_space<hbm>>) target(%dma_start3A_69 : memref<400x16xi32, #tpu.memory_space<vmem>>) target_semaphore(%arg15 : memref<!tpu.dma_semaphore, #tpu.memory_space<semaphore_mem>>)
    } else {
    }
    %add3A_39 = arith.constant 3200 : i32
    %add3A_40 = arith.addi %mul3A_26, %add3A_39 : i32
    %broadcast_in_dim3A_41 = arith.constant 0xFF800000 : f32
    %broadcast_in_dim3A_42 = vector.broadcast %broadcast_in_dim3A_41 : f32 to vector<16xf32>
    %while3A = arith.constant 0 : i32
    %while3A_43 = arith.subi %select_n3A, %while3A : i32
    %while3A_44 = arith.addi %while3A, %while3A_43 : i32
    %while3A_45 = arith.constant 1 : i32
    %while3A_46 = arith.divsi %while3A_43, %while3A_45 : i32
    %while3A_47 = arith.muli %while3A_46, %while3A_45 : i32
    %while3A_48 = arith.addi %while3A, %while3A_47 : i32
    %while3A_49 = arith.constant 1 : i32
    %while3A_50:2 = scf.for %while3A_61 = %while3A to %while3A_48 step %while3A_49 iter_args(%while3A_62 = %add3A_40, %while3A_63 = %broadcast_in_dim3A_42) -> (i32, vector<16xf32>)  : i32 {
      %rem3A_64 = arith.constant 2 : i32
      %rem3A_65 = arith.remsi %while3A_61, %rem3A_64 : i32
      %eq3A = arith.constant 0 : i32
      %eq3A_66 = arith.cmpi eq, %rem3A_65, %eq3A : i32
      %convert_element_type3A_67 = arith.extui %eq3A_66 : i1 to i32
      %cond3A_68 = arith.constant 0 : i32
      %cond3A_69 = arith.cmpi ne, %convert_element_type3A_67, %cond3A_68 : i32
      scf.if %cond3A_69 {
        %dma_wait3A = arith.constant 0 : i32
        %dma_wait3A_116 = arith.constant 0 : i32
        %dma_wait3A_117 = tpu.memref_slice %arg9[%dma_wait3A, %dma_wait3A_116] : memref<800x16xf32, #tpu.memory_space<vmem>> -> memref<400x16xf32, #tpu.memory_space<vmem>>
        %dma_wait3A_118 = arith.constant 0 : i32
        %dma_wait3A_119 = tpu.memref_slice %arg10[%dma_wait3A_118] : memref<800xi32, #tpu.memory_space<vmem>> -> memref<400xi32, #tpu.memory_space<vmem>>
        %dma_wait3A_120 = arith.constant 0 : i32
        %dma_wait3A_121 = arith.constant 0 : i32
        %dma_wait3A_122 = tpu.memref_slice %arg5[%dma_wait3A_120, %dma_wait3A_121] : memref<50176x16xf32, #tpu.memory_space<hbm>> -> memref<50176x16xf32, #tpu.memory_space<hbm>>
        tpu.wait_indirect_dma semaphore(%arg16 : memref<!tpu.dma_semaphore, #tpu.memory_space<semaphore_mem>>) src(%dma_wait3A_122 : memref<50176x16xf32, #tpu.memory_space<hbm>>) dst(%dma_wait3A_117 : memref<400x16xf32, #tpu.memory_space<vmem>>)
      } else {
      }
      %eq3A_70 = arith.constant 1 : i32
      %eq3A_71 = arith.cmpi eq, %rem3A_65, %eq3A_70 : i32
      %convert_element_type3A_72 = arith.extui %eq3A_71 : i1 to i32
      %cond3A_73 = arith.constant 0 : i32
      %cond3A_74 = arith.cmpi ne, %convert_element_type3A_72, %cond3A_73 : i32
      scf.if %cond3A_74 {
        %dma_wait3A = arith.constant 400 : i32
        %dma_wait3A_116 = arith.constant 0 : i32
        %dma_wait3A_117 = tpu.memref_slice %arg9[%dma_wait3A, %dma_wait3A_116] : memref<800x16xf32, #tpu.memory_space<vmem>> -> memref<400x16xf32, #tpu.memory_space<vmem>>
        %dma_wait3A_118 = arith.constant 400 : i32
        %dma_wait3A_119 = tpu.memref_slice %arg10[%dma_wait3A_118] : memref<800xi32, #tpu.memory_space<vmem>> -> memref<400xi32, #tpu.memory_space<vmem>>
        %dma_wait3A_120 = arith.constant 0 : i32
        %dma_wait3A_121 = arith.constant 0 : i32
        %dma_wait3A_122 = tpu.memref_slice %arg5[%dma_wait3A_120, %dma_wait3A_121] : memref<50176x16xf32, #tpu.memory_space<hbm>> -> memref<50176x16xf32, #tpu.memory_space<hbm>>
        tpu.wait_indirect_dma semaphore(%arg17 : memref<!tpu.dma_semaphore, #tpu.memory_space<semaphore_mem>>) src(%dma_wait3A_122 : memref<50176x16xf32, #tpu.memory_space<hbm>>) dst(%dma_wait3A_117 : memref<400x16xf32, #tpu.memory_space<vmem>>)
      } else {
      }
      %add3A_75 = arith.constant 1 : i32
      %add3A_76 = arith.addi %while3A_61, %add3A_75 : i32
      %lt3A = arith.cmpi slt, %add3A_76, %select_n3A : i32
      %eq3A_77 = arith.constant 0 : i32
      %eq3A_78 = arith.cmpi eq, %rem3A_65, %eq3A_77 : i32
      %and3A_79 = arith.andi %lt3A, %eq3A_78 : i1
      %convert_element_type3A_80 = arith.extui %and3A_79 : i1 to i32
      %cond3A_81 = arith.constant 0 : i32
      %cond3A_82 = arith.cmpi ne, %convert_element_type3A_80, %cond3A_81 : i32
      scf.if %cond3A_82 {
        %dma_wait3A = arith.constant 400 : i32
        %dma_wait3A_116 = arith.constant 0 : i32
        %dma_wait3A_117 = tpu.memref_slice %arg8[%dma_wait3A, %dma_wait3A_116] : memref<800x16xi32, #tpu.memory_space<vmem>> -> memref<400x16xi32, #tpu.memory_space<vmem>>
        %dma_wait3A_118 = arith.constant 0 : i32
        %dma_wait3A_119 = arith.constant 0 : i32
        %dma_wait3A_120 = tpu.memref_slice %arg2[%dma_wait3A_118, %dma_wait3A_119] : memref<1600400x16xi32, #tpu.memory_space<hbm>> -> memref<400x16xi32, #tpu.memory_space<hbm>>
        %dma_wait3A_121 = arith.constant 400 : i32
        %dma_wait3A_122 = arith.constant 0 : i32
        %dma_wait3A_123 = tpu.memref_slice %arg8[%dma_wait3A_121, %dma_wait3A_122] : memref<800x16xi32, #tpu.memory_space<vmem>> -> memref<400x16xi32, #tpu.memory_space<vmem>>
        %dma_wait3A_124 = arith.constant 0 : i32
        %dma_wait3A_125 = arith.constant 0 : i32
        %dma_wait3A_126 = tpu.memref_slice %arg2[%dma_wait3A_124, %dma_wait3A_125] : memref<1600400x16xi32, #tpu.memory_space<hbm>> -> memref<400x16xi32, #tpu.memory_space<hbm>>
        tpu.wait_dma2 semaphore(%arg15 : memref<!tpu.dma_semaphore, #tpu.memory_space<semaphore_mem>>) src(%dma_wait3A_126 : memref<400x16xi32, #tpu.memory_space<hbm>>) dst(%dma_wait3A_123 : memref<400x16xi32, #tpu.memory_space<vmem>>)
        %scan3A_127 = arith.constant 0 : i32
        %scan3A_128 = arith.constant 0 : i32
        %scan3A_129 = arith.constant 25 : i32
        %scan3A_130 = arith.addi %scan3A_128, %scan3A_129 : i32
        %scan3A_131 = arith.constant 1 : i32
        scf.for %scan3A_140 = %scan3A_128 to %scan3A_130 step %scan3A_131  : i32 {
          %mul3A_141 = arith.constant 16 : i32
          %mul3A_142 = arith.muli %scan3A_140, %mul3A_141 : i32
          %add3A_143 = arith.constant 400 : i32
          %add3A_144 = arith.addi %add3A_143, %mul3A_142 : i32
          %broadcast_in_dim3A_145 = vector.broadcast %add3A_144 : i32 to vector<16xi32>
          %add3A_146 = arith.addi %broadcast_in_dim3A_145, %iota3A : vector<16xi32>
          %broadcast_in_dim3A_147 = arith.constant 0 : i32
          %broadcast_in_dim3A_148 = vector.broadcast %broadcast_in_dim3A_147 : i32 to vector<16xi32>
          %gather3A_149 = tpu.vector_load_idx %arg8[%add3A_146, %broadcast_in_dim3A_148] : memref<800x16xi32, #tpu.memory_space<vmem>>[vector<16xi32>, vector<16xi32>], vector<16xi32>,
          %mul3A_150 = arith.constant 16 : i32
          %mul3A_151 = arith.muli %scan3A_140, %mul3A_150 : i32
          %add3A_152 = arith.constant 400 : i32
          %add3A_153 = arith.addi %add3A_152, %mul3A_151 : i32
          %swap3A = arith.index_cast %add3A_153 : i32 to index
          %swap3A_154 = tpu.vector_load %arg10[%swap3A] {strides = array<i32>} : memref<800xi32, #tpu.memory_space<vmem>>, vector<16xi32>,
          tpu.vector_store %arg10[%swap3A], %gather3A_149 {strides = array<i32>} : memref<800xi32, #tpu.memory_space<vmem>>, vector<16xi32>,
        }
        %scan3A_132 = arith.constant 25 : i32
        %dma_start3A = arith.constant 400 : i32
        %dma_start3A_133 = arith.constant 0 : i32
        %dma_start3A_134 = tpu.memref_slice %arg9[%dma_start3A, %dma_start3A_133] : memref<800x16xf32, #tpu.memory_space<vmem>> -> memref<400x16xf32, #tpu.memory_space<vmem>>
        %dma_start3A_135 = arith.constant 400 : i32
        %dma_start3A_136 = tpu.memref_slice %arg10[%dma_start3A_135] : memref<800xi32, #tpu.memory_space<vmem>> -> memref<400xi32, #tpu.memory_space<vmem>>
        %dma_start3A_137 = arith.constant 0 : i32
        %dma_start3A_138 = arith.constant 0 : i32
        %dma_start3A_139 = tpu.memref_slice %arg5[%dma_start3A_137, %dma_start3A_138] : memref<50176x16xf32, #tpu.memory_space<hbm>> -> memref<50176x16xf32, #tpu.memory_space<hbm>>
        tpu.enqueue_indirect_dma source(%dma_start3A_139 : memref<50176x16xf32, #tpu.memory_space<hbm>>) target(%dma_start3A_134 : memref<400x16xf32, #tpu.memory_space<vmem>>) offsets(%dma_start3A_136 : memref<400xi32, #tpu.memory_space<vmem>>) semaphore(%arg17 : memref<!tpu.dma_semaphore, #tpu.memory_space<semaphore_mem>>)
      } else {
      }
      %add3A_83 = arith.constant 1 : i32
      %add3A_84 = arith.addi %while3A_61, %add3A_83 : i32
      %lt3A_85 = arith.cmpi slt, %add3A_84, %select_n3A : i32
      %eq3A_86 = arith.constant 1 : i32
      %eq3A_87 = arith.cmpi eq, %rem3A_65, %eq3A_86 : i32
      %and3A_88 = arith.andi %lt3A_85, %eq3A_87 : i1
      %convert_element_type3A_89 = arith.extui %and3A_88 : i1 to i32
      %cond3A_90 = arith.constant 0 : i32
      %cond3A_91 = arith.cmpi ne, %convert_element_type3A_89, %cond3A_90 : i32
      scf.if %cond3A_91 {
        %dma_wait3A = arith.constant 0 : i32
        %dma_wait3A_116 = arith.constant 0 : i32
        %dma_wait3A_117 = tpu.memref_slice %arg8[%dma_wait3A, %dma_wait3A_116] : memref<800x16xi32, #tpu.memory_space<vmem>> -> memref<400x16xi32, #tpu.memory_space<vmem>>
        %dma_wait3A_118 = arith.constant 0 : i32
        %dma_wait3A_119 = arith.constant 0 : i32
        %dma_wait3A_120 = tpu.memref_slice %arg2[%dma_wait3A_118, %dma_wait3A_119] : memref<1600400x16xi32, #tpu.memory_space<hbm>> -> memref<400x16xi32, #tpu.memory_space<hbm>>
        %dma_wait3A_121 = arith.constant 0 : i32
        %dma_wait3A_122 = arith.constant 0 : i32
        %dma_wait3A_123 = tpu.memref_slice %arg8[%dma_wait3A_121, %dma_wait3A_122] : memref<800x16xi32, #tpu.memory_space<vmem>> -> memref<400x16xi32, #tpu.memory_space<vmem>>
        %dma_wait3A_124 = arith.constant 0 : i32
        %dma_wait3A_125 = arith.constant 0 : i32
        %dma_wait3A_126 = tpu.memref_slice %arg2[%dma_wait3A_124, %dma_wait3A_125] : memref<1600400x16xi32, #tpu.memory_space<hbm>> -> memref<400x16xi32, #tpu.memory_space<hbm>>
        tpu.wait_dma2 semaphore(%arg14 : memref<!tpu.dma_semaphore, #tpu.memory_space<semaphore_mem>>) src(%dma_wait3A_126 : memref<400x16xi32, #tpu.memory_space<hbm>>) dst(%dma_wait3A_123 : memref<400x16xi32, #tpu.memory_space<vmem>>)
        %scan3A_127 = arith.constant 0 : i32
        %scan3A_128 = arith.constant 0 : i32
        %scan3A_129 = arith.constant 25 : i32
        %scan3A_130 = arith.addi %scan3A_128, %scan3A_129 : i32
        %scan3A_131 = arith.constant 1 : i32
        scf.for %scan3A_140 = %scan3A_128 to %scan3A_130 step %scan3A_131  : i32 {
          %mul3A_141 = arith.constant 16 : i32
          %mul3A_142 = arith.muli %scan3A_140, %mul3A_141 : i32
          %add3A_143 = arith.constant 0 : i32
          %add3A_144 = arith.addi %add3A_143, %mul3A_142 : i32
          %broadcast_in_dim3A_145 = vector.broadcast %add3A_144 : i32 to vector<16xi32>
          %add3A_146 = arith.addi %broadcast_in_dim3A_145, %iota3A : vector<16xi32>
          %broadcast_in_dim3A_147 = arith.constant 0 : i32
          %broadcast_in_dim3A_148 = vector.broadcast %broadcast_in_dim3A_147 : i32 to vector<16xi32>
          %gather3A_149 = tpu.vector_load_idx %arg8[%add3A_146, %broadcast_in_dim3A_148] : memref<800x16xi32, #tpu.memory_space<vmem>>[vector<16xi32>, vector<16xi32>], vector<16xi32>,
          %mul3A_150 = arith.constant 16 : i32
          %mul3A_151 = arith.muli %scan3A_140, %mul3A_150 : i32
          %add3A_152 = arith.constant 0 : i32
          %add3A_153 = arith.addi %add3A_152, %mul3A_151 : i32
          %swap3A = arith.index_cast %add3A_153 : i32 to index
          %swap3A_154 = tpu.vector_load %arg10[%swap3A] {strides = array<i32>} : memref<800xi32, #tpu.memory_space<vmem>>, vector<16xi32>,
          tpu.vector_store %arg10[%swap3A], %gather3A_149 {strides = array<i32>} : memref<800xi32, #tpu.memory_space<vmem>>, vector<16xi32>,
        }
        %scan3A_132 = arith.constant 25 : i32
        %dma_start3A = arith.constant 0 : i32
        %dma_start3A_133 = arith.constant 0 : i32
        %dma_start3A_134 = tpu.memref_slice %arg9[%dma_start3A, %dma_start3A_133] : memref<800x16xf32, #tpu.memory_space<vmem>> -> memref<400x16xf32, #tpu.memory_space<vmem>>
        %dma_start3A_135 = arith.constant 0 : i32
        %dma_start3A_136 = tpu.memref_slice %arg10[%dma_start3A_135] : memref<800xi32, #tpu.memory_space<vmem>> -> memref<400xi32, #tpu.memory_space<vmem>>
        %dma_start3A_137 = arith.constant 0 : i32
        %dma_start3A_138 = arith.constant 0 : i32
        %dma_start3A_139 = tpu.memref_slice %arg5[%dma_start3A_137, %dma_start3A_138] : memref<50176x16xf32, #tpu.memory_space<hbm>> -> memref<50176x16xf32, #tpu.memory_space<hbm>>
        tpu.enqueue_indirect_dma source(%dma_start3A_139 : memref<50176x16xf32, #tpu.memory_space<hbm>>) target(%dma_start3A_134 : memref<400x16xf32, #tpu.memory_space<vmem>>) offsets(%dma_start3A_136 : memref<400xi32, #tpu.memory_space<vmem>>) semaphore(%arg16 : memref<!tpu.dma_semaphore, #tpu.memory_space<semaphore_mem>>)
      } else {
      }
      %scan3A_92 = arith.constant 0 : i32
      %scan3A_93 = arith.constant 25 : i32
      %scan3A_94 = arith.addi %scan3A_92, %scan3A_93 : i32
      %scan3A_95 = arith.constant 1 : i32
      %scan3A_96:2 = scf.for %scan3A_116 = %scan3A_92 to %scan3A_94 step %scan3A_95 iter_args(%scan3A_117 = %while3A_62, %scan3A_118 = %while3A_63) -> (i32, vector<16xf32>)  : i32 {
        %mul3A_119 = arith.constant 400 : i32
        %mul3A_120 = arith.muli %rem3A_65, %mul3A_119 : i32
        %mul3A_121 = arith.constant 16 : i32
        %mul3A_122 = arith.muli %scan3A_116, %mul3A_121 : i32
        %add3A_123 = arith.addi %mul3A_120, %mul3A_122 : i32
        %broadcast_in_dim3A_124 = vector.broadcast %add3A_123 : i32 to vector<16xi32>
        %add3A_125 = arith.addi %broadcast_in_dim3A_124, %iota3A : vector<16xi32>
        %broadcast_in_dim3A_126 = arith.constant 3 : i32
        %broadcast_in_dim3A_127 = vector.broadcast %broadcast_in_dim3A_126 : i32 to vector<16xi32>
        %gather3A_128 = tpu.vector_load_idx %arg8[%add3A_125, %broadcast_in_dim3A_127] : memref<800x16xi32, #tpu.memory_space<vmem>>[vector<16xi32>, vector<16xi32>], vector<16xi32>,
        %broadcast_in_dim3A_129 = arith.constant 15 : i32
        %broadcast_in_dim3A_130 = vector.broadcast %broadcast_in_dim3A_129 : i32 to vector<16xi32>
        %broadcast_in_dim3A_131 = vector.broadcast %scan3A_117 : i32 to vector<16xi32>
        %eq3A_132 = arith.constant 0 : i32
        %eq3A_133 = vector.broadcast %eq3A_132 : i32 to vector<16xi32>
        %eq3A_134 = arith.cmpi eq, %iota3A, %eq3A_133 : vector<16xi32>
        tpu.vector_store_idx %arg13[%broadcast_in_dim3A_130], %broadcast_in_dim3A_131 masked %eq3A_134 : memref<416xi32, #tpu.memory_space<vmem>>[vector<16xi32>], vector<16xi32>, vector<16xi1>
        %mul3A_135 = arith.constant 16 : i32
        %mul3A_136 = arith.muli %scan3A_116, %mul3A_135 : i32
        %add3A_137 = arith.constant 16 : i32
        %add3A_138 = arith.addi %add3A_137, %mul3A_136 : i32
        %swap3A = arith.index_cast %add3A_138 : i32 to index
        %swap3A_139 = tpu.vector_load %arg13[%swap3A] {strides = array<i32>} : memref<416xi32, #tpu.memory_space<vmem>>, vector<16xi32>,
        tpu.vector_store %arg13[%swap3A], %gather3A_128 {strides = array<i32>} : memref<416xi32, #tpu.memory_space<vmem>>, vector<16xi32>,
        %mul3A_140 = arith.constant 16 : i32
        %mul3A_141 = arith.muli %scan3A_116, %mul3A_140 : i32
        %add3A_142 = arith.constant 15 : i32
        %add3A_143 = arith.addi %add3A_142, %mul3A_141 : i32
        %get3A = arith.index_cast %add3A_143 : i32 to index
        %get3A_144 = tpu.vector_load %arg13[%get3A] {strides = array<i32>} : memref<416xi32, #tpu.memory_space<vmem>>, vector<16xi32>,
        %ne3A_145 = arith.cmpi ne, %gather3A_128, %get3A_144 : vector<16xi32>
        %all_reduce_population_count3A = tpu.all_reduce %ne3A_145 {dim = 0 : i64, kind = #tpu.reduction_kind<sum>} : vector<16xi1> -> vector<16xi32>
        %slice3A_146 = vector.extract_strided_slice %all_reduce_population_count3A {offsets = [0], sizes = [1], strides = [1]} : vector<16xi32> to vector<1xi32>
        %squeeze3A_147 = vector.extract %slice3A_146[0] : i32 from vector<1xi32>
        %add3A_148 = arith.constant 0 : i32
        %add3A_149 = arith.addi %add3A_123, %add3A_148 : i32
        %get3A_150 = arith.index_cast %add3A_149 : i32 to index
        %get3A_151 = arith.constant 0 : index
        %get3A_152 = tpu.vector_load %arg8[%get3A_150, %get3A_151] {strides = array<i32>} : memref<800x16xi32, #tpu.memory_space<vmem>>, vector<16xi32>,
        %add3A_153 = arith.constant 0 : i32
        %add3A_154 = arith.addi %add3A_123, %add3A_153 : i32
        %get3A_155 = arith.index_cast %add3A_154 : i32 to index
        %get3A_156 = arith.constant 0 : index
        %get3A_157 = tpu.vector_load %arg9[%get3A_155, %get3A_156] {strides = array<i32>} : memref<800x16xf32, #tpu.memory_space<vmem>>, vector<16xf32>,
        %slice3A_158 = vector.extract_strided_slice %get3A_152 {offsets = [2], sizes = [1], strides = [1]} : vector<16xi32> to vector<1xi32>
        %squeeze3A_159 = vector.extract %slice3A_158[0] : i32 from vector<1xi32>
        %mul3A_160 = arith.constant 16 : i32
        %mul3A_161 = arith.muli %squeeze3A_159, %mul3A_160 : i32
        %get3A_162 = arith.index_cast %mul3A_161 : i32 to index
        %get3A_163 = tpu.vector_load %arg7[%get3A_162] {strides = array<i32>} : memref<1024xf32, #tpu.memory_space<vmem>>, vector<16xf32>,
        %mul3A_164 = arith.mulf %get3A_157, %get3A_163 : vector<16xf32>
        %add3A_165 = arith.constant 1 : i32
        %add3A_166 = arith.addi %add3A_123, %add3A_165 : i32
        %get3A_167 = arith.index_cast %add3A_166 : i32 to index
        %get3A_168 = arith.constant 0 : index
        %get3A_169 = tpu.vector_load %arg8[%get3A_167, %get3A_168] {strides = array<i32>} : memref<800x16xi32, #tpu.memory_space<vmem>>, vector<16xi32>,
        %add3A_170 = arith.constant 1 : i32
        %add3A_171 = arith.addi %add3A_123, %add3A_170 : i32
        %get3A_172 = arith.index_cast %add3A_171 : i32 to index
        %get3A_173 = arith.constant 0 : index
        %get3A_174 = tpu.vector_load %arg9[%get3A_172, %get3A_173] {strides = array<i32>} : memref<800x16xf32, #tpu.memory_space<vmem>>, vector<16xf32>,
        %slice3A_175 = vector.extract_strided_slice %get3A_169 {offsets = [2], sizes = [1], strides = [1]} : vector<16xi32> to vector<1xi32>
        %squeeze3A_176 = vector.extract %slice3A_175[0] : i32 from vector<1xi32>
        %mul3A_177 = arith.constant 16 : i32
        %mul3A_178 = arith.muli %squeeze3A_176, %mul3A_177 : i32
        %get3A_179 = arith.index_cast %mul3A_178 : i32 to index
        %get3A_180 = tpu.vector_load %arg7[%get3A_179] {strides = array<i32>} : memref<1024xf32, #tpu.memory_space<vmem>>, vector<16xf32>,
        %mul3A_181 = arith.mulf %get3A_174, %get3A_180 : vector<16xf32>
        %add3A_182 = arith.constant 2 : i32
        %add3A_183 = arith.addi %add3A_123, %add3A_182 : i32
        %get3A_184 = arith.index_cast %add3A_183 : i32 to index
        %get3A_185 = arith.constant 0 : index
        %get3A_186 = tpu.vector_load %arg8[%get3A_184, %get3A_185] {strides = array<i32>} : memref<800x16xi32, #tpu.memory_space<vmem>>, vector<16xi32>,
        %add3A_187 = arith.constant 2 : i32
        %add3A_188 = arith.addi %add3A_123, %add3A_187 : i32
        %get3A_189 = arith.index_cast %add3A_188 : i32 to index
        %get3A_190 = arith.constant 0 : index
        %get3A_191 = tpu.vector_load %arg9[%get3A_189, %get3A_190] {strides = array<i32>} : memref<800x16xf32, #tpu.memory_space<vmem>>, vector<16xf32>,
        %slice3A_192 = vector.extract_strided_slice %get3A_186 {offsets = [2], sizes = [1], strides = [1]} : vector<16xi32> to vector<1xi32>
        %squeeze3A_193 = vector.extract %slice3A_192[0] : i32 from vector<1xi32>
        %mul3A_194 = arith.constant 16 : i32
        %mul3A_195 = arith.muli %squeeze3A_193, %mul3A_194 : i32
        %get3A_196 = arith.index_cast %mul3A_195 : i32 to index
        %get3A_197 = tpu.vector_load %arg7[%get3A_196] {strides = array<i32>} : memref<1024xf32, #tpu.memory_space<vmem>>, vector<16xf32>,
        %mul3A_198 = arith.mulf %get3A_191, %get3A_197 : vector<16xf32>
        %add3A_199 = arith.constant 3 : i32
        %add3A_200 = arith.addi %add3A_123, %add3A_199 : i32
        %get3A_201 = arith.index_cast %add3A_200 : i32 to index
        %get3A_202 = arith.constant 0 : index
        %get3A_203 = tpu.vector_load %arg8[%get3A_201, %get3A_202] {strides = array<i32>} : memref<800x16xi32, #tpu.memory_space<vmem>>, vector<16xi32>,
        %add3A_204 = arith.constant 3 : i32
        %add3A_205 = arith.addi %add3A_123, %add3A_204 : i32
        %get3A_206 = arith.index_cast %add3A_205 : i32 to index
        %get3A_207 = arith.constant 0 : index
        %get3A_208 = tpu.vector_load %arg9[%get3A_206, %get3A_207] {strides = array<i32>} : memref<800x16xf32, #tpu.memory_space<vmem>>, vector<16xf32>,
        %slice3A_209 = vector.extract_strided_slice %get3A_203 {offsets = [2], sizes = [1], strides = [1]} : vector<16xi32> to vector<1xi32>
        %squeeze3A_210 = vector.extract %slice3A_209[0] : i32 from vector<1xi32>
        %mul3A_211 = arith.constant 16 : i32
        %mul3A_212 = arith.muli %squeeze3A_210, %mul3A_211 : i32
        %get3A_213 = arith.index_cast %mul3A_212 : i32 to index
        %get3A_214 = tpu.vector_load %arg7[%get3A_213] {strides = array<i32>} : memref<1024xf32, #tpu.memory_space<vmem>>, vector<16xf32>,
        %mul3A_215 = arith.mulf %get3A_208, %get3A_214 : vector<16xf32>
        %add3A_216 = arith.constant 4 : i32
        %add3A_217 = arith.addi %add3A_123, %add3A_216 : i32
        %get3A_218 = arith.index_cast %add3A_217 : i32 to index
        %get3A_219 = arith.constant 0 : index
        %get3A_220 = tpu.vector_load %arg8[%get3A_218, %get3A_219] {strides = array<i32>} : memref<800x16xi32, #tpu.memory_space<vmem>>, vector<16xi32>,
        %add3A_221 = arith.constant 4 : i32
        %add3A_222 = arith.addi %add3A_123, %add3A_221 : i32
        %get3A_223 = arith.index_cast %add3A_222 : i32 to index
        %get3A_224 = arith.constant 0 : index
        %get3A_225 = tpu.vector_load %arg9[%get3A_223, %get3A_224] {strides = array<i32>} : memref<800x16xf32, #tpu.memory_space<vmem>>, vector<16xf32>,
        %slice3A_226 = vector.extract_strided_slice %get3A_220 {offsets = [2], sizes = [1], strides = [1]} : vector<16xi32> to vector<1xi32>
        %squeeze3A_227 = vector.extract %slice3A_226[0] : i32 from vector<1xi32>
        %mul3A_228 = arith.constant 16 : i32
        %mul3A_229 = arith.muli %squeeze3A_227, %mul3A_228 : i32
        %get3A_230 = arith.index_cast %mul3A_229 : i32 to index
        %get3A_231 = tpu.vector_load %arg7[%get3A_230] {strides = array<i32>} : memref<1024xf32, #tpu.memory_space<vmem>>, vector<16xf32>,
        %mul3A_232 = arith.mulf %get3A_225, %get3A_231 : vector<16xf32>
        %add3A_233 = arith.constant 5 : i32
        %add3A_234 = arith.addi %add3A_123, %add3A_233 : i32
        %get3A_235 = arith.index_cast %add3A_234 : i32 to index
        %get3A_236 = arith.constant 0 : index
        %get3A_237 = tpu.vector_load %arg8[%get3A_235, %get3A_236] {strides = array<i32>} : memref<800x16xi32, #tpu.memory_space<vmem>>, vector<16xi32>,
        %add3A_238 = arith.constant 5 : i32
        %add3A_239 = arith.addi %add3A_123, %add3A_238 : i32
        %get3A_240 = arith.index_cast %add3A_239 : i32 to index
        %get3A_241 = arith.constant 0 : index
        %get3A_242 = tpu.vector_load %arg9[%get3A_240, %get3A_241] {strides = array<i32>} : memref<800x16xf32, #tpu.memory_space<vmem>>, vector<16xf32>,
        %slice3A_243 = vector.extract_strided_slice %get3A_237 {offsets = [2], sizes = [1], strides = [1]} : vector<16xi32> to vector<1xi32>
        %squeeze3A_244 = vector.extract %slice3A_243[0] : i32 from vector<1xi32>
        %mul3A_245 = arith.constant 16 : i32
        %mul3A_246 = arith.muli %squeeze3A_244, %mul3A_245 : i32
        %get3A_247 = arith.index_cast %mul3A_246 : i32 to index
        %get3A_248 = tpu.vector_load %arg7[%get3A_247] {strides = array<i32>} : memref<1024xf32, #tpu.memory_space<vmem>>, vector<16xf32>,
        %mul3A_249 = arith.mulf %get3A_242, %get3A_248 : vector<16xf32>
        %add3A_250 = arith.constant 6 : i32
        %add3A_251 = arith.addi %add3A_123, %add3A_250 : i32
        %get3A_252 = arith.index_cast %add3A_251 : i32 to index
        %get3A_253 = arith.constant 0 : index
        %get3A_254 = tpu.vector_load %arg8[%get3A_252, %get3A_253] {strides = array<i32>} : memref<800x16xi32, #tpu.memory_space<vmem>>, vector<16xi32>,
        %add3A_255 = arith.constant 6 : i32
        %add3A_256 = arith.addi %add3A_123, %add3A_255 : i32
        %get3A_257 = arith.index_cast %add3A_256 : i32 to index
        %get3A_258 = arith.constant 0 : index
        %get3A_259 = tpu.vector_load %arg9[%get3A_257, %get3A_258] {strides = array<i32>} : memref<800x16xf32, #tpu.memory_space<vmem>>, vector<16xf32>,
        %slice3A_260 = vector.extract_strided_slice %get3A_254 {offsets = [2], sizes = [1], strides = [1]} : vector<16xi32> to vector<1xi32>
        %squeeze3A_261 = vector.extract %slice3A_260[0] : i32 from vector<1xi32>
        %mul3A_262 = arith.constant 16 : i32
        %mul3A_263 = arith.muli %squeeze3A_261, %mul3A_262 : i32
        %get3A_264 = arith.index_cast %mul3A_263 : i32 to index
        %get3A_265 = tpu.vector_load %arg7[%get3A_264] {strides = array<i32>} : memref<1024xf32, #tpu.memory_space<vmem>>, vector<16xf32>,
        %mul3A_266 = arith.mulf %get3A_259, %get3A_265 : vector<16xf32>
        %add3A_267 = arith.constant 7 : i32
        %add3A_268 = arith.addi %add3A_123, %add3A_267 : i32
        %get3A_269 = arith.index_cast %add3A_268 : i32 to index
        %get3A_270 = arith.constant 0 : index
        %get3A_271 = tpu.vector_load %arg8[%get3A_269, %get3A_270] {strides = array<i32>} : memref<800x16xi32, #tpu.memory_space<vmem>>, vector<16xi32>,
        %add3A_272 = arith.constant 7 : i32
        %add3A_273 = arith.addi %add3A_123, %add3A_272 : i32
        %get3A_274 = arith.index_cast %add3A_273 : i32 to index
        %get3A_275 = arith.constant 0 : index
        %get3A_276 = tpu.vector_load %arg9[%get3A_274, %get3A_275] {strides = array<i32>} : memref<800x16xf32, #tpu.memory_space<vmem>>, vector<16xf32>,
        %slice3A_277 = vector.extract_strided_slice %get3A_271 {offsets = [2], sizes = [1], strides = [1]} : vector<16xi32> to vector<1xi32>
        %squeeze3A_278 = vector.extract %slice3A_277[0] : i32 from vector<1xi32>
        %mul3A_279 = arith.constant 16 : i32
        %mul3A_280 = arith.muli %squeeze3A_278, %mul3A_279 : i32
        %get3A_281 = arith.index_cast %mul3A_280 : i32 to index
        %get3A_282 = tpu.vector_load %arg7[%get3A_281] {strides = array<i32>} : memref<1024xf32, #tpu.memory_space<vmem>>, vector<16xf32>,
        %mul3A_283 = arith.mulf %get3A_276, %get3A_282 : vector<16xf32>
        %add3A_284 = arith.constant 8 : i32
        %add3A_285 = arith.addi %add3A_123, %add3A_284 : i32
        %get3A_286 = arith.index_cast %add3A_285 : i32 to index
        %get3A_287 = arith.constant 0 : index
        %get3A_288 = tpu.vector_load %arg8[%get3A_286, %get3A_287] {strides = array<i32>} : memref<800x16xi32, #tpu.memory_space<vmem>>, vector<16xi32>,
        %add3A_289 = arith.constant 8 : i32
        %add3A_290 = arith.addi %add3A_123, %add3A_289 : i32
        %get3A_291 = arith.index_cast %add3A_290 : i32 to index
        %get3A_292 = arith.constant 0 : index
        %get3A_293 = tpu.vector_load %arg9[%get3A_291, %get3A_292] {strides = array<i32>} : memref<800x16xf32, #tpu.memory_space<vmem>>, vector<16xf32>,
        %slice3A_294 = vector.extract_strided_slice %get3A_288 {offsets = [2], sizes = [1], strides = [1]} : vector<16xi32> to vector<1xi32>
        %squeeze3A_295 = vector.extract %slice3A_294[0] : i32 from vector<1xi32>
        %mul3A_296 = arith.constant 16 : i32
        %mul3A_297 = arith.muli %squeeze3A_295, %mul3A_296 : i32
        %get3A_298 = arith.index_cast %mul3A_297 : i32 to index
        %get3A_299 = tpu.vector_load %arg7[%get3A_298] {strides = array<i32>} : memref<1024xf32, #tpu.memory_space<vmem>>, vector<16xf32>,
        %mul3A_300 = arith.mulf %get3A_293, %get3A_299 : vector<16xf32>
        %add3A_301 = arith.constant 9 : i32
        %add3A_302 = arith.addi %add3A_123, %add3A_301 : i32
        %get3A_303 = arith.index_cast %add3A_302 : i32 to index
        %get3A_304 = arith.constant 0 : index
        %get3A_305 = tpu.vector_load %arg8[%get3A_303, %get3A_304] {strides = array<i32>} : memref<800x16xi32, #tpu.memory_space<vmem>>, vector<16xi32>,
        %add3A_306 = arith.constant 9 : i32
        %add3A_307 = arith.addi %add3A_123, %add3A_306 : i32
        %get3A_308 = arith.index_cast %add3A_307 : i32 to index
        %get3A_309 = arith.constant 0 : index
        %get3A_310 = tpu.vector_load %arg9[%get3A_308, %get3A_309] {strides = array<i32>} : memref<800x16xf32, #tpu.memory_space<vmem>>, vector<16xf32>,
        %slice3A_311 = vector.extract_strided_slice %get3A_305 {offsets = [2], sizes = [1], strides = [1]} : vector<16xi32> to vector<1xi32>
        %squeeze3A_312 = vector.extract %slice3A_311[0] : i32 from vector<1xi32>
        %mul3A_313 = arith.constant 16 : i32
        %mul3A_314 = arith.muli %squeeze3A_312, %mul3A_313 : i32
        %get3A_315 = arith.index_cast %mul3A_314 : i32 to index
        %get3A_316 = tpu.vector_load %arg7[%get3A_315] {strides = array<i32>} : memref<1024xf32, #tpu.memory_space<vmem>>, vector<16xf32>,
        %mul3A_317 = arith.mulf %get3A_310, %get3A_316 : vector<16xf32>
        %add3A_318 = arith.constant 10 : i32
        %add3A_319 = arith.addi %add3A_123, %add3A_318 : i32
        %get3A_320 = arith.index_cast %add3A_319 : i32 to index
        %get3A_321 = arith.constant 0 : index
        %get3A_322 = tpu.vector_load %arg8[%get3A_320, %get3A_321] {strides = array<i32>} : memref<800x16xi32, #tpu.memory_space<vmem>>, vector<16xi32>,
        %add3A_323 = arith.constant 10 : i32
        %add3A_324 = arith.addi %add3A_123, %add3A_323 : i32
        %get3A_325 = arith.index_cast %add3A_324 : i32 to index
        %get3A_326 = arith.constant 0 : index
        %get3A_327 = tpu.vector_load %arg9[%get3A_325, %get3A_326] {strides = array<i32>} : memref<800x16xf32, #tpu.memory_space<vmem>>, vector<16xf32>,
        %slice3A_328 = vector.extract_strided_slice %get3A_322 {offsets = [2], sizes = [1], strides = [1]} : vector<16xi32> to vector<1xi32>
        %squeeze3A_329 = vector.extract %slice3A_328[0] : i32 from vector<1xi32>
        %mul3A_330 = arith.constant 16 : i32
        %mul3A_331 = arith.muli %squeeze3A_329, %mul3A_330 : i32
        %get3A_332 = arith.index_cast %mul3A_331 : i32 to index
        %get3A_333 = tpu.vector_load %arg7[%get3A_332] {strides = array<i32>} : memref<1024xf32, #tpu.memory_space<vmem>>, vector<16xf32>,
        %mul3A_334 = arith.mulf %get3A_327, %get3A_333 : vector<16xf32>
        %add3A_335 = arith.constant 11 : i32
        %add3A_336 = arith.addi %add3A_123, %add3A_335 : i32
        %get3A_337 = arith.index_cast %add3A_336 : i32 to index
        %get3A_338 = arith.constant 0 : index
        %get3A_339 = tpu.vector_load %arg8[%get3A_337, %get3A_338] {strides = array<i32>} : memref<800x16xi32, #tpu.memory_space<vmem>>, vector<16xi32>,
        %add3A_340 = arith.constant 11 : i32
        %add3A_341 = arith.addi %add3A_123, %add3A_340 : i32
        %get3A_342 = arith.index_cast %add3A_341 : i32 to index
        %get3A_343 = arith.constant 0 : index
        %get3A_344 = tpu.vector_load %arg9[%get3A_342, %get3A_343] {strides = array<i32>} : memref<800x16xf32, #tpu.memory_space<vmem>>, vector<16xf32>,
        %slice3A_345 = vector.extract_strided_slice %get3A_339 {offsets = [2], sizes = [1], strides = [1]} : vector<16xi32> to vector<1xi32>
        %squeeze3A_346 = vector.extract %slice3A_345[0] : i32 from vector<1xi32>
        %mul3A_347 = arith.constant 16 : i32
        %mul3A_348 = arith.muli %squeeze3A_346, %mul3A_347 : i32
        %get3A_349 = arith.index_cast %mul3A_348 : i32 to index
        %get3A_350 = tpu.vector_load %arg7[%get3A_349] {strides = array<i32>} : memref<1024xf32, #tpu.memory_space<vmem>>, vector<16xf32>,
        %mul3A_351 = arith.mulf %get3A_344, %get3A_350 : vector<16xf32>
        %add3A_352 = arith.constant 12 : i32
        %add3A_353 = arith.addi %add3A_123, %add3A_352 : i32
        %get3A_354 = arith.index_cast %add3A_353 : i32 to index
        %get3A_355 = arith.constant 0 : index
        %get3A_356 = tpu.vector_load %arg8[%get3A_354, %get3A_355] {strides = array<i32>} : memref<800x16xi32, #tpu.memory_space<vmem>>, vector<16xi32>,
        %add3A_357 = arith.constant 12 : i32
        %add3A_358 = arith.addi %add3A_123, %add3A_357 : i32
        %get3A_359 = arith.index_cast %add3A_358 : i32 to index
        %get3A_360 = arith.constant 0 : index
        %get3A_361 = tpu.vector_load %arg9[%get3A_359, %get3A_360] {strides = array<i32>} : memref<800x16xf32, #tpu.memory_space<vmem>>, vector<16xf32>,
        %slice3A_362 = vector.extract_strided_slice %get3A_356 {offsets = [2], sizes = [1], strides = [1]} : vector<16xi32> to vector<1xi32>
        %squeeze3A_363 = vector.extract %slice3A_362[0] : i32 from vector<1xi32>
        %mul3A_364 = arith.constant 16 : i32
        %mul3A_365 = arith.muli %squeeze3A_363, %mul3A_364 : i32
        %get3A_366 = arith.index_cast %mul3A_365 : i32 to index
        %get3A_367 = tpu.vector_load %arg7[%get3A_366] {strides = array<i32>} : memref<1024xf32, #tpu.memory_space<vmem>>, vector<16xf32>,
        %mul3A_368 = arith.mulf %get3A_361, %get3A_367 : vector<16xf32>
        %add3A_369 = arith.constant 13 : i32
        %add3A_370 = arith.addi %add3A_123, %add3A_369 : i32
        %get3A_371 = arith.index_cast %add3A_370 : i32 to index
        %get3A_372 = arith.constant 0 : index
        %get3A_373 = tpu.vector_load %arg8[%get3A_371, %get3A_372] {strides = array<i32>} : memref<800x16xi32, #tpu.memory_space<vmem>>, vector<16xi32>,
        %add3A_374 = arith.constant 13 : i32
        %add3A_375 = arith.addi %add3A_123, %add3A_374 : i32
        %get3A_376 = arith.index_cast %add3A_375 : i32 to index
        %get3A_377 = arith.constant 0 : index
        %get3A_378 = tpu.vector_load %arg9[%get3A_376, %get3A_377] {strides = array<i32>} : memref<800x16xf32, #tpu.memory_space<vmem>>, vector<16xf32>,
        %slice3A_379 = vector.extract_strided_slice %get3A_373 {offsets = [2], sizes = [1], strides = [1]} : vector<16xi32> to vector<1xi32>
        %squeeze3A_380 = vector.extract %slice3A_379[0] : i32 from vector<1xi32>
        %mul3A_381 = arith.constant 16 : i32
        %mul3A_382 = arith.muli %squeeze3A_380, %mul3A_381 : i32
        %get3A_383 = arith.index_cast %mul3A_382 : i32 to index
        %get3A_384 = tpu.vector_load %arg7[%get3A_383] {strides = array<i32>} : memref<1024xf32, #tpu.memory_space<vmem>>, vector<16xf32>,
        %mul3A_385 = arith.mulf %get3A_378, %get3A_384 : vector<16xf32>
        %add3A_386 = arith.constant 14 : i32
        %add3A_387 = arith.addi %add3A_123, %add3A_386 : i32
        %get3A_388 = arith.index_cast %add3A_387 : i32 to index
        %get3A_389 = arith.constant 0 : index
        %get3A_390 = tpu.vector_load %arg8[%get3A_388, %get3A_389] {strides = array<i32>} : memref<800x16xi32, #tpu.memory_space<vmem>>, vector<16xi32>,
        %add3A_391 = arith.constant 14 : i32
        %add3A_392 = arith.addi %add3A_123, %add3A_391 : i32
        %get3A_393 = arith.index_cast %add3A_392 : i32 to index
        %get3A_394 = arith.constant 0 : index
        %get3A_395 = tpu.vector_load %arg9[%get3A_393, %get3A_394] {strides = array<i32>} : memref<800x16xf32, #tpu.memory_space<vmem>>, vector<16xf32>,
        %slice3A_396 = vector.extract_strided_slice %get3A_390 {offsets = [2], sizes = [1], strides = [1]} : vector<16xi32> to vector<1xi32>
        %squeeze3A_397 = vector.extract %slice3A_396[0] : i32 from vector<1xi32>
        %mul3A_398 = arith.constant 16 : i32
        %mul3A_399 = arith.muli %squeeze3A_397, %mul3A_398 : i32
        %get3A_400 = arith.index_cast %mul3A_399 : i32 to index
        %get3A_401 = tpu.vector_load %arg7[%get3A_400] {strides = array<i32>} : memref<1024xf32, #tpu.memory_space<vmem>>, vector<16xf32>,
        %mul3A_402 = arith.mulf %get3A_395, %get3A_401 : vector<16xf32>
        %add3A_403 = arith.constant 15 : i32
        %add3A_404 = arith.addi %add3A_123, %add3A_403 : i32
        %get3A_405 = arith.index_cast %add3A_404 : i32 to index
        %get3A_406 = arith.constant 0 : index
        %get3A_407 = tpu.vector_load %arg8[%get3A_405, %get3A_406] {strides = array<i32>} : memref<800x16xi32, #tpu.memory_space<vmem>>, vector<16xi32>,
        %add3A_408 = arith.constant 15 : i32
        %add3A_409 = arith.addi %add3A_123, %add3A_408 : i32
        %get3A_410 = arith.index_cast %add3A_409 : i32 to index
        %get3A_411 = arith.constant 0 : index
        %get3A_412 = tpu.vector_load %arg9[%get3A_410, %get3A_411] {strides = array<i32>} : memref<800x16xf32, #tpu.memory_space<vmem>>, vector<16xf32>,
        %slice3A_413 = vector.extract_strided_slice %get3A_407 {offsets = [2], sizes = [1], strides = [1]} : vector<16xi32> to vector<1xi32>
        %squeeze3A_414 = vector.extract %slice3A_413[0] : i32 from vector<1xi32>
        %mul3A_415 = arith.constant 16 : i32
        %mul3A_416 = arith.muli %squeeze3A_414, %mul3A_415 : i32
        %get3A_417 = arith.index_cast %mul3A_416 : i32 to index
        %get3A_418 = tpu.vector_load %arg7[%get3A_417] {strides = array<i32>} : memref<1024xf32, #tpu.memory_space<vmem>>, vector<16xf32>,
        %mul3A_419 = arith.mulf %get3A_412, %get3A_418 : vector<16xf32>
        %slice3A_420 = vector.extract_strided_slice %gather3A_128 {offsets = [15], sizes = [1], strides = [1]} : vector<16xi32> to vector<1xi32>
        %squeeze3A_421 = vector.extract %slice3A_420[0] : i32 from vector<1xi32>
        %broadcast_in_dim3A_422 = arith.constant 0xFF800000 : f32
        %broadcast_in_dim3A_423 = vector.broadcast %broadcast_in_dim3A_422 : f32 to vector<16xf32>
        %eq3A_424 = arith.constant 0 : i32
        %eq3A_425 = arith.cmpi eq, %squeeze3A_147, %eq3A_424 : i32
        %convert_element_type3A_426 = arith.extui %eq3A_425 : i1 to i32
        %cond3A_427 = arith.constant 0 : i32
        %cond3A_428 = arith.cmpi ne, %convert_element_type3A_426, %cond3A_427 : i32
        %cond3A_429:2 = scf.if %cond3A_428 -> (i32, vector<16xf32>) {
          %max3A = arith.maximumf %mul3A_164, %mul3A_181 : vector<16xf32>
          %max3A_430 = arith.maximumf %mul3A_198, %mul3A_215 : vector<16xf32>
          %max3A_431 = arith.maximumf %mul3A_232, %mul3A_249 : vector<16xf32>
          %max3A_432 = arith.maximumf %mul3A_266, %mul3A_283 : vector<16xf32>
          %max3A_433 = arith.maximumf %mul3A_300, %mul3A_317 : vector<16xf32>
          %max3A_434 = arith.maximumf %mul3A_334, %mul3A_351 : vector<16xf32>
          %max3A_435 = arith.maximumf %mul3A_368, %mul3A_385 : vector<16xf32>
          %max3A_436 = arith.maximumf %mul3A_402, %mul3A_419 : vector<16xf32>
          %max3A_437 = arith.maximumf %max3A, %max3A_430 : vector<16xf32>
          %max3A_438 = arith.maximumf %max3A_431, %max3A_432 : vector<16xf32>
          %max3A_439 = arith.maximumf %max3A_433, %max3A_434 : vector<16xf32>
          %max3A_440 = arith.maximumf %max3A_435, %max3A_436 : vector<16xf32>
          %max3A_441 = arith.maximumf %max3A_437, %max3A_438 : vector<16xf32>
          %max3A_442 = arith.maximumf %max3A_439, %max3A_440 : vector<16xf32>
          %max3A_443 = arith.maximumf %max3A_441, %max3A_442 : vector<16xf32>
          %max3A_444 = arith.maximumf %scan3A_118, %max3A_443 : vector<16xf32>
          %sub3A_445 = arith.subi %squeeze3A_421, %mul3A_26 : i32
          %min3A = arith.constant 3200 : i32
          %min3A_446 = arith.minsi %sub3A_445, %min3A : i32
          %mul3A_447 = arith.constant 16 : i32
          %mul3A_448 = arith.muli %min3A_446, %mul3A_447 : i32
          %swap3A_449 = arith.index_cast %mul3A_448 : i32 to index
          %swap3A_450 = tpu.vector_load %arg11[%swap3A_449] {strides = array<i32>} : memref<51456xf32, #tpu.memory_space<vmem>>, vector<16xf32>,
          tpu.vector_store %arg11[%swap3A_449], %max3A_444 {strides = array<i32>} : memref<51456xf32, #tpu.memory_space<vmem>>, vector<16xf32>,
          scf.yield %squeeze3A_421, %max3A_444 : i32, vector<16xf32>
        } else {
          %eq3A_430 = arith.constant 1 : i32
          %eq3A_431 = arith.cmpi eq, %squeeze3A_147, %eq3A_430 : i32
          %convert_element_type3A_432 = arith.extui %eq3A_431 : i1 to i32
          %cond3A_433 = arith.constant 0 : i32
          %cond3A_434 = arith.cmpi ne, %convert_element_type3A_432, %cond3A_433 : i32
          %cond3A_435:2 = scf.if %cond3A_434 -> (i32, vector<16xf32>) {
            %all_reduce_ffs3A = tpu.all_reduce %ne3A_145 {dim = 0 : i64, kind = #tpu.reduction_kind<find_first_set>} : vector<16xi1> -> vector<16xi32>
            %slice3A_436 = vector.extract_strided_slice %all_reduce_ffs3A {offsets = [0], sizes = [1], strides = [1]} : vector<16xi32> to vector<1xi32>
            %squeeze3A_437 = vector.extract %slice3A_436[0] : i32 from vector<1xi32>
            %gt3A_438 = arith.constant 0 : i32
            %gt3A_439 = arith.cmpi sgt, %squeeze3A_437, %gt3A_438 : i32
            %select_n3A_440 = arith.select %gt3A_439, %mul3A_164, %broadcast_in_dim3A_423 : vector<16xf32>
            %gt3A_441 = arith.constant 1 : i32
            %gt3A_442 = arith.cmpi sgt, %squeeze3A_437, %gt3A_441 : i32
            %select_n3A_443 = arith.select %gt3A_442, %mul3A_181, %broadcast_in_dim3A_423 : vector<16xf32>
            %gt3A_444 = arith.constant 2 : i32
            %gt3A_445 = arith.cmpi sgt, %squeeze3A_437, %gt3A_444 : i32
            %select_n3A_446 = arith.select %gt3A_445, %mul3A_198, %broadcast_in_dim3A_423 : vector<16xf32>
            %gt3A_447 = arith.constant 3 : i32
            %gt3A_448 = arith.cmpi sgt, %squeeze3A_437, %gt3A_447 : i32
            %select_n3A_449 = arith.select %gt3A_448, %mul3A_215, %broadcast_in_dim3A_423 : vector<16xf32>
            %gt3A_450 = arith.constant 4 : i32
            %gt3A_451 = arith.cmpi sgt, %squeeze3A_437, %gt3A_450 : i32
            %select_n3A_452 = arith.select %gt3A_451, %mul3A_232, %broadcast_in_dim3A_423 : vector<16xf32>
            %gt3A_453 = arith.constant 5 : i32
            %gt3A_454 = arith.cmpi sgt, %squeeze3A_437, %gt3A_453 : i32
            %select_n3A_455 = arith.select %gt3A_454, %mul3A_249, %broadcast_in_dim3A_423 : vector<16xf32>
            %gt3A_456 = arith.constant 6 : i32
            %gt3A_457 = arith.cmpi sgt, %squeeze3A_437, %gt3A_456 : i32
            %select_n3A_458 = arith.select %gt3A_457, %mul3A_266, %broadcast_in_dim3A_423 : vector<16xf32>
            %gt3A_459 = arith.constant 7 : i32
            %gt3A_460 = arith.cmpi sgt, %squeeze3A_437, %gt3A_459 : i32
            %select_n3A_461 = arith.select %gt3A_460, %mul3A_283, %broadcast_in_dim3A_423 : vector<16xf32>
            %gt3A_462 = arith.constant 8 : i32
            %gt3A_463 = arith.cmpi sgt, %squeeze3A_437, %gt3A_462 : i32
            %select_n3A_464 = arith.select %gt3A_463, %mul3A_300, %broadcast_in_dim3A_423 : vector<16xf32>
            %gt3A_465 = arith.constant 9 : i32
            %gt3A_466 = arith.cmpi sgt, %squeeze3A_437, %gt3A_465 : i32
            %select_n3A_467 = arith.select %gt3A_466, %mul3A_317, %broadcast_in_dim3A_423 : vector<16xf32>
            %gt3A_468 = arith.constant 10 : i32
            %gt3A_469 = arith.cmpi sgt, %squeeze3A_437, %gt3A_468 : i32
            %select_n3A_470 = arith.select %gt3A_469, %mul3A_334, %broadcast_in_dim3A_423 : vector<16xf32>
            %gt3A_471 = arith.constant 11 : i32
            %gt3A_472 = arith.cmpi sgt, %squeeze3A_437, %gt3A_471 : i32
            %select_n3A_473 = arith.select %gt3A_472, %mul3A_351, %broadcast_in_dim3A_423 : vector<16xf32>
            %gt3A_474 = arith.constant 12 : i32
            %gt3A_475 = arith.cmpi sgt, %squeeze3A_437, %gt3A_474 : i32
            %select_n3A_476 = arith.select %gt3A_475, %mul3A_368, %broadcast_in_dim3A_423 : vector<16xf32>
            %gt3A_477 = arith.constant 13 : i32
            %gt3A_478 = arith.cmpi sgt, %squeeze3A_437, %gt3A_477 : i32
            %select_n3A_479 = arith.select %gt3A_478, %mul3A_385, %broadcast_in_dim3A_423 : vector<16xf32>
            %gt3A_480 = arith.constant 14 : i32
            %gt3A_481 = arith.cmpi sgt, %squeeze3A_437, %gt3A_480 : i32
            %select_n3A_482 = arith.select %gt3A_481, %mul3A_402, %broadcast_in_dim3A_423 : vector<16xf32>
            %gt3A_483 = arith.constant 15 : i32
            %gt3A_484 = arith.cmpi sgt, %squeeze3A_437, %gt3A_483 : i32
            %select_n3A_485 = arith.select %gt3A_484, %mul3A_419, %broadcast_in_dim3A_423 : vector<16xf32>
            %max3A = arith.maximumf %select_n3A_440, %select_n3A_443 : vector<16xf32>
            %max3A_486 = arith.maximumf %select_n3A_446, %select_n3A_449 : vector<16xf32>
            %max3A_487 = arith.maximumf %select_n3A_452, %select_n3A_455 : vector<16xf32>
            %max3A_488 = arith.maximumf %select_n3A_458, %select_n3A_461 : vector<16xf32>
            %max3A_489 = arith.maximumf %select_n3A_464, %select_n3A_467 : vector<16xf32>
            %max3A_490 = arith.maximumf %select_n3A_470, %select_n3A_473 : vector<16xf32>
            %max3A_491 = arith.maximumf %select_n3A_476, %select_n3A_479 : vector<16xf32>
            %max3A_492 = arith.maximumf %select_n3A_482, %select_n3A_485 : vector<16xf32>
            %max3A_493 = arith.maximumf %max3A, %max3A_486 : vector<16xf32>
            %max3A_494 = arith.maximumf %max3A_487, %max3A_488 : vector<16xf32>
            %max3A_495 = arith.maximumf %max3A_489, %max3A_490 : vector<16xf32>
            %max3A_496 = arith.maximumf %max3A_491, %max3A_492 : vector<16xf32>
            %max3A_497 = arith.maximumf %max3A_493, %max3A_494 : vector<16xf32>
            %max3A_498 = arith.maximumf %max3A_495, %max3A_496 : vector<16xf32>
            %max3A_499 = arith.maximumf %max3A_497, %max3A_498 : vector<16xf32>
            %max3A_500 = arith.maximumf %scan3A_118, %max3A_499 : vector<16xf32>
            %sub3A_501 = arith.subi %scan3A_117, %mul3A_26 : i32
            %min3A = arith.constant 3200 : i32
            %min3A_502 = arith.minsi %sub3A_501, %min3A : i32
            %mul3A_503 = arith.constant 16 : i32
            %mul3A_504 = arith.muli %min3A_502, %mul3A_503 : i32
            %swap3A_505 = arith.index_cast %mul3A_504 : i32 to index
            %swap3A_506 = tpu.vector_load %arg11[%swap3A_505] {strides = array<i32>} : memref<51456xf32, #tpu.memory_space<vmem>>, vector<16xf32>,
            tpu.vector_store %arg11[%swap3A_505], %max3A_500 {strides = array<i32>} : memref<51456xf32, #tpu.memory_space<vmem>>, vector<16xf32>,
            %le3A = arith.constant 0 : i32
            %le3A_507 = arith.cmpi sle, %squeeze3A_437, %le3A : i32
            %select_n3A_508 = arith.select %le3A_507, %mul3A_164, %broadcast_in_dim3A_423 : vector<16xf32>
            %le3A_509 = arith.constant 1 : i32
            %le3A_510 = arith.cmpi sle, %squeeze3A_437, %le3A_509 : i32
            %select_n3A_511 = arith.select %le3A_510, %mul3A_181, %broadcast_in_dim3A_423 : vector<16xf32>
            %le3A_512 = arith.constant 2 : i32
            %le3A_513 = arith.cmpi sle, %squeeze3A_437, %le3A_512 : i32
            %select_n3A_514 = arith.select %le3A_513, %mul3A_198, %broadcast_in_dim3A_423 : vector<16xf32>
            %le3A_515 = arith.constant 3 : i32
            %le3A_516 = arith.cmpi sle, %squeeze3A_437, %le3A_515 : i32
            %select_n3A_517 = arith.select %le3A_516, %mul3A_215, %broadcast_in_dim3A_423 : vector<16xf32>
            %le3A_518 = arith.constant 4 : i32
            %le3A_519 = arith.cmpi sle, %squeeze3A_437, %le3A_518 : i32
            %select_n3A_520 = arith.select %le3A_519, %mul3A_232, %broadcast_in_dim3A_423 : vector<16xf32>
            %le3A_521 = arith.constant 5 : i32
            %le3A_522 = arith.cmpi sle, %squeeze3A_437, %le3A_521 : i32
            %select_n3A_523 = arith.select %le3A_522, %mul3A_249, %broadcast_in_dim3A_423 : vector<16xf32>
            %le3A_524 = arith.constant 6 : i32
            %le3A_525 = arith.cmpi sle, %squeeze3A_437, %le3A_524 : i32
            %select_n3A_526 = arith.select %le3A_525, %mul3A_266, %broadcast_in_dim3A_423 : vector<16xf32>
            %le3A_527 = arith.constant 7 : i32
            %le3A_528 = arith.cmpi sle, %squeeze3A_437, %le3A_527 : i32
            %select_n3A_529 = arith.select %le3A_528, %mul3A_283, %broadcast_in_dim3A_423 : vector<16xf32>
            %le3A_530 = arith.constant 8 : i32
            %le3A_531 = arith.cmpi sle, %squeeze3A_437, %le3A_530 : i32
            %select_n3A_532 = arith.select %le3A_531, %mul3A_300, %broadcast_in_dim3A_423 : vector<16xf32>
            %le3A_533 = arith.constant 9 : i32
            %le3A_534 = arith.cmpi sle, %squeeze3A_437, %le3A_533 : i32
            %select_n3A_535 = arith.select %le3A_534, %mul3A_317, %broadcast_in_dim3A_423 : vector<16xf32>
            %le3A_536 = arith.constant 10 : i32
            %le3A_537 = arith.cmpi sle, %squeeze3A_437, %le3A_536 : i32
            %select_n3A_538 = arith.select %le3A_537, %mul3A_334, %broadcast_in_dim3A_423 : vector<16xf32>
            %le3A_539 = arith.constant 11 : i32
            %le3A_540 = arith.cmpi sle, %squeeze3A_437, %le3A_539 : i32
            %select_n3A_541 = arith.select %le3A_540, %mul3A_351, %broadcast_in_dim3A_423 : vector<16xf32>
            %le3A_542 = arith.constant 12 : i32
            %le3A_543 = arith.cmpi sle, %squeeze3A_437, %le3A_542 : i32
            %select_n3A_544 = arith.select %le3A_543, %mul3A_368, %broadcast_in_dim3A_423 : vector<16xf32>
            %le3A_545 = arith.constant 13 : i32
            %le3A_546 = arith.cmpi sle, %squeeze3A_437, %le3A_545 : i32
            %select_n3A_547 = arith.select %le3A_546, %mul3A_385, %broadcast_in_dim3A_423 : vector<16xf32>
            %le3A_548 = arith.constant 14 : i32
            %le3A_549 = arith.cmpi sle, %squeeze3A_437, %le3A_548 : i32
            %select_n3A_550 = arith.select %le3A_549, %mul3A_402, %broadcast_in_dim3A_423 : vector<16xf32>
            %le3A_551 = arith.constant 15 : i32
            %le3A_552 = arith.cmpi sle, %squeeze3A_437, %le3A_551 : i32
            %select_n3A_553 = arith.select %le3A_552, %mul3A_419, %broadcast_in_dim3A_423 : vector<16xf32>
            %max3A_554 = arith.maximumf %select_n3A_508, %select_n3A_511 : vector<16xf32>
            %max3A_555 = arith.maximumf %select_n3A_514, %select_n3A_517 : vector<16xf32>
            %max3A_556 = arith.maximumf %select_n3A_520, %select_n3A_523 : vector<16xf32>
            %max3A_557 = arith.maximumf %select_n3A_526, %select_n3A_529 : vector<16xf32>
            %max3A_558 = arith.maximumf %select_n3A_532, %select_n3A_535 : vector<16xf32>
            %max3A_559 = arith.maximumf %select_n3A_538, %select_n3A_541 : vector<16xf32>
            %max3A_560 = arith.maximumf %select_n3A_544, %select_n3A_547 : vector<16xf32>
            %max3A_561 = arith.maximumf %select_n3A_550, %select_n3A_553 : vector<16xf32>
            %max3A_562 = arith.maximumf %max3A_554, %max3A_555 : vector<16xf32>
            %max3A_563 = arith.maximumf %max3A_556, %max3A_557 : vector<16xf32>
            %max3A_564 = arith.maximumf %max3A_558, %max3A_559 : vector<16xf32>
            %max3A_565 = arith.maximumf %max3A_560, %max3A_561 : vector<16xf32>
            %max3A_566 = arith.maximumf %max3A_562, %max3A_563 : vector<16xf32>
            %max3A_567 = arith.maximumf %max3A_564, %max3A_565 : vector<16xf32>
            %max3A_568 = arith.maximumf %max3A_566, %max3A_567 : vector<16xf32>
            %sub3A_569 = arith.subi %squeeze3A_421, %mul3A_26 : i32
            %min3A_570 = arith.constant 3200 : i32
            %min3A_571 = arith.minsi %sub3A_569, %min3A_570 : i32
            %mul3A_572 = arith.constant 16 : i32
            %mul3A_573 = arith.muli %min3A_571, %mul3A_572 : i32
            %swap3A_574 = arith.index_cast %mul3A_573 : i32 to index
            %swap3A_575 = tpu.vector_load %arg11[%swap3A_574] {strides = array<i32>} : memref<51456xf32, #tpu.memory_space<vmem>>, vector<16xf32>,
            tpu.vector_store %arg11[%swap3A_574], %max3A_568 {strides = array<i32>} : memref<51456xf32, #tpu.memory_space<vmem>>, vector<16xf32>,
            scf.yield %squeeze3A_421, %max3A_568 : i32, vector<16xf32>
          } else {
            %slice3A_436 = vector.extract_strided_slice %gather3A_128 {offsets = [0], sizes = [1], strides = [1]} : vector<16xi32> to vector<1xi32>
            %squeeze3A_437 = vector.extract %slice3A_436[0] : i32 from vector<1xi32>
            %eq3A_438 = arith.cmpi eq, %squeeze3A_437, %scan3A_117 : i32
            %select_n3A_439 = arith.select %eq3A_438, %scan3A_118, %broadcast_in_dim3A_423 : vector<16xf32>
            %max3A = arith.maximumf %select_n3A_439, %mul3A_164 : vector<16xf32>
            %sub3A_440 = arith.subi %squeeze3A_437, %mul3A_26 : i32
            %min3A = arith.constant 3200 : i32
            %min3A_441 = arith.minsi %sub3A_440, %min3A : i32
            %mul3A_442 = arith.constant 16 : i32
            %mul3A_443 = arith.muli %min3A_441, %mul3A_442 : i32
            %swap3A_444 = arith.index_cast %mul3A_443 : i32 to index
            %swap3A_445 = tpu.vector_load %arg11[%swap3A_444] {strides = array<i32>} : memref<51456xf32, #tpu.memory_space<vmem>>, vector<16xf32>,
            tpu.vector_store %arg11[%swap3A_444], %max3A {strides = array<i32>} : memref<51456xf32, #tpu.memory_space<vmem>>, vector<16xf32>,
            %slice3A_446 = vector.extract_strided_slice %gather3A_128 {offsets = [1], sizes = [1], strides = [1]} : vector<16xi32> to vector<1xi32>
            %squeeze3A_447 = vector.extract %slice3A_446[0] : i32 from vector<1xi32>
            %eq3A_448 = arith.cmpi eq, %squeeze3A_447, %squeeze3A_437 : i32
            %select_n3A_449 = arith.select %eq3A_448, %max3A, %broadcast_in_dim3A_423 : vector<16xf32>
            %max3A_450 = arith.maximumf %select_n3A_449, %mul3A_181 : vector<16xf32>
            %sub3A_451 = arith.subi %squeeze3A_447, %mul3A_26 : i32
            %min3A_452 = arith.constant 3200 : i32
            %min3A_453 = arith.minsi %sub3A_451, %min3A_452 : i32
            %mul3A_454 = arith.constant 16 : i32
            %mul3A_455 = arith.muli %min3A_453, %mul3A_454 : i32
            %swap3A_456 = arith.index_cast %mul3A_455 : i32 to index
            %swap3A_457 = tpu.vector_load %arg11[%swap3A_456] {strides = array<i32>} : memref<51456xf32, #tpu.memory_space<vmem>>, vector<16xf32>,
            tpu.vector_store %arg11[%swap3A_456], %max3A_450 {strides = array<i32>} : memref<51456xf32, #tpu.memory_space<vmem>>, vector<16xf32>,
            %slice3A_458 = vector.extract_strided_slice %gather3A_128 {offsets = [2], sizes = [1], strides = [1]} : vector<16xi32> to vector<1xi32>
            %squeeze3A_459 = vector.extract %slice3A_458[0] : i32 from vector<1xi32>
            %eq3A_460 = arith.cmpi eq, %squeeze3A_459, %squeeze3A_447 : i32
            %select_n3A_461 = arith.select %eq3A_460, %max3A_450, %broadcast_in_dim3A_423 : vector<16xf32>
            %max3A_462 = arith.maximumf %select_n3A_461, %mul3A_198 : vector<16xf32>
            %sub3A_463 = arith.subi %squeeze3A_459, %mul3A_26 : i32
            %min3A_464 = arith.constant 3200 : i32
            %min3A_465 = arith.minsi %sub3A_463, %min3A_464 : i32
            %mul3A_466 = arith.constant 16 : i32
            %mul3A_467 = arith.muli %min3A_465, %mul3A_466 : i32
            %swap3A_468 = arith.index_cast %mul3A_467 : i32 to index
            %swap3A_469 = tpu.vector_load %arg11[%swap3A_468] {strides = array<i32>} : memref<51456xf32, #tpu.memory_space<vmem>>, vector<16xf32>,
            tpu.vector_store %arg11[%swap3A_468], %max3A_462 {strides = array<i32>} : memref<51456xf32, #tpu.memory_space<vmem>>, vector<16xf32>,
            %slice3A_470 = vector.extract_strided_slice %gather3A_128 {offsets = [3], sizes = [1], strides = [1]} : vector<16xi32> to vector<1xi32>
            %squeeze3A_471 = vector.extract %slice3A_470[0] : i32 from vector<1xi32>
            %eq3A_472 = arith.cmpi eq, %squeeze3A_471, %squeeze3A_459 : i32
            %select_n3A_473 = arith.select %eq3A_472, %max3A_462, %broadcast_in_dim3A_423 : vector<16xf32>
            %max3A_474 = arith.maximumf %select_n3A_473, %mul3A_215 : vector<16xf32>
            %sub3A_475 = arith.subi %squeeze3A_471, %mul3A_26 : i32
            %min3A_476 = arith.constant 3200 : i32
            %min3A_477 = arith.minsi %sub3A_475, %min3A_476 : i32
            %mul3A_478 = arith.constant 16 : i32
            %mul3A_479 = arith.muli %min3A_477, %mul3A_478 : i32
            %swap3A_480 = arith.index_cast %mul3A_479 : i32 to index
            %swap3A_481 = tpu.vector_load %arg11[%swap3A_480] {strides = array<i32>} : memref<51456xf32, #tpu.memory_space<vmem>>, vector<16xf32>,
            tpu.vector_store %arg11[%swap3A_480], %max3A_474 {strides = array<i32>} : memref<51456xf32, #tpu.memory_space<vmem>>, vector<16xf32>,
            %slice3A_482 = vector.extract_strided_slice %gather3A_128 {offsets = [4], sizes = [1], strides = [1]} : vector<16xi32> to vector<1xi32>
            %squeeze3A_483 = vector.extract %slice3A_482[0] : i32 from vector<1xi32>
            %eq3A_484 = arith.cmpi eq, %squeeze3A_483, %squeeze3A_471 : i32
            %select_n3A_485 = arith.select %eq3A_484, %max3A_474, %broadcast_in_dim3A_423 : vector<16xf32>
            %max3A_486 = arith.maximumf %select_n3A_485, %mul3A_232 : vector<16xf32>
            %sub3A_487 = arith.subi %squeeze3A_483, %mul3A_26 : i32
            %min3A_488 = arith.constant 3200 : i32
            %min3A_489 = arith.minsi %sub3A_487, %min3A_488 : i32
            %mul3A_490 = arith.constant 16 : i32
            %mul3A_491 = arith.muli %min3A_489, %mul3A_490 : i32
            %swap3A_492 = arith.index_cast %mul3A_491 : i32 to index
            %swap3A_493 = tpu.vector_load %arg11[%swap3A_492] {strides = array<i32>} : memref<51456xf32, #tpu.memory_space<vmem>>, vector<16xf32>,
            tpu.vector_store %arg11[%swap3A_492], %max3A_486 {strides = array<i32>} : memref<51456xf32, #tpu.memory_space<vmem>>, vector<16xf32>,
            %slice3A_494 = vector.extract_strided_slice %gather3A_128 {offsets = [5], sizes = [1], strides = [1]} : vector<16xi32> to vector<1xi32>
            %squeeze3A_495 = vector.extract %slice3A_494[0] : i32 from vector<1xi32>
            %eq3A_496 = arith.cmpi eq, %squeeze3A_495, %squeeze3A_483 : i32
            %select_n3A_497 = arith.select %eq3A_496, %max3A_486, %broadcast_in_dim3A_423 : vector<16xf32>
            %max3A_498 = arith.maximumf %select_n3A_497, %mul3A_249 : vector<16xf32>
            %sub3A_499 = arith.subi %squeeze3A_495, %mul3A_26 : i32
            %min3A_500 = arith.constant 3200 : i32
            %min3A_501 = arith.minsi %sub3A_499, %min3A_500 : i32
            %mul3A_502 = arith.constant 16 : i32
            %mul3A_503 = arith.muli %min3A_501, %mul3A_502 : i32
            %swap3A_504 = arith.index_cast %mul3A_503 : i32 to index
            %swap3A_505 = tpu.vector_load %arg11[%swap3A_504] {strides = array<i32>} : memref<51456xf32, #tpu.memory_space<vmem>>, vector<16xf32>,
            tpu.vector_store %arg11[%swap3A_504], %max3A_498 {strides = array<i32>} : memref<51456xf32, #tpu.memory_space<vmem>>, vector<16xf32>,
            %slice3A_506 = vector.extract_strided_slice %gather3A_128 {offsets = [6], sizes = [1], strides = [1]} : vector<16xi32> to vector<1xi32>
            %squeeze3A_507 = vector.extract %slice3A_506[0] : i32 from vector<1xi32>
            %eq3A_508 = arith.cmpi eq, %squeeze3A_507, %squeeze3A_495 : i32
            %select_n3A_509 = arith.select %eq3A_508, %max3A_498, %broadcast_in_dim3A_423 : vector<16xf32>
            %max3A_510 = arith.maximumf %select_n3A_509, %mul3A_266 : vector<16xf32>
            %sub3A_511 = arith.subi %squeeze3A_507, %mul3A_26 : i32
            %min3A_512 = arith.constant 3200 : i32
            %min3A_513 = arith.minsi %sub3A_511, %min3A_512 : i32
            %mul3A_514 = arith.constant 16 : i32
            %mul3A_515 = arith.muli %min3A_513, %mul3A_514 : i32
            %swap3A_516 = arith.index_cast %mul3A_515 : i32 to index
            %swap3A_517 = tpu.vector_load %arg11[%swap3A_516] {strides = array<i32>} : memref<51456xf32, #tpu.memory_space<vmem>>, vector<16xf32>,
            tpu.vector_store %arg11[%swap3A_516], %max3A_510 {strides = array<i32>} : memref<51456xf32, #tpu.memory_space<vmem>>, vector<16xf32>,
            %slice3A_518 = vector.extract_strided_slice %gather3A_128 {offsets = [7], sizes = [1], strides = [1]} : vector<16xi32> to vector<1xi32>
            %squeeze3A_519 = vector.extract %slice3A_518[0] : i32 from vector<1xi32>
            %eq3A_520 = arith.cmpi eq, %squeeze3A_519, %squeeze3A_507 : i32
            %select_n3A_521 = arith.select %eq3A_520, %max3A_510, %broadcast_in_dim3A_423 : vector<16xf32>
            %max3A_522 = arith.maximumf %select_n3A_521, %mul3A_283 : vector<16xf32>
            %sub3A_523 = arith.subi %squeeze3A_519, %mul3A_26 : i32
            %min3A_524 = arith.constant 3200 : i32
            %min3A_525 = arith.minsi %sub3A_523, %min3A_524 : i32
            %mul3A_526 = arith.constant 16 : i32
            %mul3A_527 = arith.muli %min3A_525, %mul3A_526 : i32
            %swap3A_528 = arith.index_cast %mul3A_527 : i32 to index
            %swap3A_529 = tpu.vector_load %arg11[%swap3A_528] {strides = array<i32>} : memref<51456xf32, #tpu.memory_space<vmem>>, vector<16xf32>,
            tpu.vector_store %arg11[%swap3A_528], %max3A_522 {strides = array<i32>} : memref<51456xf32, #tpu.memory_space<vmem>>, vector<16xf32>,
            %slice3A_530 = vector.extract_strided_slice %gather3A_128 {offsets = [8], sizes = [1], strides = [1]} : vector<16xi32> to vector<1xi32>
            %squeeze3A_531 = vector.extract %slice3A_530[0] : i32 from vector<1xi32>
            %eq3A_532 = arith.cmpi eq, %squeeze3A_531, %squeeze3A_519 : i32
            %select_n3A_533 = arith.select %eq3A_532, %max3A_522, %broadcast_in_dim3A_423 : vector<16xf32>
            %max3A_534 = arith.maximumf %select_n3A_533, %mul3A_300 : vector<16xf32>
            %sub3A_535 = arith.subi %squeeze3A_531, %mul3A_26 : i32
            %min3A_536 = arith.constant 3200 : i32
            %min3A_537 = arith.minsi %sub3A_535, %min3A_536 : i32
            %mul3A_538 = arith.constant 16 : i32
            %mul3A_539 = arith.muli %min3A_537, %mul3A_538 : i32
            %swap3A_540 = arith.index_cast %mul3A_539 : i32 to index
            %swap3A_541 = tpu.vector_load %arg11[%swap3A_540] {strides = array<i32>} : memref<51456xf32, #tpu.memory_space<vmem>>, vector<16xf32>,
            tpu.vector_store %arg11[%swap3A_540], %max3A_534 {strides = array<i32>} : memref<51456xf32, #tpu.memory_space<vmem>>, vector<16xf32>,
            %slice3A_542 = vector.extract_strided_slice %gather3A_128 {offsets = [9], sizes = [1], strides = [1]} : vector<16xi32> to vector<1xi32>
            %squeeze3A_543 = vector.extract %slice3A_542[0] : i32 from vector<1xi32>
            %eq3A_544 = arith.cmpi eq, %squeeze3A_543, %squeeze3A_531 : i32
            %select_n3A_545 = arith.select %eq3A_544, %max3A_534, %broadcast_in_dim3A_423 : vector<16xf32>
            %max3A_546 = arith.maximumf %select_n3A_545, %mul3A_317 : vector<16xf32>
            %sub3A_547 = arith.subi %squeeze3A_543, %mul3A_26 : i32
            %min3A_548 = arith.constant 3200 : i32
            %min3A_549 = arith.minsi %sub3A_547, %min3A_548 : i32
            %mul3A_550 = arith.constant 16 : i32
            %mul3A_551 = arith.muli %min3A_549, %mul3A_550 : i32
            %swap3A_552 = arith.index_cast %mul3A_551 : i32 to index
            %swap3A_553 = tpu.vector_load %arg11[%swap3A_552] {strides = array<i32>} : memref<51456xf32, #tpu.memory_space<vmem>>, vector<16xf32>,
            tpu.vector_store %arg11[%swap3A_552], %max3A_546 {strides = array<i32>} : memref<51456xf32, #tpu.memory_space<vmem>>, vector<16xf32>,
            %slice3A_554 = vector.extract_strided_slice %gather3A_128 {offsets = [10], sizes = [1], strides = [1]} : vector<16xi32> to vector<1xi32>
            %squeeze3A_555 = vector.extract %slice3A_554[0] : i32 from vector<1xi32>
            %eq3A_556 = arith.cmpi eq, %squeeze3A_555, %squeeze3A_543 : i32
            %select_n3A_557 = arith.select %eq3A_556, %max3A_546, %broadcast_in_dim3A_423 : vector<16xf32>
            %max3A_558 = arith.maximumf %select_n3A_557, %mul3A_334 : vector<16xf32>
            %sub3A_559 = arith.subi %squeeze3A_555, %mul3A_26 : i32
            %min3A_560 = arith.constant 3200 : i32
            %min3A_561 = arith.minsi %sub3A_559, %min3A_560 : i32
            %mul3A_562 = arith.constant 16 : i32
            %mul3A_563 = arith.muli %min3A_561, %mul3A_562 : i32
            %swap3A_564 = arith.index_cast %mul3A_563 : i32 to index
            %swap3A_565 = tpu.vector_load %arg11[%swap3A_564] {strides = array<i32>} : memref<51456xf32, #tpu.memory_space<vmem>>, vector<16xf32>,
            tpu.vector_store %arg11[%swap3A_564], %max3A_558 {strides = array<i32>} : memref<51456xf32, #tpu.memory_space<vmem>>, vector<16xf32>,
            %slice3A_566 = vector.extract_strided_slice %gather3A_128 {offsets = [11], sizes = [1], strides = [1]} : vector<16xi32> to vector<1xi32>
            %squeeze3A_567 = vector.extract %slice3A_566[0] : i32 from vector<1xi32>
            %eq3A_568 = arith.cmpi eq, %squeeze3A_567, %squeeze3A_555 : i32
            %select_n3A_569 = arith.select %eq3A_568, %max3A_558, %broadcast_in_dim3A_423 : vector<16xf32>
            %max3A_570 = arith.maximumf %select_n3A_569, %mul3A_351 : vector<16xf32>
            %sub3A_571 = arith.subi %squeeze3A_567, %mul3A_26 : i32
            %min3A_572 = arith.constant 3200 : i32
            %min3A_573 = arith.minsi %sub3A_571, %min3A_572 : i32
            %mul3A_574 = arith.constant 16 : i32
            %mul3A_575 = arith.muli %min3A_573, %mul3A_574 : i32
            %swap3A_576 = arith.index_cast %mul3A_575 : i32 to index
            %swap3A_577 = tpu.vector_load %arg11[%swap3A_576] {strides = array<i32>} : memref<51456xf32, #tpu.memory_space<vmem>>, vector<16xf32>,
            tpu.vector_store %arg11[%swap3A_576], %max3A_570 {strides = array<i32>} : memref<51456xf32, #tpu.memory_space<vmem>>, vector<16xf32>,
            %slice3A_578 = vector.extract_strided_slice %gather3A_128 {offsets = [12], sizes = [1], strides = [1]} : vector<16xi32> to vector<1xi32>
            %squeeze3A_579 = vector.extract %slice3A_578[0] : i32 from vector<1xi32>
            %eq3A_580 = arith.cmpi eq, %squeeze3A_579, %squeeze3A_567 : i32
            %select_n3A_581 = arith.select %eq3A_580, %max3A_570, %broadcast_in_dim3A_423 : vector<16xf32>
            %max3A_582 = arith.maximumf %select_n3A_581, %mul3A_368 : vector<16xf32>
            %sub3A_583 = arith.subi %squeeze3A_579, %mul3A_26 : i32
            %min3A_584 = arith.constant 3200 : i32
            %min3A_585 = arith.minsi %sub3A_583, %min3A_584 : i32
            %mul3A_586 = arith.constant 16 : i32
            %mul3A_587 = arith.muli %min3A_585, %mul3A_586 : i32
            %swap3A_588 = arith.index_cast %mul3A_587 : i32 to index
            %swap3A_589 = tpu.vector_load %arg11[%swap3A_588] {strides = array<i32>} : memref<51456xf32, #tpu.memory_space<vmem>>, vector<16xf32>,
            tpu.vector_store %arg11[%swap3A_588], %max3A_582 {strides = array<i32>} : memref<51456xf32, #tpu.memory_space<vmem>>, vector<16xf32>,
            %slice3A_590 = vector.extract_strided_slice %gather3A_128 {offsets = [13], sizes = [1], strides = [1]} : vector<16xi32> to vector<1xi32>
            %squeeze3A_591 = vector.extract %slice3A_590[0] : i32 from vector<1xi32>
            %eq3A_592 = arith.cmpi eq, %squeeze3A_591, %squeeze3A_579 : i32
            %select_n3A_593 = arith.select %eq3A_592, %max3A_582, %broadcast_in_dim3A_423 : vector<16xf32>
            %max3A_594 = arith.maximumf %select_n3A_593, %mul3A_385 : vector<16xf32>
            %sub3A_595 = arith.subi %squeeze3A_591, %mul3A_26 : i32
            %min3A_596 = arith.constant 3200 : i32
            %min3A_597 = arith.minsi %sub3A_595, %min3A_596 : i32
            %mul3A_598 = arith.constant 16 : i32
            %mul3A_599 = arith.muli %min3A_597, %mul3A_598 : i32
            %swap3A_600 = arith.index_cast %mul3A_599 : i32 to index
            %swap3A_601 = tpu.vector_load %arg11[%swap3A_600] {strides = array<i32>} : memref<51456xf32, #tpu.memory_space<vmem>>, vector<16xf32>,
            tpu.vector_store %arg11[%swap3A_600], %max3A_594 {strides = array<i32>} : memref<51456xf32, #tpu.memory_space<vmem>>, vector<16xf32>,
            %slice3A_602 = vector.extract_strided_slice %gather3A_128 {offsets = [14], sizes = [1], strides = [1]} : vector<16xi32> to vector<1xi32>
            %squeeze3A_603 = vector.extract %slice3A_602[0] : i32 from vector<1xi32>
            %eq3A_604 = arith.cmpi eq, %squeeze3A_603, %squeeze3A_591 : i32
            %select_n3A_605 = arith.select %eq3A_604, %max3A_594, %broadcast_in_dim3A_423 : vector<16xf32>
            %max3A_606 = arith.maximumf %select_n3A_605, %mul3A_402 : vector<16xf32>
            %sub3A_607 = arith.subi %squeeze3A_603, %mul3A_26 : i32
            %min3A_608 = arith.constant 3200 : i32
            %min3A_609 = arith.minsi %sub3A_607, %min3A_608 : i32
            %mul3A_610 = arith.constant 16 : i32
            %mul3A_611 = arith.muli %min3A_609, %mul3A_610 : i32
            %swap3A_612 = arith.index_cast %mul3A_611 : i32 to index
            %swap3A_613 = tpu.vector_load %arg11[%swap3A_612] {strides = array<i32>} : memref<51456xf32, #tpu.memory_space<vmem>>, vector<16xf32>,
            tpu.vector_store %arg11[%swap3A_612], %max3A_606 {strides = array<i32>} : memref<51456xf32, #tpu.memory_space<vmem>>, vector<16xf32>,
            %slice3A_614 = vector.extract_strided_slice %gather3A_128 {offsets = [15], sizes = [1], strides = [1]} : vector<16xi32> to vector<1xi32>
            %squeeze3A_615 = vector.extract %slice3A_614[0] : i32 from vector<1xi32>
            %eq3A_616 = arith.cmpi eq, %squeeze3A_615, %squeeze3A_603 : i32
            %select_n3A_617 = arith.select %eq3A_616, %max3A_606, %broadcast_in_dim3A_423 : vector<16xf32>
            %max3A_618 = arith.maximumf %select_n3A_617, %mul3A_419 : vector<16xf32>
            %sub3A_619 = arith.subi %squeeze3A_615, %mul3A_26 : i32
            %min3A_620 = arith.constant 3200 : i32
            %min3A_621 = arith.minsi %sub3A_619, %min3A_620 : i32
            %mul3A_622 = arith.constant 16 : i32
            %mul3A_623 = arith.muli %min3A_621, %mul3A_622 : i32
            %swap3A_624 = arith.index_cast %mul3A_623 : i32 to index
            %swap3A_625 = tpu.vector_load %arg11[%swap3A_624] {strides = array<i32>} : memref<51456xf32, #tpu.memory_space<vmem>>, vector<16xf32>,
            tpu.vector_store %arg11[%swap3A_624], %max3A_618 {strides = array<i32>} : memref<51456xf32, #tpu.memory_space<vmem>>, vector<16xf32>,
            scf.yield %squeeze3A_615, %max3A_618 : i32, vector<16xf32>
          }
          scf.yield %cond3A_435#0, %cond3A_435#1 : i32, vector<16xf32>
        }
        scf.yield %cond3A_429#0, %cond3A_429#1 : i32, vector<16xf32>
      }
      %scan3A_97 = arith.constant 25 : i32
      %add3A_98 = arith.constant 2 : i32
      %add3A_99 = arith.addi %while3A_61, %add3A_98 : i32
      %lt3A_100 = arith.cmpi slt, %add3A_99, %select_n3A : i32
      %eq3A_101 = arith.constant 0 : i32
      %eq3A_102 = arith.cmpi eq, %rem3A_65, %eq3A_101 : i32
      %and3A_103 = arith.andi %lt3A_100, %eq3A_102 : i1
      %convert_element_type3A_104 = arith.extui %and3A_103 : i1 to i32
      %cond3A_105 = arith.constant 0 : i32
      %cond3A_106 = arith.cmpi ne, %convert_element_type3A_104, %cond3A_105 : i32
      scf.if %cond3A_106 {
        %add3A_116 = arith.constant 2 : i32
        %add3A_117 = arith.addi %while3A_61, %add3A_116 : i32
        %mul3A_118 = arith.constant 400 : i32
        %mul3A_119 = arith.muli %add3A_117, %mul3A_118 : i32
        %add3A_120 = arith.addi %squeeze3A, %mul3A_119 : i32
        %dma_start3A = arith.constant 0 : i32
        %dma_start3A_121 = arith.constant 0 : i32
        %dma_start3A_122 = tpu.memref_slice %arg8[%dma_start3A, %dma_start3A_121] : memref<800x16xi32, #tpu.memory_space<vmem>> -> memref<400x16xi32, #tpu.memory_space<vmem>>
        %dma_start3A_123 = arith.constant 0 : i32
        %dma_start3A_124 = tpu.memref_slice %arg2[%add3A_120, %dma_start3A_123] : memref<1600400x16xi32, #tpu.memory_space<hbm>> -> memref<400x16xi32, #tpu.memory_space<hbm>>
        %dma_start3A_125 = arith.constant 0 : i32
        %dma_start3A_126 = arith.constant 0 : i32
        %dma_start3A_127 = tpu.memref_slice %arg8[%dma_start3A_125, %dma_start3A_126] : memref<800x16xi32, #tpu.memory_space<vmem>> -> memref<400x16xi32, #tpu.memory_space<vmem>>
        %dma_start3A_128 = arith.constant 0 : i32
        %dma_start3A_129 = tpu.memref_slice %arg2[%add3A_120, %dma_start3A_128] : memref<1600400x16xi32, #tpu.memory_space<hbm>> -> memref<400x16xi32, #tpu.memory_space<hbm>>
        tpu.enqueue_dma source(%dma_start3A_129 : memref<400x16xi32, #tpu.memory_space<hbm>>) target(%dma_start3A_127 : memref<400x16xi32, #tpu.memory_space<vmem>>) target_semaphore(%arg14 : memref<!tpu.dma_semaphore, #tpu.memory_space<semaphore_mem>>)
      } else {
      }
      %add3A_107 = arith.constant 2 : i32
      %add3A_108 = arith.addi %while3A_61, %add3A_107 : i32
      %lt3A_109 = arith.cmpi slt, %add3A_108, %select_n3A : i32
      %eq3A_110 = arith.constant 1 : i32
      %eq3A_111 = arith.cmpi eq, %rem3A_65, %eq3A_110 : i32
      %and3A_112 = arith.andi %lt3A_109, %eq3A_111 : i1
      %convert_element_type3A_113 = arith.extui %and3A_112 : i1 to i32
      %cond3A_114 = arith.constant 0 : i32
      %cond3A_115 = arith.cmpi ne, %convert_element_type3A_113, %cond3A_114 : i32
      scf.if %cond3A_115 {
        %add3A_116 = arith.constant 2 : i32
        %add3A_117 = arith.addi %while3A_61, %add3A_116 : i32
        %mul3A_118 = arith.constant 400 : i32
        %mul3A_119 = arith.muli %add3A_117, %mul3A_118 : i32
        %add3A_120 = arith.addi %squeeze3A, %mul3A_119 : i32
        %dma_start3A = arith.constant 400 : i32
        %dma_start3A_121 = arith.constant 0 : i32
        %dma_start3A_122 = tpu.memref_slice %arg8[%dma_start3A, %dma_start3A_121] : memref<800x16xi32, #tpu.memory_space<vmem>> -> memref<400x16xi32, #tpu.memory_space<vmem>>
        %dma_start3A_123 = arith.constant 0 : i32
        %dma_start3A_124 = tpu.memref_slice %arg2[%add3A_120, %dma_start3A_123] : memref<1600400x16xi32, #tpu.memory_space<hbm>> -> memref<400x16xi32, #tpu.memory_space<hbm>>
        %dma_start3A_125 = arith.constant 400 : i32
        %dma_start3A_126 = arith.constant 0 : i32
        %dma_start3A_127 = tpu.memref_slice %arg8[%dma_start3A_125, %dma_start3A_126] : memref<800x16xi32, #tpu.memory_space<vmem>> -> memref<400x16xi32, #tpu.memory_space<vmem>>
        %dma_start3A_128 = arith.constant 0 : i32
        %dma_start3A_129 = tpu.memref_slice %arg2[%add3A_120, %dma_start3A_128] : memref<1600400x16xi32, #tpu.memory_space<hbm>> -> memref<400x16xi32, #tpu.memory_space<hbm>>
        tpu.enqueue_dma source(%dma_start3A_129 : memref<400x16xi32, #tpu.memory_space<hbm>>) target(%dma_start3A_127 : memref<400x16xi32, #tpu.memory_space<vmem>>) target_semaphore(%arg15 : memref<!tpu.dma_semaphore, #tpu.memory_space<semaphore_mem>>)
      } else {
      }
      scf.yield %scan3A_96#0, %scan3A_96#1 : i32, vector<16xf32>
    }
    %while3A_51 = arith.constant 1 : i32
    %while3A_52:2 = scf.for %while3A_61 = %while3A_48 to %while3A_44 step %while3A_51 iter_args(%while3A_62 = %while3A_50#0, %while3A_63 = %while3A_50#1) -> (i32, vector<16xf32>)  : i32 {
      %rem3A_64 = arith.constant 2 : i32
      %rem3A_65 = arith.remsi %while3A_61, %rem3A_64 : i32
      %eq3A = arith.constant 0 : i32
      %eq3A_66 = arith.cmpi eq, %rem3A_65, %eq3A : i32
      %convert_element_type3A_67 = arith.extui %eq3A_66 : i1 to i32
      %cond3A_68 = arith.constant 0 : i32
      %cond3A_69 = arith.cmpi ne, %convert_element_type3A_67, %cond3A_68 : i32
      scf.if %cond3A_69 {
        %dma_wait3A = arith.constant 0 : i32
        %dma_wait3A_116 = arith.constant 0 : i32
        %dma_wait3A_117 = tpu.memref_slice %arg9[%dma_wait3A, %dma_wait3A_116] : memref<800x16xf32, #tpu.memory_space<vmem>> -> memref<400x16xf32, #tpu.memory_space<vmem>>
        %dma_wait3A_118 = arith.constant 0 : i32
        %dma_wait3A_119 = tpu.memref_slice %arg10[%dma_wait3A_118] : memref<800xi32, #tpu.memory_space<vmem>> -> memref<400xi32, #tpu.memory_space<vmem>>
        %dma_wait3A_120 = arith.constant 0 : i32
        %dma_wait3A_121 = arith.constant 0 : i32
        %dma_wait3A_122 = tpu.memref_slice %arg5[%dma_wait3A_120, %dma_wait3A_121] : memref<50176x16xf32, #tpu.memory_space<hbm>> -> memref<50176x16xf32, #tpu.memory_space<hbm>>
        tpu.wait_indirect_dma semaphore(%arg16 : memref<!tpu.dma_semaphore, #tpu.memory_space<semaphore_mem>>) src(%dma_wait3A_122 : memref<50176x16xf32, #tpu.memory_space<hbm>>) dst(%dma_wait3A_117 : memref<400x16xf32, #tpu.memory_space<vmem>>)
      } else {
      }
      %eq3A_70 = arith.constant 1 : i32
      %eq3A_71 = arith.cmpi eq, %rem3A_65, %eq3A_70 : i32
      %convert_element_type3A_72 = arith.extui %eq3A_71 : i1 to i32
      %cond3A_73 = arith.constant 0 : i32
      %cond3A_74 = arith.cmpi ne, %convert_element_type3A_72, %cond3A_73 : i32
      scf.if %cond3A_74 {
        %dma_wait3A = arith.constant 400 : i32
        %dma_wait3A_116 = arith.constant 0 : i32
        %dma_wait3A_117 = tpu.memref_slice %arg9[%dma_wait3A, %dma_wait3A_116] : memref<800x16xf32, #tpu.memory_space<vmem>> -> memref<400x16xf32, #tpu.memory_space<vmem>>
        %dma_wait3A_118 = arith.constant 400 : i32
        %dma_wait3A_119 = tpu.memref_slice %arg10[%dma_wait3A_118] : memref<800xi32, #tpu.memory_space<vmem>> -> memref<400xi32, #tpu.memory_space<vmem>>
        %dma_wait3A_120 = arith.constant 0 : i32
        %dma_wait3A_121 = arith.constant 0 : i32
        %dma_wait3A_122 = tpu.memref_slice %arg5[%dma_wait3A_120, %dma_wait3A_121] : memref<50176x16xf32, #tpu.memory_space<hbm>> -> memref<50176x16xf32, #tpu.memory_space<hbm>>
        tpu.wait_indirect_dma semaphore(%arg17 : memref<!tpu.dma_semaphore, #tpu.memory_space<semaphore_mem>>) src(%dma_wait3A_122 : memref<50176x16xf32, #tpu.memory_space<hbm>>) dst(%dma_wait3A_117 : memref<400x16xf32, #tpu.memory_space<vmem>>)
      } else {
      }
      %add3A_75 = arith.constant 1 : i32
      %add3A_76 = arith.addi %while3A_61, %add3A_75 : i32
      %lt3A = arith.cmpi slt, %add3A_76, %select_n3A : i32
      %eq3A_77 = arith.constant 0 : i32
      %eq3A_78 = arith.cmpi eq, %rem3A_65, %eq3A_77 : i32
      %and3A_79 = arith.andi %lt3A, %eq3A_78 : i1
      %convert_element_type3A_80 = arith.extui %and3A_79 : i1 to i32
      %cond3A_81 = arith.constant 0 : i32
      %cond3A_82 = arith.cmpi ne, %convert_element_type3A_80, %cond3A_81 : i32
      scf.if %cond3A_82 {
        %dma_wait3A = arith.constant 400 : i32
        %dma_wait3A_116 = arith.constant 0 : i32
        %dma_wait3A_117 = tpu.memref_slice %arg8[%dma_wait3A, %dma_wait3A_116] : memref<800x16xi32, #tpu.memory_space<vmem>> -> memref<400x16xi32, #tpu.memory_space<vmem>>
        %dma_wait3A_118 = arith.constant 0 : i32
        %dma_wait3A_119 = arith.constant 0 : i32
        %dma_wait3A_120 = tpu.memref_slice %arg2[%dma_wait3A_118, %dma_wait3A_119] : memref<1600400x16xi32, #tpu.memory_space<hbm>> -> memref<400x16xi32, #tpu.memory_space<hbm>>
        %dma_wait3A_121 = arith.constant 400 : i32
        %dma_wait3A_122 = arith.constant 0 : i32
        %dma_wait3A_123 = tpu.memref_slice %arg8[%dma_wait3A_121, %dma_wait3A_122] : memref<800x16xi32, #tpu.memory_space<vmem>> -> memref<400x16xi32, #tpu.memory_space<vmem>>
        %dma_wait3A_124 = arith.constant 0 : i32
        %dma_wait3A_125 = arith.constant 0 : i32
        %dma_wait3A_126 = tpu.memref_slice %arg2[%dma_wait3A_124, %dma_wait3A_125] : memref<1600400x16xi32, #tpu.memory_space<hbm>> -> memref<400x16xi32, #tpu.memory_space<hbm>>
        tpu.wait_dma2 semaphore(%arg15 : memref<!tpu.dma_semaphore, #tpu.memory_space<semaphore_mem>>) src(%dma_wait3A_126 : memref<400x16xi32, #tpu.memory_space<hbm>>) dst(%dma_wait3A_123 : memref<400x16xi32, #tpu.memory_space<vmem>>)
        %scan3A_127 = arith.constant 0 : i32
        %scan3A_128 = arith.constant 0 : i32
        %scan3A_129 = arith.constant 25 : i32
        %scan3A_130 = arith.addi %scan3A_128, %scan3A_129 : i32
        %scan3A_131 = arith.constant 1 : i32
        scf.for %scan3A_140 = %scan3A_128 to %scan3A_130 step %scan3A_131  : i32 {
          %mul3A_141 = arith.constant 16 : i32
          %mul3A_142 = arith.muli %scan3A_140, %mul3A_141 : i32
          %add3A_143 = arith.constant 400 : i32
          %add3A_144 = arith.addi %add3A_143, %mul3A_142 : i32
          %broadcast_in_dim3A_145 = vector.broadcast %add3A_144 : i32 to vector<16xi32>
          %add3A_146 = arith.addi %broadcast_in_dim3A_145, %iota3A : vector<16xi32>
          %broadcast_in_dim3A_147 = arith.constant 0 : i32
          %broadcast_in_dim3A_148 = vector.broadcast %broadcast_in_dim3A_147 : i32 to vector<16xi32>
          %gather3A_149 = tpu.vector_load_idx %arg8[%add3A_146, %broadcast_in_dim3A_148] : memref<800x16xi32, #tpu.memory_space<vmem>>[vector<16xi32>, vector<16xi32>], vector<16xi32>,
          %mul3A_150 = arith.constant 16 : i32
          %mul3A_151 = arith.muli %scan3A_140, %mul3A_150 : i32
          %add3A_152 = arith.constant 400 : i32
          %add3A_153 = arith.addi %add3A_152, %mul3A_151 : i32
          %swap3A = arith.index_cast %add3A_153 : i32 to index
          %swap3A_154 = tpu.vector_load %arg10[%swap3A] {strides = array<i32>} : memref<800xi32, #tpu.memory_space<vmem>>, vector<16xi32>,
          tpu.vector_store %arg10[%swap3A], %gather3A_149 {strides = array<i32>} : memref<800xi32, #tpu.memory_space<vmem>>, vector<16xi32>,
        }
        %scan3A_132 = arith.constant 25 : i32
        %dma_start3A = arith.constant 400 : i32
        %dma_start3A_133 = arith.constant 0 : i32
        %dma_start3A_134 = tpu.memref_slice %arg9[%dma_start3A, %dma_start3A_133] : memref<800x16xf32, #tpu.memory_space<vmem>> -> memref<400x16xf32, #tpu.memory_space<vmem>>
        %dma_start3A_135 = arith.constant 400 : i32
        %dma_start3A_136 = tpu.memref_slice %arg10[%dma_start3A_135] : memref<800xi32, #tpu.memory_space<vmem>> -> memref<400xi32, #tpu.memory_space<vmem>>
        %dma_start3A_137 = arith.constant 0 : i32
        %dma_start3A_138 = arith.constant 0 : i32
        %dma_start3A_139 = tpu.memref_slice %arg5[%dma_start3A_137, %dma_start3A_138] : memref<50176x16xf32, #tpu.memory_space<hbm>> -> memref<50176x16xf32, #tpu.memory_space<hbm>>
        tpu.enqueue_indirect_dma source(%dma_start3A_139 : memref<50176x16xf32, #tpu.memory_space<hbm>>) target(%dma_start3A_134 : memref<400x16xf32, #tpu.memory_space<vmem>>) offsets(%dma_start3A_136 : memref<400xi32, #tpu.memory_space<vmem>>) semaphore(%arg17 : memref<!tpu.dma_semaphore, #tpu.memory_space<semaphore_mem>>)
      } else {
      }
      %add3A_83 = arith.constant 1 : i32
      %add3A_84 = arith.addi %while3A_61, %add3A_83 : i32
      %lt3A_85 = arith.cmpi slt, %add3A_84, %select_n3A : i32
      %eq3A_86 = arith.constant 1 : i32
      %eq3A_87 = arith.cmpi eq, %rem3A_65, %eq3A_86 : i32
      %and3A_88 = arith.andi %lt3A_85, %eq3A_87 : i1
      %convert_element_type3A_89 = arith.extui %and3A_88 : i1 to i32
      %cond3A_90 = arith.constant 0 : i32
      %cond3A_91 = arith.cmpi ne, %convert_element_type3A_89, %cond3A_90 : i32
      scf.if %cond3A_91 {
        %dma_wait3A = arith.constant 0 : i32
        %dma_wait3A_116 = arith.constant 0 : i32
        %dma_wait3A_117 = tpu.memref_slice %arg8[%dma_wait3A, %dma_wait3A_116] : memref<800x16xi32, #tpu.memory_space<vmem>> -> memref<400x16xi32, #tpu.memory_space<vmem>>
        %dma_wait3A_118 = arith.constant 0 : i32
        %dma_wait3A_119 = arith.constant 0 : i32
        %dma_wait3A_120 = tpu.memref_slice %arg2[%dma_wait3A_118, %dma_wait3A_119] : memref<1600400x16xi32, #tpu.memory_space<hbm>> -> memref<400x16xi32, #tpu.memory_space<hbm>>
        %dma_wait3A_121 = arith.constant 0 : i32
        %dma_wait3A_122 = arith.constant 0 : i32
        %dma_wait3A_123 = tpu.memref_slice %arg8[%dma_wait3A_121, %dma_wait3A_122] : memref<800x16xi32, #tpu.memory_space<vmem>> -> memref<400x16xi32, #tpu.memory_space<vmem>>
        %dma_wait3A_124 = arith.constant 0 : i32
        %dma_wait3A_125 = arith.constant 0 : i32
        %dma_wait3A_126 = tpu.memref_slice %arg2[%dma_wait3A_124, %dma_wait3A_125] : memref<1600400x16xi32, #tpu.memory_space<hbm>> -> memref<400x16xi32, #tpu.memory_space<hbm>>
        tpu.wait_dma2 semaphore(%arg14 : memref<!tpu.dma_semaphore, #tpu.memory_space<semaphore_mem>>) src(%dma_wait3A_126 : memref<400x16xi32, #tpu.memory_space<hbm>>) dst(%dma_wait3A_123 : memref<400x16xi32, #tpu.memory_space<vmem>>)
        %scan3A_127 = arith.constant 0 : i32
        %scan3A_128 = arith.constant 0 : i32
        %scan3A_129 = arith.constant 25 : i32
        %scan3A_130 = arith.addi %scan3A_128, %scan3A_129 : i32
        %scan3A_131 = arith.constant 1 : i32
        scf.for %scan3A_140 = %scan3A_128 to %scan3A_130 step %scan3A_131  : i32 {
          %mul3A_141 = arith.constant 16 : i32
          %mul3A_142 = arith.muli %scan3A_140, %mul3A_141 : i32
          %add3A_143 = arith.constant 0 : i32
          %add3A_144 = arith.addi %add3A_143, %mul3A_142 : i32
          %broadcast_in_dim3A_145 = vector.broadcast %add3A_144 : i32 to vector<16xi32>
          %add3A_146 = arith.addi %broadcast_in_dim3A_145, %iota3A : vector<16xi32>
          %broadcast_in_dim3A_147 = arith.constant 0 : i32
          %broadcast_in_dim3A_148 = vector.broadcast %broadcast_in_dim3A_147 : i32 to vector<16xi32>
          %gather3A_149 = tpu.vector_load_idx %arg8[%add3A_146, %broadcast_in_dim3A_148] : memref<800x16xi32, #tpu.memory_space<vmem>>[vector<16xi32>, vector<16xi32>], vector<16xi32>,
          %mul3A_150 = arith.constant 16 : i32
          %mul3A_151 = arith.muli %scan3A_140, %mul3A_150 : i32
          %add3A_152 = arith.constant 0 : i32
          %add3A_153 = arith.addi %add3A_152, %mul3A_151 : i32
          %swap3A = arith.index_cast %add3A_153 : i32 to index
          %swap3A_154 = tpu.vector_load %arg10[%swap3A] {strides = array<i32>} : memref<800xi32, #tpu.memory_space<vmem>>, vector<16xi32>,
          tpu.vector_store %arg10[%swap3A], %gather3A_149 {strides = array<i32>} : memref<800xi32, #tpu.memory_space<vmem>>, vector<16xi32>,
        }
        %scan3A_132 = arith.constant 25 : i32
        %dma_start3A = arith.constant 0 : i32
        %dma_start3A_133 = arith.constant 0 : i32
        %dma_start3A_134 = tpu.memref_slice %arg9[%dma_start3A, %dma_start3A_133] : memref<800x16xf32, #tpu.memory_space<vmem>> -> memref<400x16xf32, #tpu.memory_space<vmem>>
        %dma_start3A_135 = arith.constant 0 : i32
        %dma_start3A_136 = tpu.memref_slice %arg10[%dma_start3A_135] : memref<800xi32, #tpu.memory_space<vmem>> -> memref<400xi32, #tpu.memory_space<vmem>>
        %dma_start3A_137 = arith.constant 0 : i32
        %dma_start3A_138 = arith.constant 0 : i32
        %dma_start3A_139 = tpu.memref_slice %arg5[%dma_start3A_137, %dma_start3A_138] : memref<50176x16xf32, #tpu.memory_space<hbm>> -> memref<50176x16xf32, #tpu.memory_space<hbm>>
        tpu.enqueue_indirect_dma source(%dma_start3A_139 : memref<50176x16xf32, #tpu.memory_space<hbm>>) target(%dma_start3A_134 : memref<400x16xf32, #tpu.memory_space<vmem>>) offsets(%dma_start3A_136 : memref<400xi32, #tpu.memory_space<vmem>>) semaphore(%arg16 : memref<!tpu.dma_semaphore, #tpu.memory_space<semaphore_mem>>)
      } else {
      }
      %scan3A_92 = arith.constant 0 : i32
      %scan3A_93 = arith.constant 25 : i32
      %scan3A_94 = arith.addi %scan3A_92, %scan3A_93 : i32
      %scan3A_95 = arith.constant 1 : i32
      %scan3A_96:2 = scf.for %scan3A_116 = %scan3A_92 to %scan3A_94 step %scan3A_95 iter_args(%scan3A_117 = %while3A_62, %scan3A_118 = %while3A_63) -> (i32, vector<16xf32>)  : i32 {
        %mul3A_119 = arith.constant 400 : i32
        %mul3A_120 = arith.muli %rem3A_65, %mul3A_119 : i32
        %mul3A_121 = arith.constant 16 : i32
        %mul3A_122 = arith.muli %scan3A_116, %mul3A_121 : i32
        %add3A_123 = arith.addi %mul3A_120, %mul3A_122 : i32
        %broadcast_in_dim3A_124 = vector.broadcast %add3A_123 : i32 to vector<16xi32>
        %add3A_125 = arith.addi %broadcast_in_dim3A_124, %iota3A : vector<16xi32>
        %broadcast_in_dim3A_126 = arith.constant 3 : i32
        %broadcast_in_dim3A_127 = vector.broadcast %broadcast_in_dim3A_126 : i32 to vector<16xi32>
        %gather3A_128 = tpu.vector_load_idx %arg8[%add3A_125, %broadcast_in_dim3A_127] : memref<800x16xi32, #tpu.memory_space<vmem>>[vector<16xi32>, vector<16xi32>], vector<16xi32>,
        %broadcast_in_dim3A_129 = arith.constant 15 : i32
        %broadcast_in_dim3A_130 = vector.broadcast %broadcast_in_dim3A_129 : i32 to vector<16xi32>
        %broadcast_in_dim3A_131 = vector.broadcast %scan3A_117 : i32 to vector<16xi32>
        %eq3A_132 = arith.constant 0 : i32
        %eq3A_133 = vector.broadcast %eq3A_132 : i32 to vector<16xi32>
        %eq3A_134 = arith.cmpi eq, %iota3A, %eq3A_133 : vector<16xi32>
        tpu.vector_store_idx %arg13[%broadcast_in_dim3A_130], %broadcast_in_dim3A_131 masked %eq3A_134 : memref<416xi32, #tpu.memory_space<vmem>>[vector<16xi32>], vector<16xi32>, vector<16xi1>
        %mul3A_135 = arith.constant 16 : i32
        %mul3A_136 = arith.muli %scan3A_116, %mul3A_135 : i32
        %add3A_137 = arith.constant 16 : i32
        %add3A_138 = arith.addi %add3A_137, %mul3A_136 : i32
        %swap3A = arith.index_cast %add3A_138 : i32 to index
        %swap3A_139 = tpu.vector_load %arg13[%swap3A] {strides = array<i32>} : memref<416xi32, #tpu.memory_space<vmem>>, vector<16xi32>,
        tpu.vector_store %arg13[%swap3A], %gather3A_128 {strides = array<i32>} : memref<416xi32, #tpu.memory_space<vmem>>, vector<16xi32>,
        %mul3A_140 = arith.constant 16 : i32
        %mul3A_141 = arith.muli %scan3A_116, %mul3A_140 : i32
        %add3A_142 = arith.constant 15 : i32
        %add3A_143 = arith.addi %add3A_142, %mul3A_141 : i32
        %get3A = arith.index_cast %add3A_143 : i32 to index
        %get3A_144 = tpu.vector_load %arg13[%get3A] {strides = array<i32>} : memref<416xi32, #tpu.memory_space<vmem>>, vector<16xi32>,
        %ne3A_145 = arith.cmpi ne, %gather3A_128, %get3A_144 : vector<16xi32>
        %all_reduce_population_count3A = tpu.all_reduce %ne3A_145 {dim = 0 : i64, kind = #tpu.reduction_kind<sum>} : vector<16xi1> -> vector<16xi32>
        %slice3A_146 = vector.extract_strided_slice %all_reduce_population_count3A {offsets = [0], sizes = [1], strides = [1]} : vector<16xi32> to vector<1xi32>
        %squeeze3A_147 = vector.extract %slice3A_146[0] : i32 from vector<1xi32>
        %add3A_148 = arith.constant 0 : i32
        %add3A_149 = arith.addi %add3A_123, %add3A_148 : i32
        %get3A_150 = arith.index_cast %add3A_149 : i32 to index
        %get3A_151 = arith.constant 0 : index
        %get3A_152 = tpu.vector_load %arg8[%get3A_150, %get3A_151] {strides = array<i32>} : memref<800x16xi32, #tpu.memory_space<vmem>>, vector<16xi32>,
        %add3A_153 = arith.constant 0 : i32
        %add3A_154 = arith.addi %add3A_123, %add3A_153 : i32
        %get3A_155 = arith.index_cast %add3A_154 : i32 to index
        %get3A_156 = arith.constant 0 : index
        %get3A_157 = tpu.vector_load %arg9[%get3A_155, %get3A_156] {strides = array<i32>} : memref<800x16xf32, #tpu.memory_space<vmem>>, vector<16xf32>,
        %slice3A_158 = vector.extract_strided_slice %get3A_152 {offsets = [2], sizes = [1], strides = [1]} : vector<16xi32> to vector<1xi32>
        %squeeze3A_159 = vector.extract %slice3A_158[0] : i32 from vector<1xi32>
        %mul3A_160 = arith.constant 16 : i32
        %mul3A_161 = arith.muli %squeeze3A_159, %mul3A_160 : i32
        %get3A_162 = arith.index_cast %mul3A_161 : i32 to index
        %get3A_163 = tpu.vector_load %arg7[%get3A_162] {strides = array<i32>} : memref<1024xf32, #tpu.memory_space<vmem>>, vector<16xf32>,
        %mul3A_164 = arith.mulf %get3A_157, %get3A_163 : vector<16xf32>
        %add3A_165 = arith.constant 1 : i32
        %add3A_166 = arith.addi %add3A_123, %add3A_165 : i32
        %get3A_167 = arith.index_cast %add3A_166 : i32 to index
        %get3A_168 = arith.constant 0 : index
        %get3A_169 = tpu.vector_load %arg8[%get3A_167, %get3A_168] {strides = array<i32>} : memref<800x16xi32, #tpu.memory_space<vmem>>, vector<16xi32>,
        %add3A_170 = arith.constant 1 : i32
        %add3A_171 = arith.addi %add3A_123, %add3A_170 : i32
        %get3A_172 = arith.index_cast %add3A_171 : i32 to index
        %get3A_173 = arith.constant 0 : index
        %get3A_174 = tpu.vector_load %arg9[%get3A_172, %get3A_173] {strides = array<i32>} : memref<800x16xf32, #tpu.memory_space<vmem>>, vector<16xf32>,
        %slice3A_175 = vector.extract_strided_slice %get3A_169 {offsets = [2], sizes = [1], strides = [1]} : vector<16xi32> to vector<1xi32>
        %squeeze3A_176 = vector.extract %slice3A_175[0] : i32 from vector<1xi32>
        %mul3A_177 = arith.constant 16 : i32
        %mul3A_178 = arith.muli %squeeze3A_176, %mul3A_177 : i32
        %get3A_179 = arith.index_cast %mul3A_178 : i32 to index
        %get3A_180 = tpu.vector_load %arg7[%get3A_179] {strides = array<i32>} : memref<1024xf32, #tpu.memory_space<vmem>>, vector<16xf32>,
        %mul3A_181 = arith.mulf %get3A_174, %get3A_180 : vector<16xf32>
        %add3A_182 = arith.constant 2 : i32
        %add3A_183 = arith.addi %add3A_123, %add3A_182 : i32
        %get3A_184 = arith.index_cast %add3A_183 : i32 to index
        %get3A_185 = arith.constant 0 : index
        %get3A_186 = tpu.vector_load %arg8[%get3A_184, %get3A_185] {strides = array<i32>} : memref<800x16xi32, #tpu.memory_space<vmem>>, vector<16xi32>,
        %add3A_187 = arith.constant 2 : i32
        %add3A_188 = arith.addi %add3A_123, %add3A_187 : i32
        %get3A_189 = arith.index_cast %add3A_188 : i32 to index
        %get3A_190 = arith.constant 0 : index
        %get3A_191 = tpu.vector_load %arg9[%get3A_189, %get3A_190] {strides = array<i32>} : memref<800x16xf32, #tpu.memory_space<vmem>>, vector<16xf32>,
        %slice3A_192 = vector.extract_strided_slice %get3A_186 {offsets = [2], sizes = [1], strides = [1]} : vector<16xi32> to vector<1xi32>
        %squeeze3A_193 = vector.extract %slice3A_192[0] : i32 from vector<1xi32>
        %mul3A_194 = arith.constant 16 : i32
        %mul3A_195 = arith.muli %squeeze3A_193, %mul3A_194 : i32
        %get3A_196 = arith.index_cast %mul3A_195 : i32 to index
        %get3A_197 = tpu.vector_load %arg7[%get3A_196] {strides = array<i32>} : memref<1024xf32, #tpu.memory_space<vmem>>, vector<16xf32>,
        %mul3A_198 = arith.mulf %get3A_191, %get3A_197 : vector<16xf32>
        %add3A_199 = arith.constant 3 : i32
        %add3A_200 = arith.addi %add3A_123, %add3A_199 : i32
        %get3A_201 = arith.index_cast %add3A_200 : i32 to index
        %get3A_202 = arith.constant 0 : index
        %get3A_203 = tpu.vector_load %arg8[%get3A_201, %get3A_202] {strides = array<i32>} : memref<800x16xi32, #tpu.memory_space<vmem>>, vector<16xi32>,
        %add3A_204 = arith.constant 3 : i32
        %add3A_205 = arith.addi %add3A_123, %add3A_204 : i32
        %get3A_206 = arith.index_cast %add3A_205 : i32 to index
        %get3A_207 = arith.constant 0 : index
        %get3A_208 = tpu.vector_load %arg9[%get3A_206, %get3A_207] {strides = array<i32>} : memref<800x16xf32, #tpu.memory_space<vmem>>, vector<16xf32>,
        %slice3A_209 = vector.extract_strided_slice %get3A_203 {offsets = [2], sizes = [1], strides = [1]} : vector<16xi32> to vector<1xi32>
        %squeeze3A_210 = vector.extract %slice3A_209[0] : i32 from vector<1xi32>
        %mul3A_211 = arith.constant 16 : i32
        %mul3A_212 = arith.muli %squeeze3A_210, %mul3A_211 : i32
        %get3A_213 = arith.index_cast %mul3A_212 : i32 to index
        %get3A_214 = tpu.vector_load %arg7[%get3A_213] {strides = array<i32>} : memref<1024xf32, #tpu.memory_space<vmem>>, vector<16xf32>,
        %mul3A_215 = arith.mulf %get3A_208, %get3A_214 : vector<16xf32>
        %add3A_216 = arith.constant 4 : i32
        %add3A_217 = arith.addi %add3A_123, %add3A_216 : i32
        %get3A_218 = arith.index_cast %add3A_217 : i32 to index
        %get3A_219 = arith.constant 0 : index
        %get3A_220 = tpu.vector_load %arg8[%get3A_218, %get3A_219] {strides = array<i32>} : memref<800x16xi32, #tpu.memory_space<vmem>>, vector<16xi32>,
        %add3A_221 = arith.constant 4 : i32
        %add3A_222 = arith.addi %add3A_123, %add3A_221 : i32
        %get3A_223 = arith.index_cast %add3A_222 : i32 to index
        %get3A_224 = arith.constant 0 : index
        %get3A_225 = tpu.vector_load %arg9[%get3A_223, %get3A_224] {strides = array<i32>} : memref<800x16xf32, #tpu.memory_space<vmem>>, vector<16xf32>,
        %slice3A_226 = vector.extract_strided_slice %get3A_220 {offsets = [2], sizes = [1], strides = [1]} : vector<16xi32> to vector<1xi32>
        %squeeze3A_227 = vector.extract %slice3A_226[0] : i32 from vector<1xi32>
        %mul3A_228 = arith.constant 16 : i32
        %mul3A_229 = arith.muli %squeeze3A_227, %mul3A_228 : i32
        %get3A_230 = arith.index_cast %mul3A_229 : i32 to index
        %get3A_231 = tpu.vector_load %arg7[%get3A_230] {strides = array<i32>} : memref<1024xf32, #tpu.memory_space<vmem>>, vector<16xf32>,
        %mul3A_232 = arith.mulf %get3A_225, %get3A_231 : vector<16xf32>
        %add3A_233 = arith.constant 5 : i32
        %add3A_234 = arith.addi %add3A_123, %add3A_233 : i32
        %get3A_235 = arith.index_cast %add3A_234 : i32 to index
        %get3A_236 = arith.constant 0 : index
        %get3A_237 = tpu.vector_load %arg8[%get3A_235, %get3A_236] {strides = array<i32>} : memref<800x16xi32, #tpu.memory_space<vmem>>, vector<16xi32>,
        %add3A_238 = arith.constant 5 : i32
        %add3A_239 = arith.addi %add3A_123, %add3A_238 : i32
        %get3A_240 = arith.index_cast %add3A_239 : i32 to index
        %get3A_241 = arith.constant 0 : index
        %get3A_242 = tpu.vector_load %arg9[%get3A_240, %get3A_241] {strides = array<i32>} : memref<800x16xf32, #tpu.memory_space<vmem>>, vector<16xf32>,
        %slice3A_243 = vector.extract_strided_slice %get3A_237 {offsets = [2], sizes = [1], strides = [1]} : vector<16xi32> to vector<1xi32>
        %squeeze3A_244 = vector.extract %slice3A_243[0] : i32 from vector<1xi32>
        %mul3A_245 = arith.constant 16 : i32
        %mul3A_246 = arith.muli %squeeze3A_244, %mul3A_245 : i32
        %get3A_247 = arith.index_cast %mul3A_246 : i32 to index
        %get3A_248 = tpu.vector_load %arg7[%get3A_247] {strides = array<i32>} : memref<1024xf32, #tpu.memory_space<vmem>>, vector<16xf32>,
        %mul3A_249 = arith.mulf %get3A_242, %get3A_248 : vector<16xf32>
        %add3A_250 = arith.constant 6 : i32
        %add3A_251 = arith.addi %add3A_123, %add3A_250 : i32
        %get3A_252 = arith.index_cast %add3A_251 : i32 to index
        %get3A_253 = arith.constant 0 : index
        %get3A_254 = tpu.vector_load %arg8[%get3A_252, %get3A_253] {strides = array<i32>} : memref<800x16xi32, #tpu.memory_space<vmem>>, vector<16xi32>,
        %add3A_255 = arith.constant 6 : i32
        %add3A_256 = arith.addi %add3A_123, %add3A_255 : i32
        %get3A_257 = arith.index_cast %add3A_256 : i32 to index
        %get3A_258 = arith.constant 0 : index
        %get3A_259 = tpu.vector_load %arg9[%get3A_257, %get3A_258] {strides = array<i32>} : memref<800x16xf32, #tpu.memory_space<vmem>>, vector<16xf32>,
        %slice3A_260 = vector.extract_strided_slice %get3A_254 {offsets = [2], sizes = [1], strides = [1]} : vector<16xi32> to vector<1xi32>
        %squeeze3A_261 = vector.extract %slice3A_260[0] : i32 from vector<1xi32>
        %mul3A_262 = arith.constant 16 : i32
        %mul3A_263 = arith.muli %squeeze3A_261, %mul3A_262 : i32
        %get3A_264 = arith.index_cast %mul3A_263 : i32 to index
        %get3A_265 = tpu.vector_load %arg7[%get3A_264] {strides = array<i32>} : memref<1024xf32, #tpu.memory_space<vmem>>, vector<16xf32>,
        %mul3A_266 = arith.mulf %get3A_259, %get3A_265 : vector<16xf32>
        %add3A_267 = arith.constant 7 : i32
        %add3A_268 = arith.addi %add3A_123, %add3A_267 : i32
        %get3A_269 = arith.index_cast %add3A_268 : i32 to index
        %get3A_270 = arith.constant 0 : index
        %get3A_271 = tpu.vector_load %arg8[%get3A_269, %get3A_270] {strides = array<i32>} : memref<800x16xi32, #tpu.memory_space<vmem>>, vector<16xi32>,
        %add3A_272 = arith.constant 7 : i32
        %add3A_273 = arith.addi %add3A_123, %add3A_272 : i32
        %get3A_274 = arith.index_cast %add3A_273 : i32 to index
        %get3A_275 = arith.constant 0 : index
        %get3A_276 = tpu.vector_load %arg9[%get3A_274, %get3A_275] {strides = array<i32>} : memref<800x16xf32, #tpu.memory_space<vmem>>, vector<16xf32>,
        %slice3A_277 = vector.extract_strided_slice %get3A_271 {offsets = [2], sizes = [1], strides = [1]} : vector<16xi32> to vector<1xi32>
        %squeeze3A_278 = vector.extract %slice3A_277[0] : i32 from vector<1xi32>
        %mul3A_279 = arith.constant 16 : i32
        %mul3A_280 = arith.muli %squeeze3A_278, %mul3A_279 : i32
        %get3A_281 = arith.index_cast %mul3A_280 : i32 to index
        %get3A_282 = tpu.vector_load %arg7[%get3A_281] {strides = array<i32>} : memref<1024xf32, #tpu.memory_space<vmem>>, vector<16xf32>,
        %mul3A_283 = arith.mulf %get3A_276, %get3A_282 : vector<16xf32>
        %add3A_284 = arith.constant 8 : i32
        %add3A_285 = arith.addi %add3A_123, %add3A_284 : i32
        %get3A_286 = arith.index_cast %add3A_285 : i32 to index
        %get3A_287 = arith.constant 0 : index
        %get3A_288 = tpu.vector_load %arg8[%get3A_286, %get3A_287] {strides = array<i32>} : memref<800x16xi32, #tpu.memory_space<vmem>>, vector<16xi32>,
        %add3A_289 = arith.constant 8 : i32
        %add3A_290 = arith.addi %add3A_123, %add3A_289 : i32
        %get3A_291 = arith.index_cast %add3A_290 : i32 to index
        %get3A_292 = arith.constant 0 : index
        %get3A_293 = tpu.vector_load %arg9[%get3A_291, %get3A_292] {strides = array<i32>} : memref<800x16xf32, #tpu.memory_space<vmem>>, vector<16xf32>,
        %slice3A_294 = vector.extract_strided_slice %get3A_288 {offsets = [2], sizes = [1], strides = [1]} : vector<16xi32> to vector<1xi32>
        %squeeze3A_295 = vector.extract %slice3A_294[0] : i32 from vector<1xi32>
        %mul3A_296 = arith.constant 16 : i32
        %mul3A_297 = arith.muli %squeeze3A_295, %mul3A_296 : i32
        %get3A_298 = arith.index_cast %mul3A_297 : i32 to index
        %get3A_299 = tpu.vector_load %arg7[%get3A_298] {strides = array<i32>} : memref<1024xf32, #tpu.memory_space<vmem>>, vector<16xf32>,
        %mul3A_300 = arith.mulf %get3A_293, %get3A_299 : vector<16xf32>
        %add3A_301 = arith.constant 9 : i32
        %add3A_302 = arith.addi %add3A_123, %add3A_301 : i32
        %get3A_303 = arith.index_cast %add3A_302 : i32 to index
        %get3A_304 = arith.constant 0 : index
        %get3A_305 = tpu.vector_load %arg8[%get3A_303, %get3A_304] {strides = array<i32>} : memref<800x16xi32, #tpu.memory_space<vmem>>, vector<16xi32>,
        %add3A_306 = arith.constant 9 : i32
        %add3A_307 = arith.addi %add3A_123, %add3A_306 : i32
        %get3A_308 = arith.index_cast %add3A_307 : i32 to index
        %get3A_309 = arith.constant 0 : index
        %get3A_310 = tpu.vector_load %arg9[%get3A_308, %get3A_309] {strides = array<i32>} : memref<800x16xf32, #tpu.memory_space<vmem>>, vector<16xf32>,
        %slice3A_311 = vector.extract_strided_slice %get3A_305 {offsets = [2], sizes = [1], strides = [1]} : vector<16xi32> to vector<1xi32>
        %squeeze3A_312 = vector.extract %slice3A_311[0] : i32 from vector<1xi32>
        %mul3A_313 = arith.constant 16 : i32
        %mul3A_314 = arith.muli %squeeze3A_312, %mul3A_313 : i32
        %get3A_315 = arith.index_cast %mul3A_314 : i32 to index
        %get3A_316 = tpu.vector_load %arg7[%get3A_315] {strides = array<i32>} : memref<1024xf32, #tpu.memory_space<vmem>>, vector<16xf32>,
        %mul3A_317 = arith.mulf %get3A_310, %get3A_316 : vector<16xf32>
        %add3A_318 = arith.constant 10 : i32
        %add3A_319 = arith.addi %add3A_123, %add3A_318 : i32
        %get3A_320 = arith.index_cast %add3A_319 : i32 to index
        %get3A_321 = arith.constant 0 : index
        %get3A_322 = tpu.vector_load %arg8[%get3A_320, %get3A_321] {strides = array<i32>} : memref<800x16xi32, #tpu.memory_space<vmem>>, vector<16xi32>,
        %add3A_323 = arith.constant 10 : i32
        %add3A_324 = arith.addi %add3A_123, %add3A_323 : i32
        %get3A_325 = arith.index_cast %add3A_324 : i32 to index
        %get3A_326 = arith.constant 0 : index
        %get3A_327 = tpu.vector_load %arg9[%get3A_325, %get3A_326] {strides = array<i32>} : memref<800x16xf32, #tpu.memory_space<vmem>>, vector<16xf32>,
        %slice3A_328 = vector.extract_strided_slice %get3A_322 {offsets = [2], sizes = [1], strides = [1]} : vector<16xi32> to vector<1xi32>
        %squeeze3A_329 = vector.extract %slice3A_328[0] : i32 from vector<1xi32>
        %mul3A_330 = arith.constant 16 : i32
        %mul3A_331 = arith.muli %squeeze3A_329, %mul3A_330 : i32
        %get3A_332 = arith.index_cast %mul3A_331 : i32 to index
        %get3A_333 = tpu.vector_load %arg7[%get3A_332] {strides = array<i32>} : memref<1024xf32, #tpu.memory_space<vmem>>, vector<16xf32>,
        %mul3A_334 = arith.mulf %get3A_327, %get3A_333 : vector<16xf32>
        %add3A_335 = arith.constant 11 : i32
        %add3A_336 = arith.addi %add3A_123, %add3A_335 : i32
        %get3A_337 = arith.index_cast %add3A_336 : i32 to index
        %get3A_338 = arith.constant 0 : index
        %get3A_339 = tpu.vector_load %arg8[%get3A_337, %get3A_338] {strides = array<i32>} : memref<800x16xi32, #tpu.memory_space<vmem>>, vector<16xi32>,
        %add3A_340 = arith.constant 11 : i32
        %add3A_341 = arith.addi %add3A_123, %add3A_340 : i32
        %get3A_342 = arith.index_cast %add3A_341 : i32 to index
        %get3A_343 = arith.constant 0 : index
        %get3A_344 = tpu.vector_load %arg9[%get3A_342, %get3A_343] {strides = array<i32>} : memref<800x16xf32, #tpu.memory_space<vmem>>, vector<16xf32>,
        %slice3A_345 = vector.extract_strided_slice %get3A_339 {offsets = [2], sizes = [1], strides = [1]} : vector<16xi32> to vector<1xi32>
        %squeeze3A_346 = vector.extract %slice3A_345[0] : i32 from vector<1xi32>
        %mul3A_347 = arith.constant 16 : i32
        %mul3A_348 = arith.muli %squeeze3A_346, %mul3A_347 : i32
        %get3A_349 = arith.index_cast %mul3A_348 : i32 to index
        %get3A_350 = tpu.vector_load %arg7[%get3A_349] {strides = array<i32>} : memref<1024xf32, #tpu.memory_space<vmem>>, vector<16xf32>,
        %mul3A_351 = arith.mulf %get3A_344, %get3A_350 : vector<16xf32>
        %add3A_352 = arith.constant 12 : i32
        %add3A_353 = arith.addi %add3A_123, %add3A_352 : i32
        %get3A_354 = arith.index_cast %add3A_353 : i32 to index
        %get3A_355 = arith.constant 0 : index
        %get3A_356 = tpu.vector_load %arg8[%get3A_354, %get3A_355] {strides = array<i32>} : memref<800x16xi32, #tpu.memory_space<vmem>>, vector<16xi32>,
        %add3A_357 = arith.constant 12 : i32
        %add3A_358 = arith.addi %add3A_123, %add3A_357 : i32
        %get3A_359 = arith.index_cast %add3A_358 : i32 to index
        %get3A_360 = arith.constant 0 : index
        %get3A_361 = tpu.vector_load %arg9[%get3A_359, %get3A_360] {strides = array<i32>} : memref<800x16xf32, #tpu.memory_space<vmem>>, vector<16xf32>,
        %slice3A_362 = vector.extract_strided_slice %get3A_356 {offsets = [2], sizes = [1], strides = [1]} : vector<16xi32> to vector<1xi32>
        %squeeze3A_363 = vector.extract %slice3A_362[0] : i32 from vector<1xi32>
        %mul3A_364 = arith.constant 16 : i32
        %mul3A_365 = arith.muli %squeeze3A_363, %mul3A_364 : i32
        %get3A_366 = arith.index_cast %mul3A_365 : i32 to index
        %get3A_367 = tpu.vector_load %arg7[%get3A_366] {strides = array<i32>} : memref<1024xf32, #tpu.memory_space<vmem>>, vector<16xf32>,
        %mul3A_368 = arith.mulf %get3A_361, %get3A_367 : vector<16xf32>
        %add3A_369 = arith.constant 13 : i32
        %add3A_370 = arith.addi %add3A_123, %add3A_369 : i32
        %get3A_371 = arith.index_cast %add3A_370 : i32 to index
        %get3A_372 = arith.constant 0 : index
        %get3A_373 = tpu.vector_load %arg8[%get3A_371, %get3A_372] {strides = array<i32>} : memref<800x16xi32, #tpu.memory_space<vmem>>, vector<16xi32>,
        %add3A_374 = arith.constant 13 : i32
        %add3A_375 = arith.addi %add3A_123, %add3A_374 : i32
        %get3A_376 = arith.index_cast %add3A_375 : i32 to index
        %get3A_377 = arith.constant 0 : index
        %get3A_378 = tpu.vector_load %arg9[%get3A_376, %get3A_377] {strides = array<i32>} : memref<800x16xf32, #tpu.memory_space<vmem>>, vector<16xf32>,
        %slice3A_379 = vector.extract_strided_slice %get3A_373 {offsets = [2], sizes = [1], strides = [1]} : vector<16xi32> to vector<1xi32>
        %squeeze3A_380 = vector.extract %slice3A_379[0] : i32 from vector<1xi32>
        %mul3A_381 = arith.constant 16 : i32
        %mul3A_382 = arith.muli %squeeze3A_380, %mul3A_381 : i32
        %get3A_383 = arith.index_cast %mul3A_382 : i32 to index
        %get3A_384 = tpu.vector_load %arg7[%get3A_383] {strides = array<i32>} : memref<1024xf32, #tpu.memory_space<vmem>>, vector<16xf32>,
        %mul3A_385 = arith.mulf %get3A_378, %get3A_384 : vector<16xf32>
        %add3A_386 = arith.constant 14 : i32
        %add3A_387 = arith.addi %add3A_123, %add3A_386 : i32
        %get3A_388 = arith.index_cast %add3A_387 : i32 to index
        %get3A_389 = arith.constant 0 : index
        %get3A_390 = tpu.vector_load %arg8[%get3A_388, %get3A_389] {strides = array<i32>} : memref<800x16xi32, #tpu.memory_space<vmem>>, vector<16xi32>,
        %add3A_391 = arith.constant 14 : i32
        %add3A_392 = arith.addi %add3A_123, %add3A_391 : i32
        %get3A_393 = arith.index_cast %add3A_392 : i32 to index
        %get3A_394 = arith.constant 0 : index
        %get3A_395 = tpu.vector_load %arg9[%get3A_393, %get3A_394] {strides = array<i32>} : memref<800x16xf32, #tpu.memory_space<vmem>>, vector<16xf32>,
        %slice3A_396 = vector.extract_strided_slice %get3A_390 {offsets = [2], sizes = [1], strides = [1]} : vector<16xi32> to vector<1xi32>
        %squeeze3A_397 = vector.extract %slice3A_396[0] : i32 from vector<1xi32>
        %mul3A_398 = arith.constant 16 : i32
        %mul3A_399 = arith.muli %squeeze3A_397, %mul3A_398 : i32
        %get3A_400 = arith.index_cast %mul3A_399 : i32 to index
        %get3A_401 = tpu.vector_load %arg7[%get3A_400] {strides = array<i32>} : memref<1024xf32, #tpu.memory_space<vmem>>, vector<16xf32>,
        %mul3A_402 = arith.mulf %get3A_395, %get3A_401 : vector<16xf32>
        %add3A_403 = arith.constant 15 : i32
        %add3A_404 = arith.addi %add3A_123, %add3A_403 : i32
        %get3A_405 = arith.index_cast %add3A_404 : i32 to index
        %get3A_406 = arith.constant 0 : index
        %get3A_407 = tpu.vector_load %arg8[%get3A_405, %get3A_406] {strides = array<i32>} : memref<800x16xi32, #tpu.memory_space<vmem>>, vector<16xi32>,
        %add3A_408 = arith.constant 15 : i32
        %add3A_409 = arith.addi %add3A_123, %add3A_408 : i32
        %get3A_410 = arith.index_cast %add3A_409 : i32 to index
        %get3A_411 = arith.constant 0 : index
        %get3A_412 = tpu.vector_load %arg9[%get3A_410, %get3A_411] {strides = array<i32>} : memref<800x16xf32, #tpu.memory_space<vmem>>, vector<16xf32>,
        %slice3A_413 = vector.extract_strided_slice %get3A_407 {offsets = [2], sizes = [1], strides = [1]} : vector<16xi32> to vector<1xi32>
        %squeeze3A_414 = vector.extract %slice3A_413[0] : i32 from vector<1xi32>
        %mul3A_415 = arith.constant 16 : i32
        %mul3A_416 = arith.muli %squeeze3A_414, %mul3A_415 : i32
        %get3A_417 = arith.index_cast %mul3A_416 : i32 to index
        %get3A_418 = tpu.vector_load %arg7[%get3A_417] {strides = array<i32>} : memref<1024xf32, #tpu.memory_space<vmem>>, vector<16xf32>,
        %mul3A_419 = arith.mulf %get3A_412, %get3A_418 : vector<16xf32>
        %slice3A_420 = vector.extract_strided_slice %gather3A_128 {offsets = [15], sizes = [1], strides = [1]} : vector<16xi32> to vector<1xi32>
        %squeeze3A_421 = vector.extract %slice3A_420[0] : i32 from vector<1xi32>
        %broadcast_in_dim3A_422 = arith.constant 0xFF800000 : f32
        %broadcast_in_dim3A_423 = vector.broadcast %broadcast_in_dim3A_422 : f32 to vector<16xf32>
        %eq3A_424 = arith.constant 0 : i32
        %eq3A_425 = arith.cmpi eq, %squeeze3A_147, %eq3A_424 : i32
        %convert_element_type3A_426 = arith.extui %eq3A_425 : i1 to i32
        %cond3A_427 = arith.constant 0 : i32
        %cond3A_428 = arith.cmpi ne, %convert_element_type3A_426, %cond3A_427 : i32
        %cond3A_429:2 = scf.if %cond3A_428 -> (i32, vector<16xf32>) {
          %max3A = arith.maximumf %mul3A_164, %mul3A_181 : vector<16xf32>
          %max3A_430 = arith.maximumf %mul3A_198, %mul3A_215 : vector<16xf32>
          %max3A_431 = arith.maximumf %mul3A_232, %mul3A_249 : vector<16xf32>
          %max3A_432 = arith.maximumf %mul3A_266, %mul3A_283 : vector<16xf32>
          %max3A_433 = arith.maximumf %mul3A_300, %mul3A_317 : vector<16xf32>
          %max3A_434 = arith.maximumf %mul3A_334, %mul3A_351 : vector<16xf32>
          %max3A_435 = arith.maximumf %mul3A_368, %mul3A_385 : vector<16xf32>
          %max3A_436 = arith.maximumf %mul3A_402, %mul3A_419 : vector<16xf32>
          %max3A_437 = arith.maximumf %max3A, %max3A_430 : vector<16xf32>
          %max3A_438 = arith.maximumf %max3A_431, %max3A_432 : vector<16xf32>
          %max3A_439 = arith.maximumf %max3A_433, %max3A_434 : vector<16xf32>
          %max3A_440 = arith.maximumf %max3A_435, %max3A_436 : vector<16xf32>
          %max3A_441 = arith.maximumf %max3A_437, %max3A_438 : vector<16xf32>
          %max3A_442 = arith.maximumf %max3A_439, %max3A_440 : vector<16xf32>
          %max3A_443 = arith.maximumf %max3A_441, %max3A_442 : vector<16xf32>
          %max3A_444 = arith.maximumf %scan3A_118, %max3A_443 : vector<16xf32>
          %sub3A_445 = arith.subi %squeeze3A_421, %mul3A_26 : i32
          %min3A = arith.constant 3200 : i32
          %min3A_446 = arith.minsi %sub3A_445, %min3A : i32
          %mul3A_447 = arith.constant 16 : i32
          %mul3A_448 = arith.muli %min3A_446, %mul3A_447 : i32
          %swap3A_449 = arith.index_cast %mul3A_448 : i32 to index
          %swap3A_450 = tpu.vector_load %arg11[%swap3A_449] {strides = array<i32>} : memref<51456xf32, #tpu.memory_space<vmem>>, vector<16xf32>,
          tpu.vector_store %arg11[%swap3A_449], %max3A_444 {strides = array<i32>} : memref<51456xf32, #tpu.memory_space<vmem>>, vector<16xf32>,
          scf.yield %squeeze3A_421, %max3A_444 : i32, vector<16xf32>
        } else {
          %eq3A_430 = arith.constant 1 : i32
          %eq3A_431 = arith.cmpi eq, %squeeze3A_147, %eq3A_430 : i32
          %convert_element_type3A_432 = arith.extui %eq3A_431 : i1 to i32
          %cond3A_433 = arith.constant 0 : i32
          %cond3A_434 = arith.cmpi ne, %convert_element_type3A_432, %cond3A_433 : i32
          %cond3A_435:2 = scf.if %cond3A_434 -> (i32, vector<16xf32>) {
            %all_reduce_ffs3A = tpu.all_reduce %ne3A_145 {dim = 0 : i64, kind = #tpu.reduction_kind<find_first_set>} : vector<16xi1> -> vector<16xi32>
            %slice3A_436 = vector.extract_strided_slice %all_reduce_ffs3A {offsets = [0], sizes = [1], strides = [1]} : vector<16xi32> to vector<1xi32>
            %squeeze3A_437 = vector.extract %slice3A_436[0] : i32 from vector<1xi32>
            %gt3A_438 = arith.constant 0 : i32
            %gt3A_439 = arith.cmpi sgt, %squeeze3A_437, %gt3A_438 : i32
            %select_n3A_440 = arith.select %gt3A_439, %mul3A_164, %broadcast_in_dim3A_423 : vector<16xf32>
            %gt3A_441 = arith.constant 1 : i32
            %gt3A_442 = arith.cmpi sgt, %squeeze3A_437, %gt3A_441 : i32
            %select_n3A_443 = arith.select %gt3A_442, %mul3A_181, %broadcast_in_dim3A_423 : vector<16xf32>
            %gt3A_444 = arith.constant 2 : i32
            %gt3A_445 = arith.cmpi sgt, %squeeze3A_437, %gt3A_444 : i32
            %select_n3A_446 = arith.select %gt3A_445, %mul3A_198, %broadcast_in_dim3A_423 : vector<16xf32>
            %gt3A_447 = arith.constant 3 : i32
            %gt3A_448 = arith.cmpi sgt, %squeeze3A_437, %gt3A_447 : i32
            %select_n3A_449 = arith.select %gt3A_448, %mul3A_215, %broadcast_in_dim3A_423 : vector<16xf32>
            %gt3A_450 = arith.constant 4 : i32
            %gt3A_451 = arith.cmpi sgt, %squeeze3A_437, %gt3A_450 : i32
            %select_n3A_452 = arith.select %gt3A_451, %mul3A_232, %broadcast_in_dim3A_423 : vector<16xf32>
            %gt3A_453 = arith.constant 5 : i32
            %gt3A_454 = arith.cmpi sgt, %squeeze3A_437, %gt3A_453 : i32
            %select_n3A_455 = arith.select %gt3A_454, %mul3A_249, %broadcast_in_dim3A_423 : vector<16xf32>
            %gt3A_456 = arith.constant 6 : i32
            %gt3A_457 = arith.cmpi sgt, %squeeze3A_437, %gt3A_456 : i32
            %select_n3A_458 = arith.select %gt3A_457, %mul3A_266, %broadcast_in_dim3A_423 : vector<16xf32>
            %gt3A_459 = arith.constant 7 : i32
            %gt3A_460 = arith.cmpi sgt, %squeeze3A_437, %gt3A_459 : i32
            %select_n3A_461 = arith.select %gt3A_460, %mul3A_283, %broadcast_in_dim3A_423 : vector<16xf32>
            %gt3A_462 = arith.constant 8 : i32
            %gt3A_463 = arith.cmpi sgt, %squeeze3A_437, %gt3A_462 : i32
            %select_n3A_464 = arith.select %gt3A_463, %mul3A_300, %broadcast_in_dim3A_423 : vector<16xf32>
            %gt3A_465 = arith.constant 9 : i32
            %gt3A_466 = arith.cmpi sgt, %squeeze3A_437, %gt3A_465 : i32
            %select_n3A_467 = arith.select %gt3A_466, %mul3A_317, %broadcast_in_dim3A_423 : vector<16xf32>
            %gt3A_468 = arith.constant 10 : i32
            %gt3A_469 = arith.cmpi sgt, %squeeze3A_437, %gt3A_468 : i32
            %select_n3A_470 = arith.select %gt3A_469, %mul3A_334, %broadcast_in_dim3A_423 : vector<16xf32>
            %gt3A_471 = arith.constant 11 : i32
            %gt3A_472 = arith.cmpi sgt, %squeeze3A_437, %gt3A_471 : i32
            %select_n3A_473 = arith.select %gt3A_472, %mul3A_351, %broadcast_in_dim3A_423 : vector<16xf32>
            %gt3A_474 = arith.constant 12 : i32
            %gt3A_475 = arith.cmpi sgt, %squeeze3A_437, %gt3A_474 : i32
            %select_n3A_476 = arith.select %gt3A_475, %mul3A_368, %broadcast_in_dim3A_423 : vector<16xf32>
            %gt3A_477 = arith.constant 13 : i32
            %gt3A_478 = arith.cmpi sgt, %squeeze3A_437, %gt3A_477 : i32
            %select_n3A_479 = arith.select %gt3A_478, %mul3A_385, %broadcast_in_dim3A_423 : vector<16xf32>
            %gt3A_480 = arith.constant 14 : i32
            %gt3A_481 = arith.cmpi sgt, %squeeze3A_437, %gt3A_480 : i32
            %select_n3A_482 = arith.select %gt3A_481, %mul3A_402, %broadcast_in_dim3A_423 : vector<16xf32>
            %gt3A_483 = arith.constant 15 : i32
            %gt3A_484 = arith.cmpi sgt, %squeeze3A_437, %gt3A_483 : i32
            %select_n3A_485 = arith.select %gt3A_484, %mul3A_419, %broadcast_in_dim3A_423 : vector<16xf32>
            %max3A = arith.maximumf %select_n3A_440, %select_n3A_443 : vector<16xf32>
            %max3A_486 = arith.maximumf %select_n3A_446, %select_n3A_449 : vector<16xf32>
            %max3A_487 = arith.maximumf %select_n3A_452, %select_n3A_455 : vector<16xf32>
            %max3A_488 = arith.maximumf %select_n3A_458, %select_n3A_461 : vector<16xf32>
            %max3A_489 = arith.maximumf %select_n3A_464, %select_n3A_467 : vector<16xf32>
            %max3A_490 = arith.maximumf %select_n3A_470, %select_n3A_473 : vector<16xf32>
            %max3A_491 = arith.maximumf %select_n3A_476, %select_n3A_479 : vector<16xf32>
            %max3A_492 = arith.maximumf %select_n3A_482, %select_n3A_485 : vector<16xf32>
            %max3A_493 = arith.maximumf %max3A, %max3A_486 : vector<16xf32>
            %max3A_494 = arith.maximumf %max3A_487, %max3A_488 : vector<16xf32>
            %max3A_495 = arith.maximumf %max3A_489, %max3A_490 : vector<16xf32>
            %max3A_496 = arith.maximumf %max3A_491, %max3A_492 : vector<16xf32>
            %max3A_497 = arith.maximumf %max3A_493, %max3A_494 : vector<16xf32>
            %max3A_498 = arith.maximumf %max3A_495, %max3A_496 : vector<16xf32>
            %max3A_499 = arith.maximumf %max3A_497, %max3A_498 : vector<16xf32>
            %max3A_500 = arith.maximumf %scan3A_118, %max3A_499 : vector<16xf32>
            %sub3A_501 = arith.subi %scan3A_117, %mul3A_26 : i32
            %min3A = arith.constant 3200 : i32
            %min3A_502 = arith.minsi %sub3A_501, %min3A : i32
            %mul3A_503 = arith.constant 16 : i32
            %mul3A_504 = arith.muli %min3A_502, %mul3A_503 : i32
            %swap3A_505 = arith.index_cast %mul3A_504 : i32 to index
            %swap3A_506 = tpu.vector_load %arg11[%swap3A_505] {strides = array<i32>} : memref<51456xf32, #tpu.memory_space<vmem>>, vector<16xf32>,
            tpu.vector_store %arg11[%swap3A_505], %max3A_500 {strides = array<i32>} : memref<51456xf32, #tpu.memory_space<vmem>>, vector<16xf32>,
            %le3A = arith.constant 0 : i32
            %le3A_507 = arith.cmpi sle, %squeeze3A_437, %le3A : i32
            %select_n3A_508 = arith.select %le3A_507, %mul3A_164, %broadcast_in_dim3A_423 : vector<16xf32>
            %le3A_509 = arith.constant 1 : i32
            %le3A_510 = arith.cmpi sle, %squeeze3A_437, %le3A_509 : i32
            %select_n3A_511 = arith.select %le3A_510, %mul3A_181, %broadcast_in_dim3A_423 : vector<16xf32>
            %le3A_512 = arith.constant 2 : i32
            %le3A_513 = arith.cmpi sle, %squeeze3A_437, %le3A_512 : i32
            %select_n3A_514 = arith.select %le3A_513, %mul3A_198, %broadcast_in_dim3A_423 : vector<16xf32>
            %le3A_515 = arith.constant 3 : i32
            %le3A_516 = arith.cmpi sle, %squeeze3A_437, %le3A_515 : i32
            %select_n3A_517 = arith.select %le3A_516, %mul3A_215, %broadcast_in_dim3A_423 : vector<16xf32>
            %le3A_518 = arith.constant 4 : i32
            %le3A_519 = arith.cmpi sle, %squeeze3A_437, %le3A_518 : i32
            %select_n3A_520 = arith.select %le3A_519, %mul3A_232, %broadcast_in_dim3A_423 : vector<16xf32>
            %le3A_521 = arith.constant 5 : i32
            %le3A_522 = arith.cmpi sle, %squeeze3A_437, %le3A_521 : i32
            %select_n3A_523 = arith.select %le3A_522, %mul3A_249, %broadcast_in_dim3A_423 : vector<16xf32>
            %le3A_524 = arith.constant 6 : i32
            %le3A_525 = arith.cmpi sle, %squeeze3A_437, %le3A_524 : i32
            %select_n3A_526 = arith.select %le3A_525, %mul3A_266, %broadcast_in_dim3A_423 : vector<16xf32>
            %le3A_527 = arith.constant 7 : i32
            %le3A_528 = arith.cmpi sle, %squeeze3A_437, %le3A_527 : i32
            %select_n3A_529 = arith.select %le3A_528, %mul3A_283, %broadcast_in_dim3A_423 : vector<16xf32>
            %le3A_530 = arith.constant 8 : i32
            %le3A_531 = arith.cmpi sle, %squeeze3A_437, %le3A_530 : i32
            %select_n3A_532 = arith.select %le3A_531, %mul3A_300, %broadcast_in_dim3A_423 : vector<16xf32>
            %le3A_533 = arith.constant 9 : i32
            %le3A_534 = arith.cmpi sle, %squeeze3A_437, %le3A_533 : i32
            %select_n3A_535 = arith.select %le3A_534, %mul3A_317, %broadcast_in_dim3A_423 : vector<16xf32>
            %le3A_536 = arith.constant 10 : i32
            %le3A_537 = arith.cmpi sle, %squeeze3A_437, %le3A_536 : i32
            %select_n3A_538 = arith.select %le3A_537, %mul3A_334, %broadcast_in_dim3A_423 : vector<16xf32>
            %le3A_539 = arith.constant 11 : i32
            %le3A_540 = arith.cmpi sle, %squeeze3A_437, %le3A_539 : i32
            %select_n3A_541 = arith.select %le3A_540, %mul3A_351, %broadcast_in_dim3A_423 : vector<16xf32>
            %le3A_542 = arith.constant 12 : i32
            %le3A_543 = arith.cmpi sle, %squeeze3A_437, %le3A_542 : i32
            %select_n3A_544 = arith.select %le3A_543, %mul3A_368, %broadcast_in_dim3A_423 : vector<16xf32>
            %le3A_545 = arith.constant 13 : i32
            %le3A_546 = arith.cmpi sle, %squeeze3A_437, %le3A_545 : i32
            %select_n3A_547 = arith.select %le3A_546, %mul3A_385, %broadcast_in_dim3A_423 : vector<16xf32>
            %le3A_548 = arith.constant 14 : i32
            %le3A_549 = arith.cmpi sle, %squeeze3A_437, %le3A_548 : i32
            %select_n3A_550 = arith.select %le3A_549, %mul3A_402, %broadcast_in_dim3A_423 : vector<16xf32>
            %le3A_551 = arith.constant 15 : i32
            %le3A_552 = arith.cmpi sle, %squeeze3A_437, %le3A_551 : i32
            %select_n3A_553 = arith.select %le3A_552, %mul3A_419, %broadcast_in_dim3A_423 : vector<16xf32>
            %max3A_554 = arith.maximumf %select_n3A_508, %select_n3A_511 : vector<16xf32>
            %max3A_555 = arith.maximumf %select_n3A_514, %select_n3A_517 : vector<16xf32>
            %max3A_556 = arith.maximumf %select_n3A_520, %select_n3A_523 : vector<16xf32>
            %max3A_557 = arith.maximumf %select_n3A_526, %select_n3A_529 : vector<16xf32>
            %max3A_558 = arith.maximumf %select_n3A_532, %select_n3A_535 : vector<16xf32>
            %max3A_559 = arith.maximumf %select_n3A_538, %select_n3A_541 : vector<16xf32>
            %max3A_560 = arith.maximumf %select_n3A_544, %select_n3A_547 : vector<16xf32>
            %max3A_561 = arith.maximumf %select_n3A_550, %select_n3A_553 : vector<16xf32>
            %max3A_562 = arith.maximumf %max3A_554, %max3A_555 : vector<16xf32>
            %max3A_563 = arith.maximumf %max3A_556, %max3A_557 : vector<16xf32>
            %max3A_564 = arith.maximumf %max3A_558, %max3A_559 : vector<16xf32>
            %max3A_565 = arith.maximumf %max3A_560, %max3A_561 : vector<16xf32>
            %max3A_566 = arith.maximumf %max3A_562, %max3A_563 : vector<16xf32>
            %max3A_567 = arith.maximumf %max3A_564, %max3A_565 : vector<16xf32>
            %max3A_568 = arith.maximumf %max3A_566, %max3A_567 : vector<16xf32>
            %sub3A_569 = arith.subi %squeeze3A_421, %mul3A_26 : i32
            %min3A_570 = arith.constant 3200 : i32
            %min3A_571 = arith.minsi %sub3A_569, %min3A_570 : i32
            %mul3A_572 = arith.constant 16 : i32
            %mul3A_573 = arith.muli %min3A_571, %mul3A_572 : i32
            %swap3A_574 = arith.index_cast %mul3A_573 : i32 to index
            %swap3A_575 = tpu.vector_load %arg11[%swap3A_574] {strides = array<i32>} : memref<51456xf32, #tpu.memory_space<vmem>>, vector<16xf32>,
            tpu.vector_store %arg11[%swap3A_574], %max3A_568 {strides = array<i32>} : memref<51456xf32, #tpu.memory_space<vmem>>, vector<16xf32>,
            scf.yield %squeeze3A_421, %max3A_568 : i32, vector<16xf32>
          } else {
            %slice3A_436 = vector.extract_strided_slice %gather3A_128 {offsets = [0], sizes = [1], strides = [1]} : vector<16xi32> to vector<1xi32>
            %squeeze3A_437 = vector.extract %slice3A_436[0] : i32 from vector<1xi32>
            %eq3A_438 = arith.cmpi eq, %squeeze3A_437, %scan3A_117 : i32
            %select_n3A_439 = arith.select %eq3A_438, %scan3A_118, %broadcast_in_dim3A_423 : vector<16xf32>
            %max3A = arith.maximumf %select_n3A_439, %mul3A_164 : vector<16xf32>
            %sub3A_440 = arith.subi %squeeze3A_437, %mul3A_26 : i32
            %min3A = arith.constant 3200 : i32
            %min3A_441 = arith.minsi %sub3A_440, %min3A : i32
            %mul3A_442 = arith.constant 16 : i32
            %mul3A_443 = arith.muli %min3A_441, %mul3A_442 : i32
            %swap3A_444 = arith.index_cast %mul3A_443 : i32 to index
            %swap3A_445 = tpu.vector_load %arg11[%swap3A_444] {strides = array<i32>} : memref<51456xf32, #tpu.memory_space<vmem>>, vector<16xf32>,
            tpu.vector_store %arg11[%swap3A_444], %max3A {strides = array<i32>} : memref<51456xf32, #tpu.memory_space<vmem>>, vector<16xf32>,
            %slice3A_446 = vector.extract_strided_slice %gather3A_128 {offsets = [1], sizes = [1], strides = [1]} : vector<16xi32> to vector<1xi32>
            %squeeze3A_447 = vector.extract %slice3A_446[0] : i32 from vector<1xi32>
            %eq3A_448 = arith.cmpi eq, %squeeze3A_447, %squeeze3A_437 : i32
            %select_n3A_449 = arith.select %eq3A_448, %max3A, %broadcast_in_dim3A_423 : vector<16xf32>
            %max3A_450 = arith.maximumf %select_n3A_449, %mul3A_181 : vector<16xf32>
            %sub3A_451 = arith.subi %squeeze3A_447, %mul3A_26 : i32
            %min3A_452 = arith.constant 3200 : i32
            %min3A_453 = arith.minsi %sub3A_451, %min3A_452 : i32
            %mul3A_454 = arith.constant 16 : i32
            %mul3A_455 = arith.muli %min3A_453, %mul3A_454 : i32
            %swap3A_456 = arith.index_cast %mul3A_455 : i32 to index
            %swap3A_457 = tpu.vector_load %arg11[%swap3A_456] {strides = array<i32>} : memref<51456xf32, #tpu.memory_space<vmem>>, vector<16xf32>,
            tpu.vector_store %arg11[%swap3A_456], %max3A_450 {strides = array<i32>} : memref<51456xf32, #tpu.memory_space<vmem>>, vector<16xf32>,
            %slice3A_458 = vector.extract_strided_slice %gather3A_128 {offsets = [2], sizes = [1], strides = [1]} : vector<16xi32> to vector<1xi32>
            %squeeze3A_459 = vector.extract %slice3A_458[0] : i32 from vector<1xi32>
            %eq3A_460 = arith.cmpi eq, %squeeze3A_459, %squeeze3A_447 : i32
            %select_n3A_461 = arith.select %eq3A_460, %max3A_450, %broadcast_in_dim3A_423 : vector<16xf32>
            %max3A_462 = arith.maximumf %select_n3A_461, %mul3A_198 : vector<16xf32>
            %sub3A_463 = arith.subi %squeeze3A_459, %mul3A_26 : i32
            %min3A_464 = arith.constant 3200 : i32
            %min3A_465 = arith.minsi %sub3A_463, %min3A_464 : i32
            %mul3A_466 = arith.constant 16 : i32
            %mul3A_467 = arith.muli %min3A_465, %mul3A_466 : i32
            %swap3A_468 = arith.index_cast %mul3A_467 : i32 to index
            %swap3A_469 = tpu.vector_load %arg11[%swap3A_468] {strides = array<i32>} : memref<51456xf32, #tpu.memory_space<vmem>>, vector<16xf32>,
            tpu.vector_store %arg11[%swap3A_468], %max3A_462 {strides = array<i32>} : memref<51456xf32, #tpu.memory_space<vmem>>, vector<16xf32>,
            %slice3A_470 = vector.extract_strided_slice %gather3A_128 {offsets = [3], sizes = [1], strides = [1]} : vector<16xi32> to vector<1xi32>
            %squeeze3A_471 = vector.extract %slice3A_470[0] : i32 from vector<1xi32>
            %eq3A_472 = arith.cmpi eq, %squeeze3A_471, %squeeze3A_459 : i32
            %select_n3A_473 = arith.select %eq3A_472, %max3A_462, %broadcast_in_dim3A_423 : vector<16xf32>
            %max3A_474 = arith.maximumf %select_n3A_473, %mul3A_215 : vector<16xf32>
            %sub3A_475 = arith.subi %squeeze3A_471, %mul3A_26 : i32
            %min3A_476 = arith.constant 3200 : i32
            %min3A_477 = arith.minsi %sub3A_475, %min3A_476 : i32
            %mul3A_478 = arith.constant 16 : i32
            %mul3A_479 = arith.muli %min3A_477, %mul3A_478 : i32
            %swap3A_480 = arith.index_cast %mul3A_479 : i32 to index
            %swap3A_481 = tpu.vector_load %arg11[%swap3A_480] {strides = array<i32>} : memref<51456xf32, #tpu.memory_space<vmem>>, vector<16xf32>,
            tpu.vector_store %arg11[%swap3A_480], %max3A_474 {strides = array<i32>} : memref<51456xf32, #tpu.memory_space<vmem>>, vector<16xf32>,
            %slice3A_482 = vector.extract_strided_slice %gather3A_128 {offsets = [4], sizes = [1], strides = [1]} : vector<16xi32> to vector<1xi32>
            %squeeze3A_483 = vector.extract %slice3A_482[0] : i32 from vector<1xi32>
            %eq3A_484 = arith.cmpi eq, %squeeze3A_483, %squeeze3A_471 : i32
            %select_n3A_485 = arith.select %eq3A_484, %max3A_474, %broadcast_in_dim3A_423 : vector<16xf32>
            %max3A_486 = arith.maximumf %select_n3A_485, %mul3A_232 : vector<16xf32>
            %sub3A_487 = arith.subi %squeeze3A_483, %mul3A_26 : i32
            %min3A_488 = arith.constant 3200 : i32
            %min3A_489 = arith.minsi %sub3A_487, %min3A_488 : i32
            %mul3A_490 = arith.constant 16 : i32
            %mul3A_491 = arith.muli %min3A_489, %mul3A_490 : i32
            %swap3A_492 = arith.index_cast %mul3A_491 : i32 to index
            %swap3A_493 = tpu.vector_load %arg11[%swap3A_492] {strides = array<i32>} : memref<51456xf32, #tpu.memory_space<vmem>>, vector<16xf32>,
            tpu.vector_store %arg11[%swap3A_492], %max3A_486 {strides = array<i32>} : memref<51456xf32, #tpu.memory_space<vmem>>, vector<16xf32>,
            %slice3A_494 = vector.extract_strided_slice %gather3A_128 {offsets = [5], sizes = [1], strides = [1]} : vector<16xi32> to vector<1xi32>
            %squeeze3A_495 = vector.extract %slice3A_494[0] : i32 from vector<1xi32>
            %eq3A_496 = arith.cmpi eq, %squeeze3A_495, %squeeze3A_483 : i32
            %select_n3A_497 = arith.select %eq3A_496, %max3A_486, %broadcast_in_dim3A_423 : vector<16xf32>
            %max3A_498 = arith.maximumf %select_n3A_497, %mul3A_249 : vector<16xf32>
            %sub3A_499 = arith.subi %squeeze3A_495, %mul3A_26 : i32
            %min3A_500 = arith.constant 3200 : i32
            %min3A_501 = arith.minsi %sub3A_499, %min3A_500 : i32
            %mul3A_502 = arith.constant 16 : i32
            %mul3A_503 = arith.muli %min3A_501, %mul3A_502 : i32
            %swap3A_504 = arith.index_cast %mul3A_503 : i32 to index
            %swap3A_505 = tpu.vector_load %arg11[%swap3A_504] {strides = array<i32>} : memref<51456xf32, #tpu.memory_space<vmem>>, vector<16xf32>,
            tpu.vector_store %arg11[%swap3A_504], %max3A_498 {strides = array<i32>} : memref<51456xf32, #tpu.memory_space<vmem>>, vector<16xf32>,
            %slice3A_506 = vector.extract_strided_slice %gather3A_128 {offsets = [6], sizes = [1], strides = [1]} : vector<16xi32> to vector<1xi32>
            %squeeze3A_507 = vector.extract %slice3A_506[0] : i32 from vector<1xi32>
            %eq3A_508 = arith.cmpi eq, %squeeze3A_507, %squeeze3A_495 : i32
            %select_n3A_509 = arith.select %eq3A_508, %max3A_498, %broadcast_in_dim3A_423 : vector<16xf32>
            %max3A_510 = arith.maximumf %select_n3A_509, %mul3A_266 : vector<16xf32>
            %sub3A_511 = arith.subi %squeeze3A_507, %mul3A_26 : i32
            %min3A_512 = arith.constant 3200 : i32
            %min3A_513 = arith.minsi %sub3A_511, %min3A_512 : i32
            %mul3A_514 = arith.constant 16 : i32
            %mul3A_515 = arith.muli %min3A_513, %mul3A_514 : i32
            %swap3A_516 = arith.index_cast %mul3A_515 : i32 to index
            %swap3A_517 = tpu.vector_load %arg11[%swap3A_516] {strides = array<i32>} : memref<51456xf32, #tpu.memory_space<vmem>>, vector<16xf32>,
            tpu.vector_store %arg11[%swap3A_516], %max3A_510 {strides = array<i32>} : memref<51456xf32, #tpu.memory_space<vmem>>, vector<16xf32>,
            %slice3A_518 = vector.extract_strided_slice %gather3A_128 {offsets = [7], sizes = [1], strides = [1]} : vector<16xi32> to vector<1xi32>
            %squeeze3A_519 = vector.extract %slice3A_518[0] : i32 from vector<1xi32>
            %eq3A_520 = arith.cmpi eq, %squeeze3A_519, %squeeze3A_507 : i32
            %select_n3A_521 = arith.select %eq3A_520, %max3A_510, %broadcast_in_dim3A_423 : vector<16xf32>
            %max3A_522 = arith.maximumf %select_n3A_521, %mul3A_283 : vector<16xf32>
            %sub3A_523 = arith.subi %squeeze3A_519, %mul3A_26 : i32
            %min3A_524 = arith.constant 3200 : i32
            %min3A_525 = arith.minsi %sub3A_523, %min3A_524 : i32
            %mul3A_526 = arith.constant 16 : i32
            %mul3A_527 = arith.muli %min3A_525, %mul3A_526 : i32
            %swap3A_528 = arith.index_cast %mul3A_527 : i32 to index
            %swap3A_529 = tpu.vector_load %arg11[%swap3A_528] {strides = array<i32>} : memref<51456xf32, #tpu.memory_space<vmem>>, vector<16xf32>,
            tpu.vector_store %arg11[%swap3A_528], %max3A_522 {strides = array<i32>} : memref<51456xf32, #tpu.memory_space<vmem>>, vector<16xf32>,
            %slice3A_530 = vector.extract_strided_slice %gather3A_128 {offsets = [8], sizes = [1], strides = [1]} : vector<16xi32> to vector<1xi32>
            %squeeze3A_531 = vector.extract %slice3A_530[0] : i32 from vector<1xi32>
            %eq3A_532 = arith.cmpi eq, %squeeze3A_531, %squeeze3A_519 : i32
            %select_n3A_533 = arith.select %eq3A_532, %max3A_522, %broadcast_in_dim3A_423 : vector<16xf32>
            %max3A_534 = arith.maximumf %select_n3A_533, %mul3A_300 : vector<16xf32>
            %sub3A_535 = arith.subi %squeeze3A_531, %mul3A_26 : i32
            %min3A_536 = arith.constant 3200 : i32
            %min3A_537 = arith.minsi %sub3A_535, %min3A_536 : i32
            %mul3A_538 = arith.constant 16 : i32
            %mul3A_539 = arith.muli %min3A_537, %mul3A_538 : i32
            %swap3A_540 = arith.index_cast %mul3A_539 : i32 to index
            %swap3A_541 = tpu.vector_load %arg11[%swap3A_540] {strides = array<i32>} : memref<51456xf32, #tpu.memory_space<vmem>>, vector<16xf32>,
            tpu.vector_store %arg11[%swap3A_540], %max3A_534 {strides = array<i32>} : memref<51456xf32, #tpu.memory_space<vmem>>, vector<16xf32>,
            %slice3A_542 = vector.extract_strided_slice %gather3A_128 {offsets = [9], sizes = [1], strides = [1]} : vector<16xi32> to vector<1xi32>
            %squeeze3A_543 = vector.extract %slice3A_542[0] : i32 from vector<1xi32>
            %eq3A_544 = arith.cmpi eq, %squeeze3A_543, %squeeze3A_531 : i32
            %select_n3A_545 = arith.select %eq3A_544, %max3A_534, %broadcast_in_dim3A_423 : vector<16xf32>
            %max3A_546 = arith.maximumf %select_n3A_545, %mul3A_317 : vector<16xf32>
            %sub3A_547 = arith.subi %squeeze3A_543, %mul3A_26 : i32
            %min3A_548 = arith.constant 3200 : i32
            %min3A_549 = arith.minsi %sub3A_547, %min3A_548 : i32
            %mul3A_550 = arith.constant 16 : i32
            %mul3A_551 = arith.muli %min3A_549, %mul3A_550 : i32
            %swap3A_552 = arith.index_cast %mul3A_551 : i32 to index
            %swap3A_553 = tpu.vector_load %arg11[%swap3A_552] {strides = array<i32>} : memref<51456xf32, #tpu.memory_space<vmem>>, vector<16xf32>,
            tpu.vector_store %arg11[%swap3A_552], %max3A_546 {strides = array<i32>} : memref<51456xf32, #tpu.memory_space<vmem>>, vector<16xf32>,
            %slice3A_554 = vector.extract_strided_slice %gather3A_128 {offsets = [10], sizes = [1], strides = [1]} : vector<16xi32> to vector<1xi32>
            %squeeze3A_555 = vector.extract %slice3A_554[0] : i32 from vector<1xi32>
            %eq3A_556 = arith.cmpi eq, %squeeze3A_555, %squeeze3A_543 : i32
            %select_n3A_557 = arith.select %eq3A_556, %max3A_546, %broadcast_in_dim3A_423 : vector<16xf32>
            %max3A_558 = arith.maximumf %select_n3A_557, %mul3A_334 : vector<16xf32>
            %sub3A_559 = arith.subi %squeeze3A_555, %mul3A_26 : i32
            %min3A_560 = arith.constant 3200 : i32
            %min3A_561 = arith.minsi %sub3A_559, %min3A_560 : i32
            %mul3A_562 = arith.constant 16 : i32
            %mul3A_563 = arith.muli %min3A_561, %mul3A_562 : i32
            %swap3A_564 = arith.index_cast %mul3A_563 : i32 to index
            %swap3A_565 = tpu.vector_load %arg11[%swap3A_564] {strides = array<i32>} : memref<51456xf32, #tpu.memory_space<vmem>>, vector<16xf32>,
            tpu.vector_store %arg11[%swap3A_564], %max3A_558 {strides = array<i32>} : memref<51456xf32, #tpu.memory_space<vmem>>, vector<16xf32>,
            %slice3A_566 = vector.extract_strided_slice %gather3A_128 {offsets = [11], sizes = [1], strides = [1]} : vector<16xi32> to vector<1xi32>
            %squeeze3A_567 = vector.extract %slice3A_566[0] : i32 from vector<1xi32>
            %eq3A_568 = arith.cmpi eq, %squeeze3A_567, %squeeze3A_555 : i32
            %select_n3A_569 = arith.select %eq3A_568, %max3A_558, %broadcast_in_dim3A_423 : vector<16xf32>
            %max3A_570 = arith.maximumf %select_n3A_569, %mul3A_351 : vector<16xf32>
            %sub3A_571 = arith.subi %squeeze3A_567, %mul3A_26 : i32
            %min3A_572 = arith.constant 3200 : i32
            %min3A_573 = arith.minsi %sub3A_571, %min3A_572 : i32
            %mul3A_574 = arith.constant 16 : i32
            %mul3A_575 = arith.muli %min3A_573, %mul3A_574 : i32
            %swap3A_576 = arith.index_cast %mul3A_575 : i32 to index
            %swap3A_577 = tpu.vector_load %arg11[%swap3A_576] {strides = array<i32>} : memref<51456xf32, #tpu.memory_space<vmem>>, vector<16xf32>,
            tpu.vector_store %arg11[%swap3A_576], %max3A_570 {strides = array<i32>} : memref<51456xf32, #tpu.memory_space<vmem>>, vector<16xf32>,
            %slice3A_578 = vector.extract_strided_slice %gather3A_128 {offsets = [12], sizes = [1], strides = [1]} : vector<16xi32> to vector<1xi32>
            %squeeze3A_579 = vector.extract %slice3A_578[0] : i32 from vector<1xi32>
            %eq3A_580 = arith.cmpi eq, %squeeze3A_579, %squeeze3A_567 : i32
            %select_n3A_581 = arith.select %eq3A_580, %max3A_570, %broadcast_in_dim3A_423 : vector<16xf32>
            %max3A_582 = arith.maximumf %select_n3A_581, %mul3A_368 : vector<16xf32>
            %sub3A_583 = arith.subi %squeeze3A_579, %mul3A_26 : i32
            %min3A_584 = arith.constant 3200 : i32
            %min3A_585 = arith.minsi %sub3A_583, %min3A_584 : i32
            %mul3A_586 = arith.constant 16 : i32
            %mul3A_587 = arith.muli %min3A_585, %mul3A_586 : i32
            %swap3A_588 = arith.index_cast %mul3A_587 : i32 to index
            %swap3A_589 = tpu.vector_load %arg11[%swap3A_588] {strides = array<i32>} : memref<51456xf32, #tpu.memory_space<vmem>>, vector<16xf32>,
            tpu.vector_store %arg11[%swap3A_588], %max3A_582 {strides = array<i32>} : memref<51456xf32, #tpu.memory_space<vmem>>, vector<16xf32>,
            %slice3A_590 = vector.extract_strided_slice %gather3A_128 {offsets = [13], sizes = [1], strides = [1]} : vector<16xi32> to vector<1xi32>
            %squeeze3A_591 = vector.extract %slice3A_590[0] : i32 from vector<1xi32>
            %eq3A_592 = arith.cmpi eq, %squeeze3A_591, %squeeze3A_579 : i32
            %select_n3A_593 = arith.select %eq3A_592, %max3A_582, %broadcast_in_dim3A_423 : vector<16xf32>
            %max3A_594 = arith.maximumf %select_n3A_593, %mul3A_385 : vector<16xf32>
            %sub3A_595 = arith.subi %squeeze3A_591, %mul3A_26 : i32
            %min3A_596 = arith.constant 3200 : i32
            %min3A_597 = arith.minsi %sub3A_595, %min3A_596 : i32
            %mul3A_598 = arith.constant 16 : i32
            %mul3A_599 = arith.muli %min3A_597, %mul3A_598 : i32
            %swap3A_600 = arith.index_cast %mul3A_599 : i32 to index
            %swap3A_601 = tpu.vector_load %arg11[%swap3A_600] {strides = array<i32>} : memref<51456xf32, #tpu.memory_space<vmem>>, vector<16xf32>,
            tpu.vector_store %arg11[%swap3A_600], %max3A_594 {strides = array<i32>} : memref<51456xf32, #tpu.memory_space<vmem>>, vector<16xf32>,
            %slice3A_602 = vector.extract_strided_slice %gather3A_128 {offsets = [14], sizes = [1], strides = [1]} : vector<16xi32> to vector<1xi32>
            %squeeze3A_603 = vector.extract %slice3A_602[0] : i32 from vector<1xi32>
            %eq3A_604 = arith.cmpi eq, %squeeze3A_603, %squeeze3A_591 : i32
            %select_n3A_605 = arith.select %eq3A_604, %max3A_594, %broadcast_in_dim3A_423 : vector<16xf32>
            %max3A_606 = arith.maximumf %select_n3A_605, %mul3A_402 : vector<16xf32>
            %sub3A_607 = arith.subi %squeeze3A_603, %mul3A_26 : i32
            %min3A_608 = arith.constant 3200 : i32
            %min3A_609 = arith.minsi %sub3A_607, %min3A_608 : i32
            %mul3A_610 = arith.constant 16 : i32
            %mul3A_611 = arith.muli %min3A_609, %mul3A_610 : i32
            %swap3A_612 = arith.index_cast %mul3A_611 : i32 to index
            %swap3A_613 = tpu.vector_load %arg11[%swap3A_612] {strides = array<i32>} : memref<51456xf32, #tpu.memory_space<vmem>>, vector<16xf32>,
            tpu.vector_store %arg11[%swap3A_612], %max3A_606 {strides = array<i32>} : memref<51456xf32, #tpu.memory_space<vmem>>, vector<16xf32>,
            %slice3A_614 = vector.extract_strided_slice %gather3A_128 {offsets = [15], sizes = [1], strides = [1]} : vector<16xi32> to vector<1xi32>
            %squeeze3A_615 = vector.extract %slice3A_614[0] : i32 from vector<1xi32>
            %eq3A_616 = arith.cmpi eq, %squeeze3A_615, %squeeze3A_603 : i32
            %select_n3A_617 = arith.select %eq3A_616, %max3A_606, %broadcast_in_dim3A_423 : vector<16xf32>
            %max3A_618 = arith.maximumf %select_n3A_617, %mul3A_419 : vector<16xf32>
            %sub3A_619 = arith.subi %squeeze3A_615, %mul3A_26 : i32
            %min3A_620 = arith.constant 3200 : i32
            %min3A_621 = arith.minsi %sub3A_619, %min3A_620 : i32
            %mul3A_622 = arith.constant 16 : i32
            %mul3A_623 = arith.muli %min3A_621, %mul3A_622 : i32
            %swap3A_624 = arith.index_cast %mul3A_623 : i32 to index
            %swap3A_625 = tpu.vector_load %arg11[%swap3A_624] {strides = array<i32>} : memref<51456xf32, #tpu.memory_space<vmem>>, vector<16xf32>,
            tpu.vector_store %arg11[%swap3A_624], %max3A_618 {strides = array<i32>} : memref<51456xf32, #tpu.memory_space<vmem>>, vector<16xf32>,
            scf.yield %squeeze3A_615, %max3A_618 : i32, vector<16xf32>
          }
          scf.yield %cond3A_435#0, %cond3A_435#1 : i32, vector<16xf32>
        }
        scf.yield %cond3A_429#0, %cond3A_429#1 : i32, vector<16xf32>
      }
      %scan3A_97 = arith.constant 25 : i32
      %add3A_98 = arith.constant 2 : i32
      %add3A_99 = arith.addi %while3A_61, %add3A_98 : i32
      %lt3A_100 = arith.cmpi slt, %add3A_99, %select_n3A : i32
      %eq3A_101 = arith.constant 0 : i32
      %eq3A_102 = arith.cmpi eq, %rem3A_65, %eq3A_101 : i32
      %and3A_103 = arith.andi %lt3A_100, %eq3A_102 : i1
      %convert_element_type3A_104 = arith.extui %and3A_103 : i1 to i32
      %cond3A_105 = arith.constant 0 : i32
      %cond3A_106 = arith.cmpi ne, %convert_element_type3A_104, %cond3A_105 : i32
      scf.if %cond3A_106 {
        %add3A_116 = arith.constant 2 : i32
        %add3A_117 = arith.addi %while3A_61, %add3A_116 : i32
        %mul3A_118 = arith.constant 400 : i32
        %mul3A_119 = arith.muli %add3A_117, %mul3A_118 : i32
        %add3A_120 = arith.addi %squeeze3A, %mul3A_119 : i32
        %dma_start3A = arith.constant 0 : i32
        %dma_start3A_121 = arith.constant 0 : i32
        %dma_start3A_122 = tpu.memref_slice %arg8[%dma_start3A, %dma_start3A_121] : memref<800x16xi32, #tpu.memory_space<vmem>> -> memref<400x16xi32, #tpu.memory_space<vmem>>
        %dma_start3A_123 = arith.constant 0 : i32
        %dma_start3A_124 = tpu.memref_slice %arg2[%add3A_120, %dma_start3A_123] : memref<1600400x16xi32, #tpu.memory_space<hbm>> -> memref<400x16xi32, #tpu.memory_space<hbm>>
        %dma_start3A_125 = arith.constant 0 : i32
        %dma_start3A_126 = arith.constant 0 : i32
        %dma_start3A_127 = tpu.memref_slice %arg8[%dma_start3A_125, %dma_start3A_126] : memref<800x16xi32, #tpu.memory_space<vmem>> -> memref<400x16xi32, #tpu.memory_space<vmem>>
        %dma_start3A_128 = arith.constant 0 : i32
        %dma_start3A_129 = tpu.memref_slice %arg2[%add3A_120, %dma_start3A_128] : memref<1600400x16xi32, #tpu.memory_space<hbm>> -> memref<400x16xi32, #tpu.memory_space<hbm>>
        tpu.enqueue_dma source(%dma_start3A_129 : memref<400x16xi32, #tpu.memory_space<hbm>>) target(%dma_start3A_127 : memref<400x16xi32, #tpu.memory_space<vmem>>) target_semaphore(%arg14 : memref<!tpu.dma_semaphore, #tpu.memory_space<semaphore_mem>>)
      } else {
      }
      %add3A_107 = arith.constant 2 : i32
      %add3A_108 = arith.addi %while3A_61, %add3A_107 : i32
      %lt3A_109 = arith.cmpi slt, %add3A_108, %select_n3A : i32
      %eq3A_110 = arith.constant 1 : i32
      %eq3A_111 = arith.cmpi eq, %rem3A_65, %eq3A_110 : i32
      %and3A_112 = arith.andi %lt3A_109, %eq3A_111 : i1
      %convert_element_type3A_113 = arith.extui %and3A_112 : i1 to i32
      %cond3A_114 = arith.constant 0 : i32
      %cond3A_115 = arith.cmpi ne, %convert_element_type3A_113, %cond3A_114 : i32
      scf.if %cond3A_115 {
        %add3A_116 = arith.constant 2 : i32
        %add3A_117 = arith.addi %while3A_61, %add3A_116 : i32
        %mul3A_118 = arith.constant 400 : i32
        %mul3A_119 = arith.muli %add3A_117, %mul3A_118 : i32
        %add3A_120 = arith.addi %squeeze3A, %mul3A_119 : i32
        %dma_start3A = arith.constant 400 : i32
        %dma_start3A_121 = arith.constant 0 : i32
        %dma_start3A_122 = tpu.memref_slice %arg8[%dma_start3A, %dma_start3A_121] : memref<800x16xi32, #tpu.memory_space<vmem>> -> memref<400x16xi32, #tpu.memory_space<vmem>>
        %dma_start3A_123 = arith.constant 0 : i32
        %dma_start3A_124 = tpu.memref_slice %arg2[%add3A_120, %dma_start3A_123] : memref<1600400x16xi32, #tpu.memory_space<hbm>> -> memref<400x16xi32, #tpu.memory_space<hbm>>
        %dma_start3A_125 = arith.constant 400 : i32
        %dma_start3A_126 = arith.constant 0 : i32
        %dma_start3A_127 = tpu.memref_slice %arg8[%dma_start3A_125, %dma_start3A_126] : memref<800x16xi32, #tpu.memory_space<vmem>> -> memref<400x16xi32, #tpu.memory_space<vmem>>
        %dma_start3A_128 = arith.constant 0 : i32
        %dma_start3A_129 = tpu.memref_slice %arg2[%add3A_120, %dma_start3A_128] : memref<1600400x16xi32, #tpu.memory_space<hbm>> -> memref<400x16xi32, #tpu.memory_space<hbm>>
        tpu.enqueue_dma source(%dma_start3A_129 : memref<400x16xi32, #tpu.memory_space<hbm>>) target(%dma_start3A_127 : memref<400x16xi32, #tpu.memory_space<vmem>>) target_semaphore(%arg15 : memref<!tpu.dma_semaphore, #tpu.memory_space<semaphore_mem>>)
      } else {
      }
      scf.yield %scan3A_96#0, %scan3A_96#1 : i32, vector<16xf32>
    }
    %scan3A_53 = arith.constant 0 : i32
    %scan3A_54 = arith.constant 0 : i32
    %scan3A_55 = arith.constant 1600 : i32
    %scan3A_56 = arith.addi %scan3A_54, %scan3A_55 : i32
    %scan3A_57 = arith.constant 1 : i32
    scf.for %scan3A_61 = %scan3A_54 to %scan3A_56 step %scan3A_57  : i32 {
      %mul3A_62 = arith.constant 16 : i32
      %mul3A_63 = arith.muli %scan3A_61, %mul3A_62 : i32
      %get3A = arith.index_cast %mul3A_63 : i32 to index
      %get3A_64 = tpu.vector_load %arg11[%get3A] {strides = array<i32>} : memref<51456xf32, #tpu.memory_space<vmem>>, vector<16xf32>,
      %ge3A = arith.constant -3.000000e+38 : f32
      %ge3A_65 = vector.broadcast %ge3A : f32 to vector<16xf32>
      %ge3A_66 = arith.cmpf oge, %get3A_64, %ge3A_65 : vector<16xf32>
      %le3A = arith.constant 3.000000e+38 : f32
      %le3A_67 = vector.broadcast %le3A : f32 to vector<16xf32>
      %le3A_68 = arith.cmpf ole, %get3A_64, %le3A_67 : vector<16xf32>
      %and3A_69 = arith.andi %ge3A_66, %le3A_68 : vector<16xi1>
      %jit3A_70 = arith.constant 0.000000e+00 : f32
      %broadcast_in_dim3A_71 = vector.broadcast %jit3A_70 : f32 to vector<16xf32>
      %select_n3A_72 = arith.select %and3A_69, %get3A_64, %broadcast_in_dim3A_71 : vector<16xi1>, vector<16xf32>
      %mul3A_73 = arith.constant 16 : i32
      %mul3A_74 = arith.muli %scan3A_61, %mul3A_73 : i32
      %swap3A = arith.index_cast %mul3A_74 : i32 to index
      %swap3A_75 = tpu.vector_load %arg11[%swap3A] {strides = array<i32>} : memref<51456xf32, #tpu.memory_space<vmem>>, vector<16xf32>,
      tpu.vector_store %arg11[%swap3A], %select_n3A_72 {strides = array<i32>} : memref<51456xf32, #tpu.memory_space<vmem>>, vector<16xf32>,
    }
    %scan3A_58 = arith.constant 1600 : i32
    %mul3A_59 = arith.constant 16 : i32
    %mul3A_60 = arith.muli %mul3A_26, %mul3A_59 : i32
    "tpu.region"() ({
      %run_scoped3A = tpu.sem_alloc : memref<!tpu.dma_semaphore, #tpu.memory_space<semaphore_mem>>
      %dma_start3A = arith.constant 0 : i32
      %dma_start3A_61 = tpu.memref_slice %arg11[%dma_start3A] : memref<51456xf32, #tpu.memory_space<vmem>> -> memref<25600xf32, #tpu.memory_space<vmem>>
      %dma_start3A_62 = tpu.memref_slice %arg6[%mul3A_60] : memref<819200xf32, #tpu.memory_space<hbm>> -> memref<25600xf32, #tpu.memory_space<hbm>>
      %dma_start3A_63 = tpu.memref_slice %arg6[%mul3A_60] : memref<819200xf32, #tpu.memory_space<hbm>> -> memref<25600xf32, #tpu.memory_space<hbm>>
      %dma_start3A_64 = arith.constant 0 : i32
      %dma_start3A_65 = tpu.memref_slice %arg11[%dma_start3A_64] : memref<51456xf32, #tpu.memory_space<vmem>> -> memref<25600xf32, #tpu.memory_space<vmem>>
      tpu.enqueue_dma source(%dma_start3A_65 : memref<25600xf32, #tpu.memory_space<vmem>>) target(%dma_start3A_63 : memref<25600xf32, #tpu.memory_space<hbm>>) target_semaphore(%run_scoped3A : memref<!tpu.dma_semaphore, #tpu.memory_space<semaphore_mem>>)
      %dma_wait3A = arith.constant 0 : i32
      %dma_wait3A_66 = tpu.memref_slice %arg11[%dma_wait3A] : memref<51456xf32, #tpu.memory_space<vmem>> -> memref<25600xf32, #tpu.memory_space<vmem>>
      %dma_wait3A_67 = tpu.memref_slice %arg6[%mul3A_60] : memref<819200xf32, #tpu.memory_space<hbm>> -> memref<25600xf32, #tpu.memory_space<hbm>>
      %dma_wait3A_68 = tpu.memref_slice %arg6[%mul3A_60] : memref<819200xf32, #tpu.memory_space<hbm>> -> memref<25600xf32, #tpu.memory_space<hbm>>
      %dma_wait3A_69 = arith.constant 0 : i32
      %dma_wait3A_70 = tpu.memref_slice %arg11[%dma_wait3A_69] : memref<51456xf32, #tpu.memory_space<vmem>> -> memref<25600xf32, #tpu.memory_space<vmem>>
      tpu.wait_dma2 semaphore(%run_scoped3A : memref<!tpu.dma_semaphore, #tpu.memory_space<semaphore_mem>>) src(%dma_wait3A_70 : memref<25600xf32, #tpu.memory_space<vmem>>) dst(%dma_wait3A_68 : memref<25600xf32, #tpu.memory_space<hbm>>)
      tpu.yield
    }) : () -> ()
    return
  }
}

module attributes {stable_mosaic.version = 14 : i64} {
  func.func @_u1_body(%arg0: i32, %arg1: memref<1x1x1024xi32, #tpu.memory_space<vmem>>, %arg2: memref<1024x16xf32, #tpu.memory_space<vmem>>, %arg3: memref<128x16xf32, #tpu.memory_space<vmem>>, %arg4: memref<32x16xf32, #tpu.memory_space<vmem>>, %arg5: memref<1x16xf32, #tpu.memory_space<vmem>>, %arg6: memref<1024x16xf32, #tpu.memory_space<vmem>>) attributes {dimension_semantics = [#tpu.dimension_semantics<arbitrary>], iteration_bounds = array<i64: 49>, scalar_prefetch = 0 : i64, scratch_operands = 0 : i64, tpu.core_type = #tpu.core_type<tc>, window_params = [{transform_indices = @transform_0, window_bounds = array<i64: 1, 1, 1024>}, {transform_indices = @transform_1, window_bounds = array<i64: 1024, 16>}, {pipeline_mode = #tpu.pipeline_mode<synchronous>, transform_indices = @transform_2, window_bounds = array<i64: 128, 16>}, {pipeline_mode = #tpu.pipeline_mode<synchronous>, transform_indices = @transform_3, window_bounds = array<i64: 32, 16>}, {pipeline_mode = #tpu.pipeline_mode<synchronous>, transform_indices = @transform_4, window_bounds = array<i64: 1, 16>}, {transform_indices = @transform_5, window_bounds = array<i64: 1024, 16>}]} {
    %get3A = arith.constant 0 : index
    %get3A_0 = arith.constant 0 : index
    %get3A_1 = arith.constant 0 : index
    %get3A_2 = vector.load %arg1[%get3A, %get3A_0, %get3A_1] : memref<1x1x1024xi32, #tpu.memory_space<vmem>>, vector<1x1x1024xi32>
    %get3A_3 = vector.shape_cast %get3A_2 : vector<1x1x1024xi32> to vector<1024xi32>
    %broadcast_in_dim3A = vector.shape_cast %get3A_3 : vector<1024xi32> to vector<1024x1xi32>
    %iota3A = tpu.iota {dimensions = array<i32: 1>} : vector<1024x128xi32>
    %eq3A = vector.broadcast %broadcast_in_dim3A : vector<1024x1xi32> to vector<1024x128xi32>
    %eq3A_4 = arith.cmpi eq, %eq3A, %iota3A : vector<1024x128xi32>
    %convert_element_type3A = arith.extui %eq3A_4 : vector<1024x128xi1> to vector<1024x128xi32>
    %convert_element_type3A_5 = arith.sitofp %convert_element_type3A : vector<1024x128xi32> to vector<1024x128xf32>
    %get3A_6 = arith.constant 0 : index
    %get3A_7 = arith.constant 0 : index
    %get3A_8 = vector.load %arg3[%get3A_6, %get3A_7] : memref<128x16xf32, #tpu.memory_space<vmem>>, vector<128x16xf32>
    %dot_general3A = arith.constant dense<0.000000e+00> : vector<1024x16xf32>
    %dot_general3A_9 = tpu.matmul %convert_element_type3A_5, %get3A_8, %dot_general3A {dimension_numbers = #tpu.dot_dimension_numbers<[1], [0], [0], [1], [0, 0, 1, 1], [], []>, transpose_lhs_hint = false} : vector<1024x128xf32>, vector<128x16xf32>, vector<1024x16xf32> -> vector<1024x16xf32>
    %get3A_10 = arith.constant 0 : index
    %get3A_11 = arith.constant 0 : index
    %get3A_12 = vector.load %arg4[%get3A_10, %get3A_11] : memref<32x16xf32, #tpu.memory_space<vmem>>, vector<32x16xf32>
    %slice3A = vector.extract_strided_slice %get3A_12 {offsets = [0, 0], sizes = [16, 16], strides = [1, 1]} : vector<32x16xf32> to vector<16x16xf32>
    %dot_general3A_13 = arith.constant dense<0.000000e+00> : vector<1024x16xf32>
    %dot_general3A_14 = tpu.matmul %dot_general3A_9, %slice3A, %dot_general3A_13 {dimension_numbers = #tpu.dot_dimension_numbers<[1], [0], [0], [1], [0, 0, 1, 1], [], []>, transpose_lhs_hint = false} : vector<1024x16xf32>, vector<16x16xf32>, vector<1024x16xf32> -> vector<1024x16xf32>
    %add3A = arith.addf %dot_general3A_9, %dot_general3A_14 : vector<1024x16xf32>
    %get3A_15 = arith.constant 0 : index
    %get3A_16 = arith.constant 0 : index
    %get3A_17 = vector.load %arg2[%get3A_15, %get3A_16] : memref<1024x16xf32, #tpu.memory_space<vmem>>, vector<1024x16xf32>
    %slice3A_18 = vector.extract_strided_slice %get3A_12 {offsets = [16, 0], sizes = [16, 16], strides = [1, 1]} : vector<32x16xf32> to vector<16x16xf32>
    %dot_general3A_19 = arith.constant dense<0.000000e+00> : vector<1024x16xf32>
    %dot_general3A_20 = tpu.matmul %get3A_17, %slice3A_18, %dot_general3A_19 {dimension_numbers = #tpu.dot_dimension_numbers<[1], [0], [0], [1], [0, 0, 1, 1], [], []>, transpose_lhs_hint = false} : vector<1024x16xf32>, vector<16x16xf32>, vector<1024x16xf32> -> vector<1024x16xf32>
    %add3A_21 = arith.addf %add3A, %dot_general3A_20 : vector<1024x16xf32>
    %get3A_22 = arith.constant 0 : index
    %get3A_23 = arith.constant 0 : index
    %get3A_24 = vector.load %arg5[%get3A_22, %get3A_23] : memref<1x16xf32, #tpu.memory_space<vmem>>, vector<1x16xf32>
    %add3A_25 = vector.broadcast %get3A_24 : vector<1x16xf32> to vector<1024x16xf32>
    %add3A_26 = arith.addf %add3A_21, %add3A_25 : vector<1024x16xf32>
    %swap3A = arith.constant 0 : index
    %swap3A_27 = arith.constant 0 : index
    %swap3A_28 = vector.load %arg6[%swap3A, %swap3A_27] : memref<1024x16xf32, #tpu.memory_space<vmem>>, vector<1024x16xf32>
    tpu.vector_store %arg6[%swap3A, %swap3A_27], %add3A_26 {strides = array<i32>} : memref<1024x16xf32, #tpu.memory_space<vmem>>, vector<1024x16xf32>,
    return
  }
  func.func @transform_0(%arg0: i32) -> (i32, i32, i32) {
    %c0_i32 = arith.constant 0 : i32
    %c0_i32_0 = arith.constant 0 : i32
    %c0_i32_1 = arith.constant 0 : i32
    return %arg0, %c0_i32, %c0_i32_0 : i32, i32, i32
  }
  func.func @transform_1(%arg0: i32) -> (i32, i32) {
    %c0_i32 = arith.constant 0 : i32
    %c0_i32_0 = arith.constant 0 : i32
    return %arg0, %c0_i32 : i32, i32
  }
  func.func @transform_2(%arg0: i32) -> (i32, i32) {
    %c0_i32 = arith.constant 0 : i32
    %c0_i32_0 = arith.constant 0 : i32
    %c0_i32_1 = arith.constant 0 : i32
    return %c0_i32, %c0_i32_0 : i32, i32
  }
  func.func @transform_3(%arg0: i32) -> (i32, i32) {
    %c0_i32 = arith.constant 0 : i32
    %c0_i32_0 = arith.constant 0 : i32
    %c0_i32_1 = arith.constant 0 : i32
    return %c0_i32, %c0_i32_0 : i32, i32
  }
  func.func @transform_4(%arg0: i32) -> (i32, i32) {
    %c0_i32 = arith.constant 0 : i32
    %c0_i32_0 = arith.constant 0 : i32
    %c0_i32_1 = arith.constant 0 : i32
    return %c0_i32, %c0_i32_0 : i32, i32
  }
  func.func @transform_5(%arg0: i32) -> (i32, i32) {
    %c0_i32 = arith.constant 0 : i32
    %c0_i32_0 = arith.constant 0 : i32
    return %arg0, %c0_i32 : i32, i32
  }
}

module attributes {stable_mosaic.version = 14 : i64} {
  func.func @_u2_body(%arg0: i32, %arg1: memref<1024x16xf32, #tpu.memory_space<vmem>>, %arg2: memref<1024x16xf32, #tpu.memory_space<vmem>>, %arg3: memref<32x16xf32, #tpu.memory_space<vmem>>, %arg4: memref<1x16xf32, #tpu.memory_space<vmem>>, %arg5: memref<1024x16xf32, #tpu.memory_space<vmem>>) attributes {dimension_semantics = [#tpu.dimension_semantics<arbitrary>], iteration_bounds = array<i64: 49>, scalar_prefetch = 0 : i64, scratch_operands = 0 : i64, tpu.core_type = #tpu.core_type<tc>, window_params = [{transform_indices = @transform_0, window_bounds = array<i64: 1024, 16>}, {transform_indices = @transform_1, window_bounds = array<i64: 1024, 16>}, {pipeline_mode = #tpu.pipeline_mode<synchronous>, transform_indices = @transform_2, window_bounds = array<i64: 32, 16>}, {pipeline_mode = #tpu.pipeline_mode<synchronous>, transform_indices = @transform_3, window_bounds = array<i64: 1, 16>}, {transform_indices = @transform_4, window_bounds = array<i64: 1024, 16>}]} {
    %get3A = arith.constant 0 : index
    %get3A_0 = arith.constant 0 : index
    %get3A_1 = vector.load %arg1[%get3A, %get3A_0] : memref<1024x16xf32, #tpu.memory_space<vmem>>, vector<1024x16xf32>
    %get3A_2 = arith.constant 0 : index
    %get3A_3 = arith.constant 0 : index
    %get3A_4 = vector.load %arg3[%get3A_2, %get3A_3] : memref<32x16xf32, #tpu.memory_space<vmem>>, vector<32x16xf32>
    %slice3A = vector.extract_strided_slice %get3A_4 {offsets = [0, 0], sizes = [16, 16], strides = [1, 1]} : vector<32x16xf32> to vector<16x16xf32>
    %dot_general3A = arith.constant dense<0.000000e+00> : vector<1024x16xf32>
    %dot_general3A_5 = tpu.matmul %get3A_1, %slice3A, %dot_general3A {dimension_numbers = #tpu.dot_dimension_numbers<[1], [0], [0], [1], [0, 0, 1, 1], [], []>, transpose_lhs_hint = false} : vector<1024x16xf32>, vector<16x16xf32>, vector<1024x16xf32> -> vector<1024x16xf32>
    %add3A = arith.addf %get3A_1, %dot_general3A_5 : vector<1024x16xf32>
    %get3A_6 = arith.constant 0 : index
    %get3A_7 = arith.constant 0 : index
    %get3A_8 = vector.load %arg2[%get3A_6, %get3A_7] : memref<1024x16xf32, #tpu.memory_space<vmem>>, vector<1024x16xf32>
    %slice3A_9 = vector.extract_strided_slice %get3A_4 {offsets = [16, 0], sizes = [16, 16], strides = [1, 1]} : vector<32x16xf32> to vector<16x16xf32>
    %dot_general3A_10 = arith.constant dense<0.000000e+00> : vector<1024x16xf32>
    %dot_general3A_11 = tpu.matmul %get3A_8, %slice3A_9, %dot_general3A_10 {dimension_numbers = #tpu.dot_dimension_numbers<[1], [0], [0], [1], [0, 0, 1, 1], [], []>, transpose_lhs_hint = false} : vector<1024x16xf32>, vector<16x16xf32>, vector<1024x16xf32> -> vector<1024x16xf32>
    %add3A_12 = arith.addf %add3A, %dot_general3A_11 : vector<1024x16xf32>
    %get3A_13 = arith.constant 0 : index
    %get3A_14 = arith.constant 0 : index
    %get3A_15 = vector.load %arg4[%get3A_13, %get3A_14] : memref<1x16xf32, #tpu.memory_space<vmem>>, vector<1x16xf32>
    %add3A_16 = vector.broadcast %get3A_15 : vector<1x16xf32> to vector<1024x16xf32>
    %add3A_17 = arith.addf %add3A_12, %add3A_16 : vector<1024x16xf32>
    %swap3A = arith.constant 0 : index
    %swap3A_18 = arith.constant 0 : index
    %swap3A_19 = vector.load %arg5[%swap3A, %swap3A_18] : memref<1024x16xf32, #tpu.memory_space<vmem>>, vector<1024x16xf32>
    tpu.vector_store %arg5[%swap3A, %swap3A_18], %add3A_17 {strides = array<i32>} : memref<1024x16xf32, #tpu.memory_space<vmem>>, vector<1024x16xf32>,
    return
  }
  func.func @transform_0(%arg0: i32) -> (i32, i32) {
    %c0_i32 = arith.constant 0 : i32
    %c0_i32_0 = arith.constant 0 : i32
    return %arg0, %c0_i32 : i32, i32
  }
  func.func @transform_1(%arg0: i32) -> (i32, i32) {
    %c0_i32 = arith.constant 0 : i32
    %c0_i32_0 = arith.constant 0 : i32
    return %arg0, %c0_i32 : i32, i32
  }
  func.func @transform_2(%arg0: i32) -> (i32, i32) {
    %c0_i32 = arith.constant 0 : i32
    %c0_i32_0 = arith.constant 0 : i32
    %c0_i32_1 = arith.constant 0 : i32
    return %c0_i32, %c0_i32_0 : i32, i32
  }
  func.func @transform_3(%arg0: i32) -> (i32, i32) {
    %c0_i32 = arith.constant 0 : i32
    %c0_i32_0 = arith.constant 0 : i32
    %c0_i32_1 = arith.constant 0 : i32
    return %c0_i32, %c0_i32_0 : i32, i32
  }
  func.func @transform_4(%arg0: i32) -> (i32, i32) {
    %c0_i32 = arith.constant 0 : i32
    %c0_i32_0 = arith.constant 0 : i32
    return %arg0, %c0_i32 : i32, i32
  }
}

module attributes {stable_mosaic.version = 14 : i64} {
  func.func @_att_body(%arg0: i32, %arg1: i32, %arg2: memref<1024x16xf32, #tpu.memory_space<vmem>>, %arg3: memref<1x1x1024xi32, #tpu.memory_space<vmem>>, %arg4: memref<16x1xf32, #tpu.memory_space<vmem>>, %arg5: memref<1x1xf32, #tpu.memory_space<vmem>>, %arg6: memref<16x16xf32, #tpu.memory_space<vmem>>, %arg7: memref<1x16xf32, #tpu.memory_space<vmem>>, %arg8: memref<16x512xf32, #tpu.memory_space<vmem>>, %arg9: memref<1x1xf32, #tpu.memory_space<vmem>>, %arg10: memref<17x512xf32, #tpu.memory_space<vmem>>) attributes {dimension_semantics = [#tpu.dimension_semantics<arbitrary>, #tpu.dimension_semantics<arbitrary>], iteration_bounds = array<i64: 2, 49>, scalar_prefetch = 0 : i64, scratch_operands = 2 : i64, tpu.core_type = #tpu.core_type<tc>, window_params = [{transform_indices = @transform_0, window_bounds = array<i64: 1024, 16>}, {transform_indices = @transform_1, window_bounds = array<i64: 1, 1, 1024>}, {pipeline_mode = #tpu.pipeline_mode<synchronous>, transform_indices = @transform_2, window_bounds = array<i64: 16, 1>}, {pipeline_mode = #tpu.pipeline_mode<synchronous>, transform_indices = @transform_3, window_bounds = array<i64: 1, 1>}, {pipeline_mode = #tpu.pipeline_mode<synchronous>, transform_indices = @transform_4, window_bounds = array<i64: 16, 16>}, {pipeline_mode = #tpu.pipeline_mode<synchronous>, transform_indices = @transform_5, window_bounds = array<i64: 1, 16>}, {pipeline_mode = #tpu.pipeline_mode<synchronous>, transform_indices = @transform_6, window_bounds = array<i64: 16, 512>}]} {
    %get3A = arith.constant 0 : index
    %get3A_0 = arith.constant 0 : index
    %get3A_1 = vector.load %arg2[%get3A, %get3A_0] : memref<1024x16xf32, #tpu.memory_space<vmem>>, vector<1024x16xf32>
    %get3A_2 = arith.constant 0 : index
    %get3A_3 = arith.constant 0 : index
    %get3A_4 = arith.constant 0 : index
    %get3A_5 = vector.load %arg3[%get3A_2, %get3A_3, %get3A_4] : memref<1x1x1024xi32, #tpu.memory_space<vmem>>, vector<1x1x1024xi32>
    %get3A_6 = vector.shape_cast %get3A_5 : vector<1x1x1024xi32> to vector<1024xi32>
    %broadcast_in_dim3A = vector.shape_cast %get3A_6 : vector<1024xi32> to vector<1024x1xi32>
    %iota3A = tpu.iota {dimensions = array<i32: 1>} : vector<1024x512xi32>
    %eq3A = vector.broadcast %broadcast_in_dim3A : vector<1024x1xi32> to vector<1024x512xi32>
    %eq3A_7 = arith.cmpi eq, %eq3A, %iota3A : vector<1024x512xi32>
    %convert_element_type3A = arith.extui %eq3A_7 : vector<1024x512xi1> to vector<1024x512xi32>
    %convert_element_type3A_8 = arith.sitofp %convert_element_type3A : vector<1024x512xi32> to vector<1024x512xf32>
    %get3A_9 = arith.constant 0 : index
    %get3A_10 = arith.constant 0 : index
    %get3A_11 = vector.load %arg4[%get3A_9, %get3A_10] : memref<16x1xf32, #tpu.memory_space<vmem>>, vector<16x1xf32>
    %dot_general3A = arith.constant dense<0.000000e+00> : vector<1024x1xf32>
    %dot_general3A_12 = tpu.matmul %get3A_1, %get3A_11, %dot_general3A {dimension_numbers = #tpu.dot_dimension_numbers<[1], [0], [0], [1], [0, 0, 1, 1], [], []>, transpose_lhs_hint = false} : vector<1024x16xf32>, vector<16x1xf32>, vector<1024x1xf32> -> vector<1024x1xf32>
    %get3A_13 = arith.constant 0 : index
    %get3A_14 = arith.constant 0 : index
    %get3A_15 = vector.load %arg5[%get3A_13, %get3A_14] : memref<1x1xf32, #tpu.memory_space<vmem>>, vector<1x1xf32>
    %add3A = vector.broadcast %get3A_15 : vector<1x1xf32> to vector<1024x1xf32>
    %add3A_16 = arith.addf %dot_general3A_12, %add3A : vector<1024x1xf32>
    %eq3A_17 = arith.constant 0 : i32
    %eq3A_18 = arith.cmpi eq, %arg0, %eq3A_17 : i32
    %eq3A_19 = arith.constant 0 : i32
    %eq3A_20 = arith.cmpi eq, %arg1, %eq3A_19 : i32
    %and3A = arith.andi %eq3A_18, %eq3A_20 : i1
    %convert_element_type3A_21 = arith.extui %and3A : i1 to i32
    %cond3A = arith.constant 0 : i32
    %cond3A_22 = arith.cmpi ne, %convert_element_type3A_21, %cond3A : i32
    scf.if %cond3A_22 {
      %broadcast_in_dim3A_32 = arith.constant 0xFF800000 : f32
      %broadcast_in_dim3A_33 = vector.broadcast %broadcast_in_dim3A_32 : f32 to vector<1x1xf32>
      %swap3A = arith.constant 0 : index
      %swap3A_34 = arith.constant 0 : index
      %swap3A_35 = vector.load %arg9[%swap3A, %swap3A_34] : memref<1x1xf32, #tpu.memory_space<vmem>>, vector<1x1xf32>
      tpu.vector_store %arg9[%swap3A, %swap3A_34], %broadcast_in_dim3A_33 {strides = array<i32>} : memref<1x1xf32, #tpu.memory_space<vmem>>, vector<1x1xf32>,
    } else {
    }
    %eq3A_23 = arith.constant 0 : i32
    %eq3A_24 = arith.cmpi eq, %arg0, %eq3A_23 : i32
    %convert_element_type3A_25 = arith.extui %eq3A_24 : i1 to i32
    %cond3A_26 = arith.constant 0 : i32
    %cond3A_27 = arith.cmpi ne, %convert_element_type3A_25, %cond3A_26 : i32
    scf.if %cond3A_27 {
      %reduce_max3A = vector.shape_cast %add3A_16 : vector<1024x1xf32> to vector<1x1024x1xf32>
      %reduce_max3A_32 = arith.constant dense<0xFF800000> : vector<1xf32>
      %reduce_max3A_33 = vector.multi_reduction <maximumf>, %reduce_max3A, %reduce_max3A_32 [1, 2] : vector<1x1024x1xf32> to vector<1xf32>
      %reduce_max3A_34 = vector.shape_cast %reduce_max3A_33 : vector<1xf32> to vector<1x1x1xf32>
      %reduce_max3A_35 = vector.extract %reduce_max3A_34[0, 0, 0] : f32 from vector<1x1x1xf32>
      %broadcast_in_dim3A_36 = vector.broadcast %reduce_max3A_35 : f32 to vector<1x1xf32>
      %get3A_37 = arith.constant 0 : index
      %get3A_38 = arith.constant 0 : index
      %get3A_39 = vector.load %arg9[%get3A_37, %get3A_38] : memref<1x1xf32, #tpu.memory_space<vmem>>, vector<1x1xf32>
      %max3A = arith.maximumf %get3A_39, %broadcast_in_dim3A_36 : vector<1x1xf32>
      %swap3A = arith.constant 0 : index
      %swap3A_40 = arith.constant 0 : index
      %swap3A_41 = vector.load %arg9[%swap3A, %swap3A_40] : memref<1x1xf32, #tpu.memory_space<vmem>>, vector<1x1xf32>
      tpu.vector_store %arg9[%swap3A, %swap3A_40], %max3A {strides = array<i32>} : memref<1x1xf32, #tpu.memory_space<vmem>>, vector<1x1xf32>,
    } else {
    }
    %ge3A = arith.constant 1 : i32
    %ge3A_28 = arith.cmpi sge, %arg0, %ge3A : i32
    %convert_element_type3A_29 = arith.extui %ge3A_28 : i1 to i32
    %cond3A_30 = arith.constant 0 : i32
    %cond3A_31 = arith.cmpi ne, %convert_element_type3A_29, %cond3A_30 : i32
    scf.if %cond3A_31 {
      %get3A_32 = arith.constant 0 : index
      %get3A_33 = arith.constant 0 : index
      %get3A_34 = vector.load %arg9[%get3A_32, %get3A_33] : memref<1x1xf32, #tpu.memory_space<vmem>>, vector<1x1xf32>
      %sub3A = vector.broadcast %get3A_34 : vector<1x1xf32> to vector<1024x1xf32>
      %sub3A_35 = arith.subf %add3A_16, %sub3A : vector<1024x1xf32>
      %exp3A = math.exp %sub3A_35 : vector<1024x1xf32>
      %eq3A_36 = arith.constant 0 : i32
      %eq3A_37 = arith.cmpi eq, %arg1, %eq3A_36 : i32
      %convert_element_type3A_38 = arith.extui %eq3A_37 : i1 to i32
      %cond3A_39 = arith.constant 0 : i32
      %cond3A_40 = arith.cmpi ne, %convert_element_type3A_38, %cond3A_39 : i32
      scf.if %cond3A_40 {
        %broadcast_in_dim3A_67 = arith.constant 0.000000e+00 : f32
        %broadcast_in_dim3A_68 = vector.broadcast %broadcast_in_dim3A_67 : f32 to vector<17x512xf32>
        %swap3A_69 = arith.constant 0 : index
        %swap3A_70 = arith.constant 0 : index
        %swap3A_71 = vector.load %arg10[%swap3A_69, %swap3A_70] : memref<17x512xf32, #tpu.memory_space<vmem>>, vector<17x512xf32>
        tpu.vector_store %arg10[%swap3A_69, %swap3A_70], %broadcast_in_dim3A_68 {strides = array<i32>} : memref<17x512xf32, #tpu.memory_space<vmem>>, vector<17x512xf32>,
      } else {
      }
      %get3A_41 = arith.constant 0 : index
      %get3A_42 = arith.constant 0 : index
      %get3A_43 = vector.load %arg6[%get3A_41, %get3A_42] : memref<16x16xf32, #tpu.memory_space<vmem>>, vector<16x16xf32>
      %dot_general3A_44 = arith.constant dense<0.000000e+00> : vector<1024x16xf32>
      %dot_general3A_45 = tpu.matmul %get3A_1, %get3A_43, %dot_general3A_44 {dimension_numbers = #tpu.dot_dimension_numbers<[1], [0], [0], [1], [0, 0, 1, 1], [], []>, transpose_lhs_hint = false} : vector<1024x16xf32>, vector<16x16xf32>, vector<1024x16xf32> -> vector<1024x16xf32>
      %get3A_46 = arith.constant 0 : index
      %get3A_47 = arith.constant 0 : index
      %get3A_48 = vector.load %arg7[%get3A_46, %get3A_47] : memref<1x16xf32, #tpu.memory_space<vmem>>, vector<1x16xf32>
      %add3A_49 = vector.broadcast %get3A_48 : vector<1x16xf32> to vector<1024x16xf32>
      %add3A_50 = arith.addf %dot_general3A_45, %add3A_49 : vector<1024x16xf32>
      %broadcast_in_dim3A_51 = arith.constant 1.000000e+00 : f32
      %broadcast_in_dim3A_52 = vector.broadcast %broadcast_in_dim3A_51 : f32 to vector<1024x1xf32>
      %concatenate3A = tpu.concatenate %add3A_50, %broadcast_in_dim3A_52 in 1 : vector<1024x16xf32>, vector<1024x1xf32> -> vector<1024x17xf32>
      %get3A_53 = arith.constant 0 : index
      %get3A_54 = arith.constant 0 : index
      %get3A_55 = vector.load %arg10[%get3A_53, %get3A_54] : memref<17x512xf32, #tpu.memory_space<vmem>>, vector<17x512xf32>
      %mul3A = vector.broadcast %exp3A : vector<1024x1xf32> to vector<1024x17xf32>
      %mul3A_56 = arith.mulf %mul3A, %concatenate3A : vector<1024x17xf32>
      %dot_general3A_57 = arith.constant dense<0.000000e+00> : vector<17x512xf32>
      %dot_general3A_58 = tpu.matmul %mul3A_56, %convert_element_type3A_8, %dot_general3A_57 {dimension_numbers = #tpu.dot_dimension_numbers<[0], [0], [1], [1], [0, 1, 1, 1], [], []>, transpose_lhs_hint = false} : vector<1024x17xf32>, vector<1024x512xf32>, vector<17x512xf32> -> vector<17x512xf32>
      %add3A_59 = arith.addf %get3A_55, %dot_general3A_58 : vector<17x512xf32>
      %swap3A = arith.constant 0 : index
      %swap3A_60 = arith.constant 0 : index
      %swap3A_61 = vector.load %arg10[%swap3A, %swap3A_60] : memref<17x512xf32, #tpu.memory_space<vmem>>, vector<17x512xf32>
      tpu.vector_store %arg10[%swap3A, %swap3A_60], %add3A_59 {strides = array<i32>} : memref<17x512xf32, #tpu.memory_space<vmem>>, vector<17x512xf32>,
      %eq3A_62 = arith.constant 48 : i32
      %eq3A_63 = arith.cmpi eq, %arg1, %eq3A_62 : i32
      %convert_element_type3A_64 = arith.extui %eq3A_63 : i1 to i32
      %cond3A_65 = arith.constant 0 : i32
      %cond3A_66 = arith.cmpi ne, %convert_element_type3A_64, %cond3A_65 : i32
      scf.if %cond3A_66 {
        %get3A_67 = arith.constant 0 : index
        %get3A_68 = arith.constant 0 : index
        %get3A_69 = vector.load %arg10[%get3A_67, %get3A_68] : memref<17x512xf32, #tpu.memory_space<vmem>>, vector<16x512xf32>
        %get3A_70 = arith.constant 16 : index
        %get3A_71 = arith.constant 0 : index
        %get3A_72 = vector.load %arg10[%get3A_70, %get3A_71] : memref<17x512xf32, #tpu.memory_space<vmem>>, vector<1x512xf32>
        %add3A_73 = arith.constant 1.000000e-16 : f32
        %add3A_74 = vector.broadcast %add3A_73 : f32 to vector<1x512xf32>
        %add3A_75 = arith.addf %get3A_72, %add3A_74 : vector<1x512xf32>
        %div3A = vector.broadcast %add3A_75 : vector<1x512xf32> to vector<16x512xf32>
        %div3A_76 = arith.divf %get3A_69, %div3A : vector<16x512xf32>
        %swap3A_77 = arith.constant 0 : index
        %swap3A_78 = arith.constant 0 : index
        %swap3A_79 = vector.load %arg8[%swap3A_77, %swap3A_78] : memref<16x512xf32, #tpu.memory_space<vmem>>, vector<16x512xf32>
        tpu.vector_store %arg8[%swap3A_77, %swap3A_78], %div3A_76 {strides = array<i32>} : memref<16x512xf32, #tpu.memory_space<vmem>>, vector<16x512xf32>,
      } else {
      }
    } else {
    }
    return
  }
  func.func @transform_0(%arg0: i32, %arg1: i32) -> (i32, i32) {
    %c0_i32 = arith.constant 0 : i32
    %c0_i32_0 = arith.constant 0 : i32
    return %arg1, %c0_i32 : i32, i32
  }
  func.func @transform_1(%arg0: i32, %arg1: i32) -> (i32, i32, i32) {
    %c0_i32 = arith.constant 0 : i32
    %c0_i32_0 = arith.constant 0 : i32
    %c0_i32_1 = arith.constant 0 : i32
    return %arg1, %c0_i32, %c0_i32_0 : i32, i32, i32
  }
  func.func @transform_2(%arg0: i32, %arg1: i32) -> (i32, i32) {
    %c0_i32 = arith.constant 0 : i32
    %c0_i32_0 = arith.constant 0 : i32
    %c0_i32_1 = arith.constant 0 : i32
    return %c0_i32, %c0_i32_0 : i32, i32
  }
  func.func @transform_3(%arg0: i32, %arg1: i32) -> (i32, i32) {
    %c0_i32 = arith.constant 0 : i32
    %c0_i32_0 = arith.constant 0 : i32
    %c0_i32_1 = arith.constant 0 : i32
    return %c0_i32, %c0_i32_0 : i32, i32
  }
  func.func @transform_4(%arg0: i32, %arg1: i32) -> (i32, i32) {
    %c0_i32 = arith.constant 0 : i32
    %c0_i32_0 = arith.constant 0 : i32
    %c0_i32_1 = arith.constant 0 : i32
    return %c0_i32, %c0_i32_0 : i32, i32
  }
  func.func @transform_5(%arg0: i32, %arg1: i32) -> (i32, i32) {
    %c0_i32 = arith.constant 0 : i32
    %c0_i32_0 = arith.constant 0 : i32
    %c0_i32_1 = arith.constant 0 : i32
    return %c0_i32, %c0_i32_0 : i32, i32
  }
  func.func @transform_6(%arg0: i32, %arg1: i32) -> (i32, i32) {
    %c0_i32 = arith.constant 0 : i32
    %c0_i32_0 = arith.constant 0 : i32
    %c0_i32_1 = arith.constant 0 : i32
    return %c0_i32, %c0_i32_0 : i32, i32
  }
}

</mosaic_0001>

<sc_bundles>
// kernel: kernel.12.cloned.1.call-start
scs
__scs_entry_jumppad:
0x0: {  	(pc) =	sbr.rel $0x88, $3  }
0x1: {  	(tag) =	ssettag $0x0;
	lr =	simm.s32 $0x1  }
0x2: {  	[smem:$0x3F92] =	sst lr;
	_ =	strace $0xD0000000  }
0x3: {  	_ = 	snop  }
0x4: {  	_ = 	snop  }
0x5: {  	_ = 	snop  }
0x6: {  	_ = 	snop  }
0x7: {  	_ = 	snop  }
__scs_overlays_trampoline_lowered:
0x8: {  	[smem:$0x3FA1] =	sst s0  }
0x9: {  	[smem:$0x3FA2] =	sst s1  }
0xa: {  	[smem:$0x3FA3] =	sst s2  }
0xb: {  	[smem:$0x3FA4] =	sst s3  }
0xc: {  	[smem:$0x3FA5] =	sst s4  }
0xd: {  	[smem:$0x3FA6] =	sst s5  }
0xe: {  	[smem:$0x3FA7] =	sst s6  }
0xf: {  	[smem:$0x3FA8] =	sst s7  }
0x10: {  	[smem:$0x3FA9] =	sst s8  }
0x11: {  	[smem:$0x3FAA] =	sst s9;
	s0 =	simm.s32 @!p0 $0x0  }
0x12: {  	s1 =	sld [smem:$0x3F90];
	s0 =	simm.s32 @p0 $0x1  }
0x13: {  	[smem:$0x3FAB] =	sst s0;
	s0 =	simm.s32 @!p1 $0x0  }
0x14: {  	s2 =	sld [smem:$0x3F8F];
	s0 =	simm.s32 @p1 $0x1  }
0x15: {  	[smem:$0x3FAC] =	sst s0;
	s0 =	simm.s32 @!p2 $0x0  }
0x16: {  	s3 =	sld [smem:$0x3FDB];
	s0 =	simm.s32 @p2 $0x1  }
0x17: {  	s4 =	simm.s32 $0x1BF5;
	[smem:$0x3FAE] =	sst s0  }
0x18: {  	s0 =	sld [smem:$0x3F91];
	_ =	swait.ge [sflag:s4], $0x0  }
0x19: {  	s7 =	sld [smem:$0x3F92]  }
0x1a: {  	s8 =	sadd.s32 $0xFFFFE003, lr  }
0x1b: {  	s9 =	sadd.s32 $0xFFFFFEF7, lr;
	s5 =	simm.s32 $0xFFFFFFFF;
	p2 =	slt.u32 s8, $0xFFFFF086  }
0x1c: {  	p1 =	slt.u32 s9, $0xF7A;
	s5 =	simm.s32 @!p2 $0x0  }
0x1d: {  	s5 =	simm.s32 @p1 $0x1;
	p0 =	seq.s32 s7, s2  }
0x1e: {  	s7 =	smul.u32 @!p0 $0xF7A, s2;
	p2 =	seq.s32 @!p0 s5, $0x0  }
0x1f: {  	s9 =	smul.u32 $0xF7A, s1;
	s8 =	simm.s32 @!p0 $0x1BF5;
	p2 =	por !p2, p0  }
0x20: {  	[sflag:s8] =	ssyncset.s32 @!p0 $0xFFFFF086;
	s6 =	sadd.s32 @!p0 s3, s7;
	s7 =	simm.s32 @!p0 $0x108  }
0x21: {  	s3 =	sadd.s32 s3, s9;
	s6 =	sadd.s32 @!p0 $0x88, s6;
	s7 =	simm.s32 @p2 $0x1082  }
0x22: {  	[simem:s7], [sflag:s8] =	dma.local @!p0 [hbm:s6], $0xF7A  }
0x23: {  	s9 =	sor.u32 $0xD0000000, s2;
	s6 =	simm.s32 $0x108;
	_ =	swait.ge @!p0 [sflag:s8], $0x0  }
0x24: {  	s3 =	sadd.s32 $0x88, s3;
	s6 =	simm.s32 @!p1 $0x1082;
	[sflag:s4] =	ssyncset.s32 $0xFFFFF086  }
0x25: {  	[simem:s6], [sflag:s4] =	dma.local [hbm:s3], $0xF7A  }
0x26: {  	[smem:$0x3F92] =	sst s1;
	(tag) =	ssettag s2;
	_ =	strace s9  }
0x27: {  	s1 =	sld [smem:$0x3FA2]  }
0x28: {  	s2 =	sld [smem:$0x3FA3]  }
0x29: {  	s4 =	sld [smem:$0x3FA5]  }
0x2a: {  	p0 =	seq.s32 s5, $0x0;
	s5 =	sld [smem:$0x3FA6]  }
0x2b: {  	s6 =	sld [smem:$0x3FA7]  }
0x2c: {  	s7 =	sld [smem:$0x3FA8]  }
0x2d: {  	s3 =	simm.s32 $0x108;
	s8 =	sld [smem:$0x3FA9]  }
0x2e: {  	s3 =	simm.s32 @!p0 $0x1082;
	s9 =	sld [smem:$0x3FAA]  }
0x2f: {  	lr =	sadd.s32 s0, s3;
	s0 =	sld [smem:$0x3FA1]  }
0x30: {  	s3 =	sld [smem:$0x3FA4]  }
0x31: {  	[smem:$0x3FAD] =	sst s10  }
0x32: {  	s10 =	sld [smem:$0x3FAB];
	_ =	sdelay $0x3  }
0x33: {  	p0 =	seq.s32 s10, $0x1;
	s10 =	sld [smem:$0x3FAD];
	_ =	sdelay $0x3  }
0x34: {  	[smem:$0x3FAD] =	sst s10  }
0x35: {  	s10 =	sld [smem:$0x3FAC];
	_ =	sdelay $0x3  }
0x36: {  	p1 =	seq.s32 s10, $0x1;
	s10 =	sld [smem:$0x3FAD];
	_ =	sdelay $0x3  }
0x37: {  	[smem:$0x3FAD] =	sst s10  }
0x38: {  	s10 =	sld [smem:$0x3FAE]  }
0x39: {  	_ = 	snop;
	(pc) =	sbr.ind lr, $3  }
0x3a: {  	_ = 	snop  }
0x3b: {  	_ = 	snop  }
0x3c: {  	p2 =	seq.s32 s10, $0x1;
	s10 =	sld [smem:$0x3FAD]  }
0x3d: {  	_ =	shalt  }
0x3e: {  	_ =	shalt  }
0x3f: {  	_ =	shalt  }
0x40: {  	_ =	shalt  }
0x41: {  	_ =	shalt  }
0x42: {  	_ =	shalt  }
0x43: {  	_ =	shalt  }
0x44: {  	_ =	shalt  }
0x45: {  	_ =	shalt  }
0x46: {  	_ =	shalt  }
0x47: {  	_ =	shalt  }
0x48: {  	_ =	shalt  }
0x49: {  	_ =	shalt  }
0x4a: {  	_ =	shalt  }
0x4b: {  	_ =	shalt  }
0x4c: {  	_ =	shalt  }
0x4d: {  	_ =	shalt  }
0x4e: {  	_ =	shalt  }
0x4f: {  	_ =	shalt  }
0x50: {  	_ =	shalt  }
0x51: {  	_ =	shalt  }
0x52: {  	_ =	shalt  }
0x53: {  	_ =	shalt  }
0x54: {  	_ =	shalt  }
0x55: {  	_ =	shalt  }
0x56: {  	_ =	shalt  }
0x57: {  	_ =	shalt  }
0x58: {  	_ =	shalt  }
0x59: {  	_ =	shalt  }
0x5a: {  	_ =	shalt  }
0x5b: {  	_ =	shalt  }
0x5c: {  	_ =	shalt  }
0x5d: {  	_ =	shalt  }
0x5e: {  	_ =	shalt  }
0x5f: {  	_ =	shalt  }
0x60: {  	_ =	shalt  }
0x61: {  	_ =	shalt  }
0x62: {  	_ =	shalt  }
0x63: {  	_ =	shalt  }
0x64: {  	_ =	shalt  }
0x65: {  	_ =	shalt  }
0x66: {  	_ =	shalt  }
0x67: {  	_ =	shalt  }
0x68: {  	_ =	shalt  }
0x69: {  	_ =	shalt  }
0x6a: {  	_ =	shalt  }
0x6b: {  	_ =	shalt  }
0x6c: {  	_ =	shalt  }
0x6d: {  	_ =	shalt  }
0x6e: {  	_ =	shalt  }
0x6f: {  	_ =	shalt  }
0x70: {  	_ =	shalt  }
0x71: {  	_ =	shalt  }
0x72: {  	_ =	shalt  }
0x73: {  	_ =	shalt  }
0x74: {  	_ =	shalt  }
0x75: {  	_ =	shalt  }
0x76: {  	_ =	shalt  }
0x77: {  	_ =	shalt  }
0x78: {  	_ =	shalt  }
0x79: {  	_ =	shalt  }
0x7a: {  	_ =	shalt  }
0x7b: {  	_ =	shalt  }
0x7c: {  	_ =	shalt  }
0x7d: {  	_ =	shalt  }
0x7e: {  	_ =	shalt  }
0x7f: {  	_ =	shalt  }
0x80: {  	_ =	shalt  }
0x81: {  	_ =	shalt  }
0x82: {  	_ =	shalt  }
0x83: {  	_ =	shalt  }
0x84: {  	_ =	shalt  }
0x85: {  	_ =	shalt  }
0x86: {  	_ =	shalt  }
0x87: {  	_ =	shalt  }
.Lfunc_end0:
.L_simem_size_0:
called_computation.1_lowered:
.L_overlay_start_0:
0x88: {  	s2 =	sld [smem:$0x3FD9]  }
0x89: {  	s3 =	sld [smem:$0x3FFE];
	_ =	sdelay $0x1  }
0x8a: {  	s1 =	srdreg.scid  }
0x8b: {  	s0 =	sand.u32 $0x1, s1  }
0x8c: {  	s14 =	sshll.u32 s0, $0xA;
	s2 =	sadd.s32 s3, s2  }
0x8d: {  	s2 =	sadd.s32 s2, s14  }
0x8e: {  	[smem:$0x3FB9] =	sst s2  }
0x8f: {  	_ = 	snop  }
0x90: {  	s2 =	sld [smem:$0x3FD0];
	_ =	sdelay $0x2  }
0x91: {  	s4 =	simm.s32 $0xA;
	s5 =	simm.s32 $0x10;
	s15 =	sld [smem:$0x3FC7]  }
0x92: {  	[smem:s5], [sflag:s4] =	dma.local [hbm:s2], $0x1  }
0x93: {  	_ =	swait.eq [sflag:s4], $0x1  }
0x94: {  	[sflag:s4] =	ssyncset.done $0x0  }
0x95: {  	[sflag:s4] =	ssyncadd.s32 $0xFFFFFFFF  }
0x96: {  	s16 =	sld [smem:$0x10];
	(tm) =	ssettm $0x1  }
0x97: {  	s17 =	sld [smem:$0x3FFB];
	_ =	sdelay $0x3  }
0x98: {  	_ =	strace s17  }
0x99: {  	s4 =	sld [smem:$0x3FFC];
	_ =	sdelay $0x3  }
0x9a: {  	_ =	strace s4  }
0x9b: {  	s4 =	sld [smem:$0x3FFD];
	_ =	sdelay $0x3  }
0x9c: {  	_ =	strace s4  }
0x9d: {  	_ =	strace $0x8FFFFFFF  }
0x9e: {  	s18 =	sld [smem:$0x3FDB];
	_ =	sdelay $0x1  }
0x9f: {  	s19 =	simm.s32 $_scs_section_size  }
0xa0: {  	s6 =	simm.s32 $_size__tile_overlayer_lowered;
	s7 =	simm.s32 $_tile_overlayer_lowered  }
0xa1: {  	s22 =	simm.s32 $0x1BFF;
	s21 =	sshll.u32 s7, $0x1;
	s4 =	sadd.s32 s19, s18  }
0xa2: {  	s8 =	simm.s32 $0x0;
	s20 =	sshll.u32 s6, $0x1;
	s6 =	sadd.s32 s21, s4  }
0xa3: {  	[timem:s8], [sflag:s22] =	dma.local [hbm:s6], s20  }
0xa4: {  	_ =	swait.ge [sflag:s22], s20  }
0xa5: {  	s5 =	ssub.s32 $0x0, s20;
	[sflag:s22] =	ssyncset.done $0x0  }
0xa6: {  	[sflag:s22] =	ssyncadd.s32 s5;
	_ =	sdelay $0x1  }
0xa7: {  	s23 =	simm.s32 $0x1B8B  }
0xa8: {  	_ =	swait.ge [sflag:s23], $0x1  }
0xa9: {  	[sflag:s23] =	ssyncset.done $0x0  }
0xaa: {  	s25 =	simm.s32 $0x1B8E;
	s24 =	sld [smem:$0x3FFE];
	[sflag:s23] =	ssyncadd.s32 $0xFFFFFFFF  }
0xab: {  	s26 =	simm.s32 $execute0_lowered;
	[smem:$0x3FD2] =	sst s25  }
0xac: {  	s6 =	sshll.u32 s26, $0x1;
	_ =	strace $0x80000049;
	[dreg:$0x1] =	wrdreg $0xFFFFFFFF  }
0xad: {  	s28 =	simm.s32 $_size_execute0_lowered;
	s4 =	sadd.s32 s4, s6;
	[dreg:$0x0] =	wrdreg $0x0  }
0xae: {  	s6 =	sshll.u32 s28, $0x1;
	[dreg:$0x2] =	wrdreg s4  }
0xaf: {  	[dreg:$0x3] =	wrdreg s6  }
0xb0: {  	[dreg:$0x4] =	wrdreg $0xC0  }
0xb1: {  	_ =	task [dreg:s8], $0x5FFFF  }
0xb2: {  	[dreg:$0x1] =	wrdreg $0xFFFFFFFF  }
0xb3: {  	[dreg:$0x0] =	wrdreg $0x60  }
0xb4: {  	[dreg:$0x2] =	wrdreg s24  }
0xb5: {  	[dreg:$0x3] =	wrdreg s15  }
0xb6: {  	[dreg:$0x4] =	wrdreg s16  }
0xb7: {  	[dreg:$0x5] =	wrdreg $0x9  }
0xb8: {  	_ =	task.clear_ibuf [dreg:s8], $0x6FFFF;
	_ =	strace $0x90000049  }
0xb9: {  	s29 =	simm.s32 $0x9;
	_ =	strace $0x8000004B  }
0xba: {  	_ =	swait.ge [sflag:s29], $0x1  }
0xbb: {  	[sflag:s29] =	ssyncadd.s32 $0xFFFFFFFF  }
0xbc: {  	_ =	strace $0x9000004B  }
0xbd: {  	_ =	sfence  }
0xbe: {  	s30 =	sld [smem:$0x0];
	_ =	sdelay $0x2  }
0xbf: {  	s31 =	sshll.u32 s1, $0xD;
	s1 =	sshrl.u32 s1, $0x2  }
0xc0: {  	s3 =	sand.u32 $0x4000, s31;
	s1 =	sadd.s32 s1, s30  }
0xc1: {  	s0 =	sor.u32 s3, s0;
	s1 =	sshll.u32 s1, $0x11  }
0xc2: {  	s0 =	sor.u32 s1, s0  }
0xc3: {  	s0 =	sadd.s32 $0x8F2B, s0  }
0xc4: {  	[sflag:s0] =	ssyncadd.remote.s32 $0x1  }
0xc5: {  	_ =	sfence.sel $0xFFFF  }
0xc6: {  	[dreg:$0x0] =	wrdreg $0xFFFFFFFF;
	(pc) =	sbr.abs _section_cstart, $3  }
0xc7: {  	[dreg:$0x1] =	wrdreg $0xFFFFFFFF  }
0xc8: {  	_ =	task.clear_ibuf [dreg:s8], $0x2FFFF;
	_ =	strace $0x9FFFFFFF  }
0xc9: {  	(tm) =	ssettm $0x7FFFFFFF  }
tec
execute0_lowered:
.L_overlay_start_1:
0x0: {  	(tag) =	ssettag $0x1  }
0x1: {  	s13 =	rddreg [dreg:$0x0]  }
0x2: {  	s2 =	rddreg [dreg:$0x1];
	s1 =	srdreg.scid  }
0x3: {  	s0 =	stileid.u32;
	s3 =	rddreg [dreg:$0x2];
	s4 =	simm.s32 $0x0  }
0x4: {  	s15 =	simm.s32 $0x5;
	s16 =	simm.s32 $0xC380;
	s17 =	simm.s32 $0x18B80  }
0x5: {  	s18 =	simm.s32 $0x18EA0;
	s19 =	simm.s32 $0x191C0;
	s20 =	simm.s32 $0x194E0  }
0x6: {  	s21 =	simm.s32 $0x1C6E0;
	s8 =	sand.u32 $0x1, s1;
	s5 =	sshll.u32 s0, $0x1  }
0x7: {  	s23 =	simm.s32 $0x4;
	s24 =	simm.s32 $0x0;
	s22 =	sor.u32 s8, s5  }
0x8: {  	[smem:$0x7FF] =	sst s4;
	s7 =	sadd.s32 $0x800, s13;
	s9 =	smul.u32 $0x1900, s22  }
0x9: {  	_ =	strace $0x8000004A;
	s5 =	sadd.s32 $0x31600, s13;
	s6 =	smul.u32 $0xC350, s22  }
.Ltmp0:
0xa: {  	s10 =	ssub.s32 $0x2, s8;
	s8 =	sadd.s32 $0x94400, s13;
	(pc) =	sbr.rel .LBB2_1-.Ltmp0, $4  }
0xb: {  	s11 =	sshrl.u32 s10, $0x1;
	p0 =	sne.s32 s22, $0x1F;
	s22 =	simm.s32 $0x3  }
0xc: {  	s14 =	ssub.s32 s10, s11;
	s9 =	sadd.s32 s9, s13;
	s12 =	sshrl.u32 s6, $0x3  }
0xd: {  	v0 =	vlaneseq.u32;
	v2 =	vimm.s32 $0x0;
	vm0 =	vcmask $0xF0C;
	s13 =	sadd.s32 $0x3A1800, s13;
	s14 =	smax.u32 s14, $0x1;
	s9 =	sadd.s32 $0x62400, s9  }
0xe: {  	v1 =	vmul.u32 $0x10, v0;
	v2 =	vsel vm0, $0xC800, v2;
	s10 =	sadd.s32 s5, s12;
	s11 =	sadd.s32 s7, s12;
	s12 =	sadd.s32 s2, s12  }
.LBB2_9:
0xf: {  	s24 =	sadd.s32 $0x1, s24  }
0x10: {  	p1 =	sne.s32 s24, s14  }
.Ltmp1:
0x11: {  	_ = 	snop;
	(pc) =	sbr.rel @!p1 .LBB2_10-.Ltmp1, $1  }
0x12: {  	_ =	sdelay $0x3  }
.LBB2_1:
0x13: {  	[tilespmem:s4], [sflag:$0x5] =	stream.linear.gather [hbm4b:s3+s4], $0xC380, $0x38;
	[tilespmem:$0x1CA00] =	vst v63  }
0x14: {  	_ =	swait.ge [sflag:s15], $0xC380  }
0x15: {  	[sflag:s15] =	ssyncset.done $0x0  }
0x16: {  	[sflag:s15] =	ssyncadd.s32 $0xFFFF3C80  }
0x17: {  	[tilespmem:s16], [sflag:$0x5] =	stream.linear.gather [hbm4b:s9+s4], $0xC800, $0x38;
	[tilespmem:$0x1CA00] =	vst v63  }
0x18: {  	_ =	swait.ge [sflag:s15], $0xC800  }
0x19: {  	[sflag:s15] =	ssyncset.done $0x0  }
0x1a: {  	[sflag:s15] =	ssyncadd.s32 $0xFFFF3800  }
0x1b: {  	[tilespmem:s17], [sflag:$0x1] =	stream.linear.gather [hbm4b:s10+s4], $0x190, $0x38;
	[tilespmem:$0x1CA00] =	vst v63  }
0x1c: {  	_ = 	snop  }
0x1d: {  	[tilespmem:s18], [sflag:$0x1] =	stream.linear.gather [hbm4b:s11+s4], $0x190, $0x38;
	[tilespmem:$0x1CA00] =	vst v63  }
0x1e: {  	p1 =	por $0x0, $0x0;
	s25 =	simm.s32 $0x0  }
0x1f: {  	[tilespmem:s19], [sflag:$0x1] =	stream.linear.gather [hbm4b:s12+s4], $0x190, $0x38;
	[tilespmem:$0x1CA00] =	vst v63  }
.LBB2_2:
0x20: {  	s31 =	sand.u32 $0x1, s25;
	p2 =	seq.s32 s25, $0x7C  }
0x21: {  	p3 =	sne.s32 @!p2 s31, $0x0  }
0x22: {  	s26 =	smov.u32 s25;
	s25 =	sadd.s32 $0x1, s25;
	p3 =	por p3, p2  }
0x23: {  	s28 =	smul.u32 @!p3 $0x190, s25;
	_ =	sdelay $0x1  }
0x24: {  	s28 =	sadd.s32 @!p3 s6, s28  }
0x25: {  	s28 =	sshrl.u32 @!p3 s28, $0x3  }
0x26: {  	s30 =	simm.s32 @!p3 $0x0;
	s1 =	simm.s32 @!p3 $0x18D10;
	s29 =	sadd.s32 @!p3 s5, s28  }
0x27: {  	[tilespmem:s1], [sflag:$0x2] =	stream.linear.gather @!p3 [hbm4b:s29+s30], $0x190, $0x38;
	[tilespmem:$0x1CA00] =	vst v63  }
0x28: {  	p2 =	seq.s32 s31, $0x0;
	s1 =	sadd.s32 @!p3 s7, s28;
	s29 =	simm.s32 @!p3 $0x19030  }
0x29: {  	[tilespmem:s29], [sflag:$0x2] =	stream.linear.gather @!p3 [hbm4b:s1+s30], $0x190, $0x38;
	[tilespmem:$0x1CA00] =	vst v63  }
0x2a: {  	s1 =	sadd.s32 @!p3 s2, s28;
	s28 =	simm.s32 @!p3 $0x19350;
	s29 =	smul.u32 @!p2 $0x190, s25  }
0x2b: {  	[tilespmem:s28], [sflag:$0x2] =	stream.linear.gather @!p3 [hbm4b:s1+s30], $0x190, $0x38;
	[tilespmem:$0x1CA00] =	vst v63  }
0x2c: {  	s1 =	sadd.s32 @!p2 s6, s29  }
0x2d: {  	s1 =	sshrl.u32 @!p2 s1, $0x3  }
0x2e: {  	s29 =	simm.s32 @!p2 $0x0;
	s30 =	simm.s32 @!p2 $0x18B80;
	s28 =	sadd.s32 @!p2 s5, s1  }
0x2f: {  	[tilespmem:s30], [sflag:$0x1] =	stream.linear.gather @!p2 [hbm4b:s28+s29], $0x190, $0x38;
	[tilespmem:$0x1CA00] =	vst v63  }
0x30: {  	s28 =	sadd.s32 @!p2 s7, s1;
	s30 =	simm.s32 @!p2 $0x18EA0  }
0x31: {  	[tilespmem:s30], [sflag:$0x1] =	stream.linear.gather @!p2 [hbm4b:s28+s29], $0x190, $0x38;
	[tilespmem:$0x1CA00] =	vst v63  }
0x32: {  	s1 =	sadd.s32 @!p2 s2, s1;
	s28 =	simm.s32 @!p2 $0x191C0  }
0x33: {  	[tilespmem:s28], [sflag:$0x1] =	stream.linear.gather @!p2 [hbm4b:s1+s29], $0x190, $0x38;
	[tilespmem:$0x1CA00] =	vst v63  }
0x34: {  	p2 =	sne.s32 s31, $0x0  }
0x35: {  	s1 =	simm.s32 @!p2 $0x1  }
0x36: {  	_ =	swait.ge @!p2 [sflag:s1], $0x190  }
0x37: {  	[sflag:s1] =	ssyncset.done @!p2 $0x0  }
0x38: {  	[sflag:s1] =	ssyncadd.s32 @!p2 $0xFFFFFE70  }
0x39: {  	_ =	swait.ge @!p2 [sflag:s1], $0x190  }
0x3a: {  	[sflag:s1] =	ssyncset.done @!p2 $0x0  }
0x3b: {  	[sflag:s1] =	ssyncadd.s32 @!p2 $0xFFFFFE70  }
0x3c: {  	_ =	swait.ge @!p2 [sflag:s1], $0x190  }
0x3d: {  	p3 =	seq.s32 s31, $0x1;
	[sflag:s1] =	ssyncset.done @!p2 $0x0  }
0x3e: {  	[sflag:s1] =	ssyncadd.s32 @!p2 $0xFFFFFE70;
	s1 =	simm.s32 @p3 $0x2  }
0x3f: {  	_ =	swait.ge @p3 [sflag:s1], $0x190  }
0x40: {  	[sflag:s1] =	ssyncset.done @p3 $0x0  }
0x41: {  	[sflag:s1] =	ssyncadd.s32 @p3 $0xFFFFFE70  }
0x42: {  	_ =	swait.ge @p3 [sflag:s1], $0x190  }
0x43: {  	[sflag:s1] =	ssyncset.done @p3 $0x0  }
0x44: {  	p4 =	slt.u32 s26, $0x2;
	[sflag:s1] =	ssyncadd.s32 @p3 $0xFFFFFE70  }
0x45: {  	p5 =	sne.s32 @!p4 s31, $0x0;
	_ =	swait.ge @p3 [sflag:s1], $0x190  }
0x46: {  	p5 =	por p5, p4;
	[sflag:s1] =	ssyncset.done @p3 $0x0  }
0x47: {  	[sflag:s1] =	ssyncadd.s32 @p3 $0xFFFFFE70;
	s1 =	simm.s32 @!p5 $0x3  }
0x48: {  	p6 =	por !p3, !p3;
	s29 =	simm.s32 $0x1;
	_ =	swait.ge @!p5 [sflag:s1], $0x1900  }
0x49: {  	p4 =	por p4, p6;
	s29 =	simm.s32 @!p1 $0x0;
	[sflag:s1] =	ssyncset.done @!p5 $0x0  }
0x4a: {  	s0 =	smul.u32 $0x640, s29;
	[sflag:s1] =	ssyncadd.s32 @!p5 $0xFFFFE700;
	s1 =	simm.s32 @!p4 $0x4  }
0x4b: {  	_ =	swait.ge @!p4 [sflag:s1], $0x1900  }
0x4c: {  	s30 =	sshrl.u32 s0, $0x2;
	[sflag:s1] =	ssyncset.done @!p4 $0x0  }
0x4d: {  	s26 =	sadd.s32 $0x18EA0, s30;
	[sflag:s1] =	ssyncadd.s32 @!p4 $0xFFFFE700  }
0x4e: {  	v6 =	vld [tilespmem:s26+$0x0];
	_ =	sdelay $0x4  }
0x4f: {  	(xrf1) =	vunique.msk.u32 $0xffff, v6;
	_ =	sdelay $0xb  }
0x50: {  	s28 =	sadd.s32 $0x18B80, s30;
	v4 =	vld.idx.msk [tilespmem:v6+s16+$0x0], $0xffff  }
0x51: {  	s29 =	smul.u32 $0x190, s29;
	v3 =	vld [tilespmem:s28+$0x0]  }
0x52: {  	_, v5, vm0 =	vpop (xrf1)  }
0x53: {  	s0 =	sadd.s32 $0x0, s29  }
0x54: {  	v7 =	vmov s0  }
0x55: {  	v5 =	vadd.s32 v5, v4;
	v4 =	vshll.u32 v7, $0x4  }
0x56: {  	v10 =	vmov s31;
	v4 =	vor.u32 v1, v4  }
0x57: {  	v10 =	vmul.u32 $0x190, v10;
	s30 =	sadd.s32 $0x191C0, s30  }
0x58: {  	v8 =	vld [tilespmem:s30+$0x0];
	[tilespmem:v6+s16+$0x0] =	vst.idx.msk vm0, v5  }
0x59: {  	v10 =	vbroadcast v10, $0x0;
	v9 =	vor.u32 $0x1, v4;
	v7 =	vld.idx.msk [tilespmem:v3+s4+$0x0], $0xffff  }
0x5a: {  	v11 =	vor.u32 $0x2, v4  }
0x5b: {  	s0 =	simm.s32 $0x0;
	v12 =	vor.u32 $0x3, v4;
	[tilespmem:v4+s20+$0x0] =	vst.idx.msk $0xffff, v3;
	v3 =	vor.u32 v0, v10  }
0x5c: {  	v4 =	vadd.s32 s0, v3;
	_ =	sdelay $0x1  }
0x5d: {  	[tilespmem:v9+s20+$0x0] =	vst.idx.msk $0xffff, v7  }
0x5e: {  	[tilespmem:v11+s20+$0x0] =	vst.idx.msk $0xffff, v8  }
0x5f: {  	s31 =	simm.s32 $0x10;
	v5 =	vadd.s32 $0xFFFFFFFF, v5;
	[tilespmem:v12+s20+$0x0] =	vst.idx.msk $0xffff, v6  }
.LBB2_3:
0x60: {  	[tilespmem:v4+s21+$0x0] =	vst.idx.msk $0xffff, v5;
	s28 =	sadd.s32 $0x10, s28;
	s26 =	sadd.s32 $0x10, s26;
	s30 =	sadd.s32 $0x10, s30  }
0x61: {  	p4 =	sne.s32 s31, $0x180;
	s1 =	smov.u32 s31;
	s31 =	sadd.s32 $0x10, s31;
	v6 =	vld [tilespmem:s26+$0x0]  }
0x62: {  	_ =	sdelay $0x3  }
0x63: {  	(xrf1) =	vunique.msk.u32 $0xffff, v6;
	_ =	sdelay $0xb  }
0x64: {  	v5 =	vld [tilespmem:s28+$0x0]  }
0x65: {  	v4 =	vld.idx.msk [tilespmem:v6+s16+$0x0], $0xffff  }
0x66: {  	_, v7, vm0 =	vpop (xrf1);
	_ =	sdelay $0x3  }
0x67: {  	s0 =	sadd.s32 s1, s29  }
0x68: {  	v8 =	vmov s0;
	v7 =	vadd.s32 v7, v4;
	v9 =	vld [tilespmem:s30+$0x0]  }
0x69: {  	v4 =	vshll.u32 v8, $0x4;
	[tilespmem:v6+s16+$0x0] =	vst.idx.msk vm0, v7  }
0x6a: {  	v10 =	vor.u32 v1, v4;
	v8 =	vld.idx.msk [tilespmem:v5+s4+$0x0], $0xffff  }
0x6b: {  	v11 =	vor.u32 $0x1, v10  }
0x6c: {  	v12 =	vor.u32 $0x2, v10  }
0x6d: {  	v13 =	vor.u32 $0x3, v10  }
.Ltmp2:
0x6e: {  	v4 =	vadd.s32 s1, v3;
	(pc) =	sbr.rel @p4 .LBB2_3-.Ltmp2, $4  }
0x6f: {  	[tilespmem:v10+s20+$0x0] =	vst.idx.msk $0xffff, v5  }
0x70: {  	[tilespmem:v11+s20+$0x0] =	vst.idx.msk $0xffff, v8  }
0x71: {  	[tilespmem:v12+s20+$0x0] =	vst.idx.msk $0xffff, v9  }
0x72: {  	v5 =	vadd.s32 $0xFFFFFFFF, v7;
	[tilespmem:v13+s20+$0x0] =	vst.idx.msk $0xffff, v6  }
0x73: {  	_ =	sdelay $0x3  }
0x74: {  	[tilespmem:v4+s21+$0x0] =	vst.idx.msk $0xffff, v5;
	s0 =	simm.s32 @!p2 $0x190;
	s1 =	simm.s32 @!p2 $0x1C6E0;
	s26 =	simm.s32 @!p2 $0x194E0  }
0x75: {  	[hbm4b:s8+s0] =	stream.indirect.scatter @!p2 [tilespmem:s26], [sflag:$0x3], $0x10, s1, s0, $0xb8;
	[tilespmem:$0x1CA00] =	vst v63  }
0x76: {  	p2 =	sne.s32 s25, $0x7D  }
.Ltmp3:
0x77: {  	_ = 	snop;
	(pc) =	sbr.rel @p2 .LBB2_2-.Ltmp3, $4  }
0x78: {  	_ = 	snop  }
0x79: {  	p1 =	por !p1, !p1  }
0x7a: {  	s0 =	simm.s32 @p3 $0x190;
	s1 =	simm.s32 @p3 $0x1C870;
	s26 =	simm.s32 @p3 $0x1ADE0  }
0x7b: {  	[hbm4b:s8+s0] =	stream.indirect.scatter @p3 [tilespmem:s26], [sflag:$0x4], $0x10, s1, s0, $0xb8;
	[tilespmem:$0x1CA00] =	vst v63  }
0x7c: {  	_ =	swait.ge [sflag:s22], $0x1900  }
.Ltmp4:
0x7d: {  	[sflag:s22] =	ssyncset.done $0x0;
	(pc) =	sbr.rel @p0 .LBB2_9-.Ltmp4, $4  }
0x7e: {  	[sflag:s22] =	ssyncadd.s32 $0xFFFFE700  }
0x7f: {  	_ =	swait.ge [sflag:s23], $0x1900  }
0x80: {  	[sflag:s23] =	ssyncset.done $0x0  }
0x81: {  	s25 =	simm.s32 $0x0;
	[sflag:s23] =	ssyncadd.s32 $0xFFFFE700  }
0x82: {  	s0 =	sshll.u32 s25, $0x4  }
0x83: {  	s25 =	sadd.s32 $0x1, s25;
	v3 =	vor.u32 s0, v0  }
.LBB2_7:
0x84: {  	p1 =	sne.s32 s25, $0x18F  }
.Ltmp5:
0x85: {  	_ = 	snop;
	(pc) =	sbr.rel @p1 .LBB2_7-.Ltmp5, $3  }
0x86: {  	_ =	sdelay $0x1  }
0x87: {  	s0 =	sshll.u32 s25, $0x4;
	s25 =	sadd.s32 $0x1, s25;
	[tilespmem:v3+s20+$0x0] =	vst.idx.msk $0xffff, v2  }
0x88: {  	v3 =	vor.u32 s0, v0  }
0x89: {  	_ =	sdelay $0x3  }
.Ltmp6:
0x8a: {  	[tilespmem:v3+s20+$0x0] =	vst.idx.msk $0xffff, v2;
	(pc) =	sbr.rel .LBB2_9-.Ltmp6, $4  }
0x8b: {  	[hbm4b:s13+s4] =	stream.linear.scatter [tilespmem:s20], [sflag:$0x5], $0x1900, $0x38;
	[tilespmem:$0x1CA00] =	vst v63  }
0x8c: {  	_ =	swait.ge [sflag:s15], $0x1900  }
0x8d: {  	[sflag:s15] =	ssyncset.done $0x0  }
0x8e: {  	[sflag:s15] =	ssyncadd.s32 $0xFFFFE700  }
.LBB2_10:
0x8f: {  	_ =	sfence.sel $0x180000  }
0x90: {  	[bflag:$0x0] =	sbarrier.arrive $0xFFFF  }
0x91: {  	_ =	strace $0x9000004A  }
0x92: {  	s0 =	stileid.u32;
	[bflag:$0x2] =	sbarrier.arrive $0xFFFF  }
0x93: {  	p0 =	sne.s32 s0, $0x0;
	s0 =	rddreg [dreg:$0x3]  }
0x94: {  	s0 =	sadd.s32 @!p0 $0x100000, s0  }
0x95: {  	[sflag:s0] =	ssyncadd.tile.s32 @!p0 $0x1;
	_ =	shalt  }
.Lfunc_end2:
_tile_overlayer_lowered:
.L_overlay_start_2:
0x96: {  	(tag) =	ssettag $0x2  }
0x97: {  	s0 =	rddreg [dreg:$0x0];
	s2 =	stileid.u32  }
0x98: {  	s1 =	rddreg [dreg:$0x1];
	p0 =	sne.s32 s2, $0x0  }
0x99: {  	s3 =	rddreg [dreg:$0x2];
	[bflag:$0x3] =	sbarrier.arrive $0xFFFF;
	s2 =	simm.s32 @!p0 $0x1C05  }
0x9a: {  	[timem:s3], [sflag:s2] =	dma.local @!p0 [hbm:s0], s1  }
0x9b: {  	s0 =	simm.s32 @!p0 $0x5  }
0x9c: {  	_ =	swait.ge @!p0 [sflag:s0], s1  }
0x9d: {  	s1 =	ssub.s32 @!p0 $0x0, s1;
	[sflag:s0] =	ssyncset.done @!p0 $0x0  }
0x9e: {  	[sflag:s0] =	ssyncadd.s32 @!p0 s1  }
0x9f: {  	[bflag:$0x3] =	sbarrier.arrive $0xFFFF  }
0xa0: {  	_ =	shalt  }

// kernel: kernel.15.cloned.1.call-start
scs
__scs_entry_jumppad:
0x0: {  	(pc) =	sbr.rel $0x88, $3  }
0x1: {  	(tag) =	ssettag $0x0;
	lr =	simm.s32 $0x1  }
0x2: {  	[smem:$0x3F92] =	sst lr;
	_ =	strace $0xD0000000  }
0x3: {  	_ = 	snop  }
0x4: {  	_ = 	snop  }
0x5: {  	_ = 	snop  }
0x6: {  	_ = 	snop  }
0x7: {  	_ = 	snop  }
__scs_overlays_trampoline_lowered:
0x8: {  	[smem:$0x3FA1] =	sst s0  }
0x9: {  	[smem:$0x3FA2] =	sst s1  }
0xa: {  	[smem:$0x3FA3] =	sst s2  }
0xb: {  	[smem:$0x3FA4] =	sst s3  }
0xc: {  	[smem:$0x3FA5] =	sst s4  }
0xd: {  	[smem:$0x3FA6] =	sst s5  }
0xe: {  	[smem:$0x3FA7] =	sst s6  }
0xf: {  	[smem:$0x3FA8] =	sst s7  }
0x10: {  	[smem:$0x3FA9] =	sst s8  }
0x11: {  	[smem:$0x3FAA] =	sst s9;
	s0 =	simm.s32 @!p0 $0x0  }
0x12: {  	s1 =	sld [smem:$0x3F90];
	s0 =	simm.s32 @p0 $0x1  }
0x13: {  	[smem:$0x3FAB] =	sst s0;
	s0 =	simm.s32 @!p1 $0x0  }
0x14: {  	s2 =	sld [smem:$0x3F8F];
	s0 =	simm.s32 @p1 $0x1  }
0x15: {  	[smem:$0x3FAC] =	sst s0;
	s0 =	simm.s32 @!p2 $0x0  }
0x16: {  	s3 =	sld [smem:$0x3FDB];
	s0 =	simm.s32 @p2 $0x1  }
0x17: {  	s4 =	simm.s32 $0x1BF5;
	[smem:$0x3FAE] =	sst s0  }
0x18: {  	s0 =	sld [smem:$0x3F91];
	_ =	swait.ge [sflag:s4], $0x0  }
0x19: {  	s7 =	sld [smem:$0x3F92]  }
0x1a: {  	s8 =	sadd.s32 $0xFFFFE003, lr  }
0x1b: {  	s9 =	sadd.s32 $0xFFFFFEF7, lr;
	s5 =	simm.s32 $0xFFFFFFFF;
	p2 =	slt.u32 s8, $0xFFFFF086  }
0x1c: {  	p1 =	slt.u32 s9, $0xF7A;
	s5 =	simm.s32 @!p2 $0x0  }
0x1d: {  	s5 =	simm.s32 @p1 $0x1;
	p0 =	seq.s32 s7, s2  }
0x1e: {  	s7 =	smul.u32 @!p0 $0xF7A, s2;
	p2 =	seq.s32 @!p0 s5, $0x0  }
0x1f: {  	s9 =	smul.u32 $0xF7A, s1;
	s8 =	simm.s32 @!p0 $0x1BF5;
	p2 =	por !p2, p0  }
0x20: {  	[sflag:s8] =	ssyncset.s32 @!p0 $0xFFFFF086;
	s6 =	sadd.s32 @!p0 s3, s7;
	s7 =	simm.s32 @!p0 $0x108  }
0x21: {  	s3 =	sadd.s32 s3, s9;
	s6 =	sadd.s32 @!p0 $0x88, s6;
	s7 =	simm.s32 @p2 $0x1082  }
0x22: {  	[simem:s7], [sflag:s8] =	dma.local @!p0 [hbm:s6], $0xF7A  }
0x23: {  	s9 =	sor.u32 $0xD0000000, s2;
	s6 =	simm.s32 $0x108;
	_ =	swait.ge @!p0 [sflag:s8], $0x0  }
0x24: {  	s3 =	sadd.s32 $0x88, s3;
	s6 =	simm.s32 @!p1 $0x1082;
	[sflag:s4] =	ssyncset.s32 $0xFFFFF086  }
0x25: {  	[simem:s6], [sflag:s4] =	dma.local [hbm:s3], $0xF7A  }
0x26: {  	[smem:$0x3F92] =	sst s1;
	(tag) =	ssettag s2;
	_ =	strace s9  }
0x27: {  	s1 =	sld [smem:$0x3FA2]  }
0x28: {  	s2 =	sld [smem:$0x3FA3]  }
0x29: {  	s4 =	sld [smem:$0x3FA5]  }
0x2a: {  	p0 =	seq.s32 s5, $0x0;
	s5 =	sld [smem:$0x3FA6]  }
0x2b: {  	s6 =	sld [smem:$0x3FA7]  }
0x2c: {  	s7 =	sld [smem:$0x3FA8]  }
0x2d: {  	s3 =	simm.s32 $0x108;
	s8 =	sld [smem:$0x3FA9]  }
0x2e: {  	s3 =	simm.s32 @!p0 $0x1082;
	s9 =	sld [smem:$0x3FAA]  }
0x2f: {  	lr =	sadd.s32 s0, s3;
	s0 =	sld [smem:$0x3FA1]  }
0x30: {  	s3 =	sld [smem:$0x3FA4]  }
0x31: {  	[smem:$0x3FAD] =	sst s10  }
0x32: {  	s10 =	sld [smem:$0x3FAB];
	_ =	sdelay $0x3  }
0x33: {  	p0 =	seq.s32 s10, $0x1;
	s10 =	sld [smem:$0x3FAD];
	_ =	sdelay $0x3  }
0x34: {  	[smem:$0x3FAD] =	sst s10  }
0x35: {  	s10 =	sld [smem:$0x3FAC];
	_ =	sdelay $0x3  }
0x36: {  	p1 =	seq.s32 s10, $0x1;
	s10 =	sld [smem:$0x3FAD];
	_ =	sdelay $0x3  }
0x37: {  	[smem:$0x3FAD] =	sst s10  }
0x38: {  	s10 =	sld [smem:$0x3FAE]  }
0x39: {  	_ = 	snop;
	(pc) =	sbr.ind lr, $3  }
0x3a: {  	_ = 	snop  }
0x3b: {  	_ = 	snop  }
0x3c: {  	p2 =	seq.s32 s10, $0x1;
	s10 =	sld [smem:$0x3FAD]  }
0x3d: {  	_ =	shalt  }
0x3e: {  	_ =	shalt  }
0x3f: {  	_ =	shalt  }
0x40: {  	_ =	shalt  }
0x41: {  	_ =	shalt  }
0x42: {  	_ =	shalt  }
0x43: {  	_ =	shalt  }
0x44: {  	_ =	shalt  }
0x45: {  	_ =	shalt  }
0x46: {  	_ =	shalt  }
0x47: {  	_ =	shalt  }
0x48: {  	_ =	shalt  }
0x49: {  	_ =	shalt  }
0x4a: {  	_ =	shalt  }
0x4b: {  	_ =	shalt  }
0x4c: {  	_ =	shalt  }
0x4d: {  	_ =	shalt  }
0x4e: {  	_ =	shalt  }
0x4f: {  	_ =	shalt  }
0x50: {  	_ =	shalt  }
0x51: {  	_ =	shalt  }
0x52: {  	_ =	shalt  }
0x53: {  	_ =	shalt  }
0x54: {  	_ =	shalt  }
0x55: {  	_ =	shalt  }
0x56: {  	_ =	shalt  }
0x57: {  	_ =	shalt  }
0x58: {  	_ =	shalt  }
0x59: {  	_ =	shalt  }
0x5a: {  	_ =	shalt  }
0x5b: {  	_ =	shalt  }
0x5c: {  	_ =	shalt  }
0x5d: {  	_ =	shalt  }
0x5e: {  	_ =	shalt  }
0x5f: {  	_ =	shalt  }
0x60: {  	_ =	shalt  }
0x61: {  	_ =	shalt  }
0x62: {  	_ =	shalt  }
0x63: {  	_ =	shalt  }
0x64: {  	_ =	shalt  }
0x65: {  	_ =	shalt  }
0x66: {  	_ =	shalt  }
0x67: {  	_ =	shalt  }
0x68: {  	_ =	shalt  }
0x69: {  	_ =	shalt  }
0x6a: {  	_ =	shalt  }
0x6b: {  	_ =	shalt  }
0x6c: {  	_ =	shalt  }
0x6d: {  	_ =	shalt  }
0x6e: {  	_ =	shalt  }
0x6f: {  	_ =	shalt  }
0x70: {  	_ =	shalt  }
0x71: {  	_ =	shalt  }
0x72: {  	_ =	shalt  }
0x73: {  	_ =	shalt  }
0x74: {  	_ =	shalt  }
0x75: {  	_ =	shalt  }
0x76: {  	_ =	shalt  }
0x77: {  	_ =	shalt  }
0x78: {  	_ =	shalt  }
0x79: {  	_ =	shalt  }
0x7a: {  	_ =	shalt  }
0x7b: {  	_ =	shalt  }
0x7c: {  	_ =	shalt  }
0x7d: {  	_ =	shalt  }
0x7e: {  	_ =	shalt  }
0x7f: {  	_ =	shalt  }
0x80: {  	_ =	shalt  }
0x81: {  	_ =	shalt  }
0x82: {  	_ =	shalt  }
0x83: {  	_ =	shalt  }
0x84: {  	_ =	shalt  }
0x85: {  	_ =	shalt  }
0x86: {  	_ =	shalt  }
0x87: {  	_ =	shalt  }
.Lfunc_end0:
.L_simem_size_0:
called_computation.2_lowered:
.L_overlay_start_0:
0x88: {  	s2 =	sld [smem:$0x3FD9]  }
0x89: {  	s3 =	sld [smem:$0x3FFE];
	_ =	sdelay $0x1  }
0x8a: {  	s1 =	srdreg.scid  }
0x8b: {  	s0 =	sand.u32 $0x1, s1  }
0x8c: {  	s14 =	sshll.u32 s0, $0xA;
	s2 =	sadd.s32 s3, s2  }
0x8d: {  	s2 =	sadd.s32 s2, s14  }
0x8e: {  	[smem:$0x3FB9] =	sst s2  }
0x8f: {  	_ = 	snop  }
0x90: {  	s2 =	sld [smem:$0x3FD0];
	_ =	sdelay $0x2  }
0x91: {  	s15 =	simm.s32 $0xA;
	s4 =	simm.s32 $0x10  }
0x92: {  	[smem:s4], [sflag:s15] =	dma.local [hbm:s2], $0x1  }
0x93: {  	_ =	swait.eq [sflag:s15], $0x1  }
0x94: {  	[sflag:s15] =	ssyncset.done $0x0  }
0x95: {  	[sflag:s15] =	ssyncadd.s32 $0xFFFFFFFF  }
0x96: {  	s16 =	sld [smem:$0x11];
	(tm) =	ssettm $0x1  }
0x97: {  	s17 =	sld [smem:$0x3FFB];
	_ =	sdelay $0x3  }
0x98: {  	_ =	strace s17  }
0x99: {  	s3 =	sld [smem:$0x3FFC];
	_ =	sdelay $0x3  }
0x9a: {  	_ =	strace s3  }
0x9b: {  	s3 =	sld [smem:$0x3FFD];
	_ =	sdelay $0x3  }
0x9c: {  	_ =	strace s3  }
0x9d: {  	_ =	strace $0x8FFFFFFF  }
0x9e: {  	s18 =	sld [smem:$0x3FDB];
	_ =	sdelay $0x1  }
0x9f: {  	s19 =	simm.s32 $_scs_section_size  }
0xa0: {  	s5 =	simm.s32 $_size__tile_overlayer_lowered;
	s6 =	simm.s32 $_tile_overlayer_lowered  }
0xa1: {  	s22 =	simm.s32 $0x1BFF;
	s21 =	sshll.u32 s6, $0x1;
	s3 =	sadd.s32 s19, s18  }
0xa2: {  	s7 =	simm.s32 $0x0;
	s20 =	sshll.u32 s5, $0x1;
	s5 =	sadd.s32 s21, s3  }
0xa3: {  	[timem:s7], [sflag:s22] =	dma.local [hbm:s5], s20  }
0xa4: {  	_ =	swait.ge [sflag:s22], s20  }
0xa5: {  	s4 =	ssub.s32 $0x0, s20;
	[sflag:s22] =	ssyncset.done $0x0  }
0xa6: {  	[sflag:s22] =	ssyncadd.s32 s4;
	_ =	sdelay $0x1  }
0xa7: {  	s23 =	simm.s32 $0x1B8B  }
0xa8: {  	_ =	swait.ge [sflag:s23], $0x1  }
0xa9: {  	[sflag:s23] =	ssyncset.done $0x0  }
0xaa: {  	s25 =	simm.s32 $0x1B8E;
	s24 =	sld [smem:$0x3FFE];
	[sflag:s23] =	ssyncadd.s32 $0xFFFFFFFF  }
0xab: {  	s26 =	simm.s32 $execute0_lowered;
	[smem:$0x3FD2] =	sst s25  }
0xac: {  	s5 =	sshll.u32 s26, $0x1;
	_ =	strace $0x8000004C;
	[dreg:$0x1] =	wrdreg $0xFFFFFFFF  }
0xad: {  	s28 =	simm.s32 $_size_execute0_lowered;
	s3 =	sadd.s32 s3, s5;
	[dreg:$0x0] =	wrdreg $0x0  }
0xae: {  	s5 =	sshll.u32 s28, $0x1;
	[dreg:$0x2] =	wrdreg s3  }
0xaf: {  	[dreg:$0x3] =	wrdreg s5  }
0xb0: {  	[dreg:$0x4] =	wrdreg $0xC0  }
0xb1: {  	_ =	task [dreg:s7], $0x5FFFF  }
0xb2: {  	[dreg:$0x1] =	wrdreg $0xFFFFFFFF  }
0xb3: {  	[dreg:$0x0] =	wrdreg $0x60  }
0xb4: {  	[dreg:$0x2] =	wrdreg s24  }
0xb5: {  	[dreg:$0x3] =	wrdreg s16  }
0xb6: {  	[dreg:$0x4] =	wrdreg $0x9  }
0xb7: {  	_ =	task.clear_ibuf [dreg:s7], $0x5FFFF;
	_ =	strace $0x9000004C  }
0xb8: {  	s29 =	simm.s32 $0x9;
	_ =	strace $0x8000004E  }
0xb9: {  	_ =	swait.ge [sflag:s29], $0x1  }
0xba: {  	[sflag:s29] =	ssyncadd.s32 $0xFFFFFFFF  }
0xbb: {  	_ =	strace $0x9000004E  }
0xbc: {  	_ =	sfence  }
0xbd: {  	s30 =	sld [smem:$0x0];
	_ =	sdelay $0x2  }
0xbe: {  	s31 =	sshll.u32 s1, $0xD;
	s1 =	sshrl.u32 s1, $0x2  }
0xbf: {  	s3 =	sand.u32 $0x4000, s31;
	s1 =	sadd.s32 s1, s30  }
0xc0: {  	s0 =	sor.u32 s3, s0;
	s1 =	sshll.u32 s1, $0x11  }
0xc1: {  	s0 =	sor.u32 s1, s0  }
0xc2: {  	s0 =	sadd.s32 $0x8F2B, s0  }
0xc3: {  	[sflag:s0] =	ssyncadd.remote.s32 $0x1  }
0xc4: {  	_ =	sfence.sel $0xFFFF  }
0xc5: {  	[dreg:$0x0] =	wrdreg $0xFFFFFFFF;
	(pc) =	sbr.abs _section_cstart, $3  }
0xc6: {  	[dreg:$0x1] =	wrdreg $0xFFFFFFFF  }
0xc7: {  	_ =	task.clear_ibuf [dreg:s7], $0x2FFFF;
	_ =	strace $0x9FFFFFFF  }
0xc8: {  	(tm) =	ssettm $0x7FFFFFFF  }
0xc9: {  	_ =	shalt  }
tec
execute0_lowered:
.L_overlay_start_1:
0x0: {  	(tag) =	ssettag $0x1  }
0x1: {  	s0 =	rddreg [dreg:$0x0]  }
0x2: {  	s1 =	srdreg.scid;
	s2 =	stileid.u32;
	s3 =	simm.s32 $0x0  }
0x3: {  	s11 =	simm.s32 $0x3;
	s14 =	simm.s32 $0xC00;
	s1 =	sand.u32 $0x1, s1  }
0x4: {  	s2 =	sshll.u32 s2, $0x1;
	[smem:$0x7FF] =	sst s3;
	s4 =	sadd.s32 $0x94400, s0  }
0x5: {  	s5 =	sadd.s32 $0x3A1E00, s0;
	s28 =	sadd.s32 $0x3A1C00, s0;
	s2 =	sor.u32 s1, s2  }
0x6: {  	_ =	strace $0x8000004D;
	s1 =	ssub.s32 $0x2, s1;
	s6 =	smul.u32 $0x640, s2  }
0x7: {  	[dreg:$0x3] =	wrdreg s5;
	s8 =	smul.u32 $0xC80, s2;
	s29 =	sshrl.u32 s1, $0x1  }
0x8: {  	[dreg:$0x4] =	wrdreg s28;
	s1 =	ssub.s32 s1, s29;
	s30 =	sadd.s32 $0xC80, s6  }
0x9: {  	s0 =	sadd.s32 s8, s0;
	s31 =	smax.u32 s1, $0x1;
	[dreg:$0x5] =	wrdreg s30  }
0xa: {  	v3 =	vlaneseq.u32;
	v2 =	vimm.f32 $0.0e+00;
	v4 =	vimm.s32 $0xF;
	s12 =	sor.u32 $0x20, s2;
	s0 =	sadd.s32 $0x800, s0;
	[dreg:$0x7] =	wrdreg s31  }
0xb: {  	s15 =	simm.s32 $0x10740;
	s17 =	simm.s32 $0x0;
	v3 =	vmul.u32 $0x10, v3;
	v0 =	vmov s2;
	v1 =	vmov s12;
	[dreg:$0x6] =	wrdreg s0  }
.LBB2_1:
0xc: {  	s0 =	rddreg [dreg:$0x1]  }
0xd: {  	[tilespmem:s3], [sflag:$0x3] =	stream.linear.gather [hbm4b:s0+s3], $0x800, $0x38;
	[tilespmem:$0x108E0] =	vst v63  }
0xe: {  	_ =	swait.ge [sflag:s11], $0x800  }
0xf: {  	[sflag:s11] =	ssyncset.done $0x0  }
0x10: {  	s1 =	simm.s32 $0x800;
	s29 =	rddreg [dreg:$0x4];
	[sflag:s11] =	ssyncadd.s32 $0xFFFFF800  }
0x11: {  	[tilespmem:s1], [sflag:$0x3] =	stream.linear.gather [hbm4b:s29+s3], $0x400, $0x38;
	[tilespmem:$0x108E0] =	vst v63  }
0x12: {  	_ =	swait.ge [sflag:s11], $0x400  }
0x13: {  	[sflag:s11] =	ssyncset.done $0x0  }
0x14: {  	s31 =	simm.s32 $0x10700;
	s30 =	rddreg [dreg:$0x3];
	[sflag:s11] =	ssyncadd.s32 $0xFFFFFC00  }
0x15: {  	[tilespmem:s31], [sflag:$0x3] =	stream.linear.gather [hbm4b:s30+s3], $0x40, $0x38;
	[tilespmem:$0x108E0] =	vst v63  }
0x16: {  	_ =	swait.ge [sflag:s11], $0x40  }
0x17: {  	[sflag:s11] =	ssyncset.done $0x0  }
0x18: {  	[sflag:s11] =	ssyncadd.s32 $0xFFFFFFC0  }
0x19: {  	v5 =	vld.idx.msk [tilespmem:v0+s31+$0x0], $0xffff  }
0x1a: {  	s0 =	simm.s32 $0x0;
	s1 =	simm.s32 $0x100;
	v6 =	vld.idx.msk [tilespmem:v1+s31+$0x0], $0xffff  }
.LBB2_2:
0x1b: {  	p0 =	sne.s32 s1, $0x32300;
	[tilespmem:s0+$0x3E30] =	vst v2;
	s2 =	smov.u32 s1;
	s1 =	sadd.s32 $0x100, s1  }
.Ltmp0:
0x1c: {  	[tilespmem:s0+$0x3E20] =	vst v2;
	(pc) =	sbr.rel @p0 .LBB2_2-.Ltmp0, $3  }
0x1d: {  	[tilespmem:s0+$0x3E00] =	vst v2  }
0x1e: {  	[tilespmem:s0+$0x3E10] =	vst v2;
	_ =	sdelay $0x1  }
0x1f: {  	s0 =	sshra.s32 s2, $0x2  }
0x20: {  	(v2sf) =	vpush v5, $0x0  }
0x21: {  	(v2sf) =	vpush v6, $0x0;
	_ =	sdelay $0xd  }
0x22: {  	s18 =	spop (v2sf)  }
0x23: {  	s1 =	spop (v2sf)  }
0x24: {  	s2 =	sadd.s32 $0x18F, s1  }
0x25: {  	s12 =	smulhi.u32 $0x51EB851F, s2;
	s19 =	sshra.s32 s2, $0x1F  }
0x26: {  	s19 =	smul.u32 $0x51EB851F, s19;
	_ =	sdelay $0x1  }
0x27: {  	s12 =	sadd.s32 s19, s12  }
0x28: {  	s19 =	sshrl.u32 s12, $0x1F;
	s12 =	sshra.s32 s12, $0x7  }
0x29: {  	s12 =	sadd.s32 s19, s12  }
0x2a: {  	s19 =	smul.u32 $0xFFFFFE70, s12  }
0x2b: {  	s1 =	ssub.s32 $0xFFFFFE71, s1  }
0x2c: {  	p0 =	slt.s32 s2, $0x1;
	p1 =	sne.s32 s19, s1  }
0x2d: {  	p0 =	por !p0, !p1  }
0x2e: {  	s1 =	simm.s32 $0x1;
	p0 =	por !p0, !p0  }
0x2f: {  	s1 =	simm.s32 @!p0 $0x0  }
0x30: {  	s19 =	ssub.s32 s12, s1  }
0x31: {  	p0 =	sgt.s32 s19, $0x0  }
.Ltmp1:
0x32: {  	_ = 	snop;
	(pc) =	sbr.rel @!p0 .LBB2_13-.Ltmp1, $4  }
0x33: {  	[tilespmem:s0+$0x3E30] =	vst v2  }
0x34: {  	[tilespmem:s0+$0x3E20] =	vst v2  }
0x35: {  	[tilespmem:s0+$0x3E00] =	vst v2  }
0x36: {  	[tilespmem:s0+$0x3E10] =	vst v2  }
.Ltmp2:
0x37: {  	(pc) =	sbr.rel .LBB2_6-.Ltmp2, $4  }
0x38: {  	s0 =	sshll.u32 s18, $0x1  }
0x39: {  	s20 =	simm.s32 $0x0;
	s0 =	sand.u32 $0x1FFFFFFE, s0  }
0x3a: {  	p0 =	por $0x0, $0x0;
	s25 =	rddreg [dreg:$0x5];
	s0 =	sadd.s32 s4, s0  }
0x3b: {  	v5 =	vimm.f32 $-Inf;
	[tilespmem:s14], [sflag:$0x1] =	stream.linear.gather [hbm4b:s0+s20], $0x1900, $0x38;
	[tilespmem:$0x108E0] =	vst v63  }
.LBB2_5:
0x3c: {  	p1 =	seq.s32 s20, s19  }
.Ltmp3:
0x3d: {  	_ = 	snop;
	(pc) =	sbr.rel @p1 .LBB2_13-.Ltmp3, $2  }
0x3e: {  	_ =	sdelay $0x2  }
0x3f: {  	p0 =	por !p0, !p0  }
.LBB2_6:
0x40: {  	s0 =	sand.u32 $0x1, s20;
	s20 =	sadd.s32 $0x1, s20  }
0x41: {  	p2 =	sge.s32 s20, s19  }
0x42: {  	p1 =	sne.s32 @!p2 s0, $0x0  }
0x43: {  	p3 =	por p1, p2  }
0x44: {  	s1 =	smul.u32 @!p3 $0x190, s20;
	_ =	sdelay $0x1  }
0x45: {  	s1 =	sadd.s32 @!p3 s18, s1  }
0x46: {  	p1 =	seq.s32 s0, $0x1;
	s1 =	sshll.u32 @!p3 s1, $0x1  }
0x47: {  	p2 =	por !p1, p2;
	s2 =	simm.s32 @!p3 $0x0;
	s1 =	sand.u32 @!p3 $0x1FFFFFFE, s1  }
0x48: {  	s12 =	simm.s32 @!p3 $0x2500;
	s21 =	smul.u32 @!p2 $0x190, s20;
	s1 =	sadd.s32 @!p3 s4, s1  }
0x49: {  	[tilespmem:s12], [sflag:$0x2] =	stream.linear.gather @!p3 [hbm4b:s1+s2], $0x1900, $0x38;
	[tilespmem:$0x108E0] =	vst v63  }
0x4a: {  	s1 =	sadd.s32 @!p2 s18, s21  }
0x4b: {  	s1 =	sshll.u32 @!p2 s1, $0x1  }
0x4c: {  	s1 =	sand.u32 @!p2 $0x1FFFFFFE, s1  }
0x4d: {  	s2 =	simm.s32 @!p2 $0x0;
	s12 =	simm.s32 @!p2 $0xC00;
	s1 =	sadd.s32 @!p2 s4, s1  }
0x4e: {  	[tilespmem:s12], [sflag:$0x1] =	stream.linear.gather @!p2 [hbm4b:s1+s2], $0x1900, $0x38;
	[tilespmem:$0x108E0] =	vst v63  }
0x4f: {  	p2 =	sne.s32 s0, $0x0  }
0x50: {  	s1 =	simm.s32 @!p2 $0x1  }
0x51: {  	s0 =	simm.s32 $0x1;
	_ =	swait.ge @!p2 [sflag:s1], $0x1900  }
.Ltmp4:
0x52: {  	s0 =	simm.s32 @!p0 $0x0;
	[sflag:s1] =	ssyncset.done @!p2 $0x0;
	(pc) =	sbr.rel .LBB2_7-.Ltmp4, $4  }
0x53: {  	s31 =	smul.u32 $0x6400, s0;
	[sflag:s1] =	ssyncadd.s32 @!p2 $0xFFFFE700;
	s1 =	simm.s32 @p1 $0x2  }
0x54: {  	s23 =	simm.s32 $0x10750;
	_ =	swait.ge @p1 [sflag:s1], $0x1900  }
0x55: {  	s24 =	simm.s32 $0x0;
	s2 =	sshrl.u32 s31, $0x2;
	[sflag:s1] =	ssyncset.done @p1 $0x0  }
0x56: {  	s21 =	smul.u32 $0x190, s0;
	s22 =	sadd.s32 $0xC80, s2;
	[sflag:s1] =	ssyncadd.s32 @p1 $0xFFFFE700  }
.LBB2_10:
0x57: {  	v7 =	vmctz.xlane vm0;
	_ =	sdelay $0x1  }
0x58: {  	(v2sf) =	vpush v7, $0x0;
	_ =	sdelay $0xd  }
0x59: {  	v23 =	vmax.f32 v19, v20;
	v24 =	vmax.f32 v17, v18  }
0x5a: {  	v25 =	vmax.f32 v15, v16;
	v26 =	vmax.f32 v13, v14;
	v27 =	vmax.f32 v11, v12;
	s28 =	spop (v2sf)  }
0x5b: {  	v28 =	vmax.f32 v9, v10;
	v29 =	vmax.f32 v6, v8;
	v7 =	vmax.f32 v21, v22;
	p1 =	sgt.s32 s28, $0x1;
	p2 =	sgt.s32 s28, $0x3;
	p3 =	sgt.s32 s28, $0x5  }
0x5c: {  	p4 =	sgt.s32 s28, $0x7;
	p5 =	sgt.s32 s28, $0x9;
	p6 =	sgt.s32 s28, $0xB;
	v7 =	vpsel p1, v7, v21;
	v23 =	vpsel p2, v23, v19;
	v24 =	vpsel p3, v24, v17  }
0x5d: {  	v25 =	vpsel p4, v25, v15;
	v26 =	vpsel p5, v26, v13;
	v27 =	vpsel p6, v27, v11;
	p5 =	sgt.s32 s28, $0xD;
	p6 =	sgt.s32 s28, $0xF  }
0x5e: {  	p4 =	sgt.s32 s28, $0x2;
	v23 =	vmax.f32 v7, v23;
	v28 =	vpsel p5, v28, v9;
	v29 =	vpsel p6, v29, v6  }
0x5f: {  	p5 =	sgt.s32 s28, $0xA;
	v41 =	vmax.f32 v24, v25;
	v42 =	vmax.f32 v26, v27;
	v7 =	vpsel p4, v23, v7;
	p4 =	sgt.s32 s28, $0x6  }
0x60: {  	p6 =	sgt.s32 s28, $0xE;
	v43 =	vmax.f32 v28, v29;
	v44 =	vpsel p5, v42, v26;
	p5 =	slt.s32 s28, $0x2;
	v23 =	vpsel p4, v41, v24  }
0x61: {  	v45 =	vpsel p6, v43, v28;
	p6 =	slt.s32 s28, $0x4;
	v47 =	vpsel !p5, $0xFF800000, v22;
	p5 =	slt.s32 s28, $0x8;
	v23 =	vmax.f32 v7, v23  }
0x62: {  	p2 =	sgt.s32 s28, $0x4;
	p3 =	sgt.s32 s28, $0xC;
	v25 =	vmax.f32 v44, v45;
	v48 =	vpsel !p6, $0xFF800000, v20;
	v50 =	vpsel !p5, $0xFF800000, v16  }
0x63: {  	p6 =	slt.s32 s28, $0xA;
	p5 =	slt.s32 s28, $0x1;
	v54 =	vmax.f32 v21, v47;
	v7 =	vpsel p2, v23, v7;
	v46 =	vpsel p3, v25, v44  }
0x64: {  	v51 =	vpsel !p6, $0xFF800000, v14;
	p3 =	slt.s32 s28, $0xC;
	v21 =	vpsel p5, v54, v47;
	v56 =	vmax.f32 v19, v48  }
0x65: {  	p6 =	slt.s32 s28, $0x10;
	p5 =	slt.s32 s28, $0x7;
	v58 =	vmax.f32 v15, v50;
	v23 =	vmax.f32 v7, v46;
	v52 =	vpsel !p3, $0xFF800000, v12  }
0x66: {  	p4 =	sgt.s32 s28, $0x8;
	v55 =	vpsel !p6, $0xFF800000, v8;
	p3 =	slt.s32 s28, $0x3;
	p6 =	slt.s32 s28, $0x9;
	v15 =	vpsel p5, v58, v50;
	v59 =	vmax.f32 v13, v51  }
0x67: {  	v7 =	vpsel p4, v23, v7;
	p4 =	slt.s32 s28, $0x6;
	v19 =	vpsel p3, v56, v48;
	v13 =	vpsel p6, v59, v51  }
0x68: {  	p3 =	slt.s32 s28, $0xB;
	v60 =	vmax.f32 v11, v52;
	v6 =	vmax.f32 v6, v55;
	v49 =	vpsel !p4, $0xFF800000, v18;
	p4 =	slt.s32 s28, $0xE  }
0x69: {  	s0 =	ssub.s32 s26, s6;
	v11 =	vpsel p3, v60, v52;
	v53 =	vpsel !p4, $0xFF800000, v10;
	p4 =	slt.s32 s28, $0x5;
	v57 =	vmax.f32 v17, v49  }
0x6a: {  	p2 =	slt.s32 s0, $0xC80;
	p5 =	slt.s32 s28, $0xF;
	v7 =	vmax.f32 v5, v7;
	v17 =	vpsel p4, v57, v49;
	p4 =	slt.s32 s28, $0xD;
	v61 =	vmax.f32 v9, v53  }
0x6b: {  	s0 =	simm.s32 @!p2 $0xC80;
	v6 =	vpsel p5, v6, v55;
	v62 =	vmax.f32 v21, v19;
	v9 =	vpsel p4, v61, v53  }
0x6c: {  	p6 =	sgt.s32 s28, $0x0;
	s0 =	sshll.u32 s0, $0x6;
	v11 =	vmax.f32 v13, v11;
	v63 =	vmax.f32 v17, v15;
	v6 =	vmax.f32 v9, v6  }
0x6d: {  	s0 =	sshra.s32 s0, $0x2;
	v5 =	vpsel p6, v7, v5;
	v7 =	vmax.f32 v62, v63;
	v6 =	vmax.f32 v11, v6  }
0x6e: {  	[tilespmem:s0+$0x3E00] =	vst v5;
	v5 =	vmax.f32 v7, v6  }
.LBB2_12:
0x6f: {  	s0 =	ssub.s32 s25, s6  }
0x70: {  	s24 =	sadd.s32 $0x10, s24;
	p1 =	slt.s32 s0, $0xC80  }
0x71: {  	s0 =	simm.s32 @!p1 $0xC80;
	p1 =	seq.s32 s24, $0x190  }
.Ltmp5:
0x72: {  	_ = 	snop;
	(pc) =	sbr.rel @p1 .LBB2_5-.Ltmp5, $4  }
0x73: {  	_ = 	snop  }
0x74: {  	s0 =	sshll.u32 s0, $0x6  }
0x75: {  	s0 =	sshra.s32 s0, $0x2  }
0x76: {  	s23 =	sadd.s32 $0x10, s23;
	s22 =	sadd.s32 $0x100, s22;
	[tilespmem:s0+$0x3E00] =	vst v5  }
.LBB2_7:
0x77: {  	_ = 	snop  }
0x78: {  	s0 =	sadd.s32 s24, s21  }
0x79: {  	v6 =	vmov s0  }
0x7a: {  	v6 =	vshll.u32 v6, $0x4  }
0x7b: {  	v6 =	vor.u32 v3, v6  }
0x7c: {  	v6 =	vor.u32 $0x3, v6;
	_ =	sdelay $0x4  }
0x7d: {  	v7 =	vld.idx.msk [tilespmem:v6+s14+$0x0], $0xffff;
	_ =	sdelay $0x1  }
0x7e: {  	v6 =	vmov s25  }
0x7f: {  	[tilespmem:v4+s15+$0x0] =	vst.idx.msk $0x1, v6  }
0x80: {  	v6 =	vld [tilespmem:s23+$0xFFFFFFFF]  }
0x81: {  	[tilespmem:s23+$0x0] =	vst v7  }
0x82: {  	v8 =	vld [tilespmem:s22+$0xFFFFFF80];
	_ =	sdelay $0x2  }
0x83: {  	vm0 =	vne.s32 v7, v6  }
0x84: {  	v9 =	vld [tilespmem:s22+$0xFFFFFF90];
	v6 =	vmpcnt.ones.xlane vm0  }
0x85: {  	v8 =	vshll.u32 v8, $0x6  }
0x86: {  	(v2sf) =	vpush v6, $0x0;
	v6 =	vshra.s32 v8, $0x2  }
0x87: {  	(v2sf) =	vpush v6, $0x1  }
0x88: {  	v8 =	vld [tilespmem:s22+$0xFFFFFFA0]  }
0x89: {  	(v2sf) =	vpush v6, $0x2;
	v6 =	vshll.u32 v9, $0x6  }
0x8a: {  	v6 =	vshra.s32 v6, $0x2  }
0x8b: {  	(v2sf) =	vpush v6, $0x1  }
0x8c: {  	v9 =	vld [tilespmem:s22+$0xFFFFFFB0]  }
0x8d: {  	(v2sf) =	vpush v6, $0x2;
	v6 =	vshll.u32 v8, $0x6  }
0x8e: {  	v6 =	vshra.s32 v6, $0x2  }
0x8f: {  	(v2sf) =	vpush v6, $0x1  }
0x90: {  	v8 =	vld [tilespmem:s22+$0xFFFFFFC0]  }
0x91: {  	(v2sf) =	vpush v6, $0x2;
	v6 =	vshll.u32 v9, $0x6  }
0x92: {  	v9 =	vld [tilespmem:s22+$0xFFFFFFD0];
	v6 =	vshra.s32 v6, $0x2  }
0x93: {  	(v2sf) =	vpush v6, $0x1  }
0x94: {  	v10 =	vld [tilespmem:s22+$0xFFFFFFE0]  }
0x95: {  	(v2sf) =	vpush v6, $0x2;
	v6 =	vshll.u32 v8, $0x6;
	s28 =	spop (v2sf)  }
0x96: {  	s26 =	smov.u32 s25;
	v8 =	vld [tilespmem:s22+$0xFFFFFFF0];
	v6 =	vshra.s32 v6, $0x2;
	s25 =	spop (v2sf)  }
0x97: {  	v9 =	vshll.u32 v9, $0x6;
	(v2sf) =	vpush v6, $0x1;
	v11 =	vld [tilespmem:s25+$0x0]  }
0x98: {  	s29 =	spop (v2sf);
	(v2sf) =	vpush v6, $0x2;
	v6 =	vshra.s32 v9, $0x2;
	v9 =	vld [tilespmem:s22+$0x0]  }
0x99: {  	v10 =	vshll.u32 v10, $0x6;
	v12 =	vld [tilespmem:s29+$0x800];
	(v2sf) =	vpush v6, $0x1  }
0x9a: {  	s30 =	spop (v2sf);
	(v2sf) =	vpush v6, $0x2;
	v6 =	vshra.s32 v10, $0x2;
	v10 =	vld [tilespmem:s22+$0x10]  }
0x9b: {  	v8 =	vshll.u32 v8, $0x6;
	v13 =	vld [tilespmem:s30+$0x0];
	(v2sf) =	vpush v6, $0x1  }
0x9c: {  	s31 =	spop (v2sf);
	(v2sf) =	vpush v6, $0x2;
	v6 =	vshra.s32 v8, $0x2;
	v8 =	vld [tilespmem:s22+$0x20]  }
0x9d: {  	v14 =	vld [tilespmem:s31+$0x800];
	(v2sf) =	vpush v6, $0x1;
	v9 =	vshll.u32 v9, $0x6  }
0x9e: {  	s1 =	spop (v2sf);
	(v2sf) =	vpush v6, $0x2;
	v6 =	vshra.s32 v9, $0x2;
	v9 =	vld [tilespmem:s22+$0x30]  }
0x9f: {  	v15 =	vld [tilespmem:s1+$0x0];
	(v2sf) =	vpush v6, $0x1;
	v10 =	vshll.u32 v10, $0x6  }
0xa0: {  	s2 =	spop (v2sf);
	(v2sf) =	vpush v6, $0x2;
	v6 =	vshra.s32 v10, $0x2;
	v10 =	vld [tilespmem:s22+$0x40]  }
0xa1: {  	v16 =	vld [tilespmem:s2+$0x800];
	(v2sf) =	vpush v6, $0x1;
	v8 =	vshll.u32 v8, $0x6  }
0xa2: {  	s5 =	spop (v2sf);
	(v2sf) =	vpush v6, $0x2;
	v6 =	vshra.s32 v8, $0x2;
	v8 =	vld [tilespmem:s22+$0x50]  }
0xa3: {  	v17 =	vld [tilespmem:s5+$0x0];
	(v2sf) =	vpush v6, $0x1;
	v9 =	vshll.u32 v9, $0x6  }
0xa4: {  	s7 =	spop (v2sf);
	(v2sf) =	vpush v6, $0x2;
	v6 =	vshra.s32 v9, $0x2;
	v9 =	vld [tilespmem:s22+$0x60]  }
0xa5: {  	v18 =	vld [tilespmem:s7+$0x800];
	(v2sf) =	vpush v6, $0x1;
	v10 =	vshll.u32 v10, $0x6  }
0xa6: {  	s8 =	spop (v2sf);
	(v2sf) =	vpush v6, $0x2;
	v6 =	vshra.s32 v10, $0x2;
	v10 =	vld [tilespmem:s22+$0x70]  }
0xa7: {  	v23 =	vld [tilespmem:s8+$0x0];
	s9 =	spop (v2sf);
	(v2sf) =	vpush v6, $0x1;
	v8 =	vshll.u32 v8, $0x6  }
0xa8: {  	v24 =	vld [tilespmem:s9+$0x800];
	s10 =	spop (v2sf);
	(v2sf) =	vpush v6, $0x2;
	v6 =	vshra.s32 v8, $0x2  }
0xa9: {  	v8 =	vld [tilespmem:s10+$0x0];
	s12 =	spop (v2sf);
	(v2sf) =	vpush v6, $0x1;
	v9 =	vshll.u32 v9, $0x6  }
0xaa: {  	v25 =	vld [tilespmem:s12+$0x800];
	s13 =	spop (v2sf);
	(v2sf) =	vpush v6, $0x2;
	v6 =	vshra.s32 v9, $0x2  }
0xab: {  	v9 =	vld [tilespmem:s13+$0x0];
	s16 =	spop (v2sf);
	(v2sf) =	vpush v6, $0x1;
	v10 =	vshll.u32 v10, $0x6  }
0xac: {  	v26 =	vld [tilespmem:s16+$0x800];
	s25 =	spop (v2sf);
	(v2sf) =	vpush v6, $0x2;
	v6 =	vshra.s32 v10, $0x2  }
0xad: {  	v10 =	vld [tilespmem:s25+$0x0];
	s29 =	spop (v2sf);
	(v2sf) =	vpush v6, $0x1  }
0xae: {  	v27 =	vld [tilespmem:s29+$0x800];
	s30 =	spop (v2sf);
	(v2sf) =	vpush v6, $0x2  }
0xaf: {  	v6 =	vld [tilespmem:s30+$0x0];
	s31 =	spop (v2sf)  }
0xb0: {  	v28 =	vld [tilespmem:s31+$0x800];
	s1 =	spop (v2sf)  }
0xb1: {  	v29 =	vld [tilespmem:s1+$0x0];
	s2 =	spop (v2sf)  }
0xb2: {  	v30 =	vld [tilespmem:s2+$0x800];
	s5 =	spop (v2sf)  }
0xb3: {  	v31 =	vld [tilespmem:s5+$0x0];
	s7 =	spop (v2sf)  }
0xb4: {  	(v2sf) =	vpush v7, $0xF;
	v32 =	vld [tilespmem:s7+$0x800];
	s8 =	spop (v2sf)  }
0xb5: {  	v33 =	vld [tilespmem:s8+$0x0];
	s9 =	spop (v2sf)  }
0xb6: {  	v34 =	vld [tilespmem:s9+$0x800];
	s10 =	spop (v2sf)  }
0xb7: {  	v35 =	vld [tilespmem:s10+$0x0];
	s12 =	spop (v2sf)  }
0xb8: {  	v36 =	vld [tilespmem:s12+$0x800];
	s13 =	spop (v2sf)  }
0xb9: {  	v37 =	vld [tilespmem:s13+$0x0];
	s16 =	spop (v2sf)  }
0xba: {  	v38 =	vld [tilespmem:s16+$0x800];
	s25 =	spop (v2sf)  }
0xbb: {  	v39 =	vld [tilespmem:s25+$0x0];
	s29 =	spop (v2sf)  }
0xbc: {  	v21 =	vmul.f32 v12, v11;
	v22 =	vmul.f32 v14, v13;
	v40 =	vld [tilespmem:s29+$0x800];
	s30 =	spop (v2sf)  }
0xbd: {  	v19 =	vmul.f32 v16, v15;
	v20 =	vmul.f32 v18, v17;
	v41 =	vld [tilespmem:s30+$0x0];
	s31 =	spop (v2sf)  }
0xbe: {  	p1 =	seq.s32 s28, $0x1;
	v17 =	vmul.f32 v24, v23;
	v18 =	vmul.f32 v25, v8;
	v8 =	vld [tilespmem:s31+$0x800]  }
.Ltmp6:
0xbf: {  	v15 =	vmul.f32 v26, v9;
	v16 =	vmul.f32 v27, v10;
	(pc) =	sbr.rel @p1 .LBB2_10-.Ltmp6, $4  }
0xc0: {  	v13 =	vmul.f32 v28, v6;
	v14 =	vmul.f32 v30, v29  }
0xc1: {  	v11 =	vmul.f32 v32, v31;
	v12 =	vmul.f32 v34, v33  }
0xc2: {  	v9 =	vmul.f32 v36, v35;
	v10 =	vmul.f32 v38, v37  }
0xc3: {  	v6 =	vmul.f32 v40, v39;
	s25 =	spop (v2sf);
	v8 =	vmul.f32 v8, v41  }
0xc4: {  	p1 =	sne.s32 s28, $0x0  }
.Ltmp7:
0xc5: {  	_ = 	snop;
	(pc) =	sbr.rel @p1 .LBB2_11-.Ltmp7, $1  }
0xc6: {  	_ =	sdelay $0x3  }
0xc7: {  	v7 =	vmax.f32 v21, v22;
	v19 =	vmax.f32 v19, v20;
	v17 =	vmax.f32 v17, v18  }
0xc8: {  	v15 =	vmax.f32 v15, v16;
	v13 =	vmax.f32 v13, v14;
	v11 =	vmax.f32 v11, v12  }
.Ltmp8:
0xc9: {  	v9 =	vmax.f32 v9, v10;
	v6 =	vmax.f32 v6, v8;
	v7 =	vmax.f32 v7, v19;
	(pc) =	sbr.rel .LBB2_12-.Ltmp8, $4  }
0xca: {  	v62 =	vmax.f32 v17, v15;
	v63 =	vmax.f32 v13, v11;
	v6 =	vmax.f32 v9, v6  }
0xcb: {  	v7 =	vmax.f32 v7, v62;
	v6 =	vmax.f32 v63, v6  }
0xcc: {  	v6 =	vmax.f32 v7, v6  }
0xcd: {  	v5 =	vmax.f32 v5, v6  }
.LBB2_11:
0xce: {  	(v2sf) =	vpush v7, $0x0  }
0xcf: {  	(v2sf) =	vpush v7, $0x1  }
0xd0: {  	(v2sf) =	vpush v7, $0x2  }
0xd1: {  	(v2sf) =	vpush v7, $0x3;
	_ =	sdelay $0x1  }
0xd2: {  	(v2sf) =	vpush v7, $0x4;
	_ =	sdelay $0x1  }
0xd3: {  	(v2sf) =	vpush v7, $0x5;
	_ =	sdelay $0x1  }
0xd4: {  	(v2sf) =	vpush v7, $0x6  }
0xd5: {  	(v2sf) =	vpush v7, $0x7  }
0xd6: {  	(v2sf) =	vpush v7, $0x8  }
0xd7: {  	(v2sf) =	vpush v7, $0x9  }
0xd8: {  	(v2sf) =	vpush v7, $0xA  }
0xd9: {  	(v2sf) =	vpush v7, $0xB  }
0xda: {  	(v2sf) =	vpush v7, $0xC;
	s0 =	spop (v2sf)  }
0xdb: {  	(v2sf) =	vpush v7, $0xD;
	s16 =	spop (v2sf);
	s12 =	ssub.s32 s0, s6;
	p3 =	seq.s32 s0, s26  }
0xdc: {  	s8 =	spop (v2sf);
	p1 =	slt.s32 s12, $0xC80;
	s10 =	ssub.s32 s16, s6  }
0xdd: {  	v5 =	vmax.f32 v5, v21;
	p2 =	seq.s32 s16, s0;
	s5 =	spop (v2sf);
	s12 =	simm.s32 @!p1 $0xC80  }
0xde: {  	v5 =	vpsel p3, v5, v21;
	p1 =	slt.s32 s10, $0xC80;
	s0 =	ssub.s32 s8, s6;
	p4 =	seq.s32 s8, s16  }
0xdf: {  	v21 =	vmax.f32 v5, v22;
	s7 =	spop (v2sf);
	s12 =	sshll.u32 s12, $0x6;
	s10 =	simm.s32 @!p1 $0xC80  }
0xe0: {  	v21 =	vpsel p2, v21, v22;
	p2 =	slt.s32 s0, $0xC80;
	s16 =	ssub.s32 s5, s6;
	p5 =	seq.s32 s5, s8  }
0xe1: {  	s9 =	spop (v2sf);
	s12 =	sshra.s32 s12, $0x2;
	s10 =	sshll.u32 s10, $0x6  }
0xe2: {  	s0 =	simm.s32 @!p2 $0xC80;
	p2 =	slt.s32 s16, $0xC80;
	p6 =	seq.s32 s7, s5  }
0xe3: {  	s5 =	ssub.s32 s7, s6;
	s2 =	spop (v2sf);
	s10 =	sshra.s32 s10, $0x2  }
0xe4: {  	v22 =	vmax.f32 v21, v19;
	s0 =	sshll.u32 s0, $0x6;
	s16 =	simm.s32 @!p2 $0xC80;
	s1 =	spop (v2sf)  }
0xe5: {  	v19 =	vpsel p4, v22, v19;
	s8 =	ssub.s32 s9, s6;
	p2 =	slt.s32 s5, $0xC80;
	s31 =	spop (v2sf)  }
0xe6: {  	s13 =	sshra.s32 s0, $0x2;
	v22 =	vmax.f32 v19, v20;
	s16 =	sshll.u32 s16, $0x6;
	s30 =	spop (v2sf)  }
0xe7: {  	p3 =	slt.s32 s8, $0xC80;
	s5 =	simm.s32 @!p2 $0xC80;
	v20 =	vpsel p5, v22, v20;
	s29 =	spop (v2sf)  }
0xe8: {  	p2 =	seq.s32 s9, s7;
	s7 =	ssub.s32 s2, s6;
	v22 =	vmax.f32 v20, v17;
	s28 =	spop (v2sf)  }
0xe9: {  	s16 =	sshra.s32 s16, $0x2;
	s8 =	simm.s32 @!p3 $0xC80;
	v17 =	vpsel p6, v22, v17;
	s26 =	spop (v2sf)  }
0xea: {  	p3 =	seq.s32 s2, s9;
	s5 =	sshll.u32 s5, $0x6;
	v22 =	vmax.f32 v17, v18;
	s0 =	spop (v2sf);
	(v2sf) =	vpush v7, $0xE  }
0xeb: {  	p1 =	slt.s32 s7, $0xC80;
	p4 =	seq.s32 s1, s2;
	s2 =	ssub.s32 s1, s6;
	v7 =	vpsel p2, v22, v18  }
0xec: {  	s8 =	sshll.u32 s8, $0x6;
	s5 =	sshra.s32 s5, $0x2;
	s7 =	simm.s32 @!p1 $0xC80;
	v18 =	vmax.f32 v7, v15  }
0xed: {  	p5 =	seq.s32 s31, s1;
	s1 =	ssub.s32 s31, s6;
	s8 =	sshra.s32 s8, $0x2;
	v15 =	vpsel p3, v18, v15  }
0xee: {  	[tilespmem:s12+$0x3E00] =	vst v5;
	s7 =	sshll.u32 s7, $0x6;
	p1 =	slt.s32 s1, $0xC80;
	p6 =	seq.s32 s30, s31;
	v18 =	vmax.f32 v15, v16  }
0xef: {  	[tilespmem:s10+$0x3E00] =	vst v21;
	s9 =	ssub.s32 s30, s6;
	s7 =	sshra.s32 s7, $0x2;
	s12 =	ssub.s32 s28, s6;
	v16 =	vpsel p4, v18, v16  }
0xf0: {  	[tilespmem:s13+$0x3E00] =	vst v19;
	s1 =	simm.s32 @!p1 $0xC80;
	s10 =	ssub.s32 s29, s6;
	p1 =	slt.s32 s12, $0xC80;
	v18 =	vmax.f32 v16, v13  }
0xf1: {  	[tilespmem:s16+$0x3E00] =	vst v20;
	s1 =	sshll.u32 s1, $0x6;
	s12 =	simm.s32 @!p1 $0xC80;
	p2 =	slt.s32 s2, $0xC80;
	v5 =	vpsel p5, v18, v13  }
0xf2: {  	[tilespmem:s5+$0x3E00] =	vst v17;
	s1 =	sshra.s32 s1, $0x2;
	s16 =	sshll.u32 s12, $0x6;
	s2 =	simm.s32 @!p2 $0xC80;
	v13 =	vmax.f32 v5, v14  }
0xf3: {  	p2 =	slt.s32 s9, $0xC80;
	[tilespmem:s8+$0x3E00] =	vst v7;
	s8 =	ssub.s32 s26, s6;
	s2 =	sshll.u32 s2, $0x6;
	v13 =	vpsel p6, v13, v14  }
0xf4: {  	s9 =	simm.s32 @!p2 $0xC80;
	p2 =	slt.s32 s10, $0xC80;
	p4 =	seq.s32 s29, s30;
	v14 =	vmax.f32 v13, v11  }
0xf5: {  	s2 =	sshra.s32 s2, $0x2;
	s9 =	sshll.u32 s9, $0x6;
	s10 =	simm.s32 @!p2 $0xC80;
	v11 =	vpsel p4, v14, v11  }
0xf6: {  	[tilespmem:s7+$0x3E00] =	vst v15;
	p2 =	slt.s32 s8, $0xC80;
	s31 =	sshra.s32 s9, $0x2;
	p5 =	seq.s32 s28, s29;
	v7 =	vmax.f32 v11, v12  }
0xf7: {  	s13 =	sshll.u32 s10, $0x6;
	s8 =	simm.s32 @!p2 $0xC80;
	[tilespmem:s2+$0x3E00] =	vst v16;
	s29 =	sshra.s32 s16, $0x2;
	v7 =	vpsel p5, v7, v12  }
0xf8: {  	[tilespmem:s1+$0x3E00] =	vst v5;
	s1 =	ssub.s32 s0, s6;
	p6 =	seq.s32 s26, s28;
	s28 =	sshra.s32 s13, $0x2;
	v12 =	vmax.f32 v7, v9  }
0xf9: {  	p2 =	slt.s32 s1, $0xC80;
	[tilespmem:s31+$0x3E00] =	vst v13;
	s31 =	sshll.u32 s8, $0x6;
	v5 =	vpsel p6, v12, v9;
	s30 =	spop (v2sf)  }
0xfa: {  	p4 =	seq.s32 s0, s26;
	v9 =	vmax.f32 v5, v10;
	p5 =	seq.s32 s30, s0;
	s0 =	ssub.s32 s30, s6  }
.Ltmp9:
0xfb: {  	s1 =	simm.s32 @!p2 $0xC80;
	[tilespmem:s28+$0x3E00] =	vst v11;
	v9 =	vpsel p4, v9, v10;
	p1 =	slt.s32 s0, $0xC80;
	(pc) =	sbr.rel .LBB2_12-.Ltmp9, $4  }
0xfc: {  	s2 =	sshra.s32 s31, $0x2;
	s1 =	sshll.u32 s1, $0x6;
	[tilespmem:s29+$0x3E00] =	vst v7;
	v7 =	vmax.f32 v9, v6;
	s0 =	simm.s32 @!p1 $0xC80  }
0xfd: {  	s1 =	sshra.s32 s1, $0x2;
	[tilespmem:s2+$0x3E00] =	vst v5;
	v5 =	vpsel p5, v7, v6;
	s0 =	sshll.u32 s0, $0x6  }
0xfe: {  	p6 =	seq.s32 s25, s30;
	[tilespmem:s1+$0x3E00] =	vst v9;
	v6 =	vmax.f32 v5, v8;
	s0 =	sshra.s32 s0, $0x2  }
0xff: {  	[tilespmem:s0+$0x3E00] =	vst v5;
	v5 =	vpsel p6, v6, v8  }
.LBB2_13:
0x100: {  	s0 =	simm.s32 $0x0;
	s1 =	simm.s32 $0x40  }
.LBB2_14:
0x101: {  	p0 =	sne.s32 s1, $0x18FC0;
	v5 =	vld [tilespmem:s0+$0x3E00];
	_ =	sdelay $0x3  }
.Ltmp10:
0x102: {  	(pc) =	sbr.rel @p0 .LBB2_14-.Ltmp10, $4  }
0x103: {  	v6 =	vand.u32 $0x7FFFFFFF, v5  }
0x104: {  	vm0 =	vle.f32 v6, $3.000000010e+38  }
0x105: {  	v5 =	vnsel vm0, $0x0, v5  }
0x106: {  	[tilespmem:s0+$0x3E00] =	vst v5;
	s0 =	sshra.s32 s1, $0x2;
	s1 =	sadd.s32 $0x40, s1  }
0x107: {  	v5 =	vld [tilespmem:s0+$0x3E00];
	_ =	sdelay $0x4  }
0x108: {  	v6 =	vand.u32 $0x7FFFFFFF, v5  }
0x109: {  	vm0 =	vle.f32 v6, $3.000000010e+38  }
0x10a: {  	v5 =	vnsel vm0, $0x0, v5  }
0x10b: {  	s30 =	rddreg [dreg:$0x6];
	s1 =	simm.s32 $0x3E00;
	[tilespmem:s0+$0x3E00] =	vst v5  }
0x10c: {  	[hbm4b:s30+s3] =	stream.linear.scatter [tilespmem:s1], [sflag:$0x3], $0x6400, $0x38;
	[tilespmem:$0x108E0] =	vst v63  }
0x10d: {  	_ =	swait.ge [sflag:s11], $0x6400  }
0x10e: {  	s17 =	sadd.s32 $0x1, s17;
	s31 =	rddreg [dreg:$0x7]  }
0x10f: {  	p0 =	sne.s32 s17, s31  }
.Ltmp11:
0x110: {  	_ = 	snop;
	(pc) =	sbr.rel @p0 .LBB2_1-.Ltmp11, $3  }
0x111: {  	_ =	sdelay $0x1  }
0x112: {  	[sflag:s11] =	ssyncset.done $0x0  }
0x113: {  	[sflag:s11] =	ssyncadd.s32 $0xFFFF9C00  }
0x114: {  	_ =	sfence.sel $0x180000  }
0x115: {  	[bflag:$0x0] =	sbarrier.arrive $0xFFFF  }
0x116: {  	_ =	strace $0x9000004D  }
0x117: {  	s0 =	stileid.u32;
	[bflag:$0x2] =	sbarrier.arrive $0xFFFF  }
0x118: {  	p0 =	sne.s32 s0, $0x0;
	s0 =	rddreg [dreg:$0x2]  }
0x119: {  	s0 =	sadd.s32 @!p0 $0x100000, s0  }
0x11a: {  	[sflag:s0] =	ssyncadd.tile.s32 @!p0 $0x1;
	_ =	shalt  }
.Lfunc_end2:
_tile_overlayer_lowered:
.L_overlay_start_2:
0x11b: {  	(tag) =	ssettag $0x2  }
0x11c: {  	s0 =	rddreg [dreg:$0x0];
	s2 =	stileid.u32  }
0x11d: {  	s1 =	rddreg [dreg:$0x1];
	p0 =	sne.s32 s2, $0x0  }
0x11e: {  	s3 =	rddreg [dreg:$0x2];
	[bflag:$0x3] =	sbarrier.arrive $0xFFFF;
	s2 =	simm.s32 @!p0 $0x1C03  }
0x11f: {  	[timem:s3], [sflag:s2] =	dma.local @!p0 [hbm:s0], s1  }
0x120: {  	s0 =	simm.s32 @!p0 $0x3  }
0x121: {  	_ =	swait.ge @!p0 [sflag:s0], s1  }
0x122: {  	s1 =	ssub.s32 @!p0 $0x0, s1;
	[sflag:s0] =	ssyncset.done @!p0 $0x0  }
0x123: {  	[sflag:s0] =	ssyncadd.s32 @!p0 s1  }
0x124: {  	[bflag:$0x3] =	sbarrier.arrive $0xFFFF  }
0x125: {  	_ =	shalt  }

// kernel: kernel.18.cloned.1.call-start
scs
__scs_entry_jumppad:
0x0: {  	(pc) =	sbr.rel $0x88, $3  }
0x1: {  	(tag) =	ssettag $0x0;
	lr =	simm.s32 $0x1  }
0x2: {  	[smem:$0x3F92] =	sst lr;
	_ =	strace $0xD0000000  }
0x3: {  	_ = 	snop  }
0x4: {  	_ = 	snop  }
0x5: {  	_ = 	snop  }
0x6: {  	_ = 	snop  }
0x7: {  	_ = 	snop  }
__scs_overlays_trampoline_lowered:
0x8: {  	[smem:$0x3FA1] =	sst s0  }
0x9: {  	[smem:$0x3FA2] =	sst s1  }
0xa: {  	[smem:$0x3FA3] =	sst s2  }
0xb: {  	[smem:$0x3FA4] =	sst s3  }
0xc: {  	[smem:$0x3FA5] =	sst s4  }
0xd: {  	[smem:$0x3FA6] =	sst s5  }
0xe: {  	[smem:$0x3FA7] =	sst s6  }
0xf: {  	[smem:$0x3FA8] =	sst s7  }
0x10: {  	[smem:$0x3FA9] =	sst s8  }
0x11: {  	[smem:$0x3FAA] =	sst s9;
	s0 =	simm.s32 @!p0 $0x0  }
0x12: {  	s1 =	sld [smem:$0x3F90];
	s0 =	simm.s32 @p0 $0x1  }
0x13: {  	[smem:$0x3FAB] =	sst s0;
	s0 =	simm.s32 @!p1 $0x0  }
0x14: {  	s2 =	sld [smem:$0x3F8F];
	s0 =	simm.s32 @p1 $0x1  }
0x15: {  	[smem:$0x3FAC] =	sst s0;
	s0 =	simm.s32 @!p2 $0x0  }
0x16: {  	s3 =	sld [smem:$0x3FDB];
	s0 =	simm.s32 @p2 $0x1  }
0x17: {  	s4 =	simm.s32 $0x1BF5;
	[smem:$0x3FAE] =	sst s0  }
0x18: {  	s0 =	sld [smem:$0x3F91];
	_ =	swait.ge [sflag:s4], $0x0  }
0x19: {  	s7 =	sld [smem:$0x3F92]  }
0x1a: {  	s8 =	sadd.s32 $0xFFFFE003, lr  }
0x1b: {  	s9 =	sadd.s32 $0xFFFFFEF7, lr;
	s5 =	simm.s32 $0xFFFFFFFF;
	p2 =	slt.u32 s8, $0xFFFFF086  }
0x1c: {  	p1 =	slt.u32 s9, $0xF7A;
	s5 =	simm.s32 @!p2 $0x0  }
0x1d: {  	s5 =	simm.s32 @p1 $0x1;
	p0 =	seq.s32 s7, s2  }
0x1e: {  	s7 =	smul.u32 @!p0 $0xF7A, s2;
	p2 =	seq.s32 @!p0 s5, $0x0  }
0x1f: {  	s9 =	smul.u32 $0xF7A, s1;
	s8 =	simm.s32 @!p0 $0x1BF5;
	p2 =	por !p2, p0  }
0x20: {  	[sflag:s8] =	ssyncset.s32 @!p0 $0xFFFFF086;
	s6 =	sadd.s32 @!p0 s3, s7;
	s7 =	simm.s32 @!p0 $0x108  }
0x21: {  	s3 =	sadd.s32 s3, s9;
	s6 =	sadd.s32 @!p0 $0x88, s6;
	s7 =	simm.s32 @p2 $0x1082  }
0x22: {  	[simem:s7], [sflag:s8] =	dma.local @!p0 [hbm:s6], $0xF7A  }
0x23: {  	s9 =	sor.u32 $0xD0000000, s2;
	s6 =	simm.s32 $0x108;
	_ =	swait.ge @!p0 [sflag:s8], $0x0  }
0x24: {  	s3 =	sadd.s32 $0x88, s3;
	s6 =	simm.s32 @!p1 $0x1082;
	[sflag:s4] =	ssyncset.s32 $0xFFFFF086  }
0x25: {  	[simem:s6], [sflag:s4] =	dma.local [hbm:s3], $0xF7A  }
0x26: {  	[smem:$0x3F92] =	sst s1;
	(tag) =	ssettag s2;
	_ =	strace s9  }
0x27: {  	s1 =	sld [smem:$0x3FA2]  }
0x28: {  	s2 =	sld [smem:$0x3FA3]  }
0x29: {  	s4 =	sld [smem:$0x3FA5]  }
0x2a: {  	p0 =	seq.s32 s5, $0x0;
	s5 =	sld [smem:$0x3FA6]  }
0x2b: {  	s6 =	sld [smem:$0x3FA7]  }
0x2c: {  	s7 =	sld [smem:$0x3FA8]  }
0x2d: {  	s3 =	simm.s32 $0x108;
	s8 =	sld [smem:$0x3FA9]  }
0x2e: {  	s3 =	simm.s32 @!p0 $0x1082;
	s9 =	sld [smem:$0x3FAA]  }
0x2f: {  	lr =	sadd.s32 s0, s3;
	s0 =	sld [smem:$0x3FA1]  }
0x30: {  	s3 =	sld [smem:$0x3FA4]  }
0x31: {  	[smem:$0x3FAD] =	sst s10  }
0x32: {  	s10 =	sld [smem:$0x3FAB];
	_ =	sdelay $0x3  }
0x33: {  	p0 =	seq.s32 s10, $0x1;
	s10 =	sld [smem:$0x3FAD];
	_ =	sdelay $0x3  }
0x34: {  	[smem:$0x3FAD] =	sst s10  }
0x35: {  	s10 =	sld [smem:$0x3FAC];
	_ =	sdelay $0x3  }
0x36: {  	p1 =	seq.s32 s10, $0x1;
	s10 =	sld [smem:$0x3FAD];
	_ =	sdelay $0x3  }
0x37: {  	[smem:$0x3FAD] =	sst s10  }
0x38: {  	s10 =	sld [smem:$0x3FAE]  }
0x39: {  	_ = 	snop;
	(pc) =	sbr.ind lr, $3  }
0x3a: {  	_ = 	snop  }
0x3b: {  	_ = 	snop  }
0x3c: {  	p2 =	seq.s32 s10, $0x1;
	s10 =	sld [smem:$0x3FAD]  }
0x3d: {  	_ =	shalt  }
0x3e: {  	_ =	shalt  }
0x3f: {  	_ =	shalt  }
0x40: {  	_ =	shalt  }
0x41: {  	_ =	shalt  }
0x42: {  	_ =	shalt  }
0x43: {  	_ =	shalt  }
0x44: {  	_ =	shalt  }
0x45: {  	_ =	shalt  }
0x46: {  	_ =	shalt  }
0x47: {  	_ =	shalt  }
0x48: {  	_ =	shalt  }
0x49: {  	_ =	shalt  }
0x4a: {  	_ =	shalt  }
0x4b: {  	_ =	shalt  }
0x4c: {  	_ =	shalt  }
0x4d: {  	_ =	shalt  }
0x4e: {  	_ =	shalt  }
0x4f: {  	_ =	shalt  }
0x50: {  	_ =	shalt  }
0x51: {  	_ =	shalt  }
0x52: {  	_ =	shalt  }
0x53: {  	_ =	shalt  }
0x54: {  	_ =	shalt  }
0x55: {  	_ =	shalt  }
0x56: {  	_ =	shalt  }
0x57: {  	_ =	shalt  }
0x58: {  	_ =	shalt  }
0x59: {  	_ =	shalt  }
0x5a: {  	_ =	shalt  }
0x5b: {  	_ =	shalt  }
0x5c: {  	_ =	shalt  }
0x5d: {  	_ =	shalt  }
0x5e: {  	_ =	shalt  }
0x5f: {  	_ =	shalt  }
0x60: {  	_ =	shalt  }
0x61: {  	_ =	shalt  }
0x62: {  	_ =	shalt  }
0x63: {  	_ =	shalt  }
0x64: {  	_ =	shalt  }
0x65: {  	_ =	shalt  }
0x66: {  	_ =	shalt  }
0x67: {  	_ =	shalt  }
0x68: {  	_ =	shalt  }
0x69: {  	_ =	shalt  }
0x6a: {  	_ =	shalt  }
0x6b: {  	_ =	shalt  }
0x6c: {  	_ =	shalt  }
0x6d: {  	_ =	shalt  }
0x6e: {  	_ =	shalt  }
0x6f: {  	_ =	shalt  }
0x70: {  	_ =	shalt  }
0x71: {  	_ =	shalt  }
0x72: {  	_ =	shalt  }
0x73: {  	_ =	shalt  }
0x74: {  	_ =	shalt  }
0x75: {  	_ =	shalt  }
0x76: {  	_ =	shalt  }
0x77: {  	_ =	shalt  }
0x78: {  	_ =	shalt  }
0x79: {  	_ =	shalt  }
0x7a: {  	_ =	shalt  }
0x7b: {  	_ =	shalt  }
0x7c: {  	_ =	shalt  }
0x7d: {  	_ =	shalt  }
0x7e: {  	_ =	shalt  }
0x7f: {  	_ =	shalt  }
0x80: {  	_ =	shalt  }
0x81: {  	_ =	shalt  }
0x82: {  	_ =	shalt  }
0x83: {  	_ =	shalt  }
0x84: {  	_ =	shalt  }
0x85: {  	_ =	shalt  }
0x86: {  	_ =	shalt  }
0x87: {  	_ =	shalt  }
.Lfunc_end0:
.L_simem_size_0:
called_computation.3_lowered:
.L_overlay_start_0:
0x88: {  	s2 =	sld [smem:$0x3FD9]  }
0x89: {  	s3 =	sld [smem:$0x3FFE];
	_ =	sdelay $0x1  }
0x8a: {  	s1 =	srdreg.scid  }
0x8b: {  	s0 =	sand.u32 $0x1, s1  }
0x8c: {  	s14 =	sshll.u32 s0, $0xA;
	s2 =	sadd.s32 s3, s2  }
0x8d: {  	s2 =	sadd.s32 s2, s14  }
0x8e: {  	[smem:$0x3FB9] =	sst s2  }
0x8f: {  	_ = 	snop  }
0x90: {  	s2 =	sld [smem:$0x3FD0];
	_ =	sdelay $0x2  }
0x91: {  	s15 =	simm.s32 $0xA;
	s4 =	simm.s32 $0x10  }
0x92: {  	[smem:s4], [sflag:s15] =	dma.local [hbm:s2], $0x1  }
0x93: {  	_ =	swait.eq [sflag:s15], $0x1  }
0x94: {  	[sflag:s15] =	ssyncset.done $0x0  }
0x95: {  	[sflag:s15] =	ssyncadd.s32 $0xFFFFFFFF  }
0x96: {  	s16 =	sld [smem:$0x10];
	(tm) =	ssettm $0x1  }
0x97: {  	s17 =	sld [smem:$0x3FFB];
	_ =	sdelay $0x3  }
0x98: {  	_ =	strace s17  }
0x99: {  	s3 =	sld [smem:$0x3FFC];
	_ =	sdelay $0x3  }
0x9a: {  	_ =	strace s3  }
0x9b: {  	s3 =	sld [smem:$0x3FFD];
	_ =	sdelay $0x3  }
0x9c: {  	_ =	strace s3  }
0x9d: {  	_ =	strace $0x8FFFFFFF  }
0x9e: {  	s18 =	sld [smem:$0x3FDB];
	_ =	sdelay $0x1  }
0x9f: {  	s19 =	simm.s32 $_scs_section_size  }
0xa0: {  	s5 =	simm.s32 $_size__tile_overlayer_lowered;
	s6 =	simm.s32 $_tile_overlayer_lowered  }
0xa1: {  	s22 =	simm.s32 $0x1BFF;
	s21 =	sshll.u32 s6, $0x1;
	s3 =	sadd.s32 s19, s18  }
0xa2: {  	s7 =	simm.s32 $0x0;
	s20 =	sshll.u32 s5, $0x1;
	s5 =	sadd.s32 s21, s3  }
0xa3: {  	[timem:s7], [sflag:s22] =	dma.local [hbm:s5], s20  }
0xa4: {  	_ =	swait.ge [sflag:s22], s20  }
0xa5: {  	s4 =	ssub.s32 $0x0, s20;
	[sflag:s22] =	ssyncset.done $0x0  }
0xa6: {  	[sflag:s22] =	ssyncadd.s32 s4;
	_ =	sdelay $0x1  }
0xa7: {  	s23 =	simm.s32 $0x1B8B  }
0xa8: {  	_ =	swait.ge [sflag:s23], $0x1  }
0xa9: {  	[sflag:s23] =	ssyncset.done $0x0  }
0xaa: {  	s25 =	simm.s32 $0x1B8E;
	s24 =	sld [smem:$0x3FFE];
	[sflag:s23] =	ssyncadd.s32 $0xFFFFFFFF  }
0xab: {  	s26 =	simm.s32 $execute0_lowered;
	[smem:$0x3FD2] =	sst s25  }
0xac: {  	s5 =	sshll.u32 s26, $0x1;
	_ =	strace $0x8000004F;
	[dreg:$0x1] =	wrdreg $0xFFFFFFFF  }
0xad: {  	s28 =	simm.s32 $_size_execute0_lowered;
	s3 =	sadd.s32 s3, s5;
	[dreg:$0x0] =	wrdreg $0x0  }
0xae: {  	s5 =	sshll.u32 s28, $0x1;
	[dreg:$0x2] =	wrdreg s3  }
0xaf: {  	[dreg:$0x3] =	wrdreg s5  }
0xb0: {  	[dreg:$0x4] =	wrdreg $0xC0  }
0xb1: {  	_ =	task [dreg:s7], $0x5FFFF  }
0xb2: {  	[dreg:$0x1] =	wrdreg $0xFFFFFFFF  }
0xb3: {  	[dreg:$0x0] =	wrdreg $0x60  }
0xb4: {  	[dreg:$0x2] =	wrdreg s24  }
0xb5: {  	[dreg:$0x3] =	wrdreg s16  }
0xb6: {  	[dreg:$0x4] =	wrdreg $0x9  }
0xb7: {  	_ =	task.clear_ibuf [dreg:s7], $0x5FFFF;
	_ =	strace $0x9000004F  }
0xb8: {  	s29 =	simm.s32 $0x9;
	_ =	strace $0x80000051  }
0xb9: {  	_ =	swait.ge [sflag:s29], $0x1  }
0xba: {  	[sflag:s29] =	ssyncadd.s32 $0xFFFFFFFF  }
0xbb: {  	_ =	strace $0x90000051  }
0xbc: {  	_ =	sfence  }
0xbd: {  	s30 =	sld [smem:$0x0];
	_ =	sdelay $0x2  }
0xbe: {  	s31 =	sshll.u32 s1, $0xD;
	s1 =	sshrl.u32 s1, $0x2  }
0xbf: {  	s3 =	sand.u32 $0x4000, s31;
	s1 =	sadd.s32 s1, s30  }
0xc0: {  	s0 =	sor.u32 s3, s0;
	s1 =	sshll.u32 s1, $0x11  }
0xc1: {  	s0 =	sor.u32 s1, s0  }
0xc2: {  	s0 =	sadd.s32 $0x8F2B, s0  }
0xc3: {  	[sflag:s0] =	ssyncadd.remote.s32 $0x1  }
0xc4: {  	_ =	sfence.sel $0xFFFF  }
0xc5: {  	[dreg:$0x0] =	wrdreg $0xFFFFFFFF;
	(pc) =	sbr.abs _section_cstart, $3  }
0xc6: {  	[dreg:$0x1] =	wrdreg $0xFFFFFFFF  }
0xc7: {  	_ =	task.clear_ibuf [dreg:s7], $0x2FFFF;
	_ =	strace $0x9FFFFFFF  }
0xc8: {  	(tm) =	ssettm $0x7FFFFFFF  }
0xc9: {  	_ =	shalt  }
tec
execute0_lowered:
.L_overlay_start_1:
0x0: {  	(tag) =	ssettag $0x1  }
0x1: {  	s0 =	rddreg [dreg:$0x0]  }
0x2: {  	s1 =	srdreg.scid;
	s2 =	stileid.u32;
	s5 =	simm.s32 $0x0  }
0x3: {  	s14 =	simm.s32 $0x400;
	s18 =	simm.s32 $0x2;
	s21 =	simm.s32 $0x13460  }
0x4: {  	s1 =	sand.u32 $0x1, s1;
	s2 =	sshll.u32 s2, $0x1;
	[smem:$0x7FF] =	sst s5  }
0x5: {  	s6 =	sadd.s32 $0x3A1E00, s0;
	s2 =	sor.u32 s1, s2;
	_ =	strace $0x80000050  }
0x6: {  	[dreg:$0x3] =	wrdreg s6;
	s1 =	ssub.s32 $0x2, s1;
	s6 =	smul.u32 $0x640, s2  }
0x7: {  	s4 =	sadd.s32 $0x94400, s0;
	s3 =	smul.u32 $0xC80, s2;
	s29 =	sshrl.u32 s1, $0x1  }
0x8: {  	s7 =	sadd.s32 $0x800, s0;
	s1 =	ssub.s32 s1, s29;
	s8 =	sadd.s32 $0xC80, s6  }
0x9: {  	s0 =	sadd.s32 s3, s0;
	s31 =	smax.u32 s1, $0x1;
	[dreg:$0x4] =	wrdreg s8  }
0xa: {  	v3 =	vlaneseq.u32;
	v2 =	vimm.f32 $0.0e+00;
	v4 =	vimm.s32 $0xF;
	s30 =	sor.u32 $0x20, s2;
	s0 =	sadd.s32 $0x19000, s0;
	[dreg:$0x6] =	wrdreg s31  }
0xb: {  	v3 =	vmul.u32 $0x10, v3;
	v0 =	vmov s2;
	s2 =	simm.s32 $0x0;
	v1 =	vmov s30;
	s1 =	simm.s32 $0x5;
	[dreg:$0x5] =	wrdreg s0  }
.LBB2_1:
0xc: {  	[dreg:$0x7] =	wrdreg s2  }
0xd: {  	s0 =	rddreg [dreg:$0x1]  }
0xe: {  	[tilespmem:s5], [sflag:$0x5] =	stream.linear.gather [hbm4b:s0+s5], $0x400, $0x38;
	[tilespmem:$0x13600] =	vst v63  }
0xf: {  	_ =	swait.ge [sflag:s1], $0x400  }
0x10: {  	[sflag:s1] =	ssyncset.done $0x0  }
0x11: {  	s31 =	simm.s32 $0x13420;
	s30 =	rddreg [dreg:$0x3];
	[sflag:s1] =	ssyncadd.s32 $0xFFFFFC00  }
0x12: {  	[tilespmem:s31], [sflag:$0x5] =	stream.linear.gather [hbm4b:s30+s5], $0x40, $0x38;
	[tilespmem:$0x13600] =	vst v63  }
0x13: {  	_ =	swait.ge [sflag:s1], $0x40  }
0x14: {  	[sflag:s1] =	ssyncset.done $0x0  }
0x15: {  	[sflag:s1] =	ssyncadd.s32 $0xFFFFFFC0  }
0x16: {  	v5 =	vld.idx.msk [tilespmem:v0+s31+$0x0], $0xffff  }
0x17: {  	s0 =	simm.s32 $0x0;
	s1 =	simm.s32 $0x100;
	v6 =	vld.idx.msk [tilespmem:v1+s31+$0x0], $0xffff  }
.LBB2_2:
0x18: {  	p0 =	sne.s32 s1, $0x32300;
	[tilespmem:s0+$0x6B50] =	vst v2;
	s2 =	smov.u32 s1;
	s1 =	sadd.s32 $0x100, s1  }
.Ltmp0:
0x19: {  	[tilespmem:s0+$0x6B40] =	vst v2;
	(pc) =	sbr.rel @p0 .LBB2_2-.Ltmp0, $3  }
0x1a: {  	[tilespmem:s0+$0x6B20] =	vst v2  }
0x1b: {  	[tilespmem:s0+$0x6B30] =	vst v2;
	_ =	sdelay $0x1  }
0x1c: {  	s0 =	sshra.s32 s2, $0x2  }
0x1d: {  	(v2sf) =	vpush v5, $0x0  }
0x1e: {  	(v2sf) =	vpush v6, $0x0;
	_ =	sdelay $0xd  }
0x1f: {  	s24 =	spop (v2sf)  }
0x20: {  	s1 =	spop (v2sf)  }
0x21: {  	s2 =	sadd.s32 $0x18F, s1  }
0x22: {  	s3 =	smulhi.u32 $0x51EB851F, s2;
	s5 =	sshra.s32 s2, $0x1F  }
0x23: {  	s5 =	smul.u32 $0x51EB851F, s5;
	_ =	sdelay $0x1  }
0x24: {  	s3 =	sadd.s32 s5, s3  }
0x25: {  	s5 =	sshrl.u32 s3, $0x1F;
	s3 =	sshra.s32 s3, $0x7  }
0x26: {  	s3 =	sadd.s32 s5, s3  }
0x27: {  	s5 =	smul.u32 $0xFFFFFE70, s3  }
0x28: {  	s1 =	ssub.s32 $0xFFFFFE71, s1  }
0x29: {  	p0 =	slt.s32 s2, $0x1;
	p1 =	sne.s32 s5, s1  }
0x2a: {  	p0 =	por !p0, !p1  }
0x2b: {  	s1 =	simm.s32 $0x1;
	p0 =	por !p0, !p0  }
0x2c: {  	s1 =	simm.s32 @!p0 $0x0  }
0x2d: {  	s25 =	ssub.s32 s3, s1  }
0x2e: {  	p0 =	slt.s32 s25, $0x1  }
.Ltmp1:
0x2f: {  	_ = 	snop;
	(pc) =	sbr.rel @p0 .LBB2_23-.Ltmp1, $4  }
0x30: {  	[tilespmem:s0+$0x6B50] =	vst v2  }
0x31: {  	[tilespmem:s0+$0x6B40] =	vst v2  }
0x32: {  	[tilespmem:s0+$0x6B20] =	vst v2  }
0x33: {  	[tilespmem:s0+$0x6B30] =	vst v2  }
0x34: {  	s0 =	simm.s32 $0x0  }
0x35: {  	s1 =	sshll.u32 s24, $0x1;
	v5 =	vmov s0  }
0x36: {  	s1 =	sand.u32 $0x1FFFFFFE, s1;
	v5 =	vshll.u32 v5, $0x4  }
0x37: {  	s29 =	simm.s32 $0x1;
	s1 =	sadd.s32 s4, s1;
	v5 =	vor.u32 v3, v5  }
0x38: {  	[tilespmem:s14], [sflag:$0x1] =	stream.linear.gather [hbm4b:s1+s0], $0x1900, $0x38;
	[tilespmem:$0x13600] =	vst v63  }
0x39: {  	_ =	swait.ge [sflag:s29], $0x1900  }
0x3a: {  	s30 =	simm.s32 $0x10;
	[sflag:s29] =	ssyncset.done $0x0  }
0x3b: {  	v6 =	vmov s30;
	[sflag:s29] =	ssyncadd.s32 $0xFFFFE700  }
0x3c: {  	v6 =	vshll.u32 v6, $0x4;
	v5 =	vld.idx.msk [tilespmem:v5+s14+$0x0], $0xffff  }
0x3d: {  	v7 =	vor.u32 v3, v6;
	_ =	sdelay $0x2  }
0x3e: {  	s0 =	simm.s32 $0x6800  }
0x3f: {  	s31 =	simm.s32 $0x20;
	[tilespmem:s0+$0x0] =	vst v5  }
0x40: {  	v6 =	vmov s31;
	s1 =	simm.s32 $0x30;
	v5 =	vld.idx.msk [tilespmem:v7+s14+$0x0], $0xffff  }
.LBB2_5:
0x41: {  	p0 =	sne.s32 s1, $0x180;
	v6 =	vshll.u32 v6, $0x4  }
0x42: {  	v7 =	vor.u32 v3, v6  }
.Ltmp2:
0x43: {  	(pc) =	sbr.rel @p0 .LBB2_5-.Ltmp2, $4  }
0x44: {  	_ = 	snop  }
0x45: {  	s0 =	sadd.s32 $0x10, s0  }
0x46: {  	[tilespmem:s0+$0x0] =	vst v5  }
0x47: {  	v6 =	vmov s1;
	s1 =	sadd.s32 $0x10, s1;
	v5 =	vld.idx.msk [tilespmem:v7+s14+$0x0], $0xffff  }
0x48: {  	v6 =	vshll.u32 v6, $0x4  }
0x49: {  	v6 =	vor.u32 v3, v6;
	_ =	sdelay $0x2  }
0x4a: {  	s0 =	sadd.s32 $0x10, s0  }
0x4b: {  	[tilespmem:s0+$0x0] =	vst v5  }
0x4c: {  	v5 =	vld.idx.msk [tilespmem:v6+s14+$0x0], $0xffff;
	_ =	sdelay $0x3  }
0x4d: {  	s31 =	simm.s32 $0x190;
	p0 =	seq.s32 s25, $0x1;
	s0 =	sadd.s32 $0x10, s0  }
0x4e: {  	s1 =	simm.s32 $0x6800;
	s2 =	simm.s32 $0x3600;
	[tilespmem:s0+$0x0] =	vst v5;
	s0 =	sshll.u32 @!p0 s24, $0x4  }
0x4f: {  	[tilespmem:s2], [sflag:$0x3] =	stream.indirect.gather [hbm4b:s7+s31], $0x10, s1, s31, $0xb8;
	[tilespmem:$0x13600] =	vst v63  }
.Ltmp3:
0x50: {  	s0 =	sadd.s32 @!p0 $0x1900, s0;
	(pc) =	sbr.rel .LBB2_7-.Ltmp3, $4  }
0x51: {  	s0 =	sshrl.u32 @!p0 s0, $0x3  }
0x52: {  	s1 =	simm.s32 @!p0 $0x0;
	s2 =	simm.s32 @!p0 $0x1D00;
	s0 =	sadd.s32 @!p0 s4, s0  }
0x53: {  	[tilespmem:s2], [sflag:$0x2] =	stream.linear.gather @!p0 [hbm4b:s0+s1], $0x1900, $0x38;
	[tilespmem:$0x13600] =	vst v63  }
0x54: {  	s28 =	simm.s32 $0x0;
	s8 =	rddreg [dreg:$0x4];
	v5 =	vimm.f32 $-Inf;
	p0 =	por $0x0, $0x0  }
.LBB2_22:
0x55: {  	s0 =	sadd.s32 $0x2, s28  }
0x56: {  	p2 =	sge.s32 s0, s25  }
0x57: {  	p3 =	sne.s32 @!p2 s29, $0x0  }
0x58: {  	p3 =	por p3, p2  }
0x59: {  	p1 =	por p2, p1;
	s1 =	smul.u32 @!p3 $0x190, s0  }
0x5a: {  	s0 =	smul.u32 @!p1 $0x190, s0  }
0x5b: {  	s1 =	sadd.s32 @!p3 s24, s1  }
0x5c: {  	s0 =	sadd.s32 @!p1 s24, s0;
	s1 =	sshll.u32 @!p3 s1, $0x1  }
0x5d: {  	s2 =	simm.s32 @!p3 $0x0;
	s0 =	sshll.u32 @!p1 s0, $0x1;
	s1 =	sand.u32 @!p3 $0x1FFFFFFE, s1  }
0x5e: {  	s3 =	simm.s32 @!p3 $0x400;
	s0 =	sand.u32 @!p1 $0x1FFFFFFE, s0;
	s1 =	sadd.s32 @!p3 s4, s1  }
0x5f: {  	[tilespmem:s3], [sflag:$0x1] =	stream.linear.gather @!p3 [hbm4b:s1+s2], $0x1900, $0x38;
	[tilespmem:$0x13600] =	vst v63  }
0x60: {  	s0 =	sadd.s32 @!p1 s4, s0;
	s1 =	simm.s32 @!p1 $0x0;
	s2 =	simm.s32 @!p1 $0x1D00  }
0x61: {  	[tilespmem:s2], [sflag:$0x2] =	stream.linear.gather @!p1 [hbm4b:s0+s1], $0x1900, $0x38;
	[tilespmem:$0x13600] =	vst v63  }
0x62: {  	p1 =	sne.s32 s26, s25  }
.Ltmp4:
0x63: {  	_ = 	snop;
	(pc) =	sbr.rel @!p1 .LBB2_23-.Ltmp4, $2  }
0x64: {  	_ =	sdelay $0x2  }
0x65: {  	p0 =	por !p0, !p0;
	s28 =	smov.u32 s26  }
.LBB2_7:
0x66: {  	s29 =	sand.u32 $0x1, s28;
	s26 =	sadd.s32 $0x1, s28  }
0x67: {  	p1 =	seq.s32 s29, $0x1;
	p2 =	sge.s32 s26, s25  }
0x68: {  	s0 =	simm.s32 @!p1 $0x3;
	p4 =	sne.s32 @!p2 s29, $0x0  }
0x69: {  	_ =	swait.ge @!p1 [sflag:s0], $0x1900;
	p4 =	por p2, p4  }
.Ltmp5:
0x6a: {  	p3 =	seq.s32 s29, $0x0;
	[sflag:s0] =	ssyncset.done @!p1 $0x0;
	(pc) =	sbr.rel @p4 .LBB2_11-.Ltmp5, $4  }
0x6b: {  	[sflag:s0] =	ssyncadd.s32 @!p1 $0xFFFFE700;
	s0 =	simm.s32 @!p3 $0x4  }
0x6c: {  	_ =	swait.ge @!p3 [sflag:s0], $0x1900  }
0x6d: {  	[sflag:s0] =	ssyncset.done @!p3 $0x0  }
0x6e: {  	[sflag:s0] =	ssyncadd.s32 @!p3 $0xFFFFE700  }
0x6f: {  	s0 =	simm.s32 $0x190  }
0x70: {  	v6 =	vmov s0  }
0x71: {  	v6 =	vshll.u32 v6, $0x4  }
0x72: {  	v6 =	vor.u32 v3, v6;
	_ =	sdelay $0x1  }
0x73: {  	_ =	swait.ge [sflag:s18], $0x1900  }
0x74: {  	s31 =	simm.s32 $0x1A0;
	[sflag:s18] =	ssyncset.done $0x0  }
0x75: {  	v7 =	vmov s31;
	[sflag:s18] =	ssyncadd.s32 $0xFFFFE700  }
0x76: {  	v7 =	vshll.u32 v7, $0x4;
	v6 =	vld.idx.msk [tilespmem:v6+s14+$0x0], $0xffff  }
0x77: {  	v8 =	vor.u32 v3, v7;
	_ =	sdelay $0x2  }
0x78: {  	s0 =	simm.s32 $0x6990  }
0x79: {  	s1 =	simm.s32 $0x1B0;
	[tilespmem:s0+$0x0] =	vst v6  }
0x7a: {  	v7 =	vmov s1;
	s1 =	simm.s32 $0x1C0;
	v6 =	vld.idx.msk [tilespmem:v8+s14+$0x0], $0xffff  }
.LBB2_9:
0x7b: {  	p3 =	sne.s32 s1, $0x310;
	v7 =	vshll.u32 v7, $0x4  }
0x7c: {  	v8 =	vor.u32 v3, v7  }
.Ltmp6:
0x7d: {  	(pc) =	sbr.rel @p3 .LBB2_9-.Ltmp6, $4  }
0x7e: {  	_ = 	snop  }
0x7f: {  	s0 =	sadd.s32 $0x10, s0  }
0x80: {  	[tilespmem:s0+$0x0] =	vst v6  }
0x81: {  	v7 =	vmov s1;
	s1 =	sadd.s32 $0x10, s1;
	v6 =	vld.idx.msk [tilespmem:v8+s14+$0x0], $0xffff  }
0x82: {  	v7 =	vshll.u32 v7, $0x4  }
0x83: {  	v7 =	vor.u32 v3, v7;
	_ =	sdelay $0x2  }
0x84: {  	s0 =	sadd.s32 $0x10, s0  }
0x85: {  	[tilespmem:s0+$0x0] =	vst v6  }
0x86: {  	v6 =	vld.idx.msk [tilespmem:v7+s14+$0x0], $0xffff;
	_ =	sdelay $0x3  }
0x87: {  	s0 =	sadd.s32 $0x10, s0  }
0x88: {  	s31 =	simm.s32 $0x190;
	s1 =	simm.s32 $0x6990;
	s2 =	simm.s32 $0x4F00;
	[tilespmem:s0+$0x0] =	vst v6  }
0x89: {  	[tilespmem:s2], [sflag:$0x4] =	stream.indirect.gather [hbm4b:s7+s31], $0x10, s1, s31, $0xb8;
	[tilespmem:$0x13600] =	vst v63  }
.LBB2_11:
0x8a: {  	p1 =	por !p1, !p1  }
0x8b: {  	p2 =	por p2, p1  }
.Ltmp7:
0x8c: {  	_ = 	snop;
	(pc) =	sbr.rel @p2 .LBB2_15-.Ltmp7, $1  }
0x8d: {  	_ =	sdelay $0x3  }
0x8e: {  	s0 =	simm.s32 $0x0  }
0x8f: {  	v6 =	vmov s0  }
0x90: {  	v6 =	vshll.u32 v6, $0x4  }
0x91: {  	v6 =	vor.u32 v3, v6  }
0x92: {  	s1 =	simm.s32 $0x1  }
0x93: {  	_ =	swait.ge [sflag:s1], $0x1900  }
0x94: {  	s30 =	simm.s32 $0x10;
	[sflag:s1] =	ssyncset.done $0x0  }
0x95: {  	v7 =	vmov s30;
	[sflag:s1] =	ssyncadd.s32 $0xFFFFE700  }
0x96: {  	v7 =	vshll.u32 v7, $0x4;
	v6 =	vld.idx.msk [tilespmem:v6+s14+$0x0], $0xffff  }
0x97: {  	v8 =	vor.u32 v3, v7;
	_ =	sdelay $0x2  }
0x98: {  	s0 =	simm.s32 $0x6800  }
0x99: {  	s31 =	simm.s32 $0x20;
	[tilespmem:s0+$0x0] =	vst v6  }
0x9a: {  	v7 =	vmov s31;
	s1 =	simm.s32 $0x30;
	v6 =	vld.idx.msk [tilespmem:v8+s14+$0x0], $0xffff  }
.LBB2_13:
0x9b: {  	p2 =	sne.s32 s1, $0x180;
	v7 =	vshll.u32 v7, $0x4  }
0x9c: {  	v8 =	vor.u32 v3, v7  }
.Ltmp8:
0x9d: {  	(pc) =	sbr.rel @p2 .LBB2_13-.Ltmp8, $4  }
0x9e: {  	_ = 	snop  }
0x9f: {  	s0 =	sadd.s32 $0x10, s0  }
0xa0: {  	[tilespmem:s0+$0x0] =	vst v6  }
0xa1: {  	v7 =	vmov s1;
	s1 =	sadd.s32 $0x10, s1;
	v6 =	vld.idx.msk [tilespmem:v8+s14+$0x0], $0xffff  }
0xa2: {  	v7 =	vshll.u32 v7, $0x4  }
0xa3: {  	v7 =	vor.u32 v3, v7;
	_ =	sdelay $0x2  }
0xa4: {  	s0 =	sadd.s32 $0x10, s0  }
0xa5: {  	[tilespmem:s0+$0x0] =	vst v6  }
0xa6: {  	v6 =	vld.idx.msk [tilespmem:v7+s14+$0x0], $0xffff;
	_ =	sdelay $0x3  }
0xa7: {  	s0 =	sadd.s32 $0x10, s0  }
0xa8: {  	s31 =	simm.s32 $0x190;
	s1 =	simm.s32 $0x6800;
	s2 =	simm.s32 $0x3600;
	[tilespmem:s0+$0x0] =	vst v6  }
0xa9: {  	[tilespmem:s2], [sflag:$0x3] =	stream.indirect.gather [hbm4b:s7+s31], $0x10, s1, s31, $0xb8;
	[tilespmem:$0x13600] =	vst v63  }
.LBB2_15:
0xaa: {  	s0 =	simm.s32 $0x1  }
0xab: {  	s0 =	simm.s32 @!p0 $0x0  }
0xac: {  	s1 =	smul.u32 $0x6400, s0  }
.Ltmp9:
0xad: {  	_ = 	snop;
	(pc) =	sbr.rel .LBB2_16-.Ltmp9, $4  }
0xae: {  	_ = 	snop  }
0xaf: {  	s1 =	sshrl.u32 s1, $0x2  }
0xb0: {  	s2 =	sadd.s32 $0x3680, s1;
	s3 =	sadd.s32 $0x4F0, s1  }
0xb1: {  	s31 =	smul.u32 $0x190, s0;
	s0 =	simm.s32 $0x0;
	s1 =	simm.s32 $0x13470;
	v6 =	vmov s3;
	v7 =	vmov s2  }
.LBB2_19:
0xb2: {  	v13 =	vmctz.xlane vm0;
	_ =	sdelay $0x1  }
0xb3: {  	(v2sf) =	vpush v13, $0x0;
	_ =	sdelay $0xe  }
0xb4: {  	v39 =	vmax.f32 v23, v24;
	v25 =	vmax.f32 v21, v22;
	v26 =	vmax.f32 v19, v20;
	s2 =	spop (v2sf)  }
0xb5: {  	v27 =	vmax.f32 v17, v18;
	v28 =	vmax.f32 v15, v16;
	v29 =	vmax.f32 v12, v14;
	p2 =	sgt.s32 s2, $0x1  }
0xb6: {  	v30 =	vmax.f32 v10, v11;
	v31 =	vmax.f32 v8, v9;
	p3 =	sgt.s32 s2, $0x3;
	p4 =	sgt.s32 s2, $0x5;
	p5 =	sgt.s32 s2, $0x9;
	v13 =	vpsel p2, v39, v23  }
0xb7: {  	p6 =	sgt.s32 s2, $0xB;
	v25 =	vpsel p3, v25, v21;
	v26 =	vpsel p4, v26, v19;
	p4 =	sgt.s32 s2, $0x7;
	v28 =	vpsel p5, v28, v15  }
0xb8: {  	v29 =	vpsel p6, v29, v12;
	p5 =	sgt.s32 s2, $0xD;
	p6 =	sgt.s32 s2, $0xF;
	v27 =	vpsel p4, v27, v17;
	v25 =	vmax.f32 v13, v25  }
0xb9: {  	p2 =	sgt.s32 s2, $0x2;
	v30 =	vpsel p5, v30, v10;
	v31 =	vpsel p6, v31, v8;
	v41 =	vmax.f32 v28, v29  }
0xba: {  	p4 =	sgt.s32 s2, $0x6;
	p5 =	sgt.s32 s2, $0xA;
	p6 =	sgt.s32 s2, $0xE;
	v13 =	vpsel p2, v25, v13;
	v40 =	vmax.f32 v26, v27;
	v42 =	vmax.f32 v30, v31  }
0xbb: {  	v43 =	vpsel p5, v41, v28;
	v25 =	vpsel p4, v40, v26;
	v44 =	vpsel p6, v42, v30  }
0xbc: {  	p5 =	sgt.s32 s2, $0x4;
	p6 =	sgt.s32 s2, $0xC;
	v25 =	vmax.f32 v13, v25;
	v27 =	vmax.f32 v43, v44  }
0xbd: {  	v13 =	vpsel p5, v25, v13;
	v45 =	vpsel p6, v27, v43  }
0xbe: {  	p4 =	sgt.s32 s2, $0x8;
	p5 =	slt.s32 s2, $0x2;
	p6 =	slt.s32 s2, $0x4;
	v25 =	vmax.f32 v13, v45  }
0xbf: {  	v46 =	vpsel !p5, $0xFF800000, v24;
	v47 =	vpsel !p6, $0xFF800000, v22;
	p5 =	slt.s32 s2, $0x8;
	p6 =	slt.s32 s2, $0xA;
	v13 =	vpsel p4, v25, v13  }
0xc0: {  	p4 =	slt.s32 s2, $0x6;
	v49 =	vpsel !p5, $0xFF800000, v18;
	v50 =	vpsel !p6, $0xFF800000, v16;
	p5 =	slt.s32 s2, $0xE;
	v53 =	vmax.f32 v23, v46  }
0xc1: {  	p6 =	slt.s32 s2, $0x1;
	v55 =	vmax.f32 v21, v47;
	v48 =	vpsel !p4, $0xFF800000, v20;
	v52 =	vpsel !p5, $0xFF800000, v11  }
0xc2: {  	p4 =	slt.s32 s2, $0xC;
	p5 =	slt.s32 s2, $0x3;
	v23 =	vpsel p6, v53, v46;
	v57 =	vmax.f32 v17, v49;
	v58 =	vmax.f32 v15, v50  }
0xc3: {  	v61 =	vmax.f32 v5, v13;
	v51 =	vpsel !p4, $0xFF800000, v14;
	p4 =	slt.s32 s2, $0x10;
	v21 =	vpsel p5, v55, v47  }
0xc4: {  	s3 =	ssub.s32 s30, s6;
	p6 =	slt.s32 s2, $0x5;
	v56 =	vmax.f32 v19, v48;
	p5 =	slt.s32 s2, $0x9;
	v60 =	vmax.f32 v10, v52;
	v54 =	vpsel !p4, $0xFF800000, v9  }
0xc5: {  	p3 =	slt.s32 s3, $0xC80;
	p4 =	slt.s32 s2, $0x7;
	v19 =	vpsel p6, v56, v48;
	v15 =	vpsel p5, v58, v50;
	v59 =	vmax.f32 v12, v51  }
0xc6: {  	p6 =	slt.s32 s2, $0xB;
	p5 =	slt.s32 s2, $0xF;
	v62 =	vmax.f32 v23, v21;
	v17 =	vpsel p4, v57, v49;
	p4 =	slt.s32 s2, $0xD;
	v8 =	vmax.f32 v8, v54  }
0xc7: {  	s3 =	simm.s32 @!p3 $0xC80;
	v12 =	vpsel p6, v59, v51;
	v10 =	vpsel p4, v60, v52;
	v8 =	vpsel p5, v8, v54  }
0xc8: {  	s30 =	sshll.u32 s3, $0x6;
	p6 =	sgt.s32 s2, $0x0;
	v63 =	vmax.f32 v19, v17;
	v12 =	vmax.f32 v15, v12;
	v8 =	vmax.f32 v10, v8  }
0xc9: {  	s2 =	sshra.s32 s30, $0x2;
	v5 =	vpsel p6, v61, v5;
	v9 =	vmax.f32 v62, v63;
	v8 =	vmax.f32 v12, v8  }
0xca: {  	[tilespmem:s2+$0x6B20] =	vst v5;
	v5 =	vmax.f32 v9, v8  }
.LBB2_21:
0xcb: {  	s2 =	ssub.s32 s8, s6  }
0xcc: {  	s0 =	sadd.s32 $0x400, s0;
	p2 =	slt.s32 s2, $0xC80  }
0xcd: {  	s2 =	simm.s32 @!p2 $0xC80;
	p2 =	sne.s32 s0, $0x6400  }
.Ltmp10:
0xce: {  	_ = 	snop;
	(pc) =	sbr.rel @!p2 .LBB2_22-.Ltmp10, $4  }
0xcf: {  	_ = 	snop  }
0xd0: {  	s2 =	sshll.u32 s2, $0x6  }
0xd1: {  	s2 =	sshra.s32 s2, $0x2  }
0xd2: {  	s31 =	sadd.s32 $0x10, s31;
	s1 =	sadd.s32 $0x10, s1;
	[tilespmem:s2+$0x6B20] =	vst v5  }
.LBB2_16:
0xd3: {  	_ = 	snop  }
0xd4: {  	v8 =	vmov s31  }
0xd5: {  	v8 =	vshll.u32 v8, $0x4  }
0xd6: {  	v8 =	vor.u32 v3, v8  }
0xd7: {  	v8 =	vor.u32 $0x3, v8;
	_ =	sdelay $0x4  }
0xd8: {  	v13 =	vld.idx.msk [tilespmem:v8+s14+$0x0], $0xffff;
	v8 =	vmov s8  }
0xd9: {  	[tilespmem:v4+s21+$0x0] =	vst.idx.msk $0x1, v8  }
0xda: {  	v8 =	vld [tilespmem:s1+$0xFFFFFFFF];
	_ =	sdelay $0x3  }
0xdb: {  	s30 =	smov.u32 s8;
	s8 =	sshra.s32 s0, $0x2;
	[tilespmem:s1+$0x0] =	vst v13  }
0xdc: {  	v9 =	vld.idx.msk [tilespmem:v6+s8+$0xFFFFFF10 ss:$0x1], $0xffff;
	vm0 =	vne.s32 v13, v8  }
0xdd: {  	v10 =	vld.idx.msk [tilespmem:v6+s8+$0xFFFFFF20 ss:$0x1], $0xffff;
	v8 =	vmpcnt.ones.xlane vm0  }
0xde: {  	v11 =	vld.idx.msk [tilespmem:v6+s8+$0xFFFFFF30 ss:$0x1], $0xffff  }
0xdf: {  	(v2sf) =	vpush v8, $0x0;
	v8 =	vld.idx.msk [tilespmem:v6+s8+$0xFFFFFF40 ss:$0x1], $0xffff;
	_ =	sdelay $0x1  }
0xe0: {  	(v2sf) =	vpush v9, $0x2;
	v9 =	vld.idx.msk [tilespmem:v6+s8+$0xFFFFFF50 ss:$0x1], $0xffff  }
0xe1: {  	(v2sf) =	vpush v10, $0x2;
	v10 =	vld.idx.msk [tilespmem:v6+s8+$0xFFFFFF60 ss:$0x1], $0xffff  }
0xe2: {  	(v2sf) =	vpush v11, $0x2;
	v11 =	vld.idx.msk [tilespmem:v6+s8+$0xFFFFFF70 ss:$0x1], $0xffff  }
0xe3: {  	(v2sf) =	vpush v8, $0x2;
	v8 =	vld.idx.msk [tilespmem:v6+s8+$0xFFFFFF80 ss:$0x1], $0xffff;
	_ =	sdelay $0x1  }
0xe4: {  	(v2sf) =	vpush v9, $0x2  }
0xe5: {  	v9 =	vld.idx.msk [tilespmem:v6+s8+$0xFFFFFF90 ss:$0x1], $0xffff;
	(v2sf) =	vpush v10, $0x2  }
0xe6: {  	v10 =	vld.idx.msk [tilespmem:v6+s8+$0xFFFFFFA0 ss:$0x1], $0xffff;
	(v2sf) =	vpush v11, $0x2  }
0xe7: {  	(v2sf) =	vpush v8, $0x2;
	v8 =	vld.idx.msk [tilespmem:v6+s8+$0xFFFFFFB0 ss:$0x1], $0xffff;
	_ =	sdelay $0x1  }
0xe8: {  	v12 =	vld.idx.msk [tilespmem:v6+s8+$0xFFFFFFE0 ss:$0x1], $0xffff  }
0xe9: {  	v16 =	vld.idx.msk [tilespmem:v6+s8+$0xFFFFFFF0 ss:$0x1], $0xffff;
	(v2sf) =	vpush v9, $0x2  }
0xea: {  	v18 =	vld.idx.msk [tilespmem:v6+s8+$0x0 ss:$0x1], $0xffff;
	(v2sf) =	vpush v10, $0x2  }
0xeb: {  	v19 =	vld.idx.msk [tilespmem:v7+s8+$0xFFFFFF90 ss:$0x1], $0xffff;
	s22 =	spop (v2sf);
	(v2sf) =	vpush v8, $0x2  }
0xec: {  	v20 =	vld.idx.msk [tilespmem:v7+s8+$0xFFFFFFA0 ss:$0x1], $0xffff  }
0xed: {  	v9 =	vld.idx.msk [tilespmem:v6+s8+$0xFFFFFFC0 ss:$0x1], $0xffff  }
0xee: {  	v28 =	vld.idx.msk [tilespmem:v7+s8+$0xFFFFFFC0 ss:$0x1], $0xffff  }
0xef: {  	v10 =	vld.idx.msk [tilespmem:v6+s8+$0xFFFFFFD0 ss:$0x1], $0xffff  }
0xf0: {  	v30 =	vld.idx.msk [tilespmem:v7+s8+$0xFFFFFFD0 ss:$0x1], $0xffff;
	s2 =	spop (v2sf)  }
0xf1: {  	v31 =	vld.idx.msk [tilespmem:v7+s8+$0xFFFFFFE0 ss:$0x1], $0xffff;
	s3 =	spop (v2sf)  }
0xf2: {  	v32 =	vld.idx.msk [tilespmem:v7+s8+$0xFFFFFFF0 ss:$0x1], $0xffff;
	(v2sf) =	vpush v9, $0x2;
	s5 =	spop (v2sf)  }
0xf3: {  	v34 =	vld.idx.msk [tilespmem:v7+s8+$0x0 ss:$0x1], $0xffff;
	s9 =	spop (v2sf)  }
0xf4: {  	v35 =	vld.idx.msk [tilespmem:v7+s8+$0x10 ss:$0x1], $0xffff;
	(v2sf) =	vpush v10, $0x2;
	s10 =	spop (v2sf)  }
0xf5: {  	v37 =	vld.idx.msk [tilespmem:v7+s8+$0x20 ss:$0x1], $0xffff;
	s2 =	sshll.u32 s2, $0x6;
	s12 =	spop (v2sf)  }
0xf6: {  	v38 =	vld.idx.msk [tilespmem:v7+s8+$0x30 ss:$0x1], $0xffff;
	s2 =	sshra.s32 s2, $0x2;
	s20 =	sshll.u32 s3, $0x6;
	(v2sf) =	vpush v12, $0x2;
	s16 =	spop (v2sf)  }
0xf7: {  	v8 =	vld [tilespmem:s2+$0x0];
	s2 =	sshra.s32 s20, $0x2;
	s23 =	sshll.u32 s5, $0x6;
	s17 =	spop (v2sf)  }
0xf8: {  	v39 =	vld.idx.msk [tilespmem:v7+s8+$0x40 ss:$0x1], $0xffff;
	s5 =	sshra.s32 s23, $0x2;
	(v2sf) =	vpush v16, $0x2;
	s3 =	sshll.u32 s12, $0x6;
	s23 =	spop (v2sf)  }
0xf9: {  	v11 =	vld [tilespmem:s2+$0x0];
	s15 =	sshra.s32 s3, $0x2;
	s12 =	spop (v2sf)  }
0xfa: {  	v10 =	vld [tilespmem:s15+$0x0];
	s15 =	spop (v2sf);
	(v2sf) =	vpush v18, $0x2  }
0xfb: {  	v16 =	vld.idx.msk [tilespmem:v7+s8+$0xFFFFFF80 ss:$0x1], $0xffff;
	s11 =	sshll.u32 s9, $0x6  }
0xfc: {  	v9 =	vld [tilespmem:s5+$0x0];
	s2 =	sshra.s32 s11, $0x2;
	s5 =	sshll.u32 s10, $0x6  }
0xfd: {  	v14 =	vld [tilespmem:s2+$0x0];
	s13 =	sshra.s32 s5, $0x2;
	s19 =	sshll.u32 s16, $0x6  }
0xfe: {  	v15 =	vld [tilespmem:s13+$0x0];
	s2 =	sshra.s32 s19, $0x2;
	s13 =	sshll.u32 s12, $0x6  }
0xff: {  	v17 =	vld [tilespmem:s2+$0x0];
	s2 =	sshra.s32 s13, $0x2  }
0x100: {  	v26 =	vld [tilespmem:s2+$0x0];
	s2 =	sshll.u32 s15, $0x6  }
0x101: {  	v41 =	vld.idx.msk [tilespmem:v7+s8+$0x50 ss:$0x1], $0xffff;
	s16 =	spop (v2sf);
	s2 =	sshra.s32 s2, $0x2  }
0x102: {  	s20 =	sshll.u32 s17, $0x6;
	(v2sf) =	vpush v13, $0xF;
	v27 =	vld [tilespmem:s2+$0x0];
	s2 =	sshll.u32 s16, $0x6  }
0x103: {  	v23 =	vmul.f32 v8, v16;
	v8 =	vld.idx.msk [tilespmem:v7+s8+$0x60 ss:$0x1], $0xffff;
	s10 =	sshll.u32 s23, $0x6;
	s17 =	spop (v2sf);
	s2 =	sshra.s32 s2, $0x2  }
0x104: {  	s11 =	sshra.s32 s10, $0x2;
	v29 =	vld [tilespmem:s2+$0x0];
	s2 =	sshll.u32 s17, $0x6  }
0x105: {  	v25 =	vld [tilespmem:s11+$0x0];
	s19 =	spop (v2sf);
	s2 =	sshra.s32 s2, $0x2  }
0x106: {  	v33 =	vld [tilespmem:s2+$0x0];
	s2 =	sshll.u32 s19, $0x6  }
0x107: {  	s9 =	sshra.s32 s20, $0x2;
	v18 =	vld.idx.msk [tilespmem:v7+s8+$0xFFFFFFB0 ss:$0x1], $0xffff;
	s20 =	spop (v2sf);
	s2 =	sshra.s32 s2, $0x2  }
0x108: {  	v36 =	vld [tilespmem:s2+$0x0];
	s2 =	sshll.u32 s20, $0x6  }
0x109: {  	v12 =	vld [tilespmem:s9+$0x0];
	s2 =	sshra.s32 s2, $0x2;
	s23 =	spop (v2sf)  }
0x10a: {  	v24 =	vmul.f32 v11, v19;
	v40 =	vld [tilespmem:s2+$0x0];
	s2 =	sshll.u32 s23, $0x6  }
0x10b: {  	v21 =	vmul.f32 v9, v20;
	v9 =	vld.idx.msk [tilespmem:v7+s8+$0x70 ss:$0x1], $0xffff;
	v19 =	vmul.f32 v15, v28;
	s2 =	sshra.s32 s2, $0x2  }
0x10c: {  	p2 =	seq.s32 s22, $0x1;
	v20 =	vmul.f32 v10, v30;
	v17 =	vmul.f32 v17, v31;
	v63 =	vld [tilespmem:s2+$0x0]  }
.Ltmp11:
0x10d: {  	v15 =	vmul.f32 v25, v34;
	v22 =	vmul.f32 v14, v18;
	(pc) =	sbr.rel @p2 .LBB2_19-.Ltmp11, $4  }
0x10e: {  	v18 =	vmul.f32 v12, v32;
	v16 =	vmul.f32 v26, v35  }
0x10f: {  	v12 =	vmul.f32 v27, v37;
	v14 =	vmul.f32 v29, v38  }
0x110: {  	v10 =	vmul.f32 v33, v39;
	v11 =	vmul.f32 v36, v41  }
0x111: {  	v8 =	vmul.f32 v40, v8;
	s8 =	spop (v2sf);
	v9 =	vmul.f32 v63, v9  }
0x112: {  	p2 =	sne.s32 s22, $0x0  }
.Ltmp12:
0x113: {  	_ = 	snop;
	(pc) =	sbr.rel @p2 .LBB2_20-.Ltmp12, $1  }
0x114: {  	_ =	sdelay $0x3  }
0x115: {  	v13 =	vmax.f32 v23, v24;
	v21 =	vmax.f32 v21, v22;
	v19 =	vmax.f32 v19, v20  }
0x116: {  	v17 =	vmax.f32 v17, v18;
	v15 =	vmax.f32 v15, v16;
	v12 =	vmax.f32 v12, v14  }
.Ltmp13:
0x117: {  	v10 =	vmax.f32 v10, v11;
	v8 =	vmax.f32 v8, v9;
	v62 =	vmax.f32 v13, v21;
	(pc) =	sbr.rel .LBB2_21-.Ltmp13, $4  }
0x118: {  	v63 =	vmax.f32 v19, v17;
	v12 =	vmax.f32 v15, v12;
	v8 =	vmax.f32 v10, v8  }
0x119: {  	v9 =	vmax.f32 v62, v63;
	v8 =	vmax.f32 v12, v8  }
0x11a: {  	v8 =	vmax.f32 v9, v8  }
0x11b: {  	v5 =	vmax.f32 v5, v8  }
.LBB2_20:
0x11c: {  	(v2sf) =	vpush v13, $0x0  }
0x11d: {  	(v2sf) =	vpush v13, $0x1  }
0x11e: {  	(v2sf) =	vpush v13, $0x2  }
0x11f: {  	(v2sf) =	vpush v13, $0x3;
	_ =	sdelay $0x1  }
0x120: {  	(v2sf) =	vpush v13, $0x4;
	_ =	sdelay $0x1  }
0x121: {  	(v2sf) =	vpush v13, $0x5;
	_ =	sdelay $0x1  }
0x122: {  	(v2sf) =	vpush v13, $0x6  }
0x123: {  	(v2sf) =	vpush v13, $0x7  }
0x124: {  	(v2sf) =	vpush v13, $0x8  }
0x125: {  	(v2sf) =	vpush v13, $0x9  }
0x126: {  	(v2sf) =	vpush v13, $0xA  }
0x127: {  	(v2sf) =	vpush v13, $0xB  }
0x128: {  	(v2sf) =	vpush v13, $0xC;
	s16 =	spop (v2sf)  }
0x129: {  	(v2sf) =	vpush v13, $0xD;
	s17 =	spop (v2sf);
	s11 =	ssub.s32 s16, s6;
	p3 =	seq.s32 s16, s30  }
0x12a: {  	v5 =	vmax.f32 v5, v23;
	s19 =	spop (v2sf);
	p2 =	slt.s32 s11, $0xC80;
	s30 =	ssub.s32 s17, s6  }
0x12b: {  	v5 =	vpsel p3, v5, v23;
	p3 =	seq.s32 s17, s16;
	s20 =	spop (v2sf);
	s11 =	simm.s32 @!p2 $0xC80  }
0x12c: {  	p2 =	slt.s32 s30, $0xC80;
	s16 =	ssub.s32 s19, s6;
	p4 =	seq.s32 s19, s17  }
0x12d: {  	v23 =	vmax.f32 v5, v24;
	s23 =	spop (v2sf);
	s11 =	sshll.u32 s11, $0x6;
	s30 =	simm.s32 @!p2 $0xC80  }
0x12e: {  	v23 =	vpsel p3, v23, v24;
	p3 =	slt.s32 s16, $0xC80;
	s17 =	ssub.s32 s20, s6;
	p5 =	seq.s32 s20, s19  }
0x12f: {  	s15 =	spop (v2sf);
	s11 =	sshra.s32 s11, $0x2;
	s30 =	sshll.u32 s30, $0x6  }
0x130: {  	s16 =	simm.s32 @!p3 $0xC80;
	p3 =	slt.s32 s17, $0xC80;
	p6 =	seq.s32 s23, s20  }
0x131: {  	s19 =	ssub.s32 s23, s6;
	s12 =	spop (v2sf);
	s13 =	sshra.s32 s30, $0x2  }
0x132: {  	v24 =	vmax.f32 v23, v21;
	s16 =	sshll.u32 s16, $0x6;
	s17 =	simm.s32 @!p3 $0xC80;
	s3 =	spop (v2sf)  }
0x133: {  	v21 =	vpsel p4, v24, v21;
	s20 =	ssub.s32 s15, s6;
	p3 =	slt.s32 s19, $0xC80;
	s10 =	spop (v2sf)  }
0x134: {  	s16 =	sshra.s32 s16, $0x2;
	v24 =	vmax.f32 v21, v22;
	s17 =	sshll.u32 s17, $0x6;
	s9 =	spop (v2sf)  }
0x135: {  	p4 =	slt.s32 s20, $0xC80;
	s19 =	simm.s32 @!p3 $0xC80;
	v22 =	vpsel p5, v24, v22;
	s5 =	spop (v2sf)  }
0x136: {  	s17 =	sshra.s32 s17, $0x2;
	p5 =	seq.s32 s15, s23;
	v24 =	vmax.f32 v22, v19;
	s2 =	spop (v2sf)  }
0x137: {  	s20 =	simm.s32 @!p4 $0xC80;
	s19 =	sshll.u32 s19, $0x6;
	v19 =	vpsel p6, v24, v19;
	s22 =	spop (v2sf)  }
0x138: {  	p4 =	seq.s32 s3, s12;
	s20 =	sshll.u32 s20, $0x6;
	v24 =	vmax.f32 v19, v20;
	s23 =	spop (v2sf);
	(v2sf) =	vpush v13, $0xE  }
0x139: {  	s19 =	sshra.s32 s19, $0x2;
	p6 =	seq.s32 s12, s15;
	s15 =	ssub.s32 s12, s6;
	v62 =	vpsel p5, v24, v20  }
0x13a: {  	s20 =	sshra.s32 s20, $0x2;
	s12 =	ssub.s32 s3, s6;
	p2 =	slt.s32 s15, $0xC80;
	v20 =	vmax.f32 v62, v17  }
0x13b: {  	p3 =	slt.s32 s12, $0xC80;
	s15 =	simm.s32 @!p2 $0xC80;
	p5 =	seq.s32 s10, s3;
	v17 =	vpsel p6, v20, v17  }
0x13c: {  	s3 =	ssub.s32 s10, s6;
	s12 =	simm.s32 @!p3 $0xC80;
	s15 =	sshll.u32 s15, $0x6;
	v20 =	vmax.f32 v17, v18  }
0x13d: {  	[tilespmem:s11+$0x6B20] =	vst v5;
	p2 =	slt.s32 s3, $0xC80;
	s12 =	sshll.u32 s12, $0x6;
	s15 =	sshra.s32 s15, $0x2;
	v18 =	vpsel p4, v20, v18  }
0x13e: {  	[tilespmem:s13+$0x6B20] =	vst v23;
	s3 =	simm.s32 @!p2 $0xC80;
	p6 =	seq.s32 s9, s10;
	s10 =	ssub.s32 s9, s6;
	v20 =	vmax.f32 v18, v15  }
0x13f: {  	[tilespmem:s16+$0x6B20] =	vst v21;
	s11 =	sshra.s32 s12, $0x2;
	s3 =	sshll.u32 s3, $0x6;
	p3 =	slt.s32 s10, $0xC80;
	v5 =	vpsel p5, v20, v15  }
0x140: {  	[tilespmem:s17+$0x6B20] =	vst v22;
	s10 =	simm.s32 @!p3 $0xC80;
	p4 =	seq.s32 s5, s9;
	s9 =	ssub.s32 s5, s6;
	v15 =	vmax.f32 v5, v16  }
0x141: {  	[tilespmem:s19+$0x6B20] =	vst v19;
	s3 =	sshra.s32 s3, $0x2;
	s10 =	sshll.u32 s10, $0x6;
	p3 =	slt.s32 s9, $0xC80;
	v15 =	vpsel p6, v15, v16  }
0x142: {  	[tilespmem:s20+$0x6B20] =	vst v62;
	p5 =	seq.s32 s2, s5;
	s5 =	ssub.s32 s2, s6;
	s9 =	simm.s32 @!p3 $0xC80;
	v16 =	vmax.f32 v15, v12  }
0x143: {  	[tilespmem:s15+$0x6B20] =	vst v17;
	s10 =	sshra.s32 s10, $0x2;
	p2 =	slt.s32 s5, $0xC80;
	s9 =	sshll.u32 s9, $0x6;
	v12 =	vpsel p4, v16, v12  }
0x144: {  	[tilespmem:s11+$0x6B20] =	vst v18;
	s5 =	simm.s32 @!p2 $0xC80;
	p6 =	seq.s32 s22, s2;
	s2 =	ssub.s32 s22, s6;
	v63 =	vmax.f32 v12, v14  }
0x145: {  	[tilespmem:s3+$0x6B20] =	vst v5;
	s3 =	ssub.s32 s23, s6;
	s5 =	sshll.u32 s5, $0x6;
	p3 =	slt.s32 s2, $0xC80;
	v13 =	vpsel p5, v63, v14  }
0x146: {  	s9 =	sshra.s32 s9, $0x2;
	s5 =	sshra.s32 s5, $0x2;
	s2 =	simm.s32 @!p3 $0xC80;
	v14 =	vmax.f32 v13, v10  }
0x147: {  	p4 =	seq.s32 s23, s22;
	p3 =	slt.s32 s3, $0xC80;
	v5 =	vpsel p6, v14, v10;
	s20 =	spop (v2sf)  }
0x148: {  	[tilespmem:s10+$0x6B20] =	vst v15;
	s2 =	sshll.u32 s2, $0x6;
	s3 =	simm.s32 @!p3 $0xC80;
	v10 =	vmax.f32 v5, v11;
	s10 =	ssub.s32 s20, s6  }
.Ltmp14:
0x149: {  	[tilespmem:s9+$0x6B20] =	vst v12;
	s2 =	sshra.s32 s2, $0x2;
	v10 =	vpsel p4, v10, v11;
	p2 =	slt.s32 s10, $0xC80;
	(pc) =	sbr.rel .LBB2_21-.Ltmp14, $4  }
0x14a: {  	s3 =	sshll.u32 s3, $0x6;
	[tilespmem:s5+$0x6B20] =	vst v13;
	v11 =	vmax.f32 v10, v8;
	p5 =	seq.s32 s20, s23;
	s10 =	simm.s32 @!p2 $0xC80  }
0x14b: {  	s22 =	sshra.s32 s3, $0x2;
	[tilespmem:s2+$0x6B20] =	vst v5;
	v5 =	vpsel p5, v11, v8;
	s23 =	sshll.u32 s10, $0x6  }
0x14c: {  	[tilespmem:s22+$0x6B20] =	vst v10;
	p6 =	seq.s32 s8, s20;
	v8 =	vmax.f32 v5, v9;
	s30 =	sshra.s32 s23, $0x2  }
0x14d: {  	[tilespmem:s30+$0x6B20] =	vst v5;
	v5 =	vpsel p6, v8, v9  }
.LBB2_23:
0x14e: {  	s0 =	simm.s32 $0x0;
	s1 =	simm.s32 $0x40;
	s5 =	simm.s32 $0x0  }
.LBB2_24:
0x14f: {  	p0 =	sne.s32 s1, $0x18FC0;
	v5 =	vld [tilespmem:s0+$0x6B20];
	_ =	sdelay $0x3  }
.Ltmp15:
0x150: {  	(pc) =	sbr.rel @p0 .LBB2_24-.Ltmp15, $4  }
0x151: {  	v6 =	vand.u32 $0x7FFFFFFF, v5  }
0x152: {  	vm0 =	vle.f32 v6, $3.000000010e+38  }
0x153: {  	v5 =	vnsel vm0, $0x0, v5  }
0x154: {  	[tilespmem:s0+$0x6B20] =	vst v5;
	s0 =	sshra.s32 s1, $0x2;
	s1 =	sadd.s32 $0x40, s1  }
0x155: {  	v5 =	vld [tilespmem:s0+$0x6B20];
	_ =	sdelay $0x4  }
0x156: {  	v6 =	vand.u32 $0x7FFFFFFF, v5  }
0x157: {  	vm0 =	vle.f32 v6, $3.000000010e+38  }
0x158: {  	v5 =	vnsel vm0, $0x0, v5  }
0x159: {  	s30 =	rddreg [dreg:$0x5];
	s1 =	simm.s32 $0x6B20;
	[tilespmem:s0+$0x6B20] =	vst v5  }
0x15a: {  	[hbm4b:s30+s5] =	stream.linear.scatter [tilespmem:s1], [sflag:$0x5], $0x6400, $0x38;
	[tilespmem:$0x13600] =	vst v63  }
0x15b: {  	s1 =	simm.s32 $0x5  }
0x15c: {  	_ =	swait.ge [sflag:s1], $0x6400  }
0x15d: {  	s2 =	rddreg [dreg:$0x7]  }
0x15e: {  	s31 =	rddreg [dreg:$0x6];
	s2 =	sadd.s32 $0x1, s2  }
0x15f: {  	p0 =	sne.s32 s2, s31  }
.Ltmp16:
0x160: {  	_ = 	snop;
	(pc) =	sbr.rel @p0 .LBB2_1-.Ltmp16, $3  }
0x161: {  	_ =	sdelay $0x1  }
0x162: {  	[sflag:s1] =	ssyncset.done $0x0  }
0x163: {  	[sflag:s1] =	ssyncadd.s32 $0xFFFF9C00  }
0x164: {  	_ =	sfence.sel $0x180000  }
0x165: {  	[bflag:$0x0] =	sbarrier.arrive $0xFFFF  }
0x166: {  	_ =	strace $0x90000050  }
0x167: {  	s0 =	stileid.u32;
	[bflag:$0x2] =	sbarrier.arrive $0xFFFF  }
0x168: {  	p0 =	sne.s32 s0, $0x0;
	s0 =	rddreg [dreg:$0x2]  }
0x169: {  	s0 =	sadd.s32 @!p0 $0x100000, s0  }
0x16a: {  	[sflag:s0] =	ssyncadd.tile.s32 @!p0 $0x1;
	_ =	shalt  }
.Lfunc_end2:
_tile_overlayer_lowered:
.L_overlay_start_2:
0x16b: {  	(tag) =	ssettag $0x2  }
0x16c: {  	s0 =	rddreg [dreg:$0x0];
	s2 =	stileid.u32  }
0x16d: {  	s1 =	rddreg [dreg:$0x1];
	p0 =	sne.s32 s2, $0x0  }
0x16e: {  	s3 =	rddreg [dreg:$0x2];
	[bflag:$0x3] =	sbarrier.arrive $0xFFFF;
	s2 =	simm.s32 @!p0 $0x1C05  }
0x16f: {  	[timem:s3], [sflag:s2] =	dma.local @!p0 [hbm:s0], s1  }
0x170: {  	s0 =	simm.s32 @!p0 $0x5  }
0x171: {  	_ =	swait.ge @!p0 [sflag:s0], s1  }
0x172: {  	s1 =	ssub.s32 @!p0 $0x0, s1;
	[sflag:s0] =	ssyncset.done @!p0 $0x0  }
0x173: {  	[sflag:s0] =	ssyncadd.s32 @!p0 s1  }
0x174: {  	[bflag:$0x3] =	sbarrier.arrive $0xFFFF  }
0x175: {  	_ =	shalt  }

// kernel: kernel.9.cloned.1.call-start
scs
__scs_entry_jumppad:
0x0: {  	(pc) =	sbr.rel $0x88, $3  }
0x1: {  	(tag) =	ssettag $0x0;
	lr =	simm.s32 $0x1  }
0x2: {  	[smem:$0x3F92] =	sst lr;
	_ =	strace $0xD0000000  }
0x3: {  	_ = 	snop  }
0x4: {  	_ = 	snop  }
0x5: {  	_ = 	snop  }
0x6: {  	_ = 	snop  }
0x7: {  	_ = 	snop  }
__scs_overlays_trampoline_lowered:
0x8: {  	[smem:$0x3FA1] =	sst s0  }
0x9: {  	[smem:$0x3FA2] =	sst s1  }
0xa: {  	[smem:$0x3FA3] =	sst s2  }
0xb: {  	[smem:$0x3FA4] =	sst s3  }
0xc: {  	[smem:$0x3FA5] =	sst s4  }
0xd: {  	[smem:$0x3FA6] =	sst s5  }
0xe: {  	[smem:$0x3FA7] =	sst s6  }
0xf: {  	[smem:$0x3FA8] =	sst s7  }
0x10: {  	[smem:$0x3FA9] =	sst s8  }
0x11: {  	[smem:$0x3FAA] =	sst s9;
	s0 =	simm.s32 @!p0 $0x0  }
0x12: {  	s1 =	sld [smem:$0x3F90];
	s0 =	simm.s32 @p0 $0x1  }
0x13: {  	[smem:$0x3FAB] =	sst s0;
	s0 =	simm.s32 @!p1 $0x0  }
0x14: {  	s2 =	sld [smem:$0x3F8F];
	s0 =	simm.s32 @p1 $0x1  }
0x15: {  	[smem:$0x3FAC] =	sst s0;
	s0 =	simm.s32 @!p2 $0x0  }
0x16: {  	s3 =	sld [smem:$0x3FDB];
	s0 =	simm.s32 @p2 $0x1  }
0x17: {  	s4 =	simm.s32 $0x1BF5;
	[smem:$0x3FAE] =	sst s0  }
0x18: {  	s0 =	sld [smem:$0x3F91];
	_ =	swait.ge [sflag:s4], $0x0  }
0x19: {  	s7 =	sld [smem:$0x3F92]  }
0x1a: {  	s8 =	sadd.s32 $0xFFFFE003, lr  }
0x1b: {  	s9 =	sadd.s32 $0xFFFFFEF7, lr;
	s5 =	simm.s32 $0xFFFFFFFF;
	p2 =	slt.u32 s8, $0xFFFFF086  }
0x1c: {  	p1 =	slt.u32 s9, $0xF7A;
	s5 =	simm.s32 @!p2 $0x0  }
0x1d: {  	s5 =	simm.s32 @p1 $0x1;
	p0 =	seq.s32 s7, s2  }
0x1e: {  	s7 =	smul.u32 @!p0 $0xF7A, s2;
	p2 =	seq.s32 @!p0 s5, $0x0  }
0x1f: {  	s9 =	smul.u32 $0xF7A, s1;
	s8 =	simm.s32 @!p0 $0x1BF5;
	p2 =	por !p2, p0  }
0x20: {  	[sflag:s8] =	ssyncset.s32 @!p0 $0xFFFFF086;
	s6 =	sadd.s32 @!p0 s3, s7;
	s7 =	simm.s32 @!p0 $0x108  }
0x21: {  	s3 =	sadd.s32 s3, s9;
	s6 =	sadd.s32 @!p0 $0x88, s6;
	s7 =	simm.s32 @p2 $0x1082  }
0x22: {  	[simem:s7], [sflag:s8] =	dma.local @!p0 [hbm:s6], $0xF7A  }
0x23: {  	s9 =	sor.u32 $0xD0000000, s2;
	s6 =	simm.s32 $0x108;
	_ =	swait.ge @!p0 [sflag:s8], $0x0  }
0x24: {  	s3 =	sadd.s32 $0x88, s3;
	s6 =	simm.s32 @!p1 $0x1082;
	[sflag:s4] =	ssyncset.s32 $0xFFFFF086  }
0x25: {  	[simem:s6], [sflag:s4] =	dma.local [hbm:s3], $0xF7A  }
0x26: {  	[smem:$0x3F92] =	sst s1;
	(tag) =	ssettag s2;
	_ =	strace s9  }
0x27: {  	s1 =	sld [smem:$0x3FA2]  }
0x28: {  	s2 =	sld [smem:$0x3FA3]  }
0x29: {  	s4 =	sld [smem:$0x3FA5]  }
0x2a: {  	p0 =	seq.s32 s5, $0x0;
	s5 =	sld [smem:$0x3FA6]  }
0x2b: {  	s6 =	sld [smem:$0x3FA7]  }
0x2c: {  	s7 =	sld [smem:$0x3FA8]  }
0x2d: {  	s3 =	simm.s32 $0x108;
	s8 =	sld [smem:$0x3FA9]  }
0x2e: {  	s3 =	simm.s32 @!p0 $0x1082;
	s9 =	sld [smem:$0x3FAA]  }
0x2f: {  	lr =	sadd.s32 s0, s3;
	s0 =	sld [smem:$0x3FA1]  }
0x30: {  	s3 =	sld [smem:$0x3FA4]  }
0x31: {  	[smem:$0x3FAD] =	sst s10  }
0x32: {  	s10 =	sld [smem:$0x3FAB];
	_ =	sdelay $0x3  }
0x33: {  	p0 =	seq.s32 s10, $0x1;
	s10 =	sld [smem:$0x3FAD];
	_ =	sdelay $0x3  }
0x34: {  	[smem:$0x3FAD] =	sst s10  }
0x35: {  	s10 =	sld [smem:$0x3FAC];
	_ =	sdelay $0x3  }
0x36: {  	p1 =	seq.s32 s10, $0x1;
	s10 =	sld [smem:$0x3FAD];
	_ =	sdelay $0x3  }
0x37: {  	[smem:$0x3FAD] =	sst s10  }
0x38: {  	s10 =	sld [smem:$0x3FAE]  }
0x39: {  	_ = 	snop;
	(pc) =	sbr.ind lr, $3  }
0x3a: {  	_ = 	snop  }
0x3b: {  	_ = 	snop  }
0x3c: {  	p2 =	seq.s32 s10, $0x1;
	s10 =	sld [smem:$0x3FAD]  }
0x3d: {  	_ =	shalt  }
0x3e: {  	_ =	shalt  }
0x3f: {  	_ =	shalt  }
0x40: {  	_ =	shalt  }
0x41: {  	_ =	shalt  }
0x42: {  	_ =	shalt  }
0x43: {  	_ =	shalt  }
0x44: {  	_ =	shalt  }
0x45: {  	_ =	shalt  }
0x46: {  	_ =	shalt  }
0x47: {  	_ =	shalt  }
0x48: {  	_ =	shalt  }
0x49: {  	_ =	shalt  }
0x4a: {  	_ =	shalt  }
0x4b: {  	_ =	shalt  }
0x4c: {  	_ =	shalt  }
0x4d: {  	_ =	shalt  }
0x4e: {  	_ =	shalt  }
0x4f: {  	_ =	shalt  }
0x50: {  	_ =	shalt  }
0x51: {  	_ =	shalt  }
0x52: {  	_ =	shalt  }
0x53: {  	_ =	shalt  }
0x54: {  	_ =	shalt  }
0x55: {  	_ =	shalt  }
0x56: {  	_ =	shalt  }
0x57: {  	_ =	shalt  }
0x58: {  	_ =	shalt  }
0x59: {  	_ =	shalt  }
0x5a: {  	_ =	shalt  }
0x5b: {  	_ =	shalt  }
0x5c: {  	_ =	shalt  }
0x5d: {  	_ =	shalt  }
0x5e: {  	_ =	shalt  }
0x5f: {  	_ =	shalt  }
0x60: {  	_ =	shalt  }
0x61: {  	_ =	shalt  }
0x62: {  	_ =	shalt  }
0x63: {  	_ =	shalt  }
0x64: {  	_ =	shalt  }
0x65: {  	_ =	shalt  }
0x66: {  	_ =	shalt  }
0x67: {  	_ =	shalt  }
0x68: {  	_ =	shalt  }
0x69: {  	_ =	shalt  }
0x6a: {  	_ =	shalt  }
0x6b: {  	_ =	shalt  }
0x6c: {  	_ =	shalt  }
0x6d: {  	_ =	shalt  }
0x6e: {  	_ =	shalt  }
0x6f: {  	_ =	shalt  }
0x70: {  	_ =	shalt  }
0x71: {  	_ =	shalt  }
0x72: {  	_ =	shalt  }
0x73: {  	_ =	shalt  }
0x74: {  	_ =	shalt  }
0x75: {  	_ =	shalt  }
0x76: {  	_ =	shalt  }
0x77: {  	_ =	shalt  }
0x78: {  	_ =	shalt  }
0x79: {  	_ =	shalt  }
0x7a: {  	_ =	shalt  }
0x7b: {  	_ =	shalt  }
0x7c: {  	_ =	shalt  }
0x7d: {  	_ =	shalt  }
0x7e: {  	_ =	shalt  }
0x7f: {  	_ =	shalt  }
0x80: {  	_ =	shalt  }
0x81: {  	_ =	shalt  }
0x82: {  	_ =	shalt  }
0x83: {  	_ =	shalt  }
0x84: {  	_ =	shalt  }
0x85: {  	_ =	shalt  }
0x86: {  	_ =	shalt  }
0x87: {  	_ =	shalt  }
.Lfunc_end0:
.L_simem_size_0:
called_computation_lowered:
.L_overlay_start_0:
0x88: {  	s2 =	sld [smem:$0x3FD9]  }
0x89: {  	s3 =	sld [smem:$0x3FFE];
	_ =	sdelay $0x1  }
0x8a: {  	s1 =	srdreg.scid  }
0x8b: {  	s0 =	sand.u32 $0x1, s1  }
0x8c: {  	s16 =	sshll.u32 s0, $0xA;
	s2 =	sadd.s32 s3, s2  }
0x8d: {  	s2 =	sadd.s32 s2, s16  }
0x8e: {  	[smem:$0x3FB9] =	sst s2  }
0x8f: {  	_ = 	snop  }
0x90: {  	(tm) =	ssettm $0x1  }
0x91: {  	s17 =	sld [smem:$0x3FFB];
	_ =	sdelay $0x3  }
0x92: {  	_ =	strace s17  }
0x93: {  	s2 =	sld [smem:$0x3FFC];
	_ =	sdelay $0x3  }
0x94: {  	_ =	strace s2  }
0x95: {  	s2 =	sld [smem:$0x3FFD];
	_ =	sdelay $0x3  }
0x96: {  	_ =	strace s2  }
0x97: {  	_ =	strace $0x8FFFFFFF  }
0x98: {  	s18 =	sld [smem:$0x3FDB];
	_ =	sdelay $0x1  }
0x99: {  	s19 =	simm.s32 $_scs_section_size  }
0x9a: {  	s4 =	simm.s32 $_size__tile_overlayer_lowered;
	s5 =	simm.s32 $_tile_overlayer_lowered  }
0x9b: {  	s22 =	simm.s32 $0x1BFF;
	s21 =	sshll.u32 s5, $0x1;
	s2 =	sadd.s32 s19, s18  }
0x9c: {  	s6 =	simm.s32 $0x0;
	s20 =	sshll.u32 s4, $0x1;
	s4 =	sadd.s32 s21, s2  }
0x9d: {  	[timem:s6], [sflag:s22] =	dma.local [hbm:s4], s20  }
0x9e: {  	_ =	swait.ge [sflag:s22], s20  }
0x9f: {  	s3 =	ssub.s32 $0x0, s20;
	[sflag:s22] =	ssyncset.done $0x0  }
0xa0: {  	[sflag:s22] =	ssyncadd.s32 s3;
	_ =	sdelay $0x1  }
0xa1: {  	s23 =	simm.s32 $0x1B8B  }
0xa2: {  	_ =	swait.ge [sflag:s23], $0x1  }
0xa3: {  	[sflag:s23] =	ssyncset.done $0x0  }
0xa4: {  	s25 =	simm.s32 $0x1B8E;
	s24 =	sld [smem:$0x3FFE];
	[sflag:s23] =	ssyncadd.s32 $0xFFFFFFFF  }
0xa5: {  	s26 =	simm.s32 $execute0_lowered;
	[smem:$0x3FD2] =	sst s25  }
0xa6: {  	s4 =	sshll.u32 s26, $0x1;
	_ =	strace $0x80000046;
	[dreg:$0x1] =	wrdreg $0xFFFFFFFF  }
0xa7: {  	s28 =	simm.s32 $_size_execute0_lowered;
	s2 =	sadd.s32 s2, s4;
	[dreg:$0x0] =	wrdreg $0x0  }
0xa8: {  	s4 =	sshll.u32 s28, $0x1;
	[dreg:$0x2] =	wrdreg s2  }
0xa9: {  	[dreg:$0x3] =	wrdreg s4  }
0xaa: {  	[dreg:$0x4] =	wrdreg $0xC0  }
0xab: {  	_ =	task [dreg:s6], $0x5FFFF  }
0xac: {  	[dreg:$0x1] =	wrdreg $0xFFFFFFFF  }
0xad: {  	[dreg:$0x0] =	wrdreg $0x60  }
0xae: {  	[dreg:$0x2] =	wrdreg s24  }
0xaf: {  	[dreg:$0x3] =	wrdreg $0x9  }
0xb0: {  	_ =	task.clear_ibuf [dreg:s6], $0x4FFFF;
	_ =	strace $0x90000046  }
0xb1: {  	s29 =	simm.s32 $0x9;
	_ =	strace $0x80000048  }
0xb2: {  	_ =	swait.ge [sflag:s29], $0x1  }
0xb3: {  	[sflag:s29] =	ssyncadd.s32 $0xFFFFFFFF  }
0xb4: {  	_ =	strace $0x90000048  }
0xb5: {  	_ =	sfence  }
0xb6: {  	s30 =	sld [smem:$0x0];
	_ =	sdelay $0x2  }
0xb7: {  	s31 =	sshll.u32 s1, $0xD;
	s1 =	sshrl.u32 s1, $0x2  }
0xb8: {  	s3 =	sand.u32 $0x4000, s31;
	s1 =	sadd.s32 s1, s30  }
0xb9: {  	s0 =	sor.u32 s3, s0;
	s1 =	sshll.u32 s1, $0x11  }
0xba: {  	s0 =	sor.u32 s1, s0  }
0xbb: {  	s0 =	sadd.s32 $0x8F2B, s0  }
0xbc: {  	[sflag:s0] =	ssyncadd.remote.s32 $0x1  }
0xbd: {  	_ =	sfence.sel $0xFFFF  }
0xbe: {  	[dreg:$0x0] =	wrdreg $0xFFFFFFFF;
	(pc) =	sbr.abs _section_cstart, $3  }
0xbf: {  	[dreg:$0x1] =	wrdreg $0xFFFFFFFF  }
0xc0: {  	_ =	task.clear_ibuf [dreg:s6], $0x2FFFF;
	_ =	strace $0x9FFFFFFF  }
0xc1: {  	(tm) =	ssettm $0x7FFFFFFF  }
tec
execute0_lowered:
.L_overlay_start_1:
0x0: {  	(tag) =	ssettag $0x1  }
0x1: {  	s1 =	srdreg.scid  }
0x2: {  	s0 =	stileid.u32;
	s5 =	rddreg [dreg:$0x0]  }
0x3: {  	s2 =	simm.s32 $0x0;
	s3 =	sand.u32 $0x1, s1;
	s30 =	sshll.u32 s0, $0x1  }
0x4: {  	s9 =	simm.s32 $0x3;
	s10 =	simm.s32 $0x0;
	s4 =	sor.u32 s3, s30  }
0x5: {  	s1 =	rddreg [dreg:$0x1];
	s7 =	ssub.s32 $0x2, s3;
	s6 =	smul.u32 $0x1900, s4  }
0x6: {  	[smem:$0x7FF] =	sst s2;
	s3 =	smul.u32 $0xC350, s4;
	s8 =	sshrl.u32 s7, $0x1  }
0x7: {  	_ =	strace $0x80000047;
	s4 =	sadd.s32 $0x800, s5;
	s7 =	ssub.s32 s7, s8  }
0x8: {  	s8 =	simm.s32 $0xC800;
	s6 =	sadd.s32 s6, s5;
	s31 =	sshrl.u32 s3, $0x3  }
0x9: {  	v0 =	vimm.s32 $0x0;
	s7 =	smax.u32 s7, $0x1;
	s5 =	sadd.s32 s4, s31;
	s6 =	sadd.s32 $0x62400, s6  }
.LBB2_1:
0xa: {  	s12 =	simm.s32 $0x100;
	s11 =	simm.s32 $0x0  }
.LBB2_2:
0xb: {  	p0 =	sne.s32 s12, $0x31F00;
	[tilespmem:s11+$0x30] =	vst v0;
	s13 =	smov.u32 s12;
	s12 =	sadd.s32 $0x100, s12  }
.Ltmp0:
0xc: {  	[tilespmem:s11+$0x20] =	vst v0;
	(pc) =	sbr.rel @p0 .LBB2_2-.Ltmp0, $3  }
0xd: {  	[tilespmem:s11+$0x0] =	vst v0  }
0xe: {  	[tilespmem:s11+$0x10] =	vst v0;
	_ =	sdelay $0x1  }
0xf: {  	s11 =	sshra.s32 s13, $0x2  }
0x10: {  	[tilespmem:s11+$0x30] =	vst v0  }
0x11: {  	[tilespmem:s11+$0x20] =	vst v0  }
0x12: {  	[tilespmem:s11+$0x0] =	vst v0  }
0x13: {  	[tilespmem:s11+$0x10] =	vst v0;
	s11 =	simm.s32 $0x0;
	p0 =	por $0x0, $0x0  }
0x14: {  	[tilespmem:s8], [sflag:$0x1] =	stream.linear.gather [hbm4b:s5+s11], $0x190, $0x38;
	[tilespmem:$0xCB20] =	vst v63  }
.LBB2_5:
0x15: {  	s12 =	sand.u32 $0x1, s11;
	p1 =	seq.s32 s11, $0x7C  }
0x16: {  	p2 =	sne.s32 @!p1 s12, $0x0  }
0x17: {  	s11 =	sadd.s32 $0x1, s11;
	p1 =	por p2, p1  }
0x18: {  	s13 =	smul.u32 @!p1 $0x190, s11;
	_ =	sdelay $0x1  }
0x19: {  	s13 =	sadd.s32 @!p1 s3, s13  }
0x1a: {  	p2 =	seq.s32 s12, $0x0;
	s14 =	simm.s32 @!p1 $0x0;
	s13 =	sshrl.u32 @!p1 s13, $0x3  }
0x1b: {  	s15 =	simm.s32 @!p1 $0xC990;
	s16 =	smul.u32 @!p2 $0x190, s11;
	s13 =	sadd.s32 @!p1 s4, s13  }
0x1c: {  	[tilespmem:s15], [sflag:$0x2] =	stream.linear.gather @!p1 [hbm4b:s13+s14], $0x190, $0x38;
	[tilespmem:$0xCB20] =	vst v63  }
0x1d: {  	s13 =	sadd.s32 @!p2 s3, s16  }
0x1e: {  	s13 =	sshrl.u32 @!p2 s13, $0x3  }
0x1f: {  	s14 =	simm.s32 @!p2 $0x0;
	s15 =	simm.s32 @!p2 $0xC800;
	s13 =	sadd.s32 @!p2 s4, s13  }
0x20: {  	[tilespmem:s15], [sflag:$0x1] =	stream.linear.gather @!p2 [hbm4b:s13+s14], $0x190, $0x38;
	[tilespmem:$0xCB20] =	vst v63  }
0x21: {  	s13 =	simm.s32 $0x1  }
0x22: {  	s13 =	simm.s32 @!p0 $0x0  }
0x23: {  	s13 =	smul.u32 $0x640, s13  }
0x24: {  	p1 =	sne.s32 s12, $0x0  }
0x25: {  	s14 =	simm.s32 @!p1 $0x1;
	s13 =	sshrl.u32 s13, $0x2  }
0x26: {  	_ =	swait.ge @!p1 [sflag:s14], $0x190;
	s13 =	sor.u32 $0xC800, s13  }
0x27: {  	p2 =	seq.s32 s12, $0x1;
	[sflag:s14] =	ssyncset.done @!p1 $0x0;
	v1 =	vmov s13  }
0x28: {  	s12 =	simm.s32 @p2 $0x2;
	[sflag:s14] =	ssyncadd.s32 @!p1 $0xFFFFFE70  }
0x29: {  	_ =	swait.ge @p2 [sflag:s12], $0x190  }
0x2a: {  	[sflag:s12] =	ssyncset.done @p2 $0x0  }
0x2b: {  	[sflag:s12] =	ssyncadd.s32 @p2 $0xFFFFFE70;
	s13 =	simm.s32 $0x0;
	s12 =	simm.s32 $0x40  }
.LBB2_6:
0x2c: {  	p1 =	seq.s32 s12, $0x600;
	v2 =	vld.idx.msk [tilespmem:v1+s13+$0x0 ss:$0x1], $0xffff;
	_ =	sdelay $0x5  }
0x2d: {  	(xrf1) =	vunique.msk.u32 $0xffff, v2;
	_ =	sdelay $0xc  }
0x2e: {  	v3 =	vld.idx.msk [tilespmem:v2+s2+$0x0], $0xffff  }
0x2f: {  	_, v4, vm0 =	vpop (xrf1);
	_ =	sdelay $0x1  }
.Ltmp1:
0x30: {  	(pc) =	sbr.rel @!p1 .LBB2_6-.Ltmp1, $3  }
0x31: {  	_ =	sdelay $0x1  }
0x32: {  	v3 =	vadd.s32 v3, v4  }
0x33: {  	s13 =	sshra.s32 s12, $0x2;
	s12 =	sadd.s32 $0x40, s12;
	[tilespmem:v2+s2+$0x0] =	vst.idx.msk vm0, v3  }
0x34: {  	_ =	sdelay $0x3  }
0x35: {  	v1 =	vld.idx.msk [tilespmem:v1+s13+$0x0 ss:$0x1], $0xffff;
	_ =	sdelay $0x4  }
0x36: {  	(xrf1) =	vunique.msk.u32 $0xffff, v1;
	_ =	sdelay $0xd  }
0x37: {  	v2 =	vld.idx.msk [tilespmem:v1+s2+$0x0], $0xffff;
	_, v3, vm0 =	vpop (xrf1);
	_ =	sdelay $0x4  }
0x38: {  	v2 =	vadd.s32 v2, v3  }
0x39: {  	[tilespmem:v1+s2+$0x0] =	vst.idx.msk vm0, v2  }
0x3a: {  	p1 =	seq.s32 s11, $0x7D  }
.Ltmp2:
0x3b: {  	_ = 	snop;
	(pc) =	sbr.rel @!p1 .LBB2_5-.Ltmp2, $2  }
0x3c: {  	_ =	sdelay $0x2  }
0x3d: {  	p0 =	por !p0, !p0  }
0x3e: {  	s10 =	sadd.s32 $0x1, s10  }
0x3f: {  	p0 =	sne.s32 s10, s7  }
.Ltmp3:
0x40: {  	_ = 	snop;
	(pc) =	sbr.rel @p0 .LBB2_1-.Ltmp3, $4  }
0x41: {  	[hbm4b:s6+s2] =	stream.linear.scatter [tilespmem:s2], [sflag:$0x3], $0xC800, $0x38;
	[tilespmem:$0xCB20] =	vst v63  }
0x42: {  	_ =	swait.ge [sflag:s9], $0xC800  }
0x43: {  	[sflag:s9] =	ssyncset.done $0x0  }
0x44: {  	[sflag:s9] =	ssyncadd.s32 $0xFFFF3800  }
0x45: {  	_ =	sfence.sel $0x180000  }
0x46: {  	[bflag:$0x0] =	sbarrier.arrive $0xFFFF  }
0x47: {  	p0 =	sne.s32 s0, $0x0;
	_ =	strace $0x90000047  }
0x48: {  	s0 =	sadd.s32 @!p0 $0x100000, s1;
	[bflag:$0x2] =	sbarrier.arrive $0xFFFF  }
0x49: {  	[sflag:s0] =	ssyncadd.tile.s32 @!p0 $0x1;
	_ =	shalt  }
.Lfunc_end2:
_tile_overlayer_lowered:
.L_overlay_start_2:
0x4a: {  	(tag) =	ssettag $0x2  }
0x4b: {  	s0 =	rddreg [dreg:$0x0];
	s2 =	stileid.u32  }
0x4c: {  	s1 =	rddreg [dreg:$0x1];
	p0 =	sne.s32 s2, $0x0  }
0x4d: {  	s3 =	rddreg [dreg:$0x2];
	[bflag:$0x3] =	sbarrier.arrive $0xFFFF;
	s2 =	simm.s32 @!p0 $0x1C03  }
0x4e: {  	[timem:s3], [sflag:s2] =	dma.local @!p0 [hbm:s0], s1  }
0x4f: {  	s0 =	simm.s32 @!p0 $0x3  }
0x50: {  	_ =	swait.ge @!p0 [sflag:s0], s1  }
0x51: {  	s1 =	ssub.s32 @!p0 $0x0, s1;
	[sflag:s0] =	ssyncset.done @!p0 $0x0  }
0x52: {  	[sflag:s0] =	ssyncadd.s32 @!p0 s1  }
0x53: {  	[bflag:$0x3] =	sbarrier.arrive $0xFFFF  }
0x54: {  	_ =	shalt  }

</sc_bundles>
